<compile_context>
chip_gen: v7x
topology: tpu7x:2x2x1
jax: 0.10.2.dev20260603
libtpu: 0.0.44.dev20260713+nightly
codegen_flags: <defaults>
</compile_context>

<pallas_src>
import functools

import jax
import jax.numpy as jnp
from jax import lax
from jax.experimental import pallas as pl
from jax.experimental.pallas import tpu as pltpu
from jax.experimental.pallas import tpu_sc as plsc

N = 10000
E = 320000
D = 128

NC = 2
NS = 16
DH = D // NC
CHUNK = 128
NCHUNK = 160
G = 10
NG = NCHUNK // G
NBUF = 5
EPT = E // NS
NPAD = 10240
NT = 10112

_mesh = plsc.VectorSubcoreMesh(core_axis_name="c", subcore_axis_name="s")


@functools.partial(
    pl.kernel,
    mesh=_mesh,
    compiler_params=pltpu.CompilerParams(use_tc_tiling_on_sc=False),
    out_type=jax.ShapeDtypeStruct((NPAD, D), jnp.float32),
    scratch_types=[
        pltpu.VMEM((2, G, CHUNK), jnp.int32),
        pltpu.VMEM((2, G, CHUNK), jnp.int32),
        pltpu.VMEM((NBUF, CHUNK, DH), jnp.float32),
        pltpu.VMEM_SHARED((NT, DH), jnp.float32),
        pltpu.VMEM_SHARED((NPAD, DH), jnp.float32),
        pltpu.SemaphoreType.DMA,
        pltpu.SemaphoreType.DMA,
        pltpu.SemaphoreType.DMA,
        pltpu.SemaphoreType.DMA,
        pltpu.SemaphoreType.DMA,
        pltpu.SemaphoreType.DMA,
        pltpu.SemaphoreType.DMA,
        pltpu.SemaphoreType.DMA,
        pltpu.SemaphoreType.DMA,
        pltpu.SemaphoreType.DMA,
        pltpu.SemaphoreType.DMA,
    ],
)
def _sc_agg(table_hbm, idx_hbm, zeros_hbm, out_hbm,
            src_v, dst_v, rows, table_s, agg_s,
            gs0, gs1, gs2, gs3, gs4, ss0, ss1, ss2, ss3, ss4, isem):
    gsems = (gs0, gs1, gs2, gs3, gs4)
    ssems = (ss0, ss1, ss2, ss3, ss4)
    c = lax.axis_index("c")
    s = lax.axis_index("s")
    rpt = NPAD // NS
    tpt = NT // NS

    pltpu.sync_copy(table_hbm.at[pl.ds(s * tpt, tpt), pl.ds(c * DH, DH)],
                    table_s.at[pl.ds(s * tpt, tpt)])
    pltpu.sync_copy(zeros_hbm.at[pl.ds(s * rpt, rpt)],
                    agg_s.at[pl.ds(s * rpt, rpt)])
    plsc.subcore_barrier()

    def fire_idx(g, slot):
        pltpu.async_copy(idx_hbm.at[0, s, pl.ds(g * G, G)],
                         src_v.at[slot], isem)
        pltpu.async_copy(idx_hbm.at[1, s, pl.ds(g * G, G)],
                         dst_v.at[slot], isem)

    def wait_idx(g, slot):
        pltpu.make_async_copy(idx_hbm.at[0, s, pl.ds(g * G, G)],
                              src_v.at[slot], isem).wait()
        pltpu.make_async_copy(idx_hbm.at[1, s, pl.ds(g * G, G)],
                              dst_v.at[slot], isem).wait()

    def fire_gather(islot, k, b):
        pltpu.async_copy(table_s.at[src_v.at[islot, k]], rows.at[b], gsems[b])

    fire_idx(0, 0)
    wait_idx(0, 0)
    for k in range(NBUF - 1):
        fire_gather(0, k, k)

    def group_body(g, _):
        gslot = g % 2
        nslot = (g + 1) % 2
        for k in range(G):
            jn = k + NBUF - 1
            bn = jn % NBUF
            if k == 1:
                @pl.when(g + 1 < NG)
                def _():
                    fire_idx(g + 1, nslot)
            if k == G - NBUF:
                @pl.when(g + 1 < NG)
                def _():
                    wait_idx(g + 1, nslot)
            @pl.when(g * G + jn < NCHUNK)
            def _():
                @pl.when(g * G + jn >= NBUF)
                def _():
                    pltpu.make_async_copy(
                        rows.at[bn], agg_s.at[dst_v.at[0, 0]],
                        ssems[bn]).wait()
                if jn < G:
                    fire_gather(gslot, jn, bn)
                else:
                    fire_gather(nslot, jn - G, bn)
            b = k % NBUF
            pltpu.make_async_copy(table_s.at[src_v.at[gslot, k]],
                                  rows.at[b], gsems[b]).wait()
            pltpu.async_copy(rows.at[b], agg_s.at[dst_v.at[gslot, k]],
                             ssems[b], add=True)
        return 0

    lax.fori_loop(0, NG, group_body, 0)

    for j in range(NCHUNK - NBUF, NCHUNK):
        b = j % NBUF
        pltpu.make_async_copy(rows.at[b], agg_s.at[dst_v.at[0, 0]],
                              ssems[b]).wait()

    plsc.subcore_barrier()
    pltpu.sync_copy(agg_s.at[pl.ds(s * rpt, rpt)],
                    out_hbm.at[pl.ds(s * rpt, rpt), pl.ds(c * DH, DH)])


def _mlp2_body(x_ref, p_ref, wa_ref, ba_ref, wb_ref, bb_ref, o_ref):
    h = x_ref[...] + p_ref[...]
    h = jnp.maximum(jnp.dot(h, wa_ref[...],
                            preferred_element_type=jnp.float32) + ba_ref[...],
                    0.0)
    h = jnp.maximum(jnp.dot(h, wb_ref[...],
                            preferred_element_type=jnp.float32) + bb_ref[...],
                    0.0)
    o_ref[...] = h


def _mlp3_body(x_ref, p_ref, wa_ref, ba_ref, wb_ref, bb_ref,
               wl_ref, bl_ref, o_ref):
    h = x_ref[...] + p_ref[...]
    h = jnp.maximum(jnp.dot(h, wa_ref[...],
                            preferred_element_type=jnp.float32) + ba_ref[...],
                    0.0)
    h = jnp.maximum(jnp.dot(h, wb_ref[...],
                            preferred_element_type=jnp.float32) + bb_ref[...],
                    0.0)
    o_ref[...] = jnp.dot(h, wl_ref[...],
                         preferred_element_type=jnp.float32) + bl_ref[...]


_BLK = 5000

_row_spec = pl.BlockSpec((_BLK, D), lambda i: (i, 0))
_w_spec = pl.BlockSpec((D, D), lambda i: (0, 0))
_b_spec = pl.BlockSpec((1, D), lambda i: (0, 0))

_mlp2 = pl.pallas_call(
    _mlp2_body,
    grid=(N // _BLK,),
    in_specs=[_row_spec, _row_spec, _w_spec, _b_spec, _w_spec, _b_spec],
    out_specs=_row_spec,
    out_shape=jax.ShapeDtypeStruct((NT, D), jnp.float32),
)

_mlp3 = pl.pallas_call(
    _mlp3_body,
    grid=(N // _BLK,),
    in_specs=[_row_spec, _row_spec, _w_spec, _b_spec, _w_spec, _b_spec,
              _w_spec, _b_spec],
    out_specs=_row_spec,
    out_shape=jax.ShapeDtypeStruct((N, D), jnp.float32),
)


def kernel(x, edge_index, W1a, b1a, W1b, b1b, W2a, b2a, W2b, b2b, Wl, bl):
    idx4 = jnp.pad(edge_index.astype(jnp.int32).reshape(2, NS, EPT),
                   ((0, 0), (0, 0), (0, NCHUNK * CHUNK - EPT)),
                   constant_values=N).reshape(2, NS, NCHUNK, CHUNK)
    zeros = jnp.zeros((NPAD, DH), jnp.float32)
    b1a_, b1b_ = b1a.reshape(1, D), b1b.reshape(1, D)
    b2a_, b2b_, bl_ = b2a.reshape(1, D), b2b.reshape(1, D), bl.reshape(1, D)

    xp = jnp.pad(x, ((0, NT - N), (0, 0)))
    p1 = _sc_agg(xp, idx4, zeros)
    h1 = _mlp2(x, p1, W1a, b1a_, W1b, b1b_)
    p2 = _sc_agg(h1, idx4, zeros)
    out = _mlp3(h1, p2, W2a, b2a_, W2b, b2b_, Wl, bl_)
    return out

# --- scband reference (transcript-rebuilt; emitter-appended) ---
"""Pipeline reference for scband-gin-40329742909516 (READ-ONLY COPY).

The authoritative reference and input builder live on the scoring server;
editing this copy changes nothing except your own understanding.
"""

import jax, jax.numpy as jnp
import numpy as np

N_NODES = 10000
N_EDGES = 320000
D_IN = 128
D_HID = 128
D_OUT = 128


def setup_inputs(seed: int = 0) -> dict:
    key = jax.random.key(seed)
    ks = jax.random.split(key, 16)
    x = jax.random.normal(ks[0], (N_NODES, D_IN), dtype=jnp.float32)
    edge_index = jax.random.randint(ks[1], (2, N_EDGES), 0, N_NODES, dtype=jnp.int64)
    s1 = 1.0 / np.sqrt(D_IN)
    s2 = 1.0 / np.sqrt(D_HID)
    W1a = jax.random.uniform(ks[2], (D_IN, D_HID), jnp.float32, -s1, s1)
    b1a = jax.random.uniform(ks[3], (D_HID,), jnp.float32, -s1, s1)
    W1b = jax.random.uniform(ks[4], (D_HID, D_HID), jnp.float32, -s2, s2)
    b1b = jax.random.uniform(ks[5], (D_HID,), jnp.float32, -s2, s2)
    W2a = jax.random.uniform(ks[6], (D_HID, D_HID), jnp.float32, -s2, s2)
    b2a = jax.random.uniform(ks[7], (D_HID,), jnp.float32, -s2, s2)
    W2b = jax.random.uniform(ks[8], (D_HID, D_HID), jnp.float32, -s2, s2)
    b2b = jax.random.uniform(ks[9], (D_HID,), jnp.float32, -s2, s2)
    Wl = jax.random.uniform(ks[10], (D_HID, D_OUT), jnp.float32, -s2, s2)
    bl = jax.random.uniform(ks[11], (D_OUT,), jnp.float32, -s2, s2)
    return {"x": x, "edge_index": edge_index, "W1a": W1a, "b1a": b1a, "W1b": W1b, "b1b": b1b,
            "W2a": W2a, "b2a": b2a, "W2b": W2b, "b2b": b2b, "Wl": Wl, "bl": bl}


def _gin_conv(x, edge_index, Wa, ba, Wb, bb, eps=0.0):
    src = edge_index[0]
    dst = edge_index[1]
    msg = jnp.take(x, src, axis=0)
    agg = jax.ops.segment_sum(msg, dst, num_segments=x.shape[0])
    h = (1.0 + eps) * x + agg
    h = jnp.maximum(h @ Wa + ba, 0.0)
    h = h @ Wb + bb
    return h


def reference(x, edge_index, W1a, b1a, W1b, b1b, W2a, b2a, W2b, b2b, Wl, bl):
    h = jnp.maximum(_gin_conv(x, edge_index, W1a, b1a, W1b, b1b), 0.0)
    h = jnp.maximum(_gin_conv(h, edge_index, W2a, b2a, W2b, b2b), 0.0)
    out = h @ Wl + bl
    return out

if __name__ == "__main__":
    import jax
    _d = setup_inputs()
    print(jax.jit(kernel)(*tuple(_d.values())))

</pallas_src>

<mosaic_0001>
#map = affine_map<(d0, d1) -> (0, 0)>
#map1 = affine_map<(d0, d1) -> (0, 0, 0, 0)>
module attributes {stable_mosaic.version = 14 : i64} {
  func.func @_sc_agg(%arg0: i32, %arg1: i32, %arg2: memref<10112x128xf32, #tpu.memory_space<hbm>>, %arg3: memref<2x16x160x128xi32, #tpu.memory_space<hbm>>, %arg4: memref<10240x64xf32, #tpu.memory_space<hbm>>, %arg5: memref<10240x128xf32, #tpu.memory_space<hbm>>, %arg6: memref<2x10x128xi32, #tpu.memory_space<vmem>>, %arg7: memref<2x10x128xi32, #tpu.memory_space<vmem>>, %arg8: memref<5x128x64xf32, #tpu.memory_space<vmem>>, %arg9: memref<10112x64xf32, #tpu.memory_space<vmem_shared>>, %arg10: memref<10240x64xf32, #tpu.memory_space<vmem_shared>>, %arg11: memref<!tpu.dma_semaphore, #tpu.memory_space<semaphore_mem>>, %arg12: memref<!tpu.dma_semaphore, #tpu.memory_space<semaphore_mem>>, %arg13: memref<!tpu.dma_semaphore, #tpu.memory_space<semaphore_mem>>, %arg14: memref<!tpu.dma_semaphore, #tpu.memory_space<semaphore_mem>>, %arg15: memref<!tpu.dma_semaphore, #tpu.memory_space<semaphore_mem>>, %arg16: memref<!tpu.dma_semaphore, #tpu.memory_space<semaphore_mem>>, %arg17: memref<!tpu.dma_semaphore, #tpu.memory_space<semaphore_mem>>, %arg18: memref<!tpu.dma_semaphore, #tpu.memory_space<semaphore_mem>>, %arg19: memref<!tpu.dma_semaphore, #tpu.memory_space<semaphore_mem>>, %arg20: memref<!tpu.dma_semaphore, #tpu.memory_space<semaphore_mem>>, %arg21: memref<!tpu.dma_semaphore, #tpu.memory_space<semaphore_mem>>) attributes {dimension_semantics = [#tpu.dimension_semantics<core_parallel>, #tpu.dimension_semantics<subcore_parallel>], iteration_bounds = array<i64: 2, 16>, scalar_prefetch = 0 : i64, scratch_operands = 16 : i64, tpu.core_type = #tpu.core_type<sc_vector_subcore>, window_params = [{transform_indices = #map}, {transform_indices = #map1}, {transform_indices = #map}, {transform_indices = #map}]} {
    %mul3A = arith.constant 632 : i32
    %mul3A_0 = arith.muli %arg1, %mul3A : i32
    %mul3A_1 = arith.constant 64 : i32
    %mul3A_2 = arith.muli %arg0, %mul3A_1 : i32
    %mul3A_3 = arith.constant 632 : i32
    %mul3A_4 = arith.muli %arg1, %mul3A_3 : i32
    "tpu.region"() ({
      %run_scoped3A = tpu.sem_alloc : memref<!tpu.dma_semaphore, #tpu.memory_space<semaphore_mem>>
      %dma_start3A_209 = arith.constant 0 : i32
      %dma_start3A_210 = tpu.memref_slice %arg9[%mul3A_4, %dma_start3A_209] : memref<10112x64xf32, #tpu.memory_space<vmem_shared>> -> memref<632x64xf32, #tpu.memory_space<vmem_shared>>
      %dma_start3A_211 = tpu.memref_slice %arg2[%mul3A_0, %mul3A_2] : memref<10112x128xf32, #tpu.memory_space<hbm>> -> memref<632x64xf32, #tpu.memory_space<hbm>>
      tpu.enqueue_dma source(%dma_start3A_211 : memref<632x64xf32, #tpu.memory_space<hbm>>) target(%dma_start3A_210 : memref<632x64xf32, #tpu.memory_space<vmem_shared>>) target_semaphore(%run_scoped3A : memref<!tpu.dma_semaphore, #tpu.memory_space<semaphore_mem>>)
      %dma_wait3A_212 = arith.constant 0 : i32
      %dma_wait3A_213 = tpu.memref_slice %arg9[%mul3A_4, %dma_wait3A_212] : memref<10112x64xf32, #tpu.memory_space<vmem_shared>> -> memref<632x64xf32, #tpu.memory_space<vmem_shared>>
      %dma_wait3A_214 = tpu.memref_slice %arg2[%mul3A_0, %mul3A_2] : memref<10112x128xf32, #tpu.memory_space<hbm>> -> memref<632x64xf32, #tpu.memory_space<hbm>>
      tpu.wait_dma2 semaphore(%run_scoped3A : memref<!tpu.dma_semaphore, #tpu.memory_space<semaphore_mem>>) src(%dma_wait3A_214 : memref<632x64xf32, #tpu.memory_space<hbm>>) dst(%dma_wait3A_213 : memref<632x64xf32, #tpu.memory_space<vmem_shared>>)
      tpu.yield
    }) : () -> ()
    %mul3A_5 = arith.constant 640 : i32
    %mul3A_6 = arith.muli %arg1, %mul3A_5 : i32
    %mul3A_7 = arith.constant 640 : i32
    %mul3A_8 = arith.muli %arg1, %mul3A_7 : i32
    "tpu.region"() ({
      %run_scoped3A = tpu.sem_alloc : memref<!tpu.dma_semaphore, #tpu.memory_space<semaphore_mem>>
      %dma_start3A_209 = arith.constant 0 : i32
      %dma_start3A_210 = tpu.memref_slice %arg10[%mul3A_8, %dma_start3A_209] : memref<10240x64xf32, #tpu.memory_space<vmem_shared>> -> memref<640x64xf32, #tpu.memory_space<vmem_shared>>
      %dma_start3A_211 = arith.constant 0 : i32
      %dma_start3A_212 = tpu.memref_slice %arg4[%mul3A_6, %dma_start3A_211] : memref<10240x64xf32, #tpu.memory_space<hbm>> -> memref<640x64xf32, #tpu.memory_space<hbm>>
      tpu.enqueue_dma source(%dma_start3A_212 : memref<640x64xf32, #tpu.memory_space<hbm>>) target(%dma_start3A_210 : memref<640x64xf32, #tpu.memory_space<vmem_shared>>) target_semaphore(%run_scoped3A : memref<!tpu.dma_semaphore, #tpu.memory_space<semaphore_mem>>)
      %dma_wait3A_213 = arith.constant 0 : i32
      %dma_wait3A_214 = tpu.memref_slice %arg10[%mul3A_8, %dma_wait3A_213] : memref<10240x64xf32, #tpu.memory_space<vmem_shared>> -> memref<640x64xf32, #tpu.memory_space<vmem_shared>>
      %dma_wait3A_215 = arith.constant 0 : i32
      %dma_wait3A_216 = tpu.memref_slice %arg4[%mul3A_6, %dma_wait3A_215] : memref<10240x64xf32, #tpu.memory_space<hbm>> -> memref<640x64xf32, #tpu.memory_space<hbm>>
      tpu.wait_dma2 semaphore(%run_scoped3A : memref<!tpu.dma_semaphore, #tpu.memory_space<semaphore_mem>>) src(%dma_wait3A_216 : memref<640x64xf32, #tpu.memory_space<hbm>>) dst(%dma_wait3A_214 : memref<640x64xf32, #tpu.memory_space<vmem_shared>>)
      tpu.yield
    }) : () -> ()
    %barrier3A = arith.constant 0 : index
    tpu.barrier barrier_id(%barrier3A)
    %dma_start3A = arith.constant 0 : i32
    %dma_start3A_9 = arith.constant 0 : i32
    %dma_start3A_10 = arith.constant 0 : i32
    %dma_start3A_11 = arith.constant 0 : i32
    %dma_start3A_12 = tpu.memref_slice %arg6[%dma_start3A_9, %dma_start3A_10, %dma_start3A_11] : memref<2x10x128xi32, #tpu.memory_space<vmem>> -> memref<1x10x128xi32, #tpu.memory_space<vmem>>
    %dma_start3A_13 = tpu.memref_squeeze %dma_start3A_12 : memref<1x10x128xi32, #tpu.memory_space<vmem>> -> memref<10x128xi32, #tpu.memory_space<vmem>>
    %dma_start3A_14 = arith.constant 0 : i32
    %dma_start3A_15 = arith.constant 0 : i32
    %dma_start3A_16 = tpu.memref_slice %arg3[%dma_start3A, %arg1, %dma_start3A_14, %dma_start3A_15] : memref<2x16x160x128xi32, #tpu.memory_space<hbm>> -> memref<1x1x10x128xi32, #tpu.memory_space<hbm>>
    %dma_start3A_17 = tpu.memref_squeeze %dma_start3A_16 : memref<1x1x10x128xi32, #tpu.memory_space<hbm>> -> memref<10x128xi32, #tpu.memory_space<hbm>>
    %dma_start3A_18 = arith.constant 0 : i32
    %dma_start3A_19 = arith.constant 0 : i32
    %dma_start3A_20 = tpu.memref_slice %arg6[%dma_start3A_9, %dma_start3A_18, %dma_start3A_19] : memref<2x10x128xi32, #tpu.memory_space<vmem>> -> memref<1x10x128xi32, #tpu.memory_space<vmem>>
    %dma_start3A_21 = tpu.memref_squeeze %dma_start3A_20 : memref<1x10x128xi32, #tpu.memory_space<vmem>> -> memref<10x128xi32, #tpu.memory_space<vmem>>
    %dma_start3A_22 = arith.constant 0 : i32
    %dma_start3A_23 = arith.constant 0 : i32
    %dma_start3A_24 = tpu.memref_slice %arg3[%dma_start3A, %arg1, %dma_start3A_22, %dma_start3A_23] : memref<2x16x160x128xi32, #tpu.memory_space<hbm>> -> memref<1x1x10x128xi32, #tpu.memory_space<hbm>>
    %dma_start3A_25 = tpu.memref_squeeze %dma_start3A_24 : memref<1x1x10x128xi32, #tpu.memory_space<hbm>> -> memref<10x128xi32, #tpu.memory_space<hbm>>
    tpu.enqueue_dma source(%dma_start3A_25 : memref<10x128xi32, #tpu.memory_space<hbm>>) target(%dma_start3A_21 : memref<10x128xi32, #tpu.memory_space<vmem>>) target_semaphore(%arg21 : memref<!tpu.dma_semaphore, #tpu.memory_space<semaphore_mem>>)
    %dma_start3A_26 = arith.constant 1 : i32
    %dma_start3A_27 = arith.constant 0 : i32
    %dma_start3A_28 = arith.constant 0 : i32
    %dma_start3A_29 = arith.constant 0 : i32
    %dma_start3A_30 = tpu.memref_slice %arg7[%dma_start3A_27, %dma_start3A_28, %dma_start3A_29] : memref<2x10x128xi32, #tpu.memory_space<vmem>> -> memref<1x10x128xi32, #tpu.memory_space<vmem>>
    %dma_start3A_31 = tpu.memref_squeeze %dma_start3A_30 : memref<1x10x128xi32, #tpu.memory_space<vmem>> -> memref<10x128xi32, #tpu.memory_space<vmem>>
    %dma_start3A_32 = arith.constant 0 : i32
    %dma_start3A_33 = arith.constant 0 : i32
    %dma_start3A_34 = tpu.memref_slice %arg3[%dma_start3A_26, %arg1, %dma_start3A_32, %dma_start3A_33] : memref<2x16x160x128xi32, #tpu.memory_space<hbm>> -> memref<1x1x10x128xi32, #tpu.memory_space<hbm>>
    %dma_start3A_35 = tpu.memref_squeeze %dma_start3A_34 : memref<1x1x10x128xi32, #tpu.memory_space<hbm>> -> memref<10x128xi32, #tpu.memory_space<hbm>>
    %dma_start3A_36 = arith.constant 0 : i32
    %dma_start3A_37 = arith.constant 0 : i32
    %dma_start3A_38 = tpu.memref_slice %arg7[%dma_start3A_27, %dma_start3A_36, %dma_start3A_37] : memref<2x10x128xi32, #tpu.memory_space<vmem>> -> memref<1x10x128xi32, #tpu.memory_space<vmem>>
    %dma_start3A_39 = tpu.memref_squeeze %dma_start3A_38 : memref<1x10x128xi32, #tpu.memory_space<vmem>> -> memref<10x128xi32, #tpu.memory_space<vmem>>
    %dma_start3A_40 = arith.constant 0 : i32
    %dma_start3A_41 = arith.constant 0 : i32
    %dma_start3A_42 = tpu.memref_slice %arg3[%dma_start3A_26, %arg1, %dma_start3A_40, %dma_start3A_41] : memref<2x16x160x128xi32, #tpu.memory_space<hbm>> -> memref<1x1x10x128xi32, #tpu.memory_space<hbm>>
    %dma_start3A_43 = tpu.memref_squeeze %dma_start3A_42 : memref<1x1x10x128xi32, #tpu.memory_space<hbm>> -> memref<10x128xi32, #tpu.memory_space<hbm>>
    tpu.enqueue_dma source(%dma_start3A_43 : memref<10x128xi32, #tpu.memory_space<hbm>>) target(%dma_start3A_39 : memref<10x128xi32, #tpu.memory_space<vmem>>) target_semaphore(%arg21 : memref<!tpu.dma_semaphore, #tpu.memory_space<semaphore_mem>>)
    %dma_wait3A = arith.constant 0 : i32
    %dma_wait3A_44 = arith.constant 0 : i32
    %dma_wait3A_45 = arith.constant 0 : i32
    %dma_wait3A_46 = arith.constant 0 : i32
    %dma_wait3A_47 = tpu.memref_slice %arg6[%dma_wait3A_44, %dma_wait3A_45, %dma_wait3A_46] : memref<2x10x128xi32, #tpu.memory_space<vmem>> -> memref<1x10x128xi32, #tpu.memory_space<vmem>>
    %dma_wait3A_48 = tpu.memref_squeeze %dma_wait3A_47 : memref<1x10x128xi32, #tpu.memory_space<vmem>> -> memref<10x128xi32, #tpu.memory_space<vmem>>
    %dma_wait3A_49 = arith.constant 0 : i32
    %dma_wait3A_50 = arith.constant 0 : i32
    %dma_wait3A_51 = tpu.memref_slice %arg3[%dma_wait3A, %arg1, %dma_wait3A_49, %dma_wait3A_50] : memref<2x16x160x128xi32, #tpu.memory_space<hbm>> -> memref<1x1x10x128xi32, #tpu.memory_space<hbm>>
    %dma_wait3A_52 = tpu.memref_squeeze %dma_wait3A_51 : memref<1x1x10x128xi32, #tpu.memory_space<hbm>> -> memref<10x128xi32, #tpu.memory_space<hbm>>
    %dma_wait3A_53 = arith.constant 0 : i32
    %dma_wait3A_54 = arith.constant 0 : i32
    %dma_wait3A_55 = tpu.memref_slice %arg6[%dma_wait3A_44, %dma_wait3A_53, %dma_wait3A_54] : memref<2x10x128xi32, #tpu.memory_space<vmem>> -> memref<1x10x128xi32, #tpu.memory_space<vmem>>
    %dma_wait3A_56 = tpu.memref_squeeze %dma_wait3A_55 : memref<1x10x128xi32, #tpu.memory_space<vmem>> -> memref<10x128xi32, #tpu.memory_space<vmem>>
    %dma_wait3A_57 = arith.constant 0 : i32
    %dma_wait3A_58 = arith.constant 0 : i32
    %dma_wait3A_59 = tpu.memref_slice %arg3[%dma_wait3A, %arg1, %dma_wait3A_57, %dma_wait3A_58] : memref<2x16x160x128xi32, #tpu.memory_space<hbm>> -> memref<1x1x10x128xi32, #tpu.memory_space<hbm>>
    %dma_wait3A_60 = tpu.memref_squeeze %dma_wait3A_59 : memref<1x1x10x128xi32, #tpu.memory_space<hbm>> -> memref<10x128xi32, #tpu.memory_space<hbm>>
    tpu.wait_dma2 semaphore(%arg21 : memref<!tpu.dma_semaphore, #tpu.memory_space<semaphore_mem>>) src(%dma_wait3A_60 : memref<10x128xi32, #tpu.memory_space<hbm>>) dst(%dma_wait3A_56 : memref<10x128xi32, #tpu.memory_space<vmem>>)
    %dma_wait3A_61 = arith.constant 1 : i32
    %dma_wait3A_62 = arith.constant 0 : i32
    %dma_wait3A_63 = arith.constant 0 : i32
    %dma_wait3A_64 = arith.constant 0 : i32
    %dma_wait3A_65 = tpu.memref_slice %arg7[%dma_wait3A_62, %dma_wait3A_63, %dma_wait3A_64] : memref<2x10x128xi32, #tpu.memory_space<vmem>> -> memref<1x10x128xi32, #tpu.memory_space<vmem>>
    %dma_wait3A_66 = tpu.memref_squeeze %dma_wait3A_65 : memref<1x10x128xi32, #tpu.memory_space<vmem>> -> memref<10x128xi32, #tpu.memory_space<vmem>>
    %dma_wait3A_67 = arith.constant 0 : i32
    %dma_wait3A_68 = arith.constant 0 : i32
    %dma_wait3A_69 = tpu.memref_slice %arg3[%dma_wait3A_61, %arg1, %dma_wait3A_67, %dma_wait3A_68] : memref<2x16x160x128xi32, #tpu.memory_space<hbm>> -> memref<1x1x10x128xi32, #tpu.memory_space<hbm>>
    %dma_wait3A_70 = tpu.memref_squeeze %dma_wait3A_69 : memref<1x1x10x128xi32, #tpu.memory_space<hbm>> -> memref<10x128xi32, #tpu.memory_space<hbm>>
    %dma_wait3A_71 = arith.constant 0 : i32
    %dma_wait3A_72 = arith.constant 0 : i32
    %dma_wait3A_73 = tpu.memref_slice %arg7[%dma_wait3A_62, %dma_wait3A_71, %dma_wait3A_72] : memref<2x10x128xi32, #tpu.memory_space<vmem>> -> memref<1x10x128xi32, #tpu.memory_space<vmem>>
    %dma_wait3A_74 = tpu.memref_squeeze %dma_wait3A_73 : memref<1x10x128xi32, #tpu.memory_space<vmem>> -> memref<10x128xi32, #tpu.memory_space<vmem>>
    %dma_wait3A_75 = arith.constant 0 : i32
    %dma_wait3A_76 = arith.constant 0 : i32
    %dma_wait3A_77 = tpu.memref_slice %arg3[%dma_wait3A_61, %arg1, %dma_wait3A_75, %dma_wait3A_76] : memref<2x16x160x128xi32, #tpu.memory_space<hbm>> -> memref<1x1x10x128xi32, #tpu.memory_space<hbm>>
    %dma_wait3A_78 = tpu.memref_squeeze %dma_wait3A_77 : memref<1x1x10x128xi32, #tpu.memory_space<hbm>> -> memref<10x128xi32, #tpu.memory_space<hbm>>
    tpu.wait_dma2 semaphore(%arg21 : memref<!tpu.dma_semaphore, #tpu.memory_space<semaphore_mem>>) src(%dma_wait3A_78 : memref<10x128xi32, #tpu.memory_space<hbm>>) dst(%dma_wait3A_74 : memref<10x128xi32, #tpu.memory_space<vmem>>)
    %dma_start3A_79 = arith.constant 0 : i32
    %dma_start3A_80 = arith.constant 0 : i32
    %dma_start3A_81 = arith.constant 0 : i32
    %dma_start3A_82 = arith.constant 0 : i32
    %dma_start3A_83 = arith.constant 0 : i32
    %dma_start3A_84 = tpu.memref_slice %arg8[%dma_start3A_81, %dma_start3A_82, %dma_start3A_83] : memref<5x128x64xf32, #tpu.memory_space<vmem>> -> memref<1x128x64xf32, #tpu.memory_space<vmem>>
    %dma_start3A_85 = tpu.memref_squeeze %dma_start3A_84 : memref<1x128x64xf32, #tpu.memory_space<vmem>> -> memref<128x64xf32, #tpu.memory_space<vmem>>
    %dma_start3A_86 = arith.constant 0 : i32
    %dma_start3A_87 = tpu.memref_slice %arg6[%dma_start3A_79, %dma_start3A_80, %dma_start3A_86] : memref<2x10x128xi32, #tpu.memory_space<vmem>> -> memref<1x1x128xi32, #tpu.memory_space<vmem>>
    %dma_start3A_88 = tpu.memref_squeeze %dma_start3A_87 : memref<1x1x128xi32, #tpu.memory_space<vmem>> -> memref<128xi32, #tpu.memory_space<vmem>>
    %dma_start3A_89 = arith.constant 0 : i32
    %dma_start3A_90 = arith.constant 0 : i32
    %dma_start3A_91 = tpu.memref_slice %arg9[%dma_start3A_89, %dma_start3A_90] : memref<10112x64xf32, #tpu.memory_space<vmem_shared>> -> memref<10112x64xf32, #tpu.memory_space<vmem_shared>>
    tpu.enqueue_indirect_dma source(%dma_start3A_91 : memref<10112x64xf32, #tpu.memory_space<vmem_shared>>) target(%dma_start3A_85 : memref<128x64xf32, #tpu.memory_space<vmem>>) offsets(%dma_start3A_88 : memref<128xi32, #tpu.memory_space<vmem>>) semaphore(%arg11 : memref<!tpu.dma_semaphore, #tpu.memory_space<semaphore_mem>>)
    %dma_start3A_92 = arith.constant 0 : i32
    %dma_start3A_93 = arith.constant 1 : i32
    %dma_start3A_94 = arith.constant 1 : i32
    %dma_start3A_95 = arith.constant 0 : i32
    %dma_start3A_96 = arith.constant 0 : i32
    %dma_start3A_97 = tpu.memref_slice %arg8[%dma_start3A_94, %dma_start3A_95, %dma_start3A_96] : memref<5x128x64xf32, #tpu.memory_space<vmem>> -> memref<1x128x64xf32, #tpu.memory_space<vmem>>
    %dma_start3A_98 = tpu.memref_squeeze %dma_start3A_97 : memref<1x128x64xf32, #tpu.memory_space<vmem>> -> memref<128x64xf32, #tpu.memory_space<vmem>>
    %dma_start3A_99 = arith.constant 0 : i32
    %dma_start3A_100 = tpu.memref_slice %arg6[%dma_start3A_92, %dma_start3A_93, %dma_start3A_99] : memref<2x10x128xi32, #tpu.memory_space<vmem>> -> memref<1x1x128xi32, #tpu.memory_space<vmem>>
    %dma_start3A_101 = tpu.memref_squeeze %dma_start3A_100 : memref<1x1x128xi32, #tpu.memory_space<vmem>> -> memref<128xi32, #tpu.memory_space<vmem>>
    %dma_start3A_102 = arith.constant 0 : i32
    %dma_start3A_103 = arith.constant 0 : i32
    %dma_start3A_104 = tpu.memref_slice %arg9[%dma_start3A_102, %dma_start3A_103] : memref<10112x64xf32, #tpu.memory_space<vmem_shared>> -> memref<10112x64xf32, #tpu.memory_space<vmem_shared>>
    tpu.enqueue_indirect_dma source(%dma_start3A_104 : memref<10112x64xf32, #tpu.memory_space<vmem_shared>>) target(%dma_start3A_98 : memref<128x64xf32, #tpu.memory_space<vmem>>) offsets(%dma_start3A_101 : memref<128xi32, #tpu.memory_space<vmem>>) semaphore(%arg12 : memref<!tpu.dma_semaphore, #tpu.memory_space<semaphore_mem>>)
    %dma_start3A_105 = arith.constant 0 : i32
    %dma_start3A_106 = arith.constant 2 : i32
    %dma_start3A_107 = arith.constant 2 : i32
    %dma_start3A_108 = arith.constant 0 : i32
    %dma_start3A_109 = arith.constant 0 : i32
    %dma_start3A_110 = tpu.memref_slice %arg8[%dma_start3A_107, %dma_start3A_108, %dma_start3A_109] : memref<5x128x64xf32, #tpu.memory_space<vmem>> -> memref<1x128x64xf32, #tpu.memory_space<vmem>>
    %dma_start3A_111 = tpu.memref_squeeze %dma_start3A_110 : memref<1x128x64xf32, #tpu.memory_space<vmem>> -> memref<128x64xf32, #tpu.memory_space<vmem>>
    %dma_start3A_112 = arith.constant 0 : i32
    %dma_start3A_113 = tpu.memref_slice %arg6[%dma_start3A_105, %dma_start3A_106, %dma_start3A_112] : memref<2x10x128xi32, #tpu.memory_space<vmem>> -> memref<1x1x128xi32, #tpu.memory_space<vmem>>
    %dma_start3A_114 = tpu.memref_squeeze %dma_start3A_113 : memref<1x1x128xi32, #tpu.memory_space<vmem>> -> memref<128xi32, #tpu.memory_space<vmem>>
    %dma_start3A_115 = arith.constant 0 : i32
    %dma_start3A_116 = arith.constant 0 : i32
    %dma_start3A_117 = tpu.memref_slice %arg9[%dma_start3A_115, %dma_start3A_116] : memref<10112x64xf32, #tpu.memory_space<vmem_shared>> -> memref<10112x64xf32, #tpu.memory_space<vmem_shared>>
    tpu.enqueue_indirect_dma source(%dma_start3A_117 : memref<10112x64xf32, #tpu.memory_space<vmem_shared>>) target(%dma_start3A_111 : memref<128x64xf32, #tpu.memory_space<vmem>>) offsets(%dma_start3A_114 : memref<128xi32, #tpu.memory_space<vmem>>) semaphore(%arg13 : memref<!tpu.dma_semaphore, #tpu.memory_space<semaphore_mem>>)
    %dma_start3A_118 = arith.constant 0 : i32
    %dma_start3A_119 = arith.constant 3 : i32
    %dma_start3A_120 = arith.constant 3 : i32
    %dma_start3A_121 = arith.constant 0 : i32
    %dma_start3A_122 = arith.constant 0 : i32
    %dma_start3A_123 = tpu.memref_slice %arg8[%dma_start3A_120, %dma_start3A_121, %dma_start3A_122] : memref<5x128x64xf32, #tpu.memory_space<vmem>> -> memref<1x128x64xf32, #tpu.memory_space<vmem>>
    %dma_start3A_124 = tpu.memref_squeeze %dma_start3A_123 : memref<1x128x64xf32, #tpu.memory_space<vmem>> -> memref<128x64xf32, #tpu.memory_space<vmem>>
    %dma_start3A_125 = arith.constant 0 : i32
    %dma_start3A_126 = tpu.memref_slice %arg6[%dma_start3A_118, %dma_start3A_119, %dma_start3A_125] : memref<2x10x128xi32, #tpu.memory_space<vmem>> -> memref<1x1x128xi32, #tpu.memory_space<vmem>>
    %dma_start3A_127 = tpu.memref_squeeze %dma_start3A_126 : memref<1x1x128xi32, #tpu.memory_space<vmem>> -> memref<128xi32, #tpu.memory_space<vmem>>
    %dma_start3A_128 = arith.constant 0 : i32
    %dma_start3A_129 = arith.constant 0 : i32
    %dma_start3A_130 = tpu.memref_slice %arg9[%dma_start3A_128, %dma_start3A_129] : memref<10112x64xf32, #tpu.memory_space<vmem_shared>> -> memref<10112x64xf32, #tpu.memory_space<vmem_shared>>
    tpu.enqueue_indirect_dma source(%dma_start3A_130 : memref<10112x64xf32, #tpu.memory_space<vmem_shared>>) target(%dma_start3A_124 : memref<128x64xf32, #tpu.memory_space<vmem>>) offsets(%dma_start3A_127 : memref<128xi32, #tpu.memory_space<vmem>>) semaphore(%arg14 : memref<!tpu.dma_semaphore, #tpu.memory_space<semaphore_mem>>)
    %scan3A = arith.constant 0 : i32
    %scan3A_131 = arith.constant 0 : i32
    %scan3A_132 = arith.constant 16 : i32
    %scan3A_133 = arith.addi %scan3A_131, %scan3A_132 : i32
    %scan3A_134 = arith.constant 1 : i32
    %scan3A_135 = scf.for %scan3A_209 = %scan3A_131 to %scan3A_133 step %scan3A_134 iter_args(%scan3A_210 = %scan3A) -> (i32)  : i32 {
      %jit3A = arith.constant 2 : i32
      %eq3A = arith.constant 0 : i32
      %eq3A_211 = arith.cmpi eq, %jit3A, %eq3A : i32
      %jit3A_212 = arith.constant 1 : i32
      %select_n3A = arith.select %eq3A_211, %jit3A_212, %jit3A : i32
      %rem3A = arith.remsi %scan3A_209, %select_n3A : i32
      %ne3A = arith.constant 0 : i32
      %ne3A_213 = arith.cmpi ne, %rem3A, %ne3A : i32
      %lt3A = arith.constant 0 : i32
      %lt3A_214 = arith.cmpi slt, %rem3A, %lt3A : i32
      %lt3A_215 = arith.constant 0 : i32
      %lt3A_216 = arith.cmpi slt, %select_n3A, %lt3A_215 : i32
      %ne3A_217 = arith.xori %lt3A_214, %lt3A_216 : i1
      %and3A = arith.andi %ne3A_217, %ne3A_213 : i1
      %add3A = arith.addi %rem3A, %select_n3A : i32
      %select_n3A_218 = arith.select %and3A, %add3A, %rem3A : i32
      %add3A_219 = arith.constant 1 : i32
      %add3A_220 = arith.addi %scan3A_209, %add3A_219 : i32
      %jit3A_221 = arith.constant 2 : i32
      %eq3A_222 = arith.constant 0 : i32
      %eq3A_223 = arith.cmpi eq, %jit3A_221, %eq3A_222 : i32
      %jit3A_224 = arith.constant 1 : i32
      %select_n3A_225 = arith.select %eq3A_223, %jit3A_224, %jit3A_221 : i32
      %rem3A_226 = arith.remsi %add3A_220, %select_n3A_225 : i32
      %ne3A_227 = arith.constant 0 : i32
      %ne3A_228 = arith.cmpi ne, %rem3A_226, %ne3A_227 : i32
      %lt3A_229 = arith.constant 0 : i32
      %lt3A_230 = arith.cmpi slt, %rem3A_226, %lt3A_229 : i32
      %lt3A_231 = arith.constant 0 : i32
      %lt3A_232 = arith.cmpi slt, %select_n3A_225, %lt3A_231 : i32
      %ne3A_233 = arith.xori %lt3A_230, %lt3A_232 : i1
      %and3A_234 = arith.andi %ne3A_233, %ne3A_228 : i1
      %add3A_235 = arith.addi %rem3A_226, %select_n3A_225 : i32
      %select_n3A_236 = arith.select %and3A_234, %add3A_235, %rem3A_226 : i32
      %mul3A_237 = arith.constant 10 : i32
      %mul3A_238 = arith.muli %scan3A_209, %mul3A_237 : i32
      %add3A_239 = arith.constant 4 : i32
      %add3A_240 = arith.addi %mul3A_238, %add3A_239 : i32
      %lt3A_241 = arith.constant 160 : i32
      %lt3A_242 = arith.cmpi slt, %add3A_240, %lt3A_241 : i32
      %convert_element_type3A = arith.extui %lt3A_242 : i1 to i32
      %cond3A = arith.constant 0 : i32
      %cond3A_243 = arith.cmpi ne, %convert_element_type3A, %cond3A : i32
      scf.if %cond3A_243 {
        %mul3A_580 = arith.constant 10 : i32
        %mul3A_581 = arith.muli %scan3A_209, %mul3A_580 : i32
        %add3A_582 = arith.constant 4 : i32
        %add3A_583 = arith.addi %mul3A_581, %add3A_582 : i32
        %ge3A = arith.constant 5 : i32
        %ge3A_584 = arith.cmpi sge, %add3A_583, %ge3A : i32
        %convert_element_type3A_585 = arith.extui %ge3A_584 : i1 to i32
        %cond3A_586 = arith.constant 0 : i32
        %cond3A_587 = arith.cmpi ne, %convert_element_type3A_585, %cond3A_586 : i32
        scf.if %cond3A_587 {
          %dma_wait3A_600 = arith.constant 4 : i32
          %dma_wait3A_601 = arith.constant 0 : i32
          %dma_wait3A_602 = arith.constant 0 : i32
          %dma_wait3A_603 = arith.constant 0 : i32
          %dma_wait3A_604 = arith.constant 0 : i32
          %dma_wait3A_605 = tpu.memref_slice %arg8[%dma_wait3A_600, %dma_wait3A_603, %dma_wait3A_604] : memref<5x128x64xf32, #tpu.memory_space<vmem>> -> memref<1x128x64xf32, #tpu.memory_space<vmem>>
          %dma_wait3A_606 = tpu.memref_squeeze %dma_wait3A_605 : memref<1x128x64xf32, #tpu.memory_space<vmem>> -> memref<128x64xf32, #tpu.memory_space<vmem>>
          %dma_wait3A_607 = arith.constant 0 : i32
          %dma_wait3A_608 = tpu.memref_slice %arg7[%dma_wait3A_601, %dma_wait3A_602, %dma_wait3A_607] : memref<2x10x128xi32, #tpu.memory_space<vmem>> -> memref<1x1x128xi32, #tpu.memory_space<vmem>>
          %dma_wait3A_609 = tpu.memref_squeeze %dma_wait3A_608 : memref<1x1x128xi32, #tpu.memory_space<vmem>> -> memref<128xi32, #tpu.memory_space<vmem>>
          %dma_wait3A_610 = arith.constant 0 : i32
          %dma_wait3A_611 = arith.constant 0 : i32
          %dma_wait3A_612 = tpu.memref_slice %arg10[%dma_wait3A_610, %dma_wait3A_611] : memref<10240x64xf32, #tpu.memory_space<vmem_shared>> -> memref<10240x64xf32, #tpu.memory_space<vmem_shared>>
          tpu.wait_indirect_dma semaphore(%arg20 : memref<!tpu.dma_semaphore, #tpu.memory_space<semaphore_mem>>) src(%dma_wait3A_606 : memref<128x64xf32, #tpu.memory_space<vmem>>) dst(%dma_wait3A_612 : memref<10240x64xf32, #tpu.memory_space<vmem_shared>>)
        } else {
        }
        %dma_start3A_588 = arith.constant 4 : i32
        %dma_start3A_589 = arith.constant 4 : i32
        %dma_start3A_590 = arith.constant 0 : i32
        %dma_start3A_591 = arith.constant 0 : i32
        %dma_start3A_592 = tpu.memref_slice %arg8[%dma_start3A_589, %dma_start3A_590, %dma_start3A_591] : memref<5x128x64xf32, #tpu.memory_space<vmem>> -> memref<1x128x64xf32, #tpu.memory_space<vmem>>
        %dma_start3A_593 = tpu.memref_squeeze %dma_start3A_592 : memref<1x128x64xf32, #tpu.memory_space<vmem>> -> memref<128x64xf32, #tpu.memory_space<vmem>>
        %dma_start3A_594 = arith.constant 0 : i32
        %dma_start3A_595 = tpu.memref_slice %arg6[%select_n3A_218, %dma_start3A_588, %dma_start3A_594] : memref<2x10x128xi32, #tpu.memory_space<vmem>> -> memref<1x1x128xi32, #tpu.memory_space<vmem>>
        %dma_start3A_596 = tpu.memref_squeeze %dma_start3A_595 : memref<1x1x128xi32, #tpu.memory_space<vmem>> -> memref<128xi32, #tpu.memory_space<vmem>>
        %dma_start3A_597 = arith.constant 0 : i32
        %dma_start3A_598 = arith.constant 0 : i32
        %dma_start3A_599 = tpu.memref_slice %arg9[%dma_start3A_597, %dma_start3A_598] : memref<10112x64xf32, #tpu.memory_space<vmem_shared>> -> memref<10112x64xf32, #tpu.memory_space<vmem_shared>>
        tpu.enqueue_indirect_dma source(%dma_start3A_599 : memref<10112x64xf32, #tpu.memory_space<vmem_shared>>) target(%dma_start3A_593 : memref<128x64xf32, #tpu.memory_space<vmem>>) offsets(%dma_start3A_596 : memref<128xi32, #tpu.memory_space<vmem>>) semaphore(%arg15 : memref<!tpu.dma_semaphore, #tpu.memory_space<semaphore_mem>>)
      } else {
      }
      %dma_wait3A_244 = arith.constant 0 : i32
      %dma_wait3A_245 = arith.constant 0 : i32
      %dma_wait3A_246 = arith.constant 0 : i32
      %dma_wait3A_247 = arith.constant 0 : i32
      %dma_wait3A_248 = tpu.memref_slice %arg8[%dma_wait3A_245, %dma_wait3A_246, %dma_wait3A_247] : memref<5x128x64xf32, #tpu.memory_space<vmem>> -> memref<1x128x64xf32, #tpu.memory_space<vmem>>
      %dma_wait3A_249 = tpu.memref_squeeze %dma_wait3A_248 : memref<1x128x64xf32, #tpu.memory_space<vmem>> -> memref<128x64xf32, #tpu.memory_space<vmem>>
      %dma_wait3A_250 = arith.constant 0 : i32
      %dma_wait3A_251 = tpu.memref_slice %arg6[%select_n3A_218, %dma_wait3A_244, %dma_wait3A_250] : memref<2x10x128xi32, #tpu.memory_space<vmem>> -> memref<1x1x128xi32, #tpu.memory_space<vmem>>
      %dma_wait3A_252 = tpu.memref_squeeze %dma_wait3A_251 : memref<1x1x128xi32, #tpu.memory_space<vmem>> -> memref<128xi32, #tpu.memory_space<vmem>>
      %dma_wait3A_253 = arith.constant 0 : i32
      %dma_wait3A_254 = arith.constant 0 : i32
      %dma_wait3A_255 = tpu.memref_slice %arg9[%dma_wait3A_253, %dma_wait3A_254] : memref<10112x64xf32, #tpu.memory_space<vmem_shared>> -> memref<10112x64xf32, #tpu.memory_space<vmem_shared>>
      tpu.wait_indirect_dma semaphore(%arg11 : memref<!tpu.dma_semaphore, #tpu.memory_space<semaphore_mem>>) src(%dma_wait3A_255 : memref<10112x64xf32, #tpu.memory_space<vmem_shared>>) dst(%dma_wait3A_249 : memref<128x64xf32, #tpu.memory_space<vmem>>)
      %dma_start3A_256 = arith.constant 0 : i32
      %dma_start3A_257 = arith.constant 0 : i32
      %dma_start3A_258 = arith.constant 0 : i32
      %dma_start3A_259 = arith.constant 0 : i32
      %dma_start3A_260 = tpu.memref_slice %arg8[%dma_start3A_256, %dma_start3A_258, %dma_start3A_259] : memref<5x128x64xf32, #tpu.memory_space<vmem>> -> memref<1x128x64xf32, #tpu.memory_space<vmem>>
      %dma_start3A_261 = tpu.memref_squeeze %dma_start3A_260 : memref<1x128x64xf32, #tpu.memory_space<vmem>> -> memref<128x64xf32, #tpu.memory_space<vmem>>
      %dma_start3A_262 = arith.constant 0 : i32
      %dma_start3A_263 = tpu.memref_slice %arg7[%select_n3A_218, %dma_start3A_257, %dma_start3A_262] : memref<2x10x128xi32, #tpu.memory_space<vmem>> -> memref<1x1x128xi32, #tpu.memory_space<vmem>>
      %dma_start3A_264 = tpu.memref_squeeze %dma_start3A_263 : memref<1x1x128xi32, #tpu.memory_space<vmem>> -> memref<128xi32, #tpu.memory_space<vmem>>
      %dma_start3A_265 = arith.constant 0 : i32
      %dma_start3A_266 = arith.constant 0 : i32
      %dma_start3A_267 = tpu.memref_slice %arg10[%dma_start3A_265, %dma_start3A_266] : memref<10240x64xf32, #tpu.memory_space<vmem_shared>> -> memref<10240x64xf32, #tpu.memory_space<vmem_shared>>
      tpu.enqueue_indirect_dma source(%dma_start3A_261 : memref<128x64xf32, #tpu.memory_space<vmem>>) target(%dma_start3A_267 : memref<10240x64xf32, #tpu.memory_space<vmem_shared>>) offsets(%dma_start3A_264 : memref<128xi32, #tpu.memory_space<vmem>>) semaphore(%arg16 : memref<!tpu.dma_semaphore, #tpu.memory_space<semaphore_mem>>) {add = true}
      %add3A_268 = arith.constant 1 : i32
      %add3A_269 = arith.addi %scan3A_209, %add3A_268 : i32
      %lt3A_270 = arith.constant 16 : i32
      %lt3A_271 = arith.cmpi slt, %add3A_269, %lt3A_270 : i32
      %convert_element_type3A_272 = arith.extui %lt3A_271 : i1 to i32
      %cond3A_273 = arith.constant 0 : i32
      %cond3A_274 = arith.cmpi ne, %convert_element_type3A_272, %cond3A_273 : i32
      scf.if %cond3A_274 {
        %add3A_580 = arith.constant 1 : i32
        %add3A_581 = arith.addi %scan3A_209, %add3A_580 : i32
        %mul3A_582 = arith.constant 10 : i32
        %mul3A_583 = arith.muli %add3A_581, %mul3A_582 : i32
        %dma_start3A_584 = arith.constant 0 : i32
        %dma_start3A_585 = arith.constant 0 : i32
        %dma_start3A_586 = arith.constant 0 : i32
        %dma_start3A_587 = tpu.memref_slice %arg6[%select_n3A_236, %dma_start3A_585, %dma_start3A_586] : memref<2x10x128xi32, #tpu.memory_space<vmem>> -> memref<1x10x128xi32, #tpu.memory_space<vmem>>
        %dma_start3A_588 = tpu.memref_squeeze %dma_start3A_587 : memref<1x10x128xi32, #tpu.memory_space<vmem>> -> memref<10x128xi32, #tpu.memory_space<vmem>>
        %dma_start3A_589 = arith.constant 0 : i32
        %dma_start3A_590 = tpu.memref_slice %arg3[%dma_start3A_584, %arg1, %mul3A_583, %dma_start3A_589] : memref<2x16x160x128xi32, #tpu.memory_space<hbm>> -> memref<1x1x10x128xi32, #tpu.memory_space<hbm>>
        %dma_start3A_591 = tpu.memref_squeeze %dma_start3A_590 : memref<1x1x10x128xi32, #tpu.memory_space<hbm>> -> memref<10x128xi32, #tpu.memory_space<hbm>>
        %dma_start3A_592 = arith.constant 0 : i32
        %dma_start3A_593 = arith.constant 0 : i32
        %dma_start3A_594 = tpu.memref_slice %arg6[%select_n3A_236, %dma_start3A_592, %dma_start3A_593] : memref<2x10x128xi32, #tpu.memory_space<vmem>> -> memref<1x10x128xi32, #tpu.memory_space<vmem>>
        %dma_start3A_595 = tpu.memref_squeeze %dma_start3A_594 : memref<1x10x128xi32, #tpu.memory_space<vmem>> -> memref<10x128xi32, #tpu.memory_space<vmem>>
        %dma_start3A_596 = arith.constant 0 : i32
        %dma_start3A_597 = tpu.memref_slice %arg3[%dma_start3A_584, %arg1, %mul3A_583, %dma_start3A_596] : memref<2x16x160x128xi32, #tpu.memory_space<hbm>> -> memref<1x1x10x128xi32, #tpu.memory_space<hbm>>
        %dma_start3A_598 = tpu.memref_squeeze %dma_start3A_597 : memref<1x1x10x128xi32, #tpu.memory_space<hbm>> -> memref<10x128xi32, #tpu.memory_space<hbm>>
        tpu.enqueue_dma source(%dma_start3A_598 : memref<10x128xi32, #tpu.memory_space<hbm>>) target(%dma_start3A_595 : memref<10x128xi32, #tpu.memory_space<vmem>>) target_semaphore(%arg21 : memref<!tpu.dma_semaphore, #tpu.memory_space<semaphore_mem>>)
        %mul3A_599 = arith.constant 10 : i32
        %mul3A_600 = arith.muli %add3A_581, %mul3A_599 : i32
        %dma_start3A_601 = arith.constant 1 : i32
        %dma_start3A_602 = arith.constant 0 : i32
        %dma_start3A_603 = arith.constant 0 : i32
        %dma_start3A_604 = tpu.memref_slice %arg7[%select_n3A_236, %dma_start3A_602, %dma_start3A_603] : memref<2x10x128xi32, #tpu.memory_space<vmem>> -> memref<1x10x128xi32, #tpu.memory_space<vmem>>
        %dma_start3A_605 = tpu.memref_squeeze %dma_start3A_604 : memref<1x10x128xi32, #tpu.memory_space<vmem>> -> memref<10x128xi32, #tpu.memory_space<vmem>>
        %dma_start3A_606 = arith.constant 0 : i32
        %dma_start3A_607 = tpu.memref_slice %arg3[%dma_start3A_601, %arg1, %mul3A_600, %dma_start3A_606] : memref<2x16x160x128xi32, #tpu.memory_space<hbm>> -> memref<1x1x10x128xi32, #tpu.memory_space<hbm>>
        %dma_start3A_608 = tpu.memref_squeeze %dma_start3A_607 : memref<1x1x10x128xi32, #tpu.memory_space<hbm>> -> memref<10x128xi32, #tpu.memory_space<hbm>>
        %dma_start3A_609 = arith.constant 0 : i32
        %dma_start3A_610 = arith.constant 0 : i32
        %dma_start3A_611 = tpu.memref_slice %arg7[%select_n3A_236, %dma_start3A_609, %dma_start3A_610] : memref<2x10x128xi32, #tpu.memory_space<vmem>> -> memref<1x10x128xi32, #tpu.memory_space<vmem>>
        %dma_start3A_612 = tpu.memref_squeeze %dma_start3A_611 : memref<1x10x128xi32, #tpu.memory_space<vmem>> -> memref<10x128xi32, #tpu.memory_space<vmem>>
        %dma_start3A_613 = arith.constant 0 : i32
        %dma_start3A_614 = tpu.memref_slice %arg3[%dma_start3A_601, %arg1, %mul3A_600, %dma_start3A_613] : memref<2x16x160x128xi32, #tpu.memory_space<hbm>> -> memref<1x1x10x128xi32, #tpu.memory_space<hbm>>
        %dma_start3A_615 = tpu.memref_squeeze %dma_start3A_614 : memref<1x1x10x128xi32, #tpu.memory_space<hbm>> -> memref<10x128xi32, #tpu.memory_space<hbm>>
        tpu.enqueue_dma source(%dma_start3A_615 : memref<10x128xi32, #tpu.memory_space<hbm>>) target(%dma_start3A_612 : memref<10x128xi32, #tpu.memory_space<vmem>>) target_semaphore(%arg21 : memref<!tpu.dma_semaphore, #tpu.memory_space<semaphore_mem>>)
      } else {
      }
      %mul3A_275 = arith.constant 10 : i32
      %mul3A_276 = arith.muli %scan3A_209, %mul3A_275 : i32
      %add3A_277 = arith.constant 5 : i32
      %add3A_278 = arith.addi %mul3A_276, %add3A_277 : i32
      %lt3A_279 = arith.constant 160 : i32
      %lt3A_280 = arith.cmpi slt, %add3A_278, %lt3A_279 : i32
      %convert_element_type3A_281 = arith.extui %lt3A_280 : i1 to i32
      %cond3A_282 = arith.constant 0 : i32
      %cond3A_283 = arith.cmpi ne, %convert_element_type3A_281, %cond3A_282 : i32
      scf.if %cond3A_283 {
        %mul3A_580 = arith.constant 10 : i32
        %mul3A_581 = arith.muli %scan3A_209, %mul3A_580 : i32
        %add3A_582 = arith.constant 5 : i32
        %add3A_583 = arith.addi %mul3A_581, %add3A_582 : i32
        %ge3A = arith.constant 5 : i32
        %ge3A_584 = arith.cmpi sge, %add3A_583, %ge3A : i32
        %convert_element_type3A_585 = arith.extui %ge3A_584 : i1 to i32
        %cond3A_586 = arith.constant 0 : i32
        %cond3A_587 = arith.cmpi ne, %convert_element_type3A_585, %cond3A_586 : i32
        scf.if %cond3A_587 {
          %dma_wait3A_600 = arith.constant 0 : i32
          %dma_wait3A_601 = arith.constant 0 : i32
          %dma_wait3A_602 = arith.constant 0 : i32
          %dma_wait3A_603 = arith.constant 0 : i32
          %dma_wait3A_604 = arith.constant 0 : i32
          %dma_wait3A_605 = tpu.memref_slice %arg8[%dma_wait3A_600, %dma_wait3A_603, %dma_wait3A_604] : memref<5x128x64xf32, #tpu.memory_space<vmem>> -> memref<1x128x64xf32, #tpu.memory_space<vmem>>
          %dma_wait3A_606 = tpu.memref_squeeze %dma_wait3A_605 : memref<1x128x64xf32, #tpu.memory_space<vmem>> -> memref<128x64xf32, #tpu.memory_space<vmem>>
          %dma_wait3A_607 = arith.constant 0 : i32
          %dma_wait3A_608 = tpu.memref_slice %arg7[%dma_wait3A_601, %dma_wait3A_602, %dma_wait3A_607] : memref<2x10x128xi32, #tpu.memory_space<vmem>> -> memref<1x1x128xi32, #tpu.memory_space<vmem>>
          %dma_wait3A_609 = tpu.memref_squeeze %dma_wait3A_608 : memref<1x1x128xi32, #tpu.memory_space<vmem>> -> memref<128xi32, #tpu.memory_space<vmem>>
          %dma_wait3A_610 = arith.constant 0 : i32
          %dma_wait3A_611 = arith.constant 0 : i32
          %dma_wait3A_612 = tpu.memref_slice %arg10[%dma_wait3A_610, %dma_wait3A_611] : memref<10240x64xf32, #tpu.memory_space<vmem_shared>> -> memref<10240x64xf32, #tpu.memory_space<vmem_shared>>
          tpu.wait_indirect_dma semaphore(%arg16 : memref<!tpu.dma_semaphore, #tpu.memory_space<semaphore_mem>>) src(%dma_wait3A_606 : memref<128x64xf32, #tpu.memory_space<vmem>>) dst(%dma_wait3A_612 : memref<10240x64xf32, #tpu.memory_space<vmem_shared>>)
        } else {
        }
        %dma_start3A_588 = arith.constant 5 : i32
        %dma_start3A_589 = arith.constant 0 : i32
        %dma_start3A_590 = arith.constant 0 : i32
        %dma_start3A_591 = arith.constant 0 : i32
        %dma_start3A_592 = tpu.memref_slice %arg8[%dma_start3A_589, %dma_start3A_590, %dma_start3A_591] : memref<5x128x64xf32, #tpu.memory_space<vmem>> -> memref<1x128x64xf32, #tpu.memory_space<vmem>>
        %dma_start3A_593 = tpu.memref_squeeze %dma_start3A_592 : memref<1x128x64xf32, #tpu.memory_space<vmem>> -> memref<128x64xf32, #tpu.memory_space<vmem>>
        %dma_start3A_594 = arith.constant 0 : i32
        %dma_start3A_595 = tpu.memref_slice %arg6[%select_n3A_218, %dma_start3A_588, %dma_start3A_594] : memref<2x10x128xi32, #tpu.memory_space<vmem>> -> memref<1x1x128xi32, #tpu.memory_space<vmem>>
        %dma_start3A_596 = tpu.memref_squeeze %dma_start3A_595 : memref<1x1x128xi32, #tpu.memory_space<vmem>> -> memref<128xi32, #tpu.memory_space<vmem>>
        %dma_start3A_597 = arith.constant 0 : i32
        %dma_start3A_598 = arith.constant 0 : i32
        %dma_start3A_599 = tpu.memref_slice %arg9[%dma_start3A_597, %dma_start3A_598] : memref<10112x64xf32, #tpu.memory_space<vmem_shared>> -> memref<10112x64xf32, #tpu.memory_space<vmem_shared>>
        tpu.enqueue_indirect_dma source(%dma_start3A_599 : memref<10112x64xf32, #tpu.memory_space<vmem_shared>>) target(%dma_start3A_593 : memref<128x64xf32, #tpu.memory_space<vmem>>) offsets(%dma_start3A_596 : memref<128xi32, #tpu.memory_space<vmem>>) semaphore(%arg11 : memref<!tpu.dma_semaphore, #tpu.memory_space<semaphore_mem>>)
      } else {
      }
      %dma_wait3A_284 = arith.constant 1 : i32
      %dma_wait3A_285 = arith.constant 1 : i32
      %dma_wait3A_286 = arith.constant 0 : i32
      %dma_wait3A_287 = arith.constant 0 : i32
      %dma_wait3A_288 = tpu.memref_slice %arg8[%dma_wait3A_285, %dma_wait3A_286, %dma_wait3A_287] : memref<5x128x64xf32, #tpu.memory_space<vmem>> -> memref<1x128x64xf32, #tpu.memory_space<vmem>>
      %dma_wait3A_289 = tpu.memref_squeeze %dma_wait3A_288 : memref<1x128x64xf32, #tpu.memory_space<vmem>> -> memref<128x64xf32, #tpu.memory_space<vmem>>
      %dma_wait3A_290 = arith.constant 0 : i32
      %dma_wait3A_291 = tpu.memref_slice %arg6[%select_n3A_218, %dma_wait3A_284, %dma_wait3A_290] : memref<2x10x128xi32, #tpu.memory_space<vmem>> -> memref<1x1x128xi32, #tpu.memory_space<vmem>>
      %dma_wait3A_292 = tpu.memref_squeeze %dma_wait3A_291 : memref<1x1x128xi32, #tpu.memory_space<vmem>> -> memref<128xi32, #tpu.memory_space<vmem>>
      %dma_wait3A_293 = arith.constant 0 : i32
      %dma_wait3A_294 = arith.constant 0 : i32
      %dma_wait3A_295 = tpu.memref_slice %arg9[%dma_wait3A_293, %dma_wait3A_294] : memref<10112x64xf32, #tpu.memory_space<vmem_shared>> -> memref<10112x64xf32, #tpu.memory_space<vmem_shared>>
      tpu.wait_indirect_dma semaphore(%arg12 : memref<!tpu.dma_semaphore, #tpu.memory_space<semaphore_mem>>) src(%dma_wait3A_295 : memref<10112x64xf32, #tpu.memory_space<vmem_shared>>) dst(%dma_wait3A_289 : memref<128x64xf32, #tpu.memory_space<vmem>>)
      %dma_start3A_296 = arith.constant 1 : i32
      %dma_start3A_297 = arith.constant 1 : i32
      %dma_start3A_298 = arith.constant 0 : i32
      %dma_start3A_299 = arith.constant 0 : i32
      %dma_start3A_300 = tpu.memref_slice %arg8[%dma_start3A_296, %dma_start3A_298, %dma_start3A_299] : memref<5x128x64xf32, #tpu.memory_space<vmem>> -> memref<1x128x64xf32, #tpu.memory_space<vmem>>
      %dma_start3A_301 = tpu.memref_squeeze %dma_start3A_300 : memref<1x128x64xf32, #tpu.memory_space<vmem>> -> memref<128x64xf32, #tpu.memory_space<vmem>>
      %dma_start3A_302 = arith.constant 0 : i32
      %dma_start3A_303 = tpu.memref_slice %arg7[%select_n3A_218, %dma_start3A_297, %dma_start3A_302] : memref<2x10x128xi32, #tpu.memory_space<vmem>> -> memref<1x1x128xi32, #tpu.memory_space<vmem>>
      %dma_start3A_304 = tpu.memref_squeeze %dma_start3A_303 : memref<1x1x128xi32, #tpu.memory_space<vmem>> -> memref<128xi32, #tpu.memory_space<vmem>>
      %dma_start3A_305 = arith.constant 0 : i32
      %dma_start3A_306 = arith.constant 0 : i32
      %dma_start3A_307 = tpu.memref_slice %arg10[%dma_start3A_305, %dma_start3A_306] : memref<10240x64xf32, #tpu.memory_space<vmem_shared>> -> memref<10240x64xf32, #tpu.memory_space<vmem_shared>>
      tpu.enqueue_indirect_dma source(%dma_start3A_301 : memref<128x64xf32, #tpu.memory_space<vmem>>) target(%dma_start3A_307 : memref<10240x64xf32, #tpu.memory_space<vmem_shared>>) offsets(%dma_start3A_304 : memref<128xi32, #tpu.memory_space<vmem>>) semaphore(%arg17 : memref<!tpu.dma_semaphore, #tpu.memory_space<semaphore_mem>>) {add = true}
      %mul3A_308 = arith.constant 10 : i32
      %mul3A_309 = arith.muli %scan3A_209, %mul3A_308 : i32
      %add3A_310 = arith.constant 6 : i32
      %add3A_311 = arith.addi %mul3A_309, %add3A_310 : i32
      %lt3A_312 = arith.constant 160 : i32
      %lt3A_313 = arith.cmpi slt, %add3A_311, %lt3A_312 : i32
      %convert_element_type3A_314 = arith.extui %lt3A_313 : i1 to i32
      %cond3A_315 = arith.constant 0 : i32
      %cond3A_316 = arith.cmpi ne, %convert_element_type3A_314, %cond3A_315 : i32
      scf.if %cond3A_316 {
        %mul3A_580 = arith.constant 10 : i32
        %mul3A_581 = arith.muli %scan3A_209, %mul3A_580 : i32
        %add3A_582 = arith.constant 6 : i32
        %add3A_583 = arith.addi %mul3A_581, %add3A_582 : i32
        %ge3A = arith.constant 5 : i32
        %ge3A_584 = arith.cmpi sge, %add3A_583, %ge3A : i32
        %convert_element_type3A_585 = arith.extui %ge3A_584 : i1 to i32
        %cond3A_586 = arith.constant 0 : i32
        %cond3A_587 = arith.cmpi ne, %convert_element_type3A_585, %cond3A_586 : i32
        scf.if %cond3A_587 {
          %dma_wait3A_600 = arith.constant 1 : i32
          %dma_wait3A_601 = arith.constant 0 : i32
          %dma_wait3A_602 = arith.constant 0 : i32
          %dma_wait3A_603 = arith.constant 0 : i32
          %dma_wait3A_604 = arith.constant 0 : i32
          %dma_wait3A_605 = tpu.memref_slice %arg8[%dma_wait3A_600, %dma_wait3A_603, %dma_wait3A_604] : memref<5x128x64xf32, #tpu.memory_space<vmem>> -> memref<1x128x64xf32, #tpu.memory_space<vmem>>
          %dma_wait3A_606 = tpu.memref_squeeze %dma_wait3A_605 : memref<1x128x64xf32, #tpu.memory_space<vmem>> -> memref<128x64xf32, #tpu.memory_space<vmem>>
          %dma_wait3A_607 = arith.constant 0 : i32
          %dma_wait3A_608 = tpu.memref_slice %arg7[%dma_wait3A_601, %dma_wait3A_602, %dma_wait3A_607] : memref<2x10x128xi32, #tpu.memory_space<vmem>> -> memref<1x1x128xi32, #tpu.memory_space<vmem>>
          %dma_wait3A_609 = tpu.memref_squeeze %dma_wait3A_608 : memref<1x1x128xi32, #tpu.memory_space<vmem>> -> memref<128xi32, #tpu.memory_space<vmem>>
          %dma_wait3A_610 = arith.constant 0 : i32
          %dma_wait3A_611 = arith.constant 0 : i32
          %dma_wait3A_612 = tpu.memref_slice %arg10[%dma_wait3A_610, %dma_wait3A_611] : memref<10240x64xf32, #tpu.memory_space<vmem_shared>> -> memref<10240x64xf32, #tpu.memory_space<vmem_shared>>
          tpu.wait_indirect_dma semaphore(%arg17 : memref<!tpu.dma_semaphore, #tpu.memory_space<semaphore_mem>>) src(%dma_wait3A_606 : memref<128x64xf32, #tpu.memory_space<vmem>>) dst(%dma_wait3A_612 : memref<10240x64xf32, #tpu.memory_space<vmem_shared>>)
        } else {
        }
        %dma_start3A_588 = arith.constant 6 : i32
        %dma_start3A_589 = arith.constant 1 : i32
        %dma_start3A_590 = arith.constant 0 : i32
        %dma_start3A_591 = arith.constant 0 : i32
        %dma_start3A_592 = tpu.memref_slice %arg8[%dma_start3A_589, %dma_start3A_590, %dma_start3A_591] : memref<5x128x64xf32, #tpu.memory_space<vmem>> -> memref<1x128x64xf32, #tpu.memory_space<vmem>>
        %dma_start3A_593 = tpu.memref_squeeze %dma_start3A_592 : memref<1x128x64xf32, #tpu.memory_space<vmem>> -> memref<128x64xf32, #tpu.memory_space<vmem>>
        %dma_start3A_594 = arith.constant 0 : i32
        %dma_start3A_595 = tpu.memref_slice %arg6[%select_n3A_218, %dma_start3A_588, %dma_start3A_594] : memref<2x10x128xi32, #tpu.memory_space<vmem>> -> memref<1x1x128xi32, #tpu.memory_space<vmem>>
        %dma_start3A_596 = tpu.memref_squeeze %dma_start3A_595 : memref<1x1x128xi32, #tpu.memory_space<vmem>> -> memref<128xi32, #tpu.memory_space<vmem>>
        %dma_start3A_597 = arith.constant 0 : i32
        %dma_start3A_598 = arith.constant 0 : i32
        %dma_start3A_599 = tpu.memref_slice %arg9[%dma_start3A_597, %dma_start3A_598] : memref<10112x64xf32, #tpu.memory_space<vmem_shared>> -> memref<10112x64xf32, #tpu.memory_space<vmem_shared>>
        tpu.enqueue_indirect_dma source(%dma_start3A_599 : memref<10112x64xf32, #tpu.memory_space<vmem_shared>>) target(%dma_start3A_593 : memref<128x64xf32, #tpu.memory_space<vmem>>) offsets(%dma_start3A_596 : memref<128xi32, #tpu.memory_space<vmem>>) semaphore(%arg12 : memref<!tpu.dma_semaphore, #tpu.memory_space<semaphore_mem>>)
      } else {
      }
      %dma_wait3A_317 = arith.constant 2 : i32
      %dma_wait3A_318 = arith.constant 2 : i32
      %dma_wait3A_319 = arith.constant 0 : i32
      %dma_wait3A_320 = arith.constant 0 : i32
      %dma_wait3A_321 = tpu.memref_slice %arg8[%dma_wait3A_318, %dma_wait3A_319, %dma_wait3A_320] : memref<5x128x64xf32, #tpu.memory_space<vmem>> -> memref<1x128x64xf32, #tpu.memory_space<vmem>>
      %dma_wait3A_322 = tpu.memref_squeeze %dma_wait3A_321 : memref<1x128x64xf32, #tpu.memory_space<vmem>> -> memref<128x64xf32, #tpu.memory_space<vmem>>
      %dma_wait3A_323 = arith.constant 0 : i32
      %dma_wait3A_324 = tpu.memref_slice %arg6[%select_n3A_218, %dma_wait3A_317, %dma_wait3A_323] : memref<2x10x128xi32, #tpu.memory_space<vmem>> -> memref<1x1x128xi32, #tpu.memory_space<vmem>>
      %dma_wait3A_325 = tpu.memref_squeeze %dma_wait3A_324 : memref<1x1x128xi32, #tpu.memory_space<vmem>> -> memref<128xi32, #tpu.memory_space<vmem>>
      %dma_wait3A_326 = arith.constant 0 : i32
      %dma_wait3A_327 = arith.constant 0 : i32
      %dma_wait3A_328 = tpu.memref_slice %arg9[%dma_wait3A_326, %dma_wait3A_327] : memref<10112x64xf32, #tpu.memory_space<vmem_shared>> -> memref<10112x64xf32, #tpu.memory_space<vmem_shared>>
      tpu.wait_indirect_dma semaphore(%arg13 : memref<!tpu.dma_semaphore, #tpu.memory_space<semaphore_mem>>) src(%dma_wait3A_328 : memref<10112x64xf32, #tpu.memory_space<vmem_shared>>) dst(%dma_wait3A_322 : memref<128x64xf32, #tpu.memory_space<vmem>>)
      %dma_start3A_329 = arith.constant 2 : i32
      %dma_start3A_330 = arith.constant 2 : i32
      %dma_start3A_331 = arith.constant 0 : i32
      %dma_start3A_332 = arith.constant 0 : i32
      %dma_start3A_333 = tpu.memref_slice %arg8[%dma_start3A_329, %dma_start3A_331, %dma_start3A_332] : memref<5x128x64xf32, #tpu.memory_space<vmem>> -> memref<1x128x64xf32, #tpu.memory_space<vmem>>
      %dma_start3A_334 = tpu.memref_squeeze %dma_start3A_333 : memref<1x128x64xf32, #tpu.memory_space<vmem>> -> memref<128x64xf32, #tpu.memory_space<vmem>>
      %dma_start3A_335 = arith.constant 0 : i32
      %dma_start3A_336 = tpu.memref_slice %arg7[%select_n3A_218, %dma_start3A_330, %dma_start3A_335] : memref<2x10x128xi32, #tpu.memory_space<vmem>> -> memref<1x1x128xi32, #tpu.memory_space<vmem>>
      %dma_start3A_337 = tpu.memref_squeeze %dma_start3A_336 : memref<1x1x128xi32, #tpu.memory_space<vmem>> -> memref<128xi32, #tpu.memory_space<vmem>>
      %dma_start3A_338 = arith.constant 0 : i32
      %dma_start3A_339 = arith.constant 0 : i32
      %dma_start3A_340 = tpu.memref_slice %arg10[%dma_start3A_338, %dma_start3A_339] : memref<10240x64xf32, #tpu.memory_space<vmem_shared>> -> memref<10240x64xf32, #tpu.memory_space<vmem_shared>>
      tpu.enqueue_indirect_dma source(%dma_start3A_334 : memref<128x64xf32, #tpu.memory_space<vmem>>) target(%dma_start3A_340 : memref<10240x64xf32, #tpu.memory_space<vmem_shared>>) offsets(%dma_start3A_337 : memref<128xi32, #tpu.memory_space<vmem>>) semaphore(%arg18 : memref<!tpu.dma_semaphore, #tpu.memory_space<semaphore_mem>>) {add = true}
      %mul3A_341 = arith.constant 10 : i32
      %mul3A_342 = arith.muli %scan3A_209, %mul3A_341 : i32
      %add3A_343 = arith.constant 7 : i32
      %add3A_344 = arith.addi %mul3A_342, %add3A_343 : i32
      %lt3A_345 = arith.constant 160 : i32
      %lt3A_346 = arith.cmpi slt, %add3A_344, %lt3A_345 : i32
      %convert_element_type3A_347 = arith.extui %lt3A_346 : i1 to i32
      %cond3A_348 = arith.constant 0 : i32
      %cond3A_349 = arith.cmpi ne, %convert_element_type3A_347, %cond3A_348 : i32
      scf.if %cond3A_349 {
        %mul3A_580 = arith.constant 10 : i32
        %mul3A_581 = arith.muli %scan3A_209, %mul3A_580 : i32
        %add3A_582 = arith.constant 7 : i32
        %add3A_583 = arith.addi %mul3A_581, %add3A_582 : i32
        %ge3A = arith.constant 5 : i32
        %ge3A_584 = arith.cmpi sge, %add3A_583, %ge3A : i32
        %convert_element_type3A_585 = arith.extui %ge3A_584 : i1 to i32
        %cond3A_586 = arith.constant 0 : i32
        %cond3A_587 = arith.cmpi ne, %convert_element_type3A_585, %cond3A_586 : i32
        scf.if %cond3A_587 {
          %dma_wait3A_600 = arith.constant 2 : i32
          %dma_wait3A_601 = arith.constant 0 : i32
          %dma_wait3A_602 = arith.constant 0 : i32
          %dma_wait3A_603 = arith.constant 0 : i32
          %dma_wait3A_604 = arith.constant 0 : i32
          %dma_wait3A_605 = tpu.memref_slice %arg8[%dma_wait3A_600, %dma_wait3A_603, %dma_wait3A_604] : memref<5x128x64xf32, #tpu.memory_space<vmem>> -> memref<1x128x64xf32, #tpu.memory_space<vmem>>
          %dma_wait3A_606 = tpu.memref_squeeze %dma_wait3A_605 : memref<1x128x64xf32, #tpu.memory_space<vmem>> -> memref<128x64xf32, #tpu.memory_space<vmem>>
          %dma_wait3A_607 = arith.constant 0 : i32
          %dma_wait3A_608 = tpu.memref_slice %arg7[%dma_wait3A_601, %dma_wait3A_602, %dma_wait3A_607] : memref<2x10x128xi32, #tpu.memory_space<vmem>> -> memref<1x1x128xi32, #tpu.memory_space<vmem>>
          %dma_wait3A_609 = tpu.memref_squeeze %dma_wait3A_608 : memref<1x1x128xi32, #tpu.memory_space<vmem>> -> memref<128xi32, #tpu.memory_space<vmem>>
          %dma_wait3A_610 = arith.constant 0 : i32
          %dma_wait3A_611 = arith.constant 0 : i32
          %dma_wait3A_612 = tpu.memref_slice %arg10[%dma_wait3A_610, %dma_wait3A_611] : memref<10240x64xf32, #tpu.memory_space<vmem_shared>> -> memref<10240x64xf32, #tpu.memory_space<vmem_shared>>
          tpu.wait_indirect_dma semaphore(%arg18 : memref<!tpu.dma_semaphore, #tpu.memory_space<semaphore_mem>>) src(%dma_wait3A_606 : memref<128x64xf32, #tpu.memory_space<vmem>>) dst(%dma_wait3A_612 : memref<10240x64xf32, #tpu.memory_space<vmem_shared>>)
        } else {
        }
        %dma_start3A_588 = arith.constant 7 : i32
        %dma_start3A_589 = arith.constant 2 : i32
        %dma_start3A_590 = arith.constant 0 : i32
        %dma_start3A_591 = arith.constant 0 : i32
        %dma_start3A_592 = tpu.memref_slice %arg8[%dma_start3A_589, %dma_start3A_590, %dma_start3A_591] : memref<5x128x64xf32, #tpu.memory_space<vmem>> -> memref<1x128x64xf32, #tpu.memory_space<vmem>>
        %dma_start3A_593 = tpu.memref_squeeze %dma_start3A_592 : memref<1x128x64xf32, #tpu.memory_space<vmem>> -> memref<128x64xf32, #tpu.memory_space<vmem>>
        %dma_start3A_594 = arith.constant 0 : i32
        %dma_start3A_595 = tpu.memref_slice %arg6[%select_n3A_218, %dma_start3A_588, %dma_start3A_594] : memref<2x10x128xi32, #tpu.memory_space<vmem>> -> memref<1x1x128xi32, #tpu.memory_space<vmem>>
        %dma_start3A_596 = tpu.memref_squeeze %dma_start3A_595 : memref<1x1x128xi32, #tpu.memory_space<vmem>> -> memref<128xi32, #tpu.memory_space<vmem>>
        %dma_start3A_597 = arith.constant 0 : i32
        %dma_start3A_598 = arith.constant 0 : i32
        %dma_start3A_599 = tpu.memref_slice %arg9[%dma_start3A_597, %dma_start3A_598] : memref<10112x64xf32, #tpu.memory_space<vmem_shared>> -> memref<10112x64xf32, #tpu.memory_space<vmem_shared>>
        tpu.enqueue_indirect_dma source(%dma_start3A_599 : memref<10112x64xf32, #tpu.memory_space<vmem_shared>>) target(%dma_start3A_593 : memref<128x64xf32, #tpu.memory_space<vmem>>) offsets(%dma_start3A_596 : memref<128xi32, #tpu.memory_space<vmem>>) semaphore(%arg13 : memref<!tpu.dma_semaphore, #tpu.memory_space<semaphore_mem>>)
      } else {
      }
      %dma_wait3A_350 = arith.constant 3 : i32
      %dma_wait3A_351 = arith.constant 3 : i32
      %dma_wait3A_352 = arith.constant 0 : i32
      %dma_wait3A_353 = arith.constant 0 : i32
      %dma_wait3A_354 = tpu.memref_slice %arg8[%dma_wait3A_351, %dma_wait3A_352, %dma_wait3A_353] : memref<5x128x64xf32, #tpu.memory_space<vmem>> -> memref<1x128x64xf32, #tpu.memory_space<vmem>>
      %dma_wait3A_355 = tpu.memref_squeeze %dma_wait3A_354 : memref<1x128x64xf32, #tpu.memory_space<vmem>> -> memref<128x64xf32, #tpu.memory_space<vmem>>
      %dma_wait3A_356 = arith.constant 0 : i32
      %dma_wait3A_357 = tpu.memref_slice %arg6[%select_n3A_218, %dma_wait3A_350, %dma_wait3A_356] : memref<2x10x128xi32, #tpu.memory_space<vmem>> -> memref<1x1x128xi32, #tpu.memory_space<vmem>>
      %dma_wait3A_358 = tpu.memref_squeeze %dma_wait3A_357 : memref<1x1x128xi32, #tpu.memory_space<vmem>> -> memref<128xi32, #tpu.memory_space<vmem>>
      %dma_wait3A_359 = arith.constant 0 : i32
      %dma_wait3A_360 = arith.constant 0 : i32
      %dma_wait3A_361 = tpu.memref_slice %arg9[%dma_wait3A_359, %dma_wait3A_360] : memref<10112x64xf32, #tpu.memory_space<vmem_shared>> -> memref<10112x64xf32, #tpu.memory_space<vmem_shared>>
      tpu.wait_indirect_dma semaphore(%arg14 : memref<!tpu.dma_semaphore, #tpu.memory_space<semaphore_mem>>) src(%dma_wait3A_361 : memref<10112x64xf32, #tpu.memory_space<vmem_shared>>) dst(%dma_wait3A_355 : memref<128x64xf32, #tpu.memory_space<vmem>>)
      %dma_start3A_362 = arith.constant 3 : i32
      %dma_start3A_363 = arith.constant 3 : i32
      %dma_start3A_364 = arith.constant 0 : i32
      %dma_start3A_365 = arith.constant 0 : i32
      %dma_start3A_366 = tpu.memref_slice %arg8[%dma_start3A_362, %dma_start3A_364, %dma_start3A_365] : memref<5x128x64xf32, #tpu.memory_space<vmem>> -> memref<1x128x64xf32, #tpu.memory_space<vmem>>
      %dma_start3A_367 = tpu.memref_squeeze %dma_start3A_366 : memref<1x128x64xf32, #tpu.memory_space<vmem>> -> memref<128x64xf32, #tpu.memory_space<vmem>>
      %dma_start3A_368 = arith.constant 0 : i32
      %dma_start3A_369 = tpu.memref_slice %arg7[%select_n3A_218, %dma_start3A_363, %dma_start3A_368] : memref<2x10x128xi32, #tpu.memory_space<vmem>> -> memref<1x1x128xi32, #tpu.memory_space<vmem>>
      %dma_start3A_370 = tpu.memref_squeeze %dma_start3A_369 : memref<1x1x128xi32, #tpu.memory_space<vmem>> -> memref<128xi32, #tpu.memory_space<vmem>>
      %dma_start3A_371 = arith.constant 0 : i32
      %dma_start3A_372 = arith.constant 0 : i32
      %dma_start3A_373 = tpu.memref_slice %arg10[%dma_start3A_371, %dma_start3A_372] : memref<10240x64xf32, #tpu.memory_space<vmem_shared>> -> memref<10240x64xf32, #tpu.memory_space<vmem_shared>>
      tpu.enqueue_indirect_dma source(%dma_start3A_367 : memref<128x64xf32, #tpu.memory_space<vmem>>) target(%dma_start3A_373 : memref<10240x64xf32, #tpu.memory_space<vmem_shared>>) offsets(%dma_start3A_370 : memref<128xi32, #tpu.memory_space<vmem>>) semaphore(%arg19 : memref<!tpu.dma_semaphore, #tpu.memory_space<semaphore_mem>>) {add = true}
      %mul3A_374 = arith.constant 10 : i32
      %mul3A_375 = arith.muli %scan3A_209, %mul3A_374 : i32
      %add3A_376 = arith.constant 8 : i32
      %add3A_377 = arith.addi %mul3A_375, %add3A_376 : i32
      %lt3A_378 = arith.constant 160 : i32
      %lt3A_379 = arith.cmpi slt, %add3A_377, %lt3A_378 : i32
      %convert_element_type3A_380 = arith.extui %lt3A_379 : i1 to i32
      %cond3A_381 = arith.constant 0 : i32
      %cond3A_382 = arith.cmpi ne, %convert_element_type3A_380, %cond3A_381 : i32
      scf.if %cond3A_382 {
        %mul3A_580 = arith.constant 10 : i32
        %mul3A_581 = arith.muli %scan3A_209, %mul3A_580 : i32
        %add3A_582 = arith.constant 8 : i32
        %add3A_583 = arith.addi %mul3A_581, %add3A_582 : i32
        %ge3A = arith.constant 5 : i32
        %ge3A_584 = arith.cmpi sge, %add3A_583, %ge3A : i32
        %convert_element_type3A_585 = arith.extui %ge3A_584 : i1 to i32
        %cond3A_586 = arith.constant 0 : i32
        %cond3A_587 = arith.cmpi ne, %convert_element_type3A_585, %cond3A_586 : i32
        scf.if %cond3A_587 {
          %dma_wait3A_600 = arith.constant 3 : i32
          %dma_wait3A_601 = arith.constant 0 : i32
          %dma_wait3A_602 = arith.constant 0 : i32
          %dma_wait3A_603 = arith.constant 0 : i32
          %dma_wait3A_604 = arith.constant 0 : i32
          %dma_wait3A_605 = tpu.memref_slice %arg8[%dma_wait3A_600, %dma_wait3A_603, %dma_wait3A_604] : memref<5x128x64xf32, #tpu.memory_space<vmem>> -> memref<1x128x64xf32, #tpu.memory_space<vmem>>
          %dma_wait3A_606 = tpu.memref_squeeze %dma_wait3A_605 : memref<1x128x64xf32, #tpu.memory_space<vmem>> -> memref<128x64xf32, #tpu.memory_space<vmem>>
          %dma_wait3A_607 = arith.constant 0 : i32
          %dma_wait3A_608 = tpu.memref_slice %arg7[%dma_wait3A_601, %dma_wait3A_602, %dma_wait3A_607] : memref<2x10x128xi32, #tpu.memory_space<vmem>> -> memref<1x1x128xi32, #tpu.memory_space<vmem>>
          %dma_wait3A_609 = tpu.memref_squeeze %dma_wait3A_608 : memref<1x1x128xi32, #tpu.memory_space<vmem>> -> memref<128xi32, #tpu.memory_space<vmem>>
          %dma_wait3A_610 = arith.constant 0 : i32
          %dma_wait3A_611 = arith.constant 0 : i32
          %dma_wait3A_612 = tpu.memref_slice %arg10[%dma_wait3A_610, %dma_wait3A_611] : memref<10240x64xf32, #tpu.memory_space<vmem_shared>> -> memref<10240x64xf32, #tpu.memory_space<vmem_shared>>
          tpu.wait_indirect_dma semaphore(%arg19 : memref<!tpu.dma_semaphore, #tpu.memory_space<semaphore_mem>>) src(%dma_wait3A_606 : memref<128x64xf32, #tpu.memory_space<vmem>>) dst(%dma_wait3A_612 : memref<10240x64xf32, #tpu.memory_space<vmem_shared>>)
        } else {
        }
        %dma_start3A_588 = arith.constant 8 : i32
        %dma_start3A_589 = arith.constant 3 : i32
        %dma_start3A_590 = arith.constant 0 : i32
        %dma_start3A_591 = arith.constant 0 : i32
        %dma_start3A_592 = tpu.memref_slice %arg8[%dma_start3A_589, %dma_start3A_590, %dma_start3A_591] : memref<5x128x64xf32, #tpu.memory_space<vmem>> -> memref<1x128x64xf32, #tpu.memory_space<vmem>>
        %dma_start3A_593 = tpu.memref_squeeze %dma_start3A_592 : memref<1x128x64xf32, #tpu.memory_space<vmem>> -> memref<128x64xf32, #tpu.memory_space<vmem>>
        %dma_start3A_594 = arith.constant 0 : i32
        %dma_start3A_595 = tpu.memref_slice %arg6[%select_n3A_218, %dma_start3A_588, %dma_start3A_594] : memref<2x10x128xi32, #tpu.memory_space<vmem>> -> memref<1x1x128xi32, #tpu.memory_space<vmem>>
        %dma_start3A_596 = tpu.memref_squeeze %dma_start3A_595 : memref<1x1x128xi32, #tpu.memory_space<vmem>> -> memref<128xi32, #tpu.memory_space<vmem>>
        %dma_start3A_597 = arith.constant 0 : i32
        %dma_start3A_598 = arith.constant 0 : i32
        %dma_start3A_599 = tpu.memref_slice %arg9[%dma_start3A_597, %dma_start3A_598] : memref<10112x64xf32, #tpu.memory_space<vmem_shared>> -> memref<10112x64xf32, #tpu.memory_space<vmem_shared>>
        tpu.enqueue_indirect_dma source(%dma_start3A_599 : memref<10112x64xf32, #tpu.memory_space<vmem_shared>>) target(%dma_start3A_593 : memref<128x64xf32, #tpu.memory_space<vmem>>) offsets(%dma_start3A_596 : memref<128xi32, #tpu.memory_space<vmem>>) semaphore(%arg14 : memref<!tpu.dma_semaphore, #tpu.memory_space<semaphore_mem>>)
      } else {
      }
      %dma_wait3A_383 = arith.constant 4 : i32
      %dma_wait3A_384 = arith.constant 4 : i32
      %dma_wait3A_385 = arith.constant 0 : i32
      %dma_wait3A_386 = arith.constant 0 : i32
      %dma_wait3A_387 = tpu.memref_slice %arg8[%dma_wait3A_384, %dma_wait3A_385, %dma_wait3A_386] : memref<5x128x64xf32, #tpu.memory_space<vmem>> -> memref<1x128x64xf32, #tpu.memory_space<vmem>>
      %dma_wait3A_388 = tpu.memref_squeeze %dma_wait3A_387 : memref<1x128x64xf32, #tpu.memory_space<vmem>> -> memref<128x64xf32, #tpu.memory_space<vmem>>
      %dma_wait3A_389 = arith.constant 0 : i32
      %dma_wait3A_390 = tpu.memref_slice %arg6[%select_n3A_218, %dma_wait3A_383, %dma_wait3A_389] : memref<2x10x128xi32, #tpu.memory_space<vmem>> -> memref<1x1x128xi32, #tpu.memory_space<vmem>>
      %dma_wait3A_391 = tpu.memref_squeeze %dma_wait3A_390 : memref<1x1x128xi32, #tpu.memory_space<vmem>> -> memref<128xi32, #tpu.memory_space<vmem>>
      %dma_wait3A_392 = arith.constant 0 : i32
      %dma_wait3A_393 = arith.constant 0 : i32
      %dma_wait3A_394 = tpu.memref_slice %arg9[%dma_wait3A_392, %dma_wait3A_393] : memref<10112x64xf32, #tpu.memory_space<vmem_shared>> -> memref<10112x64xf32, #tpu.memory_space<vmem_shared>>
      tpu.wait_indirect_dma semaphore(%arg15 : memref<!tpu.dma_semaphore, #tpu.memory_space<semaphore_mem>>) src(%dma_wait3A_394 : memref<10112x64xf32, #tpu.memory_space<vmem_shared>>) dst(%dma_wait3A_388 : memref<128x64xf32, #tpu.memory_space<vmem>>)
      %dma_start3A_395 = arith.constant 4 : i32
      %dma_start3A_396 = arith.constant 4 : i32
      %dma_start3A_397 = arith.constant 0 : i32
      %dma_start3A_398 = arith.constant 0 : i32
      %dma_start3A_399 = tpu.memref_slice %arg8[%dma_start3A_395, %dma_start3A_397, %dma_start3A_398] : memref<5x128x64xf32, #tpu.memory_space<vmem>> -> memref<1x128x64xf32, #tpu.memory_space<vmem>>
      %dma_start3A_400 = tpu.memref_squeeze %dma_start3A_399 : memref<1x128x64xf32, #tpu.memory_space<vmem>> -> memref<128x64xf32, #tpu.memory_space<vmem>>
      %dma_start3A_401 = arith.constant 0 : i32
      %dma_start3A_402 = tpu.memref_slice %arg7[%select_n3A_218, %dma_start3A_396, %dma_start3A_401] : memref<2x10x128xi32, #tpu.memory_space<vmem>> -> memref<1x1x128xi32, #tpu.memory_space<vmem>>
      %dma_start3A_403 = tpu.memref_squeeze %dma_start3A_402 : memref<1x1x128xi32, #tpu.memory_space<vmem>> -> memref<128xi32, #tpu.memory_space<vmem>>
      %dma_start3A_404 = arith.constant 0 : i32
      %dma_start3A_405 = arith.constant 0 : i32
      %dma_start3A_406 = tpu.memref_slice %arg10[%dma_start3A_404, %dma_start3A_405] : memref<10240x64xf32, #tpu.memory_space<vmem_shared>> -> memref<10240x64xf32, #tpu.memory_space<vmem_shared>>
      tpu.enqueue_indirect_dma source(%dma_start3A_400 : memref<128x64xf32, #tpu.memory_space<vmem>>) target(%dma_start3A_406 : memref<10240x64xf32, #tpu.memory_space<vmem_shared>>) offsets(%dma_start3A_403 : memref<128xi32, #tpu.memory_space<vmem>>) semaphore(%arg20 : memref<!tpu.dma_semaphore, #tpu.memory_space<semaphore_mem>>) {add = true}
      %add3A_407 = arith.constant 1 : i32
      %add3A_408 = arith.addi %scan3A_209, %add3A_407 : i32
      %lt3A_409 = arith.constant 16 : i32
      %lt3A_410 = arith.cmpi slt, %add3A_408, %lt3A_409 : i32
      %convert_element_type3A_411 = arith.extui %lt3A_410 : i1 to i32
      %cond3A_412 = arith.constant 0 : i32
      %cond3A_413 = arith.cmpi ne, %convert_element_type3A_411, %cond3A_412 : i32
      scf.if %cond3A_413 {
        %add3A_580 = arith.constant 1 : i32
        %add3A_581 = arith.addi %scan3A_209, %add3A_580 : i32
        %mul3A_582 = arith.constant 10 : i32
        %mul3A_583 = arith.muli %add3A_581, %mul3A_582 : i32
        %dma_wait3A_584 = arith.constant 0 : i32
        %dma_wait3A_585 = arith.constant 0 : i32
        %dma_wait3A_586 = arith.constant 0 : i32
        %dma_wait3A_587 = tpu.memref_slice %arg6[%select_n3A_236, %dma_wait3A_585, %dma_wait3A_586] : memref<2x10x128xi32, #tpu.memory_space<vmem>> -> memref<1x10x128xi32, #tpu.memory_space<vmem>>
        %dma_wait3A_588 = tpu.memref_squeeze %dma_wait3A_587 : memref<1x10x128xi32, #tpu.memory_space<vmem>> -> memref<10x128xi32, #tpu.memory_space<vmem>>
        %dma_wait3A_589 = arith.constant 0 : i32
        %dma_wait3A_590 = tpu.memref_slice %arg3[%dma_wait3A_584, %arg1, %mul3A_583, %dma_wait3A_589] : memref<2x16x160x128xi32, #tpu.memory_space<hbm>> -> memref<1x1x10x128xi32, #tpu.memory_space<hbm>>
        %dma_wait3A_591 = tpu.memref_squeeze %dma_wait3A_590 : memref<1x1x10x128xi32, #tpu.memory_space<hbm>> -> memref<10x128xi32, #tpu.memory_space<hbm>>
        %dma_wait3A_592 = arith.constant 0 : i32
        %dma_wait3A_593 = arith.constant 0 : i32
        %dma_wait3A_594 = tpu.memref_slice %arg6[%select_n3A_236, %dma_wait3A_592, %dma_wait3A_593] : memref<2x10x128xi32, #tpu.memory_space<vmem>> -> memref<1x10x128xi32, #tpu.memory_space<vmem>>
        %dma_wait3A_595 = tpu.memref_squeeze %dma_wait3A_594 : memref<1x10x128xi32, #tpu.memory_space<vmem>> -> memref<10x128xi32, #tpu.memory_space<vmem>>
        %dma_wait3A_596 = arith.constant 0 : i32
        %dma_wait3A_597 = tpu.memref_slice %arg3[%dma_wait3A_584, %arg1, %mul3A_583, %dma_wait3A_596] : memref<2x16x160x128xi32, #tpu.memory_space<hbm>> -> memref<1x1x10x128xi32, #tpu.memory_space<hbm>>
        %dma_wait3A_598 = tpu.memref_squeeze %dma_wait3A_597 : memref<1x1x10x128xi32, #tpu.memory_space<hbm>> -> memref<10x128xi32, #tpu.memory_space<hbm>>
        tpu.wait_dma2 semaphore(%arg21 : memref<!tpu.dma_semaphore, #tpu.memory_space<semaphore_mem>>) src(%dma_wait3A_598 : memref<10x128xi32, #tpu.memory_space<hbm>>) dst(%dma_wait3A_595 : memref<10x128xi32, #tpu.memory_space<vmem>>)
        %mul3A_599 = arith.constant 10 : i32
        %mul3A_600 = arith.muli %add3A_581, %mul3A_599 : i32
        %dma_wait3A_601 = arith.constant 1 : i32
        %dma_wait3A_602 = arith.constant 0 : i32
        %dma_wait3A_603 = arith.constant 0 : i32
        %dma_wait3A_604 = tpu.memref_slice %arg7[%select_n3A_236, %dma_wait3A_602, %dma_wait3A_603] : memref<2x10x128xi32, #tpu.memory_space<vmem>> -> memref<1x10x128xi32, #tpu.memory_space<vmem>>
        %dma_wait3A_605 = tpu.memref_squeeze %dma_wait3A_604 : memref<1x10x128xi32, #tpu.memory_space<vmem>> -> memref<10x128xi32, #tpu.memory_space<vmem>>
        %dma_wait3A_606 = arith.constant 0 : i32
        %dma_wait3A_607 = tpu.memref_slice %arg3[%dma_wait3A_601, %arg1, %mul3A_600, %dma_wait3A_606] : memref<2x16x160x128xi32, #tpu.memory_space<hbm>> -> memref<1x1x10x128xi32, #tpu.memory_space<hbm>>
        %dma_wait3A_608 = tpu.memref_squeeze %dma_wait3A_607 : memref<1x1x10x128xi32, #tpu.memory_space<hbm>> -> memref<10x128xi32, #tpu.memory_space<hbm>>
        %dma_wait3A_609 = arith.constant 0 : i32
        %dma_wait3A_610 = arith.constant 0 : i32
        %dma_wait3A_611 = tpu.memref_slice %arg7[%select_n3A_236, %dma_wait3A_609, %dma_wait3A_610] : memref<2x10x128xi32, #tpu.memory_space<vmem>> -> memref<1x10x128xi32, #tpu.memory_space<vmem>>
        %dma_wait3A_612 = tpu.memref_squeeze %dma_wait3A_611 : memref<1x10x128xi32, #tpu.memory_space<vmem>> -> memref<10x128xi32, #tpu.memory_space<vmem>>
        %dma_wait3A_613 = arith.constant 0 : i32
        %dma_wait3A_614 = tpu.memref_slice %arg3[%dma_wait3A_601, %arg1, %mul3A_600, %dma_wait3A_613] : memref<2x16x160x128xi32, #tpu.memory_space<hbm>> -> memref<1x1x10x128xi32, #tpu.memory_space<hbm>>
        %dma_wait3A_615 = tpu.memref_squeeze %dma_wait3A_614 : memref<1x1x10x128xi32, #tpu.memory_space<hbm>> -> memref<10x128xi32, #tpu.memory_space<hbm>>
        tpu.wait_dma2 semaphore(%arg21 : memref<!tpu.dma_semaphore, #tpu.memory_space<semaphore_mem>>) src(%dma_wait3A_615 : memref<10x128xi32, #tpu.memory_space<hbm>>) dst(%dma_wait3A_612 : memref<10x128xi32, #tpu.memory_space<vmem>>)
      } else {
      }
      %mul3A_414 = arith.constant 10 : i32
      %mul3A_415 = arith.muli %scan3A_209, %mul3A_414 : i32
      %add3A_416 = arith.constant 9 : i32
      %add3A_417 = arith.addi %mul3A_415, %add3A_416 : i32
      %lt3A_418 = arith.constant 160 : i32
      %lt3A_419 = arith.cmpi slt, %add3A_417, %lt3A_418 : i32
      %convert_element_type3A_420 = arith.extui %lt3A_419 : i1 to i32
      %cond3A_421 = arith.constant 0 : i32
      %cond3A_422 = arith.cmpi ne, %convert_element_type3A_420, %cond3A_421 : i32
      scf.if %cond3A_422 {
        %mul3A_580 = arith.constant 10 : i32
        %mul3A_581 = arith.muli %scan3A_209, %mul3A_580 : i32
        %add3A_582 = arith.constant 9 : i32
        %add3A_583 = arith.addi %mul3A_581, %add3A_582 : i32
        %ge3A = arith.constant 5 : i32
        %ge3A_584 = arith.cmpi sge, %add3A_583, %ge3A : i32
        %convert_element_type3A_585 = arith.extui %ge3A_584 : i1 to i32
        %cond3A_586 = arith.constant 0 : i32
        %cond3A_587 = arith.cmpi ne, %convert_element_type3A_585, %cond3A_586 : i32
        scf.if %cond3A_587 {
          %dma_wait3A_600 = arith.constant 4 : i32
          %dma_wait3A_601 = arith.constant 0 : i32
          %dma_wait3A_602 = arith.constant 0 : i32
          %dma_wait3A_603 = arith.constant 0 : i32
          %dma_wait3A_604 = arith.constant 0 : i32
          %dma_wait3A_605 = tpu.memref_slice %arg8[%dma_wait3A_600, %dma_wait3A_603, %dma_wait3A_604] : memref<5x128x64xf32, #tpu.memory_space<vmem>> -> memref<1x128x64xf32, #tpu.memory_space<vmem>>
          %dma_wait3A_606 = tpu.memref_squeeze %dma_wait3A_605 : memref<1x128x64xf32, #tpu.memory_space<vmem>> -> memref<128x64xf32, #tpu.memory_space<vmem>>
          %dma_wait3A_607 = arith.constant 0 : i32
          %dma_wait3A_608 = tpu.memref_slice %arg7[%dma_wait3A_601, %dma_wait3A_602, %dma_wait3A_607] : memref<2x10x128xi32, #tpu.memory_space<vmem>> -> memref<1x1x128xi32, #tpu.memory_space<vmem>>
          %dma_wait3A_609 = tpu.memref_squeeze %dma_wait3A_608 : memref<1x1x128xi32, #tpu.memory_space<vmem>> -> memref<128xi32, #tpu.memory_space<vmem>>
          %dma_wait3A_610 = arith.constant 0 : i32
          %dma_wait3A_611 = arith.constant 0 : i32
          %dma_wait3A_612 = tpu.memref_slice %arg10[%dma_wait3A_610, %dma_wait3A_611] : memref<10240x64xf32, #tpu.memory_space<vmem_shared>> -> memref<10240x64xf32, #tpu.memory_space<vmem_shared>>
          tpu.wait_indirect_dma semaphore(%arg20 : memref<!tpu.dma_semaphore, #tpu.memory_space<semaphore_mem>>) src(%dma_wait3A_606 : memref<128x64xf32, #tpu.memory_space<vmem>>) dst(%dma_wait3A_612 : memref<10240x64xf32, #tpu.memory_space<vmem_shared>>)
        } else {
        }
        %dma_start3A_588 = arith.constant 9 : i32
        %dma_start3A_589 = arith.constant 4 : i32
        %dma_start3A_590 = arith.constant 0 : i32
        %dma_start3A_591 = arith.constant 0 : i32
        %dma_start3A_592 = tpu.memref_slice %arg8[%dma_start3A_589, %dma_start3A_590, %dma_start3A_591] : memref<5x128x64xf32, #tpu.memory_space<vmem>> -> memref<1x128x64xf32, #tpu.memory_space<vmem>>
        %dma_start3A_593 = tpu.memref_squeeze %dma_start3A_592 : memref<1x128x64xf32, #tpu.memory_space<vmem>> -> memref<128x64xf32, #tpu.memory_space<vmem>>
        %dma_start3A_594 = arith.constant 0 : i32
        %dma_start3A_595 = tpu.memref_slice %arg6[%select_n3A_218, %dma_start3A_588, %dma_start3A_594] : memref<2x10x128xi32, #tpu.memory_space<vmem>> -> memref<1x1x128xi32, #tpu.memory_space<vmem>>
        %dma_start3A_596 = tpu.memref_squeeze %dma_start3A_595 : memref<1x1x128xi32, #tpu.memory_space<vmem>> -> memref<128xi32, #tpu.memory_space<vmem>>
        %dma_start3A_597 = arith.constant 0 : i32
        %dma_start3A_598 = arith.constant 0 : i32
        %dma_start3A_599 = tpu.memref_slice %arg9[%dma_start3A_597, %dma_start3A_598] : memref<10112x64xf32, #tpu.memory_space<vmem_shared>> -> memref<10112x64xf32, #tpu.memory_space<vmem_shared>>
        tpu.enqueue_indirect_dma source(%dma_start3A_599 : memref<10112x64xf32, #tpu.memory_space<vmem_shared>>) target(%dma_start3A_593 : memref<128x64xf32, #tpu.memory_space<vmem>>) offsets(%dma_start3A_596 : memref<128xi32, #tpu.memory_space<vmem>>) semaphore(%arg15 : memref<!tpu.dma_semaphore, #tpu.memory_space<semaphore_mem>>)
      } else {
      }
      %dma_wait3A_423 = arith.constant 5 : i32
      %dma_wait3A_424 = arith.constant 0 : i32
      %dma_wait3A_425 = arith.constant 0 : i32
      %dma_wait3A_426 = arith.constant 0 : i32
      %dma_wait3A_427 = tpu.memref_slice %arg8[%dma_wait3A_424, %dma_wait3A_425, %dma_wait3A_426] : memref<5x128x64xf32, #tpu.memory_space<vmem>> -> memref<1x128x64xf32, #tpu.memory_space<vmem>>
      %dma_wait3A_428 = tpu.memref_squeeze %dma_wait3A_427 : memref<1x128x64xf32, #tpu.memory_space<vmem>> -> memref<128x64xf32, #tpu.memory_space<vmem>>
      %dma_wait3A_429 = arith.constant 0 : i32
      %dma_wait3A_430 = tpu.memref_slice %arg6[%select_n3A_218, %dma_wait3A_423, %dma_wait3A_429] : memref<2x10x128xi32, #tpu.memory_space<vmem>> -> memref<1x1x128xi32, #tpu.memory_space<vmem>>
      %dma_wait3A_431 = tpu.memref_squeeze %dma_wait3A_430 : memref<1x1x128xi32, #tpu.memory_space<vmem>> -> memref<128xi32, #tpu.memory_space<vmem>>
      %dma_wait3A_432 = arith.constant 0 : i32
      %dma_wait3A_433 = arith.constant 0 : i32
      %dma_wait3A_434 = tpu.memref_slice %arg9[%dma_wait3A_432, %dma_wait3A_433] : memref<10112x64xf32, #tpu.memory_space<vmem_shared>> -> memref<10112x64xf32, #tpu.memory_space<vmem_shared>>
      tpu.wait_indirect_dma semaphore(%arg11 : memref<!tpu.dma_semaphore, #tpu.memory_space<semaphore_mem>>) src(%dma_wait3A_434 : memref<10112x64xf32, #tpu.memory_space<vmem_shared>>) dst(%dma_wait3A_428 : memref<128x64xf32, #tpu.memory_space<vmem>>)
      %dma_start3A_435 = arith.constant 0 : i32
      %dma_start3A_436 = arith.constant 5 : i32
      %dma_start3A_437 = arith.constant 0 : i32
      %dma_start3A_438 = arith.constant 0 : i32
      %dma_start3A_439 = tpu.memref_slice %arg8[%dma_start3A_435, %dma_start3A_437, %dma_start3A_438] : memref<5x128x64xf32, #tpu.memory_space<vmem>> -> memref<1x128x64xf32, #tpu.memory_space<vmem>>
      %dma_start3A_440 = tpu.memref_squeeze %dma_start3A_439 : memref<1x128x64xf32, #tpu.memory_space<vmem>> -> memref<128x64xf32, #tpu.memory_space<vmem>>
      %dma_start3A_441 = arith.constant 0 : i32
      %dma_start3A_442 = tpu.memref_slice %arg7[%select_n3A_218, %dma_start3A_436, %dma_start3A_441] : memref<2x10x128xi32, #tpu.memory_space<vmem>> -> memref<1x1x128xi32, #tpu.memory_space<vmem>>
      %dma_start3A_443 = tpu.memref_squeeze %dma_start3A_442 : memref<1x1x128xi32, #tpu.memory_space<vmem>> -> memref<128xi32, #tpu.memory_space<vmem>>
      %dma_start3A_444 = arith.constant 0 : i32
      %dma_start3A_445 = arith.constant 0 : i32
      %dma_start3A_446 = tpu.memref_slice %arg10[%dma_start3A_444, %dma_start3A_445] : memref<10240x64xf32, #tpu.memory_space<vmem_shared>> -> memref<10240x64xf32, #tpu.memory_space<vmem_shared>>
      tpu.enqueue_indirect_dma source(%dma_start3A_440 : memref<128x64xf32, #tpu.memory_space<vmem>>) target(%dma_start3A_446 : memref<10240x64xf32, #tpu.memory_space<vmem_shared>>) offsets(%dma_start3A_443 : memref<128xi32, #tpu.memory_space<vmem>>) semaphore(%arg16 : memref<!tpu.dma_semaphore, #tpu.memory_space<semaphore_mem>>) {add = true}
      %mul3A_447 = arith.constant 10 : i32
      %mul3A_448 = arith.muli %scan3A_209, %mul3A_447 : i32
      %add3A_449 = arith.constant 10 : i32
      %add3A_450 = arith.addi %mul3A_448, %add3A_449 : i32
      %lt3A_451 = arith.constant 160 : i32
      %lt3A_452 = arith.cmpi slt, %add3A_450, %lt3A_451 : i32
      %convert_element_type3A_453 = arith.extui %lt3A_452 : i1 to i32
      %cond3A_454 = arith.constant 0 : i32
      %cond3A_455 = arith.cmpi ne, %convert_element_type3A_453, %cond3A_454 : i32
      scf.if %cond3A_455 {
        %mul3A_580 = arith.constant 10 : i32
        %mul3A_581 = arith.muli %scan3A_209, %mul3A_580 : i32
        %add3A_582 = arith.constant 10 : i32
        %add3A_583 = arith.addi %mul3A_581, %add3A_582 : i32
        %ge3A = arith.constant 5 : i32
        %ge3A_584 = arith.cmpi sge, %add3A_583, %ge3A : i32
        %convert_element_type3A_585 = arith.extui %ge3A_584 : i1 to i32
        %cond3A_586 = arith.constant 0 : i32
        %cond3A_587 = arith.cmpi ne, %convert_element_type3A_585, %cond3A_586 : i32
        scf.if %cond3A_587 {
          %dma_wait3A_600 = arith.constant 0 : i32
          %dma_wait3A_601 = arith.constant 0 : i32
          %dma_wait3A_602 = arith.constant 0 : i32
          %dma_wait3A_603 = arith.constant 0 : i32
          %dma_wait3A_604 = arith.constant 0 : i32
          %dma_wait3A_605 = tpu.memref_slice %arg8[%dma_wait3A_600, %dma_wait3A_603, %dma_wait3A_604] : memref<5x128x64xf32, #tpu.memory_space<vmem>> -> memref<1x128x64xf32, #tpu.memory_space<vmem>>
          %dma_wait3A_606 = tpu.memref_squeeze %dma_wait3A_605 : memref<1x128x64xf32, #tpu.memory_space<vmem>> -> memref<128x64xf32, #tpu.memory_space<vmem>>
          %dma_wait3A_607 = arith.constant 0 : i32
          %dma_wait3A_608 = tpu.memref_slice %arg7[%dma_wait3A_601, %dma_wait3A_602, %dma_wait3A_607] : memref<2x10x128xi32, #tpu.memory_space<vmem>> -> memref<1x1x128xi32, #tpu.memory_space<vmem>>
          %dma_wait3A_609 = tpu.memref_squeeze %dma_wait3A_608 : memref<1x1x128xi32, #tpu.memory_space<vmem>> -> memref<128xi32, #tpu.memory_space<vmem>>
          %dma_wait3A_610 = arith.constant 0 : i32
          %dma_wait3A_611 = arith.constant 0 : i32
          %dma_wait3A_612 = tpu.memref_slice %arg10[%dma_wait3A_610, %dma_wait3A_611] : memref<10240x64xf32, #tpu.memory_space<vmem_shared>> -> memref<10240x64xf32, #tpu.memory_space<vmem_shared>>
          tpu.wait_indirect_dma semaphore(%arg16 : memref<!tpu.dma_semaphore, #tpu.memory_space<semaphore_mem>>) src(%dma_wait3A_606 : memref<128x64xf32, #tpu.memory_space<vmem>>) dst(%dma_wait3A_612 : memref<10240x64xf32, #tpu.memory_space<vmem_shared>>)
        } else {
        }
        %dma_start3A_588 = arith.constant 0 : i32
        %dma_start3A_589 = arith.constant 0 : i32
        %dma_start3A_590 = arith.constant 0 : i32
        %dma_start3A_591 = arith.constant 0 : i32
        %dma_start3A_592 = tpu.memref_slice %arg8[%dma_start3A_589, %dma_start3A_590, %dma_start3A_591] : memref<5x128x64xf32, #tpu.memory_space<vmem>> -> memref<1x128x64xf32, #tpu.memory_space<vmem>>
        %dma_start3A_593 = tpu.memref_squeeze %dma_start3A_592 : memref<1x128x64xf32, #tpu.memory_space<vmem>> -> memref<128x64xf32, #tpu.memory_space<vmem>>
        %dma_start3A_594 = arith.constant 0 : i32
        %dma_start3A_595 = tpu.memref_slice %arg6[%select_n3A_236, %dma_start3A_588, %dma_start3A_594] : memref<2x10x128xi32, #tpu.memory_space<vmem>> -> memref<1x1x128xi32, #tpu.memory_space<vmem>>
        %dma_start3A_596 = tpu.memref_squeeze %dma_start3A_595 : memref<1x1x128xi32, #tpu.memory_space<vmem>> -> memref<128xi32, #tpu.memory_space<vmem>>
        %dma_start3A_597 = arith.constant 0 : i32
        %dma_start3A_598 = arith.constant 0 : i32
        %dma_start3A_599 = tpu.memref_slice %arg9[%dma_start3A_597, %dma_start3A_598] : memref<10112x64xf32, #tpu.memory_space<vmem_shared>> -> memref<10112x64xf32, #tpu.memory_space<vmem_shared>>
        tpu.enqueue_indirect_dma source(%dma_start3A_599 : memref<10112x64xf32, #tpu.memory_space<vmem_shared>>) target(%dma_start3A_593 : memref<128x64xf32, #tpu.memory_space<vmem>>) offsets(%dma_start3A_596 : memref<128xi32, #tpu.memory_space<vmem>>) semaphore(%arg11 : memref<!tpu.dma_semaphore, #tpu.memory_space<semaphore_mem>>)
      } else {
      }
      %dma_wait3A_456 = arith.constant 6 : i32
      %dma_wait3A_457 = arith.constant 1 : i32
      %dma_wait3A_458 = arith.constant 0 : i32
      %dma_wait3A_459 = arith.constant 0 : i32
      %dma_wait3A_460 = tpu.memref_slice %arg8[%dma_wait3A_457, %dma_wait3A_458, %dma_wait3A_459] : memref<5x128x64xf32, #tpu.memory_space<vmem>> -> memref<1x128x64xf32, #tpu.memory_space<vmem>>
      %dma_wait3A_461 = tpu.memref_squeeze %dma_wait3A_460 : memref<1x128x64xf32, #tpu.memory_space<vmem>> -> memref<128x64xf32, #tpu.memory_space<vmem>>
      %dma_wait3A_462 = arith.constant 0 : i32
      %dma_wait3A_463 = tpu.memref_slice %arg6[%select_n3A_218, %dma_wait3A_456, %dma_wait3A_462] : memref<2x10x128xi32, #tpu.memory_space<vmem>> -> memref<1x1x128xi32, #tpu.memory_space<vmem>>
      %dma_wait3A_464 = tpu.memref_squeeze %dma_wait3A_463 : memref<1x1x128xi32, #tpu.memory_space<vmem>> -> memref<128xi32, #tpu.memory_space<vmem>>
      %dma_wait3A_465 = arith.constant 0 : i32
      %dma_wait3A_466 = arith.constant 0 : i32
      %dma_wait3A_467 = tpu.memref_slice %arg9[%dma_wait3A_465, %dma_wait3A_466] : memref<10112x64xf32, #tpu.memory_space<vmem_shared>> -> memref<10112x64xf32, #tpu.memory_space<vmem_shared>>
      tpu.wait_indirect_dma semaphore(%arg12 : memref<!tpu.dma_semaphore, #tpu.memory_space<semaphore_mem>>) src(%dma_wait3A_467 : memref<10112x64xf32, #tpu.memory_space<vmem_shared>>) dst(%dma_wait3A_461 : memref<128x64xf32, #tpu.memory_space<vmem>>)
      %dma_start3A_468 = arith.constant 1 : i32
      %dma_start3A_469 = arith.constant 6 : i32
      %dma_start3A_470 = arith.constant 0 : i32
      %dma_start3A_471 = arith.constant 0 : i32
      %dma_start3A_472 = tpu.memref_slice %arg8[%dma_start3A_468, %dma_start3A_470, %dma_start3A_471] : memref<5x128x64xf32, #tpu.memory_space<vmem>> -> memref<1x128x64xf32, #tpu.memory_space<vmem>>
      %dma_start3A_473 = tpu.memref_squeeze %dma_start3A_472 : memref<1x128x64xf32, #tpu.memory_space<vmem>> -> memref<128x64xf32, #tpu.memory_space<vmem>>
      %dma_start3A_474 = arith.constant 0 : i32
      %dma_start3A_475 = tpu.memref_slice %arg7[%select_n3A_218, %dma_start3A_469, %dma_start3A_474] : memref<2x10x128xi32, #tpu.memory_space<vmem>> -> memref<1x1x128xi32, #tpu.memory_space<vmem>>
      %dma_start3A_476 = tpu.memref_squeeze %dma_start3A_475 : memref<1x1x128xi32, #tpu.memory_space<vmem>> -> memref<128xi32, #tpu.memory_space<vmem>>
      %dma_start3A_477 = arith.constant 0 : i32
      %dma_start3A_478 = arith.constant 0 : i32
      %dma_start3A_479 = tpu.memref_slice %arg10[%dma_start3A_477, %dma_start3A_478] : memref<10240x64xf32, #tpu.memory_space<vmem_shared>> -> memref<10240x64xf32, #tpu.memory_space<vmem_shared>>
      tpu.enqueue_indirect_dma source(%dma_start3A_473 : memref<128x64xf32, #tpu.memory_space<vmem>>) target(%dma_start3A_479 : memref<10240x64xf32, #tpu.memory_space<vmem_shared>>) offsets(%dma_start3A_476 : memref<128xi32, #tpu.memory_space<vmem>>) semaphore(%arg17 : memref<!tpu.dma_semaphore, #tpu.memory_space<semaphore_mem>>) {add = true}
      %mul3A_480 = arith.constant 10 : i32
      %mul3A_481 = arith.muli %scan3A_209, %mul3A_480 : i32
      %add3A_482 = arith.constant 11 : i32
      %add3A_483 = arith.addi %mul3A_481, %add3A_482 : i32
      %lt3A_484 = arith.constant 160 : i32
      %lt3A_485 = arith.cmpi slt, %add3A_483, %lt3A_484 : i32
      %convert_element_type3A_486 = arith.extui %lt3A_485 : i1 to i32
      %cond3A_487 = arith.constant 0 : i32
      %cond3A_488 = arith.cmpi ne, %convert_element_type3A_486, %cond3A_487 : i32
      scf.if %cond3A_488 {
        %mul3A_580 = arith.constant 10 : i32
        %mul3A_581 = arith.muli %scan3A_209, %mul3A_580 : i32
        %add3A_582 = arith.constant 11 : i32
        %add3A_583 = arith.addi %mul3A_581, %add3A_582 : i32
        %ge3A = arith.constant 5 : i32
        %ge3A_584 = arith.cmpi sge, %add3A_583, %ge3A : i32
        %convert_element_type3A_585 = arith.extui %ge3A_584 : i1 to i32
        %cond3A_586 = arith.constant 0 : i32
        %cond3A_587 = arith.cmpi ne, %convert_element_type3A_585, %cond3A_586 : i32
        scf.if %cond3A_587 {
          %dma_wait3A_600 = arith.constant 1 : i32
          %dma_wait3A_601 = arith.constant 0 : i32
          %dma_wait3A_602 = arith.constant 0 : i32
          %dma_wait3A_603 = arith.constant 0 : i32
          %dma_wait3A_604 = arith.constant 0 : i32
          %dma_wait3A_605 = tpu.memref_slice %arg8[%dma_wait3A_600, %dma_wait3A_603, %dma_wait3A_604] : memref<5x128x64xf32, #tpu.memory_space<vmem>> -> memref<1x128x64xf32, #tpu.memory_space<vmem>>
          %dma_wait3A_606 = tpu.memref_squeeze %dma_wait3A_605 : memref<1x128x64xf32, #tpu.memory_space<vmem>> -> memref<128x64xf32, #tpu.memory_space<vmem>>
          %dma_wait3A_607 = arith.constant 0 : i32
          %dma_wait3A_608 = tpu.memref_slice %arg7[%dma_wait3A_601, %dma_wait3A_602, %dma_wait3A_607] : memref<2x10x128xi32, #tpu.memory_space<vmem>> -> memref<1x1x128xi32, #tpu.memory_space<vmem>>
          %dma_wait3A_609 = tpu.memref_squeeze %dma_wait3A_608 : memref<1x1x128xi32, #tpu.memory_space<vmem>> -> memref<128xi32, #tpu.memory_space<vmem>>
          %dma_wait3A_610 = arith.constant 0 : i32
          %dma_wait3A_611 = arith.constant 0 : i32
          %dma_wait3A_612 = tpu.memref_slice %arg10[%dma_wait3A_610, %dma_wait3A_611] : memref<10240x64xf32, #tpu.memory_space<vmem_shared>> -> memref<10240x64xf32, #tpu.memory_space<vmem_shared>>
          tpu.wait_indirect_dma semaphore(%arg17 : memref<!tpu.dma_semaphore, #tpu.memory_space<semaphore_mem>>) src(%dma_wait3A_606 : memref<128x64xf32, #tpu.memory_space<vmem>>) dst(%dma_wait3A_612 : memref<10240x64xf32, #tpu.memory_space<vmem_shared>>)
        } else {
        }
        %dma_start3A_588 = arith.constant 1 : i32
        %dma_start3A_589 = arith.constant 1 : i32
        %dma_start3A_590 = arith.constant 0 : i32
        %dma_start3A_591 = arith.constant 0 : i32
        %dma_start3A_592 = tpu.memref_slice %arg8[%dma_start3A_589, %dma_start3A_590, %dma_start3A_591] : memref<5x128x64xf32, #tpu.memory_space<vmem>> -> memref<1x128x64xf32, #tpu.memory_space<vmem>>
        %dma_start3A_593 = tpu.memref_squeeze %dma_start3A_592 : memref<1x128x64xf32, #tpu.memory_space<vmem>> -> memref<128x64xf32, #tpu.memory_space<vmem>>
        %dma_start3A_594 = arith.constant 0 : i32
        %dma_start3A_595 = tpu.memref_slice %arg6[%select_n3A_236, %dma_start3A_588, %dma_start3A_594] : memref<2x10x128xi32, #tpu.memory_space<vmem>> -> memref<1x1x128xi32, #tpu.memory_space<vmem>>
        %dma_start3A_596 = tpu.memref_squeeze %dma_start3A_595 : memref<1x1x128xi32, #tpu.memory_space<vmem>> -> memref<128xi32, #tpu.memory_space<vmem>>
        %dma_start3A_597 = arith.constant 0 : i32
        %dma_start3A_598 = arith.constant 0 : i32
        %dma_start3A_599 = tpu.memref_slice %arg9[%dma_start3A_597, %dma_start3A_598] : memref<10112x64xf32, #tpu.memory_space<vmem_shared>> -> memref<10112x64xf32, #tpu.memory_space<vmem_shared>>
        tpu.enqueue_indirect_dma source(%dma_start3A_599 : memref<10112x64xf32, #tpu.memory_space<vmem_shared>>) target(%dma_start3A_593 : memref<128x64xf32, #tpu.memory_space<vmem>>) offsets(%dma_start3A_596 : memref<128xi32, #tpu.memory_space<vmem>>) semaphore(%arg12 : memref<!tpu.dma_semaphore, #tpu.memory_space<semaphore_mem>>)
      } else {
      }
      %dma_wait3A_489 = arith.constant 7 : i32
      %dma_wait3A_490 = arith.constant 2 : i32
      %dma_wait3A_491 = arith.constant 0 : i32
      %dma_wait3A_492 = arith.constant 0 : i32
      %dma_wait3A_493 = tpu.memref_slice %arg8[%dma_wait3A_490, %dma_wait3A_491, %dma_wait3A_492] : memref<5x128x64xf32, #tpu.memory_space<vmem>> -> memref<1x128x64xf32, #tpu.memory_space<vmem>>
      %dma_wait3A_494 = tpu.memref_squeeze %dma_wait3A_493 : memref<1x128x64xf32, #tpu.memory_space<vmem>> -> memref<128x64xf32, #tpu.memory_space<vmem>>
      %dma_wait3A_495 = arith.constant 0 : i32
      %dma_wait3A_496 = tpu.memref_slice %arg6[%select_n3A_218, %dma_wait3A_489, %dma_wait3A_495] : memref<2x10x128xi32, #tpu.memory_space<vmem>> -> memref<1x1x128xi32, #tpu.memory_space<vmem>>
      %dma_wait3A_497 = tpu.memref_squeeze %dma_wait3A_496 : memref<1x1x128xi32, #tpu.memory_space<vmem>> -> memref<128xi32, #tpu.memory_space<vmem>>
      %dma_wait3A_498 = arith.constant 0 : i32
      %dma_wait3A_499 = arith.constant 0 : i32
      %dma_wait3A_500 = tpu.memref_slice %arg9[%dma_wait3A_498, %dma_wait3A_499] : memref<10112x64xf32, #tpu.memory_space<vmem_shared>> -> memref<10112x64xf32, #tpu.memory_space<vmem_shared>>
      tpu.wait_indirect_dma semaphore(%arg13 : memref<!tpu.dma_semaphore, #tpu.memory_space<semaphore_mem>>) src(%dma_wait3A_500 : memref<10112x64xf32, #tpu.memory_space<vmem_shared>>) dst(%dma_wait3A_494 : memref<128x64xf32, #tpu.memory_space<vmem>>)
      %dma_start3A_501 = arith.constant 2 : i32
      %dma_start3A_502 = arith.constant 7 : i32
      %dma_start3A_503 = arith.constant 0 : i32
      %dma_start3A_504 = arith.constant 0 : i32
      %dma_start3A_505 = tpu.memref_slice %arg8[%dma_start3A_501, %dma_start3A_503, %dma_start3A_504] : memref<5x128x64xf32, #tpu.memory_space<vmem>> -> memref<1x128x64xf32, #tpu.memory_space<vmem>>
      %dma_start3A_506 = tpu.memref_squeeze %dma_start3A_505 : memref<1x128x64xf32, #tpu.memory_space<vmem>> -> memref<128x64xf32, #tpu.memory_space<vmem>>
      %dma_start3A_507 = arith.constant 0 : i32
      %dma_start3A_508 = tpu.memref_slice %arg7[%select_n3A_218, %dma_start3A_502, %dma_start3A_507] : memref<2x10x128xi32, #tpu.memory_space<vmem>> -> memref<1x1x128xi32, #tpu.memory_space<vmem>>
      %dma_start3A_509 = tpu.memref_squeeze %dma_start3A_508 : memref<1x1x128xi32, #tpu.memory_space<vmem>> -> memref<128xi32, #tpu.memory_space<vmem>>
      %dma_start3A_510 = arith.constant 0 : i32
      %dma_start3A_511 = arith.constant 0 : i32
      %dma_start3A_512 = tpu.memref_slice %arg10[%dma_start3A_510, %dma_start3A_511] : memref<10240x64xf32, #tpu.memory_space<vmem_shared>> -> memref<10240x64xf32, #tpu.memory_space<vmem_shared>>
      tpu.enqueue_indirect_dma source(%dma_start3A_506 : memref<128x64xf32, #tpu.memory_space<vmem>>) target(%dma_start3A_512 : memref<10240x64xf32, #tpu.memory_space<vmem_shared>>) offsets(%dma_start3A_509 : memref<128xi32, #tpu.memory_space<vmem>>) semaphore(%arg18 : memref<!tpu.dma_semaphore, #tpu.memory_space<semaphore_mem>>) {add = true}
      %mul3A_513 = arith.constant 10 : i32
      %mul3A_514 = arith.muli %scan3A_209, %mul3A_513 : i32
      %add3A_515 = arith.constant 12 : i32
      %add3A_516 = arith.addi %mul3A_514, %add3A_515 : i32
      %lt3A_517 = arith.constant 160 : i32
      %lt3A_518 = arith.cmpi slt, %add3A_516, %lt3A_517 : i32
      %convert_element_type3A_519 = arith.extui %lt3A_518 : i1 to i32
      %cond3A_520 = arith.constant 0 : i32
      %cond3A_521 = arith.cmpi ne, %convert_element_type3A_519, %cond3A_520 : i32
      scf.if %cond3A_521 {
        %mul3A_580 = arith.constant 10 : i32
        %mul3A_581 = arith.muli %scan3A_209, %mul3A_580 : i32
        %add3A_582 = arith.constant 12 : i32
        %add3A_583 = arith.addi %mul3A_581, %add3A_582 : i32
        %ge3A = arith.constant 5 : i32
        %ge3A_584 = arith.cmpi sge, %add3A_583, %ge3A : i32
        %convert_element_type3A_585 = arith.extui %ge3A_584 : i1 to i32
        %cond3A_586 = arith.constant 0 : i32
        %cond3A_587 = arith.cmpi ne, %convert_element_type3A_585, %cond3A_586 : i32
        scf.if %cond3A_587 {
          %dma_wait3A_600 = arith.constant 2 : i32
          %dma_wait3A_601 = arith.constant 0 : i32
          %dma_wait3A_602 = arith.constant 0 : i32
          %dma_wait3A_603 = arith.constant 0 : i32
          %dma_wait3A_604 = arith.constant 0 : i32
          %dma_wait3A_605 = tpu.memref_slice %arg8[%dma_wait3A_600, %dma_wait3A_603, %dma_wait3A_604] : memref<5x128x64xf32, #tpu.memory_space<vmem>> -> memref<1x128x64xf32, #tpu.memory_space<vmem>>
          %dma_wait3A_606 = tpu.memref_squeeze %dma_wait3A_605 : memref<1x128x64xf32, #tpu.memory_space<vmem>> -> memref<128x64xf32, #tpu.memory_space<vmem>>
          %dma_wait3A_607 = arith.constant 0 : i32
          %dma_wait3A_608 = tpu.memref_slice %arg7[%dma_wait3A_601, %dma_wait3A_602, %dma_wait3A_607] : memref<2x10x128xi32, #tpu.memory_space<vmem>> -> memref<1x1x128xi32, #tpu.memory_space<vmem>>
          %dma_wait3A_609 = tpu.memref_squeeze %dma_wait3A_608 : memref<1x1x128xi32, #tpu.memory_space<vmem>> -> memref<128xi32, #tpu.memory_space<vmem>>
          %dma_wait3A_610 = arith.constant 0 : i32
          %dma_wait3A_611 = arith.constant 0 : i32
          %dma_wait3A_612 = tpu.memref_slice %arg10[%dma_wait3A_610, %dma_wait3A_611] : memref<10240x64xf32, #tpu.memory_space<vmem_shared>> -> memref<10240x64xf32, #tpu.memory_space<vmem_shared>>
          tpu.wait_indirect_dma semaphore(%arg18 : memref<!tpu.dma_semaphore, #tpu.memory_space<semaphore_mem>>) src(%dma_wait3A_606 : memref<128x64xf32, #tpu.memory_space<vmem>>) dst(%dma_wait3A_612 : memref<10240x64xf32, #tpu.memory_space<vmem_shared>>)
        } else {
        }
        %dma_start3A_588 = arith.constant 2 : i32
        %dma_start3A_589 = arith.constant 2 : i32
        %dma_start3A_590 = arith.constant 0 : i32
        %dma_start3A_591 = arith.constant 0 : i32
        %dma_start3A_592 = tpu.memref_slice %arg8[%dma_start3A_589, %dma_start3A_590, %dma_start3A_591] : memref<5x128x64xf32, #tpu.memory_space<vmem>> -> memref<1x128x64xf32, #tpu.memory_space<vmem>>
        %dma_start3A_593 = tpu.memref_squeeze %dma_start3A_592 : memref<1x128x64xf32, #tpu.memory_space<vmem>> -> memref<128x64xf32, #tpu.memory_space<vmem>>
        %dma_start3A_594 = arith.constant 0 : i32
        %dma_start3A_595 = tpu.memref_slice %arg6[%select_n3A_236, %dma_start3A_588, %dma_start3A_594] : memref<2x10x128xi32, #tpu.memory_space<vmem>> -> memref<1x1x128xi32, #tpu.memory_space<vmem>>
        %dma_start3A_596 = tpu.memref_squeeze %dma_start3A_595 : memref<1x1x128xi32, #tpu.memory_space<vmem>> -> memref<128xi32, #tpu.memory_space<vmem>>
        %dma_start3A_597 = arith.constant 0 : i32
        %dma_start3A_598 = arith.constant 0 : i32
        %dma_start3A_599 = tpu.memref_slice %arg9[%dma_start3A_597, %dma_start3A_598] : memref<10112x64xf32, #tpu.memory_space<vmem_shared>> -> memref<10112x64xf32, #tpu.memory_space<vmem_shared>>
        tpu.enqueue_indirect_dma source(%dma_start3A_599 : memref<10112x64xf32, #tpu.memory_space<vmem_shared>>) target(%dma_start3A_593 : memref<128x64xf32, #tpu.memory_space<vmem>>) offsets(%dma_start3A_596 : memref<128xi32, #tpu.memory_space<vmem>>) semaphore(%arg13 : memref<!tpu.dma_semaphore, #tpu.memory_space<semaphore_mem>>)
      } else {
      }
      %dma_wait3A_522 = arith.constant 8 : i32
      %dma_wait3A_523 = arith.constant 3 : i32
      %dma_wait3A_524 = arith.constant 0 : i32
      %dma_wait3A_525 = arith.constant 0 : i32
      %dma_wait3A_526 = tpu.memref_slice %arg8[%dma_wait3A_523, %dma_wait3A_524, %dma_wait3A_525] : memref<5x128x64xf32, #tpu.memory_space<vmem>> -> memref<1x128x64xf32, #tpu.memory_space<vmem>>
      %dma_wait3A_527 = tpu.memref_squeeze %dma_wait3A_526 : memref<1x128x64xf32, #tpu.memory_space<vmem>> -> memref<128x64xf32, #tpu.memory_space<vmem>>
      %dma_wait3A_528 = arith.constant 0 : i32
      %dma_wait3A_529 = tpu.memref_slice %arg6[%select_n3A_218, %dma_wait3A_522, %dma_wait3A_528] : memref<2x10x128xi32, #tpu.memory_space<vmem>> -> memref<1x1x128xi32, #tpu.memory_space<vmem>>
      %dma_wait3A_530 = tpu.memref_squeeze %dma_wait3A_529 : memref<1x1x128xi32, #tpu.memory_space<vmem>> -> memref<128xi32, #tpu.memory_space<vmem>>
      %dma_wait3A_531 = arith.constant 0 : i32
      %dma_wait3A_532 = arith.constant 0 : i32
      %dma_wait3A_533 = tpu.memref_slice %arg9[%dma_wait3A_531, %dma_wait3A_532] : memref<10112x64xf32, #tpu.memory_space<vmem_shared>> -> memref<10112x64xf32, #tpu.memory_space<vmem_shared>>
      tpu.wait_indirect_dma semaphore(%arg14 : memref<!tpu.dma_semaphore, #tpu.memory_space<semaphore_mem>>) src(%dma_wait3A_533 : memref<10112x64xf32, #tpu.memory_space<vmem_shared>>) dst(%dma_wait3A_527 : memref<128x64xf32, #tpu.memory_space<vmem>>)
      %dma_start3A_534 = arith.constant 3 : i32
      %dma_start3A_535 = arith.constant 8 : i32
      %dma_start3A_536 = arith.constant 0 : i32
      %dma_start3A_537 = arith.constant 0 : i32
      %dma_start3A_538 = tpu.memref_slice %arg8[%dma_start3A_534, %dma_start3A_536, %dma_start3A_537] : memref<5x128x64xf32, #tpu.memory_space<vmem>> -> memref<1x128x64xf32, #tpu.memory_space<vmem>>
      %dma_start3A_539 = tpu.memref_squeeze %dma_start3A_538 : memref<1x128x64xf32, #tpu.memory_space<vmem>> -> memref<128x64xf32, #tpu.memory_space<vmem>>
      %dma_start3A_540 = arith.constant 0 : i32
      %dma_start3A_541 = tpu.memref_slice %arg7[%select_n3A_218, %dma_start3A_535, %dma_start3A_540] : memref<2x10x128xi32, #tpu.memory_space<vmem>> -> memref<1x1x128xi32, #tpu.memory_space<vmem>>
      %dma_start3A_542 = tpu.memref_squeeze %dma_start3A_541 : memref<1x1x128xi32, #tpu.memory_space<vmem>> -> memref<128xi32, #tpu.memory_space<vmem>>
      %dma_start3A_543 = arith.constant 0 : i32
      %dma_start3A_544 = arith.constant 0 : i32
      %dma_start3A_545 = tpu.memref_slice %arg10[%dma_start3A_543, %dma_start3A_544] : memref<10240x64xf32, #tpu.memory_space<vmem_shared>> -> memref<10240x64xf32, #tpu.memory_space<vmem_shared>>
      tpu.enqueue_indirect_dma source(%dma_start3A_539 : memref<128x64xf32, #tpu.memory_space<vmem>>) target(%dma_start3A_545 : memref<10240x64xf32, #tpu.memory_space<vmem_shared>>) offsets(%dma_start3A_542 : memref<128xi32, #tpu.memory_space<vmem>>) semaphore(%arg19 : memref<!tpu.dma_semaphore, #tpu.memory_space<semaphore_mem>>) {add = true}
      %mul3A_546 = arith.constant 10 : i32
      %mul3A_547 = arith.muli %scan3A_209, %mul3A_546 : i32
      %add3A_548 = arith.constant 13 : i32
      %add3A_549 = arith.addi %mul3A_547, %add3A_548 : i32
      %lt3A_550 = arith.constant 160 : i32
      %lt3A_551 = arith.cmpi slt, %add3A_549, %lt3A_550 : i32
      %convert_element_type3A_552 = arith.extui %lt3A_551 : i1 to i32
      %cond3A_553 = arith.constant 0 : i32
      %cond3A_554 = arith.cmpi ne, %convert_element_type3A_552, %cond3A_553 : i32
      scf.if %cond3A_554 {
        %mul3A_580 = arith.constant 10 : i32
        %mul3A_581 = arith.muli %scan3A_209, %mul3A_580 : i32
        %add3A_582 = arith.constant 13 : i32
        %add3A_583 = arith.addi %mul3A_581, %add3A_582 : i32
        %ge3A = arith.constant 5 : i32
        %ge3A_584 = arith.cmpi sge, %add3A_583, %ge3A : i32
        %convert_element_type3A_585 = arith.extui %ge3A_584 : i1 to i32
        %cond3A_586 = arith.constant 0 : i32
        %cond3A_587 = arith.cmpi ne, %convert_element_type3A_585, %cond3A_586 : i32
        scf.if %cond3A_587 {
          %dma_wait3A_600 = arith.constant 3 : i32
          %dma_wait3A_601 = arith.constant 0 : i32
          %dma_wait3A_602 = arith.constant 0 : i32
          %dma_wait3A_603 = arith.constant 0 : i32
          %dma_wait3A_604 = arith.constant 0 : i32
          %dma_wait3A_605 = tpu.memref_slice %arg8[%dma_wait3A_600, %dma_wait3A_603, %dma_wait3A_604] : memref<5x128x64xf32, #tpu.memory_space<vmem>> -> memref<1x128x64xf32, #tpu.memory_space<vmem>>
          %dma_wait3A_606 = tpu.memref_squeeze %dma_wait3A_605 : memref<1x128x64xf32, #tpu.memory_space<vmem>> -> memref<128x64xf32, #tpu.memory_space<vmem>>
          %dma_wait3A_607 = arith.constant 0 : i32
          %dma_wait3A_608 = tpu.memref_slice %arg7[%dma_wait3A_601, %dma_wait3A_602, %dma_wait3A_607] : memref<2x10x128xi32, #tpu.memory_space<vmem>> -> memref<1x1x128xi32, #tpu.memory_space<vmem>>
          %dma_wait3A_609 = tpu.memref_squeeze %dma_wait3A_608 : memref<1x1x128xi32, #tpu.memory_space<vmem>> -> memref<128xi32, #tpu.memory_space<vmem>>
          %dma_wait3A_610 = arith.constant 0 : i32
          %dma_wait3A_611 = arith.constant 0 : i32
          %dma_wait3A_612 = tpu.memref_slice %arg10[%dma_wait3A_610, %dma_wait3A_611] : memref<10240x64xf32, #tpu.memory_space<vmem_shared>> -> memref<10240x64xf32, #tpu.memory_space<vmem_shared>>
          tpu.wait_indirect_dma semaphore(%arg19 : memref<!tpu.dma_semaphore, #tpu.memory_space<semaphore_mem>>) src(%dma_wait3A_606 : memref<128x64xf32, #tpu.memory_space<vmem>>) dst(%dma_wait3A_612 : memref<10240x64xf32, #tpu.memory_space<vmem_shared>>)
        } else {
        }
        %dma_start3A_588 = arith.constant 3 : i32
        %dma_start3A_589 = arith.constant 3 : i32
        %dma_start3A_590 = arith.constant 0 : i32
        %dma_start3A_591 = arith.constant 0 : i32
        %dma_start3A_592 = tpu.memref_slice %arg8[%dma_start3A_589, %dma_start3A_590, %dma_start3A_591] : memref<5x128x64xf32, #tpu.memory_space<vmem>> -> memref<1x128x64xf32, #tpu.memory_space<vmem>>
        %dma_start3A_593 = tpu.memref_squeeze %dma_start3A_592 : memref<1x128x64xf32, #tpu.memory_space<vmem>> -> memref<128x64xf32, #tpu.memory_space<vmem>>
        %dma_start3A_594 = arith.constant 0 : i32
        %dma_start3A_595 = tpu.memref_slice %arg6[%select_n3A_236, %dma_start3A_588, %dma_start3A_594] : memref<2x10x128xi32, #tpu.memory_space<vmem>> -> memref<1x1x128xi32, #tpu.memory_space<vmem>>
        %dma_start3A_596 = tpu.memref_squeeze %dma_start3A_595 : memref<1x1x128xi32, #tpu.memory_space<vmem>> -> memref<128xi32, #tpu.memory_space<vmem>>
        %dma_start3A_597 = arith.constant 0 : i32
        %dma_start3A_598 = arith.constant 0 : i32
        %dma_start3A_599 = tpu.memref_slice %arg9[%dma_start3A_597, %dma_start3A_598] : memref<10112x64xf32, #tpu.memory_space<vmem_shared>> -> memref<10112x64xf32, #tpu.memory_space<vmem_shared>>
        tpu.enqueue_indirect_dma source(%dma_start3A_599 : memref<10112x64xf32, #tpu.memory_space<vmem_shared>>) target(%dma_start3A_593 : memref<128x64xf32, #tpu.memory_space<vmem>>) offsets(%dma_start3A_596 : memref<128xi32, #tpu.memory_space<vmem>>) semaphore(%arg14 : memref<!tpu.dma_semaphore, #tpu.memory_space<semaphore_mem>>)
      } else {
      }
      %dma_wait3A_555 = arith.constant 9 : i32
      %dma_wait3A_556 = arith.constant 4 : i32
      %dma_wait3A_557 = arith.constant 0 : i32
      %dma_wait3A_558 = arith.constant 0 : i32
      %dma_wait3A_559 = tpu.memref_slice %arg8[%dma_wait3A_556, %dma_wait3A_557, %dma_wait3A_558] : memref<5x128x64xf32, #tpu.memory_space<vmem>> -> memref<1x128x64xf32, #tpu.memory_space<vmem>>
      %dma_wait3A_560 = tpu.memref_squeeze %dma_wait3A_559 : memref<1x128x64xf32, #tpu.memory_space<vmem>> -> memref<128x64xf32, #tpu.memory_space<vmem>>
      %dma_wait3A_561 = arith.constant 0 : i32
      %dma_wait3A_562 = tpu.memref_slice %arg6[%select_n3A_218, %dma_wait3A_555, %dma_wait3A_561] : memref<2x10x128xi32, #tpu.memory_space<vmem>> -> memref<1x1x128xi32, #tpu.memory_space<vmem>>
      %dma_wait3A_563 = tpu.memref_squeeze %dma_wait3A_562 : memref<1x1x128xi32, #tpu.memory_space<vmem>> -> memref<128xi32, #tpu.memory_space<vmem>>
      %dma_wait3A_564 = arith.constant 0 : i32
      %dma_wait3A_565 = arith.constant 0 : i32
      %dma_wait3A_566 = tpu.memref_slice %arg9[%dma_wait3A_564, %dma_wait3A_565] : memref<10112x64xf32, #tpu.memory_space<vmem_shared>> -> memref<10112x64xf32, #tpu.memory_space<vmem_shared>>
      tpu.wait_indirect_dma semaphore(%arg15 : memref<!tpu.dma_semaphore, #tpu.memory_space<semaphore_mem>>) src(%dma_wait3A_566 : memref<10112x64xf32, #tpu.memory_space<vmem_shared>>) dst(%dma_wait3A_560 : memref<128x64xf32, #tpu.memory_space<vmem>>)
      %dma_start3A_567 = arith.constant 4 : i32
      %dma_start3A_568 = arith.constant 9 : i32
      %dma_start3A_569 = arith.constant 0 : i32
      %dma_start3A_570 = arith.constant 0 : i32
      %dma_start3A_571 = tpu.memref_slice %arg8[%dma_start3A_567, %dma_start3A_569, %dma_start3A_570] : memref<5x128x64xf32, #tpu.memory_space<vmem>> -> memref<1x128x64xf32, #tpu.memory_space<vmem>>
      %dma_start3A_572 = tpu.memref_squeeze %dma_start3A_571 : memref<1x128x64xf32, #tpu.memory_space<vmem>> -> memref<128x64xf32, #tpu.memory_space<vmem>>
      %dma_start3A_573 = arith.constant 0 : i32
      %dma_start3A_574 = tpu.memref_slice %arg7[%select_n3A_218, %dma_start3A_568, %dma_start3A_573] : memref<2x10x128xi32, #tpu.memory_space<vmem>> -> memref<1x1x128xi32, #tpu.memory_space<vmem>>
      %dma_start3A_575 = tpu.memref_squeeze %dma_start3A_574 : memref<1x1x128xi32, #tpu.memory_space<vmem>> -> memref<128xi32, #tpu.memory_space<vmem>>
      %dma_start3A_576 = arith.constant 0 : i32
      %dma_start3A_577 = arith.constant 0 : i32
      %dma_start3A_578 = tpu.memref_slice %arg10[%dma_start3A_576, %dma_start3A_577] : memref<10240x64xf32, #tpu.memory_space<vmem_shared>> -> memref<10240x64xf32, #tpu.memory_space<vmem_shared>>
      tpu.enqueue_indirect_dma source(%dma_start3A_572 : memref<128x64xf32, #tpu.memory_space<vmem>>) target(%dma_start3A_578 : memref<10240x64xf32, #tpu.memory_space<vmem_shared>>) offsets(%dma_start3A_575 : memref<128xi32, #tpu.memory_space<vmem>>) semaphore(%arg20 : memref<!tpu.dma_semaphore, #tpu.memory_space<semaphore_mem>>) {add = true}
      %scan3A_579 = arith.constant 0 : i32
      scf.yield %scan3A_579 : i32
    }
    %scan3A_136 = arith.constant 16 : i32
    %dma_wait3A_137 = arith.constant 0 : i32
    %dma_wait3A_138 = arith.constant 0 : i32
    %dma_wait3A_139 = arith.constant 0 : i32
    %dma_wait3A_140 = arith.constant 0 : i32
    %dma_wait3A_141 = arith.constant 0 : i32
    %dma_wait3A_142 = tpu.memref_slice %arg8[%dma_wait3A_137, %dma_wait3A_140, %dma_wait3A_141] : memref<5x128x64xf32, #tpu.memory_space<vmem>> -> memref<1x128x64xf32, #tpu.memory_space<vmem>>
    %dma_wait3A_143 = tpu.memref_squeeze %dma_wait3A_142 : memref<1x128x64xf32, #tpu.memory_space<vmem>> -> memref<128x64xf32, #tpu.memory_space<vmem>>
    %dma_wait3A_144 = arith.constant 0 : i32
    %dma_wait3A_145 = tpu.memref_slice %arg7[%dma_wait3A_138, %dma_wait3A_139, %dma_wait3A_144] : memref<2x10x128xi32, #tpu.memory_space<vmem>> -> memref<1x1x128xi32, #tpu.memory_space<vmem>>
    %dma_wait3A_146 = tpu.memref_squeeze %dma_wait3A_145 : memref<1x1x128xi32, #tpu.memory_space<vmem>> -> memref<128xi32, #tpu.memory_space<vmem>>
    %dma_wait3A_147 = arith.constant 0 : i32
    %dma_wait3A_148 = arith.constant 0 : i32
    %dma_wait3A_149 = tpu.memref_slice %arg10[%dma_wait3A_147, %dma_wait3A_148] : memref<10240x64xf32, #tpu.memory_space<vmem_shared>> -> memref<10240x64xf32, #tpu.memory_space<vmem_shared>>
    tpu.wait_indirect_dma semaphore(%arg16 : memref<!tpu.dma_semaphore, #tpu.memory_space<semaphore_mem>>) src(%dma_wait3A_143 : memref<128x64xf32, #tpu.memory_space<vmem>>) dst(%dma_wait3A_149 : memref<10240x64xf32, #tpu.memory_space<vmem_shared>>)
    %dma_wait3A_150 = arith.constant 1 : i32
    %dma_wait3A_151 = arith.constant 0 : i32
    %dma_wait3A_152 = arith.constant 0 : i32
    %dma_wait3A_153 = arith.constant 0 : i32
    %dma_wait3A_154 = arith.constant 0 : i32
    %dma_wait3A_155 = tpu.memref_slice %arg8[%dma_wait3A_150, %dma_wait3A_153, %dma_wait3A_154] : memref<5x128x64xf32, #tpu.memory_space<vmem>> -> memref<1x128x64xf32, #tpu.memory_space<vmem>>
    %dma_wait3A_156 = tpu.memref_squeeze %dma_wait3A_155 : memref<1x128x64xf32, #tpu.memory_space<vmem>> -> memref<128x64xf32, #tpu.memory_space<vmem>>
    %dma_wait3A_157 = arith.constant 0 : i32
    %dma_wait3A_158 = tpu.memref_slice %arg7[%dma_wait3A_151, %dma_wait3A_152, %dma_wait3A_157] : memref<2x10x128xi32, #tpu.memory_space<vmem>> -> memref<1x1x128xi32, #tpu.memory_space<vmem>>
    %dma_wait3A_159 = tpu.memref_squeeze %dma_wait3A_158 : memref<1x1x128xi32, #tpu.memory_space<vmem>> -> memref<128xi32, #tpu.memory_space<vmem>>
    %dma_wait3A_160 = arith.constant 0 : i32
    %dma_wait3A_161 = arith.constant 0 : i32
    %dma_wait3A_162 = tpu.memref_slice %arg10[%dma_wait3A_160, %dma_wait3A_161] : memref<10240x64xf32, #tpu.memory_space<vmem_shared>> -> memref<10240x64xf32, #tpu.memory_space<vmem_shared>>
    tpu.wait_indirect_dma semaphore(%arg17 : memref<!tpu.dma_semaphore, #tpu.memory_space<semaphore_mem>>) src(%dma_wait3A_156 : memref<128x64xf32, #tpu.memory_space<vmem>>) dst(%dma_wait3A_162 : memref<10240x64xf32, #tpu.memory_space<vmem_shared>>)
    %dma_wait3A_163 = arith.constant 2 : i32
    %dma_wait3A_164 = arith.constant 0 : i32
    %dma_wait3A_165 = arith.constant 0 : i32
    %dma_wait3A_166 = arith.constant 0 : i32
    %dma_wait3A_167 = arith.constant 0 : i32
    %dma_wait3A_168 = tpu.memref_slice %arg8[%dma_wait3A_163, %dma_wait3A_166, %dma_wait3A_167] : memref<5x128x64xf32, #tpu.memory_space<vmem>> -> memref<1x128x64xf32, #tpu.memory_space<vmem>>
    %dma_wait3A_169 = tpu.memref_squeeze %dma_wait3A_168 : memref<1x128x64xf32, #tpu.memory_space<vmem>> -> memref<128x64xf32, #tpu.memory_space<vmem>>
    %dma_wait3A_170 = arith.constant 0 : i32
    %dma_wait3A_171 = tpu.memref_slice %arg7[%dma_wait3A_164, %dma_wait3A_165, %dma_wait3A_170] : memref<2x10x128xi32, #tpu.memory_space<vmem>> -> memref<1x1x128xi32, #tpu.memory_space<vmem>>
    %dma_wait3A_172 = tpu.memref_squeeze %dma_wait3A_171 : memref<1x1x128xi32, #tpu.memory_space<vmem>> -> memref<128xi32, #tpu.memory_space<vmem>>
    %dma_wait3A_173 = arith.constant 0 : i32
    %dma_wait3A_174 = arith.constant 0 : i32
    %dma_wait3A_175 = tpu.memref_slice %arg10[%dma_wait3A_173, %dma_wait3A_174] : memref<10240x64xf32, #tpu.memory_space<vmem_shared>> -> memref<10240x64xf32, #tpu.memory_space<vmem_shared>>
    tpu.wait_indirect_dma semaphore(%arg18 : memref<!tpu.dma_semaphore, #tpu.memory_space<semaphore_mem>>) src(%dma_wait3A_169 : memref<128x64xf32, #tpu.memory_space<vmem>>) dst(%dma_wait3A_175 : memref<10240x64xf32, #tpu.memory_space<vmem_shared>>)
    %dma_wait3A_176 = arith.constant 3 : i32
    %dma_wait3A_177 = arith.constant 0 : i32
    %dma_wait3A_178 = arith.constant 0 : i32
    %dma_wait3A_179 = arith.constant 0 : i32
    %dma_wait3A_180 = arith.constant 0 : i32
    %dma_wait3A_181 = tpu.memref_slice %arg8[%dma_wait3A_176, %dma_wait3A_179, %dma_wait3A_180] : memref<5x128x64xf32, #tpu.memory_space<vmem>> -> memref<1x128x64xf32, #tpu.memory_space<vmem>>
    %dma_wait3A_182 = tpu.memref_squeeze %dma_wait3A_181 : memref<1x128x64xf32, #tpu.memory_space<vmem>> -> memref<128x64xf32, #tpu.memory_space<vmem>>
    %dma_wait3A_183 = arith.constant 0 : i32
    %dma_wait3A_184 = tpu.memref_slice %arg7[%dma_wait3A_177, %dma_wait3A_178, %dma_wait3A_183] : memref<2x10x128xi32, #tpu.memory_space<vmem>> -> memref<1x1x128xi32, #tpu.memory_space<vmem>>
    %dma_wait3A_185 = tpu.memref_squeeze %dma_wait3A_184 : memref<1x1x128xi32, #tpu.memory_space<vmem>> -> memref<128xi32, #tpu.memory_space<vmem>>
    %dma_wait3A_186 = arith.constant 0 : i32
    %dma_wait3A_187 = arith.constant 0 : i32
    %dma_wait3A_188 = tpu.memref_slice %arg10[%dma_wait3A_186, %dma_wait3A_187] : memref<10240x64xf32, #tpu.memory_space<vmem_shared>> -> memref<10240x64xf32, #tpu.memory_space<vmem_shared>>
    tpu.wait_indirect_dma semaphore(%arg19 : memref<!tpu.dma_semaphore, #tpu.memory_space<semaphore_mem>>) src(%dma_wait3A_182 : memref<128x64xf32, #tpu.memory_space<vmem>>) dst(%dma_wait3A_188 : memref<10240x64xf32, #tpu.memory_space<vmem_shared>>)
    %dma_wait3A_189 = arith.constant 4 : i32
    %dma_wait3A_190 = arith.constant 0 : i32
    %dma_wait3A_191 = arith.constant 0 : i32
    %dma_wait3A_192 = arith.constant 0 : i32
    %dma_wait3A_193 = arith.constant 0 : i32
    %dma_wait3A_194 = tpu.memref_slice %arg8[%dma_wait3A_189, %dma_wait3A_192, %dma_wait3A_193] : memref<5x128x64xf32, #tpu.memory_space<vmem>> -> memref<1x128x64xf32, #tpu.memory_space<vmem>>
    %dma_wait3A_195 = tpu.memref_squeeze %dma_wait3A_194 : memref<1x128x64xf32, #tpu.memory_space<vmem>> -> memref<128x64xf32, #tpu.memory_space<vmem>>
    %dma_wait3A_196 = arith.constant 0 : i32
    %dma_wait3A_197 = tpu.memref_slice %arg7[%dma_wait3A_190, %dma_wait3A_191, %dma_wait3A_196] : memref<2x10x128xi32, #tpu.memory_space<vmem>> -> memref<1x1x128xi32, #tpu.memory_space<vmem>>
    %dma_wait3A_198 = tpu.memref_squeeze %dma_wait3A_197 : memref<1x1x128xi32, #tpu.memory_space<vmem>> -> memref<128xi32, #tpu.memory_space<vmem>>
    %dma_wait3A_199 = arith.constant 0 : i32
    %dma_wait3A_200 = arith.constant 0 : i32
    %dma_wait3A_201 = tpu.memref_slice %arg10[%dma_wait3A_199, %dma_wait3A_200] : memref<10240x64xf32, #tpu.memory_space<vmem_shared>> -> memref<10240x64xf32, #tpu.memory_space<vmem_shared>>
    tpu.wait_indirect_dma semaphore(%arg20 : memref<!tpu.dma_semaphore, #tpu.memory_space<semaphore_mem>>) src(%dma_wait3A_195 : memref<128x64xf32, #tpu.memory_space<vmem>>) dst(%dma_wait3A_201 : memref<10240x64xf32, #tpu.memory_space<vmem_shared>>)
    %barrier3A_202 = arith.constant 0 : index
    tpu.barrier barrier_id(%barrier3A_202)
    %mul3A_203 = arith.constant 640 : i32
    %mul3A_204 = arith.muli %arg1, %mul3A_203 : i32
    %mul3A_205 = arith.constant 640 : i32
    %mul3A_206 = arith.muli %arg1, %mul3A_205 : i32
    %mul3A_207 = arith.constant 64 : i32
    %mul3A_208 = arith.muli %arg0, %mul3A_207 : i32
    "tpu.region"() ({
      %run_scoped3A = tpu.sem_alloc : memref<!tpu.dma_semaphore, #tpu.memory_space<semaphore_mem>>
      %dma_start3A_209 = tpu.memref_slice %arg5[%mul3A_206, %mul3A_208] : memref<10240x128xf32, #tpu.memory_space<hbm>> -> memref<640x64xf32, #tpu.memory_space<hbm>>
      %dma_start3A_210 = arith.constant 0 : i32
      %dma_start3A_211 = tpu.memref_slice %arg10[%mul3A_204, %dma_start3A_210] : memref<10240x64xf32, #tpu.memory_space<vmem_shared>> -> memref<640x64xf32, #tpu.memory_space<vmem_shared>>
      tpu.enqueue_dma source(%dma_start3A_211 : memref<640x64xf32, #tpu.memory_space<vmem_shared>>) target(%dma_start3A_209 : memref<640x64xf32, #tpu.memory_space<hbm>>) target_semaphore(%run_scoped3A : memref<!tpu.dma_semaphore, #tpu.memory_space<semaphore_mem>>)
      %dma_wait3A_212 = tpu.memref_slice %arg5[%mul3A_206, %mul3A_208] : memref<10240x128xf32, #tpu.memory_space<hbm>> -> memref<640x64xf32, #tpu.memory_space<hbm>>
      %dma_wait3A_213 = arith.constant 0 : i32
      %dma_wait3A_214 = tpu.memref_slice %arg10[%mul3A_204, %dma_wait3A_213] : memref<10240x64xf32, #tpu.memory_space<vmem_shared>> -> memref<640x64xf32, #tpu.memory_space<vmem_shared>>
      tpu.wait_dma2 semaphore(%run_scoped3A : memref<!tpu.dma_semaphore, #tpu.memory_space<semaphore_mem>>) src(%dma_wait3A_214 : memref<640x64xf32, #tpu.memory_space<vmem_shared>>) dst(%dma_wait3A_212 : memref<640x64xf32, #tpu.memory_space<hbm>>)
      tpu.yield
    }) : () -> ()
    return
  }
}

#map = affine_map<(d0, d1) -> (0, 0)>
#map1 = affine_map<(d0, d1) -> (0, 0, 0, 0)>
module attributes {stable_mosaic.version = 14 : i64} {
  func.func @_sc_agg(%arg0: i32, %arg1: i32, %arg2: memref<10112x128xf32, #tpu.memory_space<hbm>>, %arg3: memref<2x16x160x128xi32, #tpu.memory_space<hbm>>, %arg4: memref<10240x64xf32, #tpu.memory_space<hbm>>, %arg5: memref<10240x128xf32, #tpu.memory_space<hbm>>, %arg6: memref<2x10x128xi32, #tpu.memory_space<vmem>>, %arg7: memref<2x10x128xi32, #tpu.memory_space<vmem>>, %arg8: memref<5x128x64xf32, #tpu.memory_space<vmem>>, %arg9: memref<10112x64xf32, #tpu.memory_space<vmem_shared>>, %arg10: memref<10240x64xf32, #tpu.memory_space<vmem_shared>>, %arg11: memref<!tpu.dma_semaphore, #tpu.memory_space<semaphore_mem>>, %arg12: memref<!tpu.dma_semaphore, #tpu.memory_space<semaphore_mem>>, %arg13: memref<!tpu.dma_semaphore, #tpu.memory_space<semaphore_mem>>, %arg14: memref<!tpu.dma_semaphore, #tpu.memory_space<semaphore_mem>>, %arg15: memref<!tpu.dma_semaphore, #tpu.memory_space<semaphore_mem>>, %arg16: memref<!tpu.dma_semaphore, #tpu.memory_space<semaphore_mem>>, %arg17: memref<!tpu.dma_semaphore, #tpu.memory_space<semaphore_mem>>, %arg18: memref<!tpu.dma_semaphore, #tpu.memory_space<semaphore_mem>>, %arg19: memref<!tpu.dma_semaphore, #tpu.memory_space<semaphore_mem>>, %arg20: memref<!tpu.dma_semaphore, #tpu.memory_space<semaphore_mem>>, %arg21: memref<!tpu.dma_semaphore, #tpu.memory_space<semaphore_mem>>) attributes {dimension_semantics = [#tpu.dimension_semantics<core_parallel>, #tpu.dimension_semantics<subcore_parallel>], iteration_bounds = array<i64: 2, 16>, scalar_prefetch = 0 : i64, scratch_operands = 16 : i64, tpu.core_type = #tpu.core_type<sc_vector_subcore>, window_params = [{transform_indices = #map}, {transform_indices = #map1}, {transform_indices = #map}, {transform_indices = #map}]} {
    %mul3A = arith.constant 632 : i32
    %mul3A_0 = arith.muli %arg1, %mul3A : i32
    %mul3A_1 = arith.constant 64 : i32
    %mul3A_2 = arith.muli %arg0, %mul3A_1 : i32
    %mul3A_3 = arith.constant 632 : i32
    %mul3A_4 = arith.muli %arg1, %mul3A_3 : i32
    "tpu.region"() ({
      %run_scoped3A = tpu.sem_alloc : memref<!tpu.dma_semaphore, #tpu.memory_space<semaphore_mem>>
      %dma_start3A_209 = arith.constant 0 : i32
      %dma_start3A_210 = tpu.memref_slice %arg9[%mul3A_4, %dma_start3A_209] : memref<10112x64xf32, #tpu.memory_space<vmem_shared>> -> memref<632x64xf32, #tpu.memory_space<vmem_shared>>
      %dma_start3A_211 = tpu.memref_slice %arg2[%mul3A_0, %mul3A_2] : memref<10112x128xf32, #tpu.memory_space<hbm>> -> memref<632x64xf32, #tpu.memory_space<hbm>>
      tpu.enqueue_dma source(%dma_start3A_211 : memref<632x64xf32, #tpu.memory_space<hbm>>) target(%dma_start3A_210 : memref<632x64xf32, #tpu.memory_space<vmem_shared>>) target_semaphore(%run_scoped3A : memref<!tpu.dma_semaphore, #tpu.memory_space<semaphore_mem>>)
      %dma_wait3A_212 = arith.constant 0 : i32
      %dma_wait3A_213 = tpu.memref_slice %arg9[%mul3A_4, %dma_wait3A_212] : memref<10112x64xf32, #tpu.memory_space<vmem_shared>> -> memref<632x64xf32, #tpu.memory_space<vmem_shared>>
      %dma_wait3A_214 = tpu.memref_slice %arg2[%mul3A_0, %mul3A_2] : memref<10112x128xf32, #tpu.memory_space<hbm>> -> memref<632x64xf32, #tpu.memory_space<hbm>>
      tpu.wait_dma2 semaphore(%run_scoped3A : memref<!tpu.dma_semaphore, #tpu.memory_space<semaphore_mem>>) src(%dma_wait3A_214 : memref<632x64xf32, #tpu.memory_space<hbm>>) dst(%dma_wait3A_213 : memref<632x64xf32, #tpu.memory_space<vmem_shared>>)
      tpu.yield
    }) : () -> ()
    %mul3A_5 = arith.constant 640 : i32
    %mul3A_6 = arith.muli %arg1, %mul3A_5 : i32
    %mul3A_7 = arith.constant 640 : i32
    %mul3A_8 = arith.muli %arg1, %mul3A_7 : i32
    "tpu.region"() ({
      %run_scoped3A = tpu.sem_alloc : memref<!tpu.dma_semaphore, #tpu.memory_space<semaphore_mem>>
      %dma_start3A_209 = arith.constant 0 : i32
      %dma_start3A_210 = tpu.memref_slice %arg10[%mul3A_8, %dma_start3A_209] : memref<10240x64xf32, #tpu.memory_space<vmem_shared>> -> memref<640x64xf32, #tpu.memory_space<vmem_shared>>
      %dma_start3A_211 = arith.constant 0 : i32
      %dma_start3A_212 = tpu.memref_slice %arg4[%mul3A_6, %dma_start3A_211] : memref<10240x64xf32, #tpu.memory_space<hbm>> -> memref<640x64xf32, #tpu.memory_space<hbm>>
      tpu.enqueue_dma source(%dma_start3A_212 : memref<640x64xf32, #tpu.memory_space<hbm>>) target(%dma_start3A_210 : memref<640x64xf32, #tpu.memory_space<vmem_shared>>) target_semaphore(%run_scoped3A : memref<!tpu.dma_semaphore, #tpu.memory_space<semaphore_mem>>)
      %dma_wait3A_213 = arith.constant 0 : i32
      %dma_wait3A_214 = tpu.memref_slice %arg10[%mul3A_8, %dma_wait3A_213] : memref<10240x64xf32, #tpu.memory_space<vmem_shared>> -> memref<640x64xf32, #tpu.memory_space<vmem_shared>>
      %dma_wait3A_215 = arith.constant 0 : i32
      %dma_wait3A_216 = tpu.memref_slice %arg4[%mul3A_6, %dma_wait3A_215] : memref<10240x64xf32, #tpu.memory_space<hbm>> -> memref<640x64xf32, #tpu.memory_space<hbm>>
      tpu.wait_dma2 semaphore(%run_scoped3A : memref<!tpu.dma_semaphore, #tpu.memory_space<semaphore_mem>>) src(%dma_wait3A_216 : memref<640x64xf32, #tpu.memory_space<hbm>>) dst(%dma_wait3A_214 : memref<640x64xf32, #tpu.memory_space<vmem_shared>>)
      tpu.yield
    }) : () -> ()
    %barrier3A = arith.constant 0 : index
    tpu.barrier barrier_id(%barrier3A)
    %dma_start3A = arith.constant 0 : i32
    %dma_start3A_9 = arith.constant 0 : i32
    %dma_start3A_10 = arith.constant 0 : i32
    %dma_start3A_11 = arith.constant 0 : i32
    %dma_start3A_12 = tpu.memref_slice %arg6[%dma_start3A_9, %dma_start3A_10, %dma_start3A_11] : memref<2x10x128xi32, #tpu.memory_space<vmem>> -> memref<1x10x128xi32, #tpu.memory_space<vmem>>
    %dma_start3A_13 = tpu.memref_squeeze %dma_start3A_12 : memref<1x10x128xi32, #tpu.memory_space<vmem>> -> memref<10x128xi32, #tpu.memory_space<vmem>>
    %dma_start3A_14 = arith.constant 0 : i32
    %dma_start3A_15 = arith.constant 0 : i32
    %dma_start3A_16 = tpu.memref_slice %arg3[%dma_start3A, %arg1, %dma_start3A_14, %dma_start3A_15] : memref<2x16x160x128xi32, #tpu.memory_space<hbm>> -> memref<1x1x10x128xi32, #tpu.memory_space<hbm>>
    %dma_start3A_17 = tpu.memref_squeeze %dma_start3A_16 : memref<1x1x10x128xi32, #tpu.memory_space<hbm>> -> memref<10x128xi32, #tpu.memory_space<hbm>>
    %dma_start3A_18 = arith.constant 0 : i32
    %dma_start3A_19 = arith.constant 0 : i32
    %dma_start3A_20 = tpu.memref_slice %arg6[%dma_start3A_9, %dma_start3A_18, %dma_start3A_19] : memref<2x10x128xi32, #tpu.memory_space<vmem>> -> memref<1x10x128xi32, #tpu.memory_space<vmem>>
    %dma_start3A_21 = tpu.memref_squeeze %dma_start3A_20 : memref<1x10x128xi32, #tpu.memory_space<vmem>> -> memref<10x128xi32, #tpu.memory_space<vmem>>
    %dma_start3A_22 = arith.constant 0 : i32
    %dma_start3A_23 = arith.constant 0 : i32
    %dma_start3A_24 = tpu.memref_slice %arg3[%dma_start3A, %arg1, %dma_start3A_22, %dma_start3A_23] : memref<2x16x160x128xi32, #tpu.memory_space<hbm>> -> memref<1x1x10x128xi32, #tpu.memory_space<hbm>>
    %dma_start3A_25 = tpu.memref_squeeze %dma_start3A_24 : memref<1x1x10x128xi32, #tpu.memory_space<hbm>> -> memref<10x128xi32, #tpu.memory_space<hbm>>
    tpu.enqueue_dma source(%dma_start3A_25 : memref<10x128xi32, #tpu.memory_space<hbm>>) target(%dma_start3A_21 : memref<10x128xi32, #tpu.memory_space<vmem>>) target_semaphore(%arg21 : memref<!tpu.dma_semaphore, #tpu.memory_space<semaphore_mem>>)
    %dma_start3A_26 = arith.constant 1 : i32
    %dma_start3A_27 = arith.constant 0 : i32
    %dma_start3A_28 = arith.constant 0 : i32
    %dma_start3A_29 = arith.constant 0 : i32
    %dma_start3A_30 = tpu.memref_slice %arg7[%dma_start3A_27, %dma_start3A_28, %dma_start3A_29] : memref<2x10x128xi32, #tpu.memory_space<vmem>> -> memref<1x10x128xi32, #tpu.memory_space<vmem>>
    %dma_start3A_31 = tpu.memref_squeeze %dma_start3A_30 : memref<1x10x128xi32, #tpu.memory_space<vmem>> -> memref<10x128xi32, #tpu.memory_space<vmem>>
    %dma_start3A_32 = arith.constant 0 : i32
    %dma_start3A_33 = arith.constant 0 : i32
    %dma_start3A_34 = tpu.memref_slice %arg3[%dma_start3A_26, %arg1, %dma_start3A_32, %dma_start3A_33] : memref<2x16x160x128xi32, #tpu.memory_space<hbm>> -> memref<1x1x10x128xi32, #tpu.memory_space<hbm>>
    %dma_start3A_35 = tpu.memref_squeeze %dma_start3A_34 : memref<1x1x10x128xi32, #tpu.memory_space<hbm>> -> memref<10x128xi32, #tpu.memory_space<hbm>>
    %dma_start3A_36 = arith.constant 0 : i32
    %dma_start3A_37 = arith.constant 0 : i32
    %dma_start3A_38 = tpu.memref_slice %arg7[%dma_start3A_27, %dma_start3A_36, %dma_start3A_37] : memref<2x10x128xi32, #tpu.memory_space<vmem>> -> memref<1x10x128xi32, #tpu.memory_space<vmem>>
    %dma_start3A_39 = tpu.memref_squeeze %dma_start3A_38 : memref<1x10x128xi32, #tpu.memory_space<vmem>> -> memref<10x128xi32, #tpu.memory_space<vmem>>
    %dma_start3A_40 = arith.constant 0 : i32
    %dma_start3A_41 = arith.constant 0 : i32
    %dma_start3A_42 = tpu.memref_slice %arg3[%dma_start3A_26, %arg1, %dma_start3A_40, %dma_start3A_41] : memref<2x16x160x128xi32, #tpu.memory_space<hbm>> -> memref<1x1x10x128xi32, #tpu.memory_space<hbm>>
    %dma_start3A_43 = tpu.memref_squeeze %dma_start3A_42 : memref<1x1x10x128xi32, #tpu.memory_space<hbm>> -> memref<10x128xi32, #tpu.memory_space<hbm>>
    tpu.enqueue_dma source(%dma_start3A_43 : memref<10x128xi32, #tpu.memory_space<hbm>>) target(%dma_start3A_39 : memref<10x128xi32, #tpu.memory_space<vmem>>) target_semaphore(%arg21 : memref<!tpu.dma_semaphore, #tpu.memory_space<semaphore_mem>>)
    %dma_wait3A = arith.constant 0 : i32
    %dma_wait3A_44 = arith.constant 0 : i32
    %dma_wait3A_45 = arith.constant 0 : i32
    %dma_wait3A_46 = arith.constant 0 : i32
    %dma_wait3A_47 = tpu.memref_slice %arg6[%dma_wait3A_44, %dma_wait3A_45, %dma_wait3A_46] : memref<2x10x128xi32, #tpu.memory_space<vmem>> -> memref<1x10x128xi32, #tpu.memory_space<vmem>>
    %dma_wait3A_48 = tpu.memref_squeeze %dma_wait3A_47 : memref<1x10x128xi32, #tpu.memory_space<vmem>> -> memref<10x128xi32, #tpu.memory_space<vmem>>
    %dma_wait3A_49 = arith.constant 0 : i32
    %dma_wait3A_50 = arith.constant 0 : i32
    %dma_wait3A_51 = tpu.memref_slice %arg3[%dma_wait3A, %arg1, %dma_wait3A_49, %dma_wait3A_50] : memref<2x16x160x128xi32, #tpu.memory_space<hbm>> -> memref<1x1x10x128xi32, #tpu.memory_space<hbm>>
    %dma_wait3A_52 = tpu.memref_squeeze %dma_wait3A_51 : memref<1x1x10x128xi32, #tpu.memory_space<hbm>> -> memref<10x128xi32, #tpu.memory_space<hbm>>
    %dma_wait3A_53 = arith.constant 0 : i32
    %dma_wait3A_54 = arith.constant 0 : i32
    %dma_wait3A_55 = tpu.memref_slice %arg6[%dma_wait3A_44, %dma_wait3A_53, %dma_wait3A_54] : memref<2x10x128xi32, #tpu.memory_space<vmem>> -> memref<1x10x128xi32, #tpu.memory_space<vmem>>
    %dma_wait3A_56 = tpu.memref_squeeze %dma_wait3A_55 : memref<1x10x128xi32, #tpu.memory_space<vmem>> -> memref<10x128xi32, #tpu.memory_space<vmem>>
    %dma_wait3A_57 = arith.constant 0 : i32
    %dma_wait3A_58 = arith.constant 0 : i32
    %dma_wait3A_59 = tpu.memref_slice %arg3[%dma_wait3A, %arg1, %dma_wait3A_57, %dma_wait3A_58] : memref<2x16x160x128xi32, #tpu.memory_space<hbm>> -> memref<1x1x10x128xi32, #tpu.memory_space<hbm>>
    %dma_wait3A_60 = tpu.memref_squeeze %dma_wait3A_59 : memref<1x1x10x128xi32, #tpu.memory_space<hbm>> -> memref<10x128xi32, #tpu.memory_space<hbm>>
    tpu.wait_dma2 semaphore(%arg21 : memref<!tpu.dma_semaphore, #tpu.memory_space<semaphore_mem>>) src(%dma_wait3A_60 : memref<10x128xi32, #tpu.memory_space<hbm>>) dst(%dma_wait3A_56 : memref<10x128xi32, #tpu.memory_space<vmem>>)
    %dma_wait3A_61 = arith.constant 1 : i32
    %dma_wait3A_62 = arith.constant 0 : i32
    %dma_wait3A_63 = arith.constant 0 : i32
    %dma_wait3A_64 = arith.constant 0 : i32
    %dma_wait3A_65 = tpu.memref_slice %arg7[%dma_wait3A_62, %dma_wait3A_63, %dma_wait3A_64] : memref<2x10x128xi32, #tpu.memory_space<vmem>> -> memref<1x10x128xi32, #tpu.memory_space<vmem>>
    %dma_wait3A_66 = tpu.memref_squeeze %dma_wait3A_65 : memref<1x10x128xi32, #tpu.memory_space<vmem>> -> memref<10x128xi32, #tpu.memory_space<vmem>>
    %dma_wait3A_67 = arith.constant 0 : i32
    %dma_wait3A_68 = arith.constant 0 : i32
    %dma_wait3A_69 = tpu.memref_slice %arg3[%dma_wait3A_61, %arg1, %dma_wait3A_67, %dma_wait3A_68] : memref<2x16x160x128xi32, #tpu.memory_space<hbm>> -> memref<1x1x10x128xi32, #tpu.memory_space<hbm>>
    %dma_wait3A_70 = tpu.memref_squeeze %dma_wait3A_69 : memref<1x1x10x128xi32, #tpu.memory_space<hbm>> -> memref<10x128xi32, #tpu.memory_space<hbm>>
    %dma_wait3A_71 = arith.constant 0 : i32
    %dma_wait3A_72 = arith.constant 0 : i32
    %dma_wait3A_73 = tpu.memref_slice %arg7[%dma_wait3A_62, %dma_wait3A_71, %dma_wait3A_72] : memref<2x10x128xi32, #tpu.memory_space<vmem>> -> memref<1x10x128xi32, #tpu.memory_space<vmem>>
    %dma_wait3A_74 = tpu.memref_squeeze %dma_wait3A_73 : memref<1x10x128xi32, #tpu.memory_space<vmem>> -> memref<10x128xi32, #tpu.memory_space<vmem>>
    %dma_wait3A_75 = arith.constant 0 : i32
    %dma_wait3A_76 = arith.constant 0 : i32
    %dma_wait3A_77 = tpu.memref_slice %arg3[%dma_wait3A_61, %arg1, %dma_wait3A_75, %dma_wait3A_76] : memref<2x16x160x128xi32, #tpu.memory_space<hbm>> -> memref<1x1x10x128xi32, #tpu.memory_space<hbm>>
    %dma_wait3A_78 = tpu.memref_squeeze %dma_wait3A_77 : memref<1x1x10x128xi32, #tpu.memory_space<hbm>> -> memref<10x128xi32, #tpu.memory_space<hbm>>
    tpu.wait_dma2 semaphore(%arg21 : memref<!tpu.dma_semaphore, #tpu.memory_space<semaphore_mem>>) src(%dma_wait3A_78 : memref<10x128xi32, #tpu.memory_space<hbm>>) dst(%dma_wait3A_74 : memref<10x128xi32, #tpu.memory_space<vmem>>)
    %dma_start3A_79 = arith.constant 0 : i32
    %dma_start3A_80 = arith.constant 0 : i32
    %dma_start3A_81 = arith.constant 0 : i32
    %dma_start3A_82 = arith.constant 0 : i32
    %dma_start3A_83 = arith.constant 0 : i32
    %dma_start3A_84 = tpu.memref_slice %arg8[%dma_start3A_81, %dma_start3A_82, %dma_start3A_83] : memref<5x128x64xf32, #tpu.memory_space<vmem>> -> memref<1x128x64xf32, #tpu.memory_space<vmem>>
    %dma_start3A_85 = tpu.memref_squeeze %dma_start3A_84 : memref<1x128x64xf32, #tpu.memory_space<vmem>> -> memref<128x64xf32, #tpu.memory_space<vmem>>
    %dma_start3A_86 = arith.constant 0 : i32
    %dma_start3A_87 = tpu.memref_slice %arg6[%dma_start3A_79, %dma_start3A_80, %dma_start3A_86] : memref<2x10x128xi32, #tpu.memory_space<vmem>> -> memref<1x1x128xi32, #tpu.memory_space<vmem>>
    %dma_start3A_88 = tpu.memref_squeeze %dma_start3A_87 : memref<1x1x128xi32, #tpu.memory_space<vmem>> -> memref<128xi32, #tpu.memory_space<vmem>>
    %dma_start3A_89 = arith.constant 0 : i32
    %dma_start3A_90 = arith.constant 0 : i32
    %dma_start3A_91 = tpu.memref_slice %arg9[%dma_start3A_89, %dma_start3A_90] : memref<10112x64xf32, #tpu.memory_space<vmem_shared>> -> memref<10112x64xf32, #tpu.memory_space<vmem_shared>>
    tpu.enqueue_indirect_dma source(%dma_start3A_91 : memref<10112x64xf32, #tpu.memory_space<vmem_shared>>) target(%dma_start3A_85 : memref<128x64xf32, #tpu.memory_space<vmem>>) offsets(%dma_start3A_88 : memref<128xi32, #tpu.memory_space<vmem>>) semaphore(%arg11 : memref<!tpu.dma_semaphore, #tpu.memory_space<semaphore_mem>>)
    %dma_start3A_92 = arith.constant 0 : i32
    %dma_start3A_93 = arith.constant 1 : i32
    %dma_start3A_94 = arith.constant 1 : i32
    %dma_start3A_95 = arith.constant 0 : i32
    %dma_start3A_96 = arith.constant 0 : i32
    %dma_start3A_97 = tpu.memref_slice %arg8[%dma_start3A_94, %dma_start3A_95, %dma_start3A_96] : memref<5x128x64xf32, #tpu.memory_space<vmem>> -> memref<1x128x64xf32, #tpu.memory_space<vmem>>
    %dma_start3A_98 = tpu.memref_squeeze %dma_start3A_97 : memref<1x128x64xf32, #tpu.memory_space<vmem>> -> memref<128x64xf32, #tpu.memory_space<vmem>>
    %dma_start3A_99 = arith.constant 0 : i32
    %dma_start3A_100 = tpu.memref_slice %arg6[%dma_start3A_92, %dma_start3A_93, %dma_start3A_99] : memref<2x10x128xi32, #tpu.memory_space<vmem>> -> memref<1x1x128xi32, #tpu.memory_space<vmem>>
    %dma_start3A_101 = tpu.memref_squeeze %dma_start3A_100 : memref<1x1x128xi32, #tpu.memory_space<vmem>> -> memref<128xi32, #tpu.memory_space<vmem>>
    %dma_start3A_102 = arith.constant 0 : i32
    %dma_start3A_103 = arith.constant 0 : i32
    %dma_start3A_104 = tpu.memref_slice %arg9[%dma_start3A_102, %dma_start3A_103] : memref<10112x64xf32, #tpu.memory_space<vmem_shared>> -> memref<10112x64xf32, #tpu.memory_space<vmem_shared>>
    tpu.enqueue_indirect_dma source(%dma_start3A_104 : memref<10112x64xf32, #tpu.memory_space<vmem_shared>>) target(%dma_start3A_98 : memref<128x64xf32, #tpu.memory_space<vmem>>) offsets(%dma_start3A_101 : memref<128xi32, #tpu.memory_space<vmem>>) semaphore(%arg12 : memref<!tpu.dma_semaphore, #tpu.memory_space<semaphore_mem>>)
    %dma_start3A_105 = arith.constant 0 : i32
    %dma_start3A_106 = arith.constant 2 : i32
    %dma_start3A_107 = arith.constant 2 : i32
    %dma_start3A_108 = arith.constant 0 : i32
    %dma_start3A_109 = arith.constant 0 : i32
    %dma_start3A_110 = tpu.memref_slice %arg8[%dma_start3A_107, %dma_start3A_108, %dma_start3A_109] : memref<5x128x64xf32, #tpu.memory_space<vmem>> -> memref<1x128x64xf32, #tpu.memory_space<vmem>>
    %dma_start3A_111 = tpu.memref_squeeze %dma_start3A_110 : memref<1x128x64xf32, #tpu.memory_space<vmem>> -> memref<128x64xf32, #tpu.memory_space<vmem>>
    %dma_start3A_112 = arith.constant 0 : i32
    %dma_start3A_113 = tpu.memref_slice %arg6[%dma_start3A_105, %dma_start3A_106, %dma_start3A_112] : memref<2x10x128xi32, #tpu.memory_space<vmem>> -> memref<1x1x128xi32, #tpu.memory_space<vmem>>
    %dma_start3A_114 = tpu.memref_squeeze %dma_start3A_113 : memref<1x1x128xi32, #tpu.memory_space<vmem>> -> memref<128xi32, #tpu.memory_space<vmem>>
    %dma_start3A_115 = arith.constant 0 : i32
    %dma_start3A_116 = arith.constant 0 : i32
    %dma_start3A_117 = tpu.memref_slice %arg9[%dma_start3A_115, %dma_start3A_116] : memref<10112x64xf32, #tpu.memory_space<vmem_shared>> -> memref<10112x64xf32, #tpu.memory_space<vmem_shared>>
    tpu.enqueue_indirect_dma source(%dma_start3A_117 : memref<10112x64xf32, #tpu.memory_space<vmem_shared>>) target(%dma_start3A_111 : memref<128x64xf32, #tpu.memory_space<vmem>>) offsets(%dma_start3A_114 : memref<128xi32, #tpu.memory_space<vmem>>) semaphore(%arg13 : memref<!tpu.dma_semaphore, #tpu.memory_space<semaphore_mem>>)
    %dma_start3A_118 = arith.constant 0 : i32
    %dma_start3A_119 = arith.constant 3 : i32
    %dma_start3A_120 = arith.constant 3 : i32
    %dma_start3A_121 = arith.constant 0 : i32
    %dma_start3A_122 = arith.constant 0 : i32
    %dma_start3A_123 = tpu.memref_slice %arg8[%dma_start3A_120, %dma_start3A_121, %dma_start3A_122] : memref<5x128x64xf32, #tpu.memory_space<vmem>> -> memref<1x128x64xf32, #tpu.memory_space<vmem>>
    %dma_start3A_124 = tpu.memref_squeeze %dma_start3A_123 : memref<1x128x64xf32, #tpu.memory_space<vmem>> -> memref<128x64xf32, #tpu.memory_space<vmem>>
    %dma_start3A_125 = arith.constant 0 : i32
    %dma_start3A_126 = tpu.memref_slice %arg6[%dma_start3A_118, %dma_start3A_119, %dma_start3A_125] : memref<2x10x128xi32, #tpu.memory_space<vmem>> -> memref<1x1x128xi32, #tpu.memory_space<vmem>>
    %dma_start3A_127 = tpu.memref_squeeze %dma_start3A_126 : memref<1x1x128xi32, #tpu.memory_space<vmem>> -> memref<128xi32, #tpu.memory_space<vmem>>
    %dma_start3A_128 = arith.constant 0 : i32
    %dma_start3A_129 = arith.constant 0 : i32
    %dma_start3A_130 = tpu.memref_slice %arg9[%dma_start3A_128, %dma_start3A_129] : memref<10112x64xf32, #tpu.memory_space<vmem_shared>> -> memref<10112x64xf32, #tpu.memory_space<vmem_shared>>
    tpu.enqueue_indirect_dma source(%dma_start3A_130 : memref<10112x64xf32, #tpu.memory_space<vmem_shared>>) target(%dma_start3A_124 : memref<128x64xf32, #tpu.memory_space<vmem>>) offsets(%dma_start3A_127 : memref<128xi32, #tpu.memory_space<vmem>>) semaphore(%arg14 : memref<!tpu.dma_semaphore, #tpu.memory_space<semaphore_mem>>)
    %scan3A = arith.constant 0 : i32
    %scan3A_131 = arith.constant 0 : i32
    %scan3A_132 = arith.constant 16 : i32
    %scan3A_133 = arith.addi %scan3A_131, %scan3A_132 : i32
    %scan3A_134 = arith.constant 1 : i32
    %scan3A_135 = scf.for %scan3A_209 = %scan3A_131 to %scan3A_133 step %scan3A_134 iter_args(%scan3A_210 = %scan3A) -> (i32)  : i32 {
      %jit3A = arith.constant 2 : i32
      %eq3A = arith.constant 0 : i32
      %eq3A_211 = arith.cmpi eq, %jit3A, %eq3A : i32
      %jit3A_212 = arith.constant 1 : i32
      %select_n3A = arith.select %eq3A_211, %jit3A_212, %jit3A : i32
      %rem3A = arith.remsi %scan3A_209, %select_n3A : i32
      %ne3A = arith.constant 0 : i32
      %ne3A_213 = arith.cmpi ne, %rem3A, %ne3A : i32
      %lt3A = arith.constant 0 : i32
      %lt3A_214 = arith.cmpi slt, %rem3A, %lt3A : i32
      %lt3A_215 = arith.constant 0 : i32
      %lt3A_216 = arith.cmpi slt, %select_n3A, %lt3A_215 : i32
      %ne3A_217 = arith.xori %lt3A_214, %lt3A_216 : i1
      %and3A = arith.andi %ne3A_217, %ne3A_213 : i1
      %add3A = arith.addi %rem3A, %select_n3A : i32
      %select_n3A_218 = arith.select %and3A, %add3A, %rem3A : i32
      %add3A_219 = arith.constant 1 : i32
      %add3A_220 = arith.addi %scan3A_209, %add3A_219 : i32
      %jit3A_221 = arith.constant 2 : i32
      %eq3A_222 = arith.constant 0 : i32
      %eq3A_223 = arith.cmpi eq, %jit3A_221, %eq3A_222 : i32
      %jit3A_224 = arith.constant 1 : i32
      %select_n3A_225 = arith.select %eq3A_223, %jit3A_224, %jit3A_221 : i32
      %rem3A_226 = arith.remsi %add3A_220, %select_n3A_225 : i32
      %ne3A_227 = arith.constant 0 : i32
      %ne3A_228 = arith.cmpi ne, %rem3A_226, %ne3A_227 : i32
      %lt3A_229 = arith.constant 0 : i32
      %lt3A_230 = arith.cmpi slt, %rem3A_226, %lt3A_229 : i32
      %lt3A_231 = arith.constant 0 : i32
      %lt3A_232 = arith.cmpi slt, %select_n3A_225, %lt3A_231 : i32
      %ne3A_233 = arith.xori %lt3A_230, %lt3A_232 : i1
      %and3A_234 = arith.andi %ne3A_233, %ne3A_228 : i1
      %add3A_235 = arith.addi %rem3A_226, %select_n3A_225 : i32
      %select_n3A_236 = arith.select %and3A_234, %add3A_235, %rem3A_226 : i32
      %mul3A_237 = arith.constant 10 : i32
      %mul3A_238 = arith.muli %scan3A_209, %mul3A_237 : i32
      %add3A_239 = arith.constant 4 : i32
      %add3A_240 = arith.addi %mul3A_238, %add3A_239 : i32
      %lt3A_241 = arith.constant 160 : i32
      %lt3A_242 = arith.cmpi slt, %add3A_240, %lt3A_241 : i32
      %convert_element_type3A = arith.extui %lt3A_242 : i1 to i32
      %cond3A = arith.constant 0 : i32
      %cond3A_243 = arith.cmpi ne, %convert_element_type3A, %cond3A : i32
      scf.if %cond3A_243 {
        %mul3A_580 = arith.constant 10 : i32
        %mul3A_581 = arith.muli %scan3A_209, %mul3A_580 : i32
        %add3A_582 = arith.constant 4 : i32
        %add3A_583 = arith.addi %mul3A_581, %add3A_582 : i32
        %ge3A = arith.constant 5 : i32
        %ge3A_584 = arith.cmpi sge, %add3A_583, %ge3A : i32
        %convert_element_type3A_585 = arith.extui %ge3A_584 : i1 to i32
        %cond3A_586 = arith.constant 0 : i32
        %cond3A_587 = arith.cmpi ne, %convert_element_type3A_585, %cond3A_586 : i32
        scf.if %cond3A_587 {
          %dma_wait3A_600 = arith.constant 4 : i32
          %dma_wait3A_601 = arith.constant 0 : i32
          %dma_wait3A_602 = arith.constant 0 : i32
          %dma_wait3A_603 = arith.constant 0 : i32
          %dma_wait3A_604 = arith.constant 0 : i32
          %dma_wait3A_605 = tpu.memref_slice %arg8[%dma_wait3A_600, %dma_wait3A_603, %dma_wait3A_604] : memref<5x128x64xf32, #tpu.memory_space<vmem>> -> memref<1x128x64xf32, #tpu.memory_space<vmem>>
          %dma_wait3A_606 = tpu.memref_squeeze %dma_wait3A_605 : memref<1x128x64xf32, #tpu.memory_space<vmem>> -> memref<128x64xf32, #tpu.memory_space<vmem>>
          %dma_wait3A_607 = arith.constant 0 : i32
          %dma_wait3A_608 = tpu.memref_slice %arg7[%dma_wait3A_601, %dma_wait3A_602, %dma_wait3A_607] : memref<2x10x128xi32, #tpu.memory_space<vmem>> -> memref<1x1x128xi32, #tpu.memory_space<vmem>>
          %dma_wait3A_609 = tpu.memref_squeeze %dma_wait3A_608 : memref<1x1x128xi32, #tpu.memory_space<vmem>> -> memref<128xi32, #tpu.memory_space<vmem>>
          %dma_wait3A_610 = arith.constant 0 : i32
          %dma_wait3A_611 = arith.constant 0 : i32
          %dma_wait3A_612 = tpu.memref_slice %arg10[%dma_wait3A_610, %dma_wait3A_611] : memref<10240x64xf32, #tpu.memory_space<vmem_shared>> -> memref<10240x64xf32, #tpu.memory_space<vmem_shared>>
          tpu.wait_indirect_dma semaphore(%arg20 : memref<!tpu.dma_semaphore, #tpu.memory_space<semaphore_mem>>) src(%dma_wait3A_606 : memref<128x64xf32, #tpu.memory_space<vmem>>) dst(%dma_wait3A_612 : memref<10240x64xf32, #tpu.memory_space<vmem_shared>>)
        } else {
        }
        %dma_start3A_588 = arith.constant 4 : i32
        %dma_start3A_589 = arith.constant 4 : i32
        %dma_start3A_590 = arith.constant 0 : i32
        %dma_start3A_591 = arith.constant 0 : i32
        %dma_start3A_592 = tpu.memref_slice %arg8[%dma_start3A_589, %dma_start3A_590, %dma_start3A_591] : memref<5x128x64xf32, #tpu.memory_space<vmem>> -> memref<1x128x64xf32, #tpu.memory_space<vmem>>
        %dma_start3A_593 = tpu.memref_squeeze %dma_start3A_592 : memref<1x128x64xf32, #tpu.memory_space<vmem>> -> memref<128x64xf32, #tpu.memory_space<vmem>>
        %dma_start3A_594 = arith.constant 0 : i32
        %dma_start3A_595 = tpu.memref_slice %arg6[%select_n3A_218, %dma_start3A_588, %dma_start3A_594] : memref<2x10x128xi32, #tpu.memory_space<vmem>> -> memref<1x1x128xi32, #tpu.memory_space<vmem>>
        %dma_start3A_596 = tpu.memref_squeeze %dma_start3A_595 : memref<1x1x128xi32, #tpu.memory_space<vmem>> -> memref<128xi32, #tpu.memory_space<vmem>>
        %dma_start3A_597 = arith.constant 0 : i32
        %dma_start3A_598 = arith.constant 0 : i32
        %dma_start3A_599 = tpu.memref_slice %arg9[%dma_start3A_597, %dma_start3A_598] : memref<10112x64xf32, #tpu.memory_space<vmem_shared>> -> memref<10112x64xf32, #tpu.memory_space<vmem_shared>>
        tpu.enqueue_indirect_dma source(%dma_start3A_599 : memref<10112x64xf32, #tpu.memory_space<vmem_shared>>) target(%dma_start3A_593 : memref<128x64xf32, #tpu.memory_space<vmem>>) offsets(%dma_start3A_596 : memref<128xi32, #tpu.memory_space<vmem>>) semaphore(%arg15 : memref<!tpu.dma_semaphore, #tpu.memory_space<semaphore_mem>>)
      } else {
      }
      %dma_wait3A_244 = arith.constant 0 : i32
      %dma_wait3A_245 = arith.constant 0 : i32
      %dma_wait3A_246 = arith.constant 0 : i32
      %dma_wait3A_247 = arith.constant 0 : i32
      %dma_wait3A_248 = tpu.memref_slice %arg8[%dma_wait3A_245, %dma_wait3A_246, %dma_wait3A_247] : memref<5x128x64xf32, #tpu.memory_space<vmem>> -> memref<1x128x64xf32, #tpu.memory_space<vmem>>
      %dma_wait3A_249 = tpu.memref_squeeze %dma_wait3A_248 : memref<1x128x64xf32, #tpu.memory_space<vmem>> -> memref<128x64xf32, #tpu.memory_space<vmem>>
      %dma_wait3A_250 = arith.constant 0 : i32
      %dma_wait3A_251 = tpu.memref_slice %arg6[%select_n3A_218, %dma_wait3A_244, %dma_wait3A_250] : memref<2x10x128xi32, #tpu.memory_space<vmem>> -> memref<1x1x128xi32, #tpu.memory_space<vmem>>
      %dma_wait3A_252 = tpu.memref_squeeze %dma_wait3A_251 : memref<1x1x128xi32, #tpu.memory_space<vmem>> -> memref<128xi32, #tpu.memory_space<vmem>>
      %dma_wait3A_253 = arith.constant 0 : i32
      %dma_wait3A_254 = arith.constant 0 : i32
      %dma_wait3A_255 = tpu.memref_slice %arg9[%dma_wait3A_253, %dma_wait3A_254] : memref<10112x64xf32, #tpu.memory_space<vmem_shared>> -> memref<10112x64xf32, #tpu.memory_space<vmem_shared>>
      tpu.wait_indirect_dma semaphore(%arg11 : memref<!tpu.dma_semaphore, #tpu.memory_space<semaphore_mem>>) src(%dma_wait3A_255 : memref<10112x64xf32, #tpu.memory_space<vmem_shared>>) dst(%dma_wait3A_249 : memref<128x64xf32, #tpu.memory_space<vmem>>)
      %dma_start3A_256 = arith.constant 0 : i32
      %dma_start3A_257 = arith.constant 0 : i32
      %dma_start3A_258 = arith.constant 0 : i32
      %dma_start3A_259 = arith.constant 0 : i32
      %dma_start3A_260 = tpu.memref_slice %arg8[%dma_start3A_256, %dma_start3A_258, %dma_start3A_259] : memref<5x128x64xf32, #tpu.memory_space<vmem>> -> memref<1x128x64xf32, #tpu.memory_space<vmem>>
      %dma_start3A_261 = tpu.memref_squeeze %dma_start3A_260 : memref<1x128x64xf32, #tpu.memory_space<vmem>> -> memref<128x64xf32, #tpu.memory_space<vmem>>
      %dma_start3A_262 = arith.constant 0 : i32
      %dma_start3A_263 = tpu.memref_slice %arg7[%select_n3A_218, %dma_start3A_257, %dma_start3A_262] : memref<2x10x128xi32, #tpu.memory_space<vmem>> -> memref<1x1x128xi32, #tpu.memory_space<vmem>>
      %dma_start3A_264 = tpu.memref_squeeze %dma_start3A_263 : memref<1x1x128xi32, #tpu.memory_space<vmem>> -> memref<128xi32, #tpu.memory_space<vmem>>
      %dma_start3A_265 = arith.constant 0 : i32
      %dma_start3A_266 = arith.constant 0 : i32
      %dma_start3A_267 = tpu.memref_slice %arg10[%dma_start3A_265, %dma_start3A_266] : memref<10240x64xf32, #tpu.memory_space<vmem_shared>> -> memref<10240x64xf32, #tpu.memory_space<vmem_shared>>
      tpu.enqueue_indirect_dma source(%dma_start3A_261 : memref<128x64xf32, #tpu.memory_space<vmem>>) target(%dma_start3A_267 : memref<10240x64xf32, #tpu.memory_space<vmem_shared>>) offsets(%dma_start3A_264 : memref<128xi32, #tpu.memory_space<vmem>>) semaphore(%arg16 : memref<!tpu.dma_semaphore, #tpu.memory_space<semaphore_mem>>) {add = true}
      %add3A_268 = arith.constant 1 : i32
      %add3A_269 = arith.addi %scan3A_209, %add3A_268 : i32
      %lt3A_270 = arith.constant 16 : i32
      %lt3A_271 = arith.cmpi slt, %add3A_269, %lt3A_270 : i32
      %convert_element_type3A_272 = arith.extui %lt3A_271 : i1 to i32
      %cond3A_273 = arith.constant 0 : i32
      %cond3A_274 = arith.cmpi ne, %convert_element_type3A_272, %cond3A_273 : i32
      scf.if %cond3A_274 {
        %add3A_580 = arith.constant 1 : i32
        %add3A_581 = arith.addi %scan3A_209, %add3A_580 : i32
        %mul3A_582 = arith.constant 10 : i32
        %mul3A_583 = arith.muli %add3A_581, %mul3A_582 : i32
        %dma_start3A_584 = arith.constant 0 : i32
        %dma_start3A_585 = arith.constant 0 : i32
        %dma_start3A_586 = arith.constant 0 : i32
        %dma_start3A_587 = tpu.memref_slice %arg6[%select_n3A_236, %dma_start3A_585, %dma_start3A_586] : memref<2x10x128xi32, #tpu.memory_space<vmem>> -> memref<1x10x128xi32, #tpu.memory_space<vmem>>
        %dma_start3A_588 = tpu.memref_squeeze %dma_start3A_587 : memref<1x10x128xi32, #tpu.memory_space<vmem>> -> memref<10x128xi32, #tpu.memory_space<vmem>>
        %dma_start3A_589 = arith.constant 0 : i32
        %dma_start3A_590 = tpu.memref_slice %arg3[%dma_start3A_584, %arg1, %mul3A_583, %dma_start3A_589] : memref<2x16x160x128xi32, #tpu.memory_space<hbm>> -> memref<1x1x10x128xi32, #tpu.memory_space<hbm>>
        %dma_start3A_591 = tpu.memref_squeeze %dma_start3A_590 : memref<1x1x10x128xi32, #tpu.memory_space<hbm>> -> memref<10x128xi32, #tpu.memory_space<hbm>>
        %dma_start3A_592 = arith.constant 0 : i32
        %dma_start3A_593 = arith.constant 0 : i32
        %dma_start3A_594 = tpu.memref_slice %arg6[%select_n3A_236, %dma_start3A_592, %dma_start3A_593] : memref<2x10x128xi32, #tpu.memory_space<vmem>> -> memref<1x10x128xi32, #tpu.memory_space<vmem>>
        %dma_start3A_595 = tpu.memref_squeeze %dma_start3A_594 : memref<1x10x128xi32, #tpu.memory_space<vmem>> -> memref<10x128xi32, #tpu.memory_space<vmem>>
        %dma_start3A_596 = arith.constant 0 : i32
        %dma_start3A_597 = tpu.memref_slice %arg3[%dma_start3A_584, %arg1, %mul3A_583, %dma_start3A_596] : memref<2x16x160x128xi32, #tpu.memory_space<hbm>> -> memref<1x1x10x128xi32, #tpu.memory_space<hbm>>
        %dma_start3A_598 = tpu.memref_squeeze %dma_start3A_597 : memref<1x1x10x128xi32, #tpu.memory_space<hbm>> -> memref<10x128xi32, #tpu.memory_space<hbm>>
        tpu.enqueue_dma source(%dma_start3A_598 : memref<10x128xi32, #tpu.memory_space<hbm>>) target(%dma_start3A_595 : memref<10x128xi32, #tpu.memory_space<vmem>>) target_semaphore(%arg21 : memref<!tpu.dma_semaphore, #tpu.memory_space<semaphore_mem>>)
        %mul3A_599 = arith.constant 10 : i32
        %mul3A_600 = arith.muli %add3A_581, %mul3A_599 : i32
        %dma_start3A_601 = arith.constant 1 : i32
        %dma_start3A_602 = arith.constant 0 : i32
        %dma_start3A_603 = arith.constant 0 : i32
        %dma_start3A_604 = tpu.memref_slice %arg7[%select_n3A_236, %dma_start3A_602, %dma_start3A_603] : memref<2x10x128xi32, #tpu.memory_space<vmem>> -> memref<1x10x128xi32, #tpu.memory_space<vmem>>
        %dma_start3A_605 = tpu.memref_squeeze %dma_start3A_604 : memref<1x10x128xi32, #tpu.memory_space<vmem>> -> memref<10x128xi32, #tpu.memory_space<vmem>>
        %dma_start3A_606 = arith.constant 0 : i32
        %dma_start3A_607 = tpu.memref_slice %arg3[%dma_start3A_601, %arg1, %mul3A_600, %dma_start3A_606] : memref<2x16x160x128xi32, #tpu.memory_space<hbm>> -> memref<1x1x10x128xi32, #tpu.memory_space<hbm>>
        %dma_start3A_608 = tpu.memref_squeeze %dma_start3A_607 : memref<1x1x10x128xi32, #tpu.memory_space<hbm>> -> memref<10x128xi32, #tpu.memory_space<hbm>>
        %dma_start3A_609 = arith.constant 0 : i32
        %dma_start3A_610 = arith.constant 0 : i32
        %dma_start3A_611 = tpu.memref_slice %arg7[%select_n3A_236, %dma_start3A_609, %dma_start3A_610] : memref<2x10x128xi32, #tpu.memory_space<vmem>> -> memref<1x10x128xi32, #tpu.memory_space<vmem>>
        %dma_start3A_612 = tpu.memref_squeeze %dma_start3A_611 : memref<1x10x128xi32, #tpu.memory_space<vmem>> -> memref<10x128xi32, #tpu.memory_space<vmem>>
        %dma_start3A_613 = arith.constant 0 : i32
        %dma_start3A_614 = tpu.memref_slice %arg3[%dma_start3A_601, %arg1, %mul3A_600, %dma_start3A_613] : memref<2x16x160x128xi32, #tpu.memory_space<hbm>> -> memref<1x1x10x128xi32, #tpu.memory_space<hbm>>
        %dma_start3A_615 = tpu.memref_squeeze %dma_start3A_614 : memref<1x1x10x128xi32, #tpu.memory_space<hbm>> -> memref<10x128xi32, #tpu.memory_space<hbm>>
        tpu.enqueue_dma source(%dma_start3A_615 : memref<10x128xi32, #tpu.memory_space<hbm>>) target(%dma_start3A_612 : memref<10x128xi32, #tpu.memory_space<vmem>>) target_semaphore(%arg21 : memref<!tpu.dma_semaphore, #tpu.memory_space<semaphore_mem>>)
      } else {
      }
      %mul3A_275 = arith.constant 10 : i32
      %mul3A_276 = arith.muli %scan3A_209, %mul3A_275 : i32
      %add3A_277 = arith.constant 5 : i32
      %add3A_278 = arith.addi %mul3A_276, %add3A_277 : i32
      %lt3A_279 = arith.constant 160 : i32
      %lt3A_280 = arith.cmpi slt, %add3A_278, %lt3A_279 : i32
      %convert_element_type3A_281 = arith.extui %lt3A_280 : i1 to i32
      %cond3A_282 = arith.constant 0 : i32
      %cond3A_283 = arith.cmpi ne, %convert_element_type3A_281, %cond3A_282 : i32
      scf.if %cond3A_283 {
        %mul3A_580 = arith.constant 10 : i32
        %mul3A_581 = arith.muli %scan3A_209, %mul3A_580 : i32
        %add3A_582 = arith.constant 5 : i32
        %add3A_583 = arith.addi %mul3A_581, %add3A_582 : i32
        %ge3A = arith.constant 5 : i32
        %ge3A_584 = arith.cmpi sge, %add3A_583, %ge3A : i32
        %convert_element_type3A_585 = arith.extui %ge3A_584 : i1 to i32
        %cond3A_586 = arith.constant 0 : i32
        %cond3A_587 = arith.cmpi ne, %convert_element_type3A_585, %cond3A_586 : i32
        scf.if %cond3A_587 {
          %dma_wait3A_600 = arith.constant 0 : i32
          %dma_wait3A_601 = arith.constant 0 : i32
          %dma_wait3A_602 = arith.constant 0 : i32
          %dma_wait3A_603 = arith.constant 0 : i32
          %dma_wait3A_604 = arith.constant 0 : i32
          %dma_wait3A_605 = tpu.memref_slice %arg8[%dma_wait3A_600, %dma_wait3A_603, %dma_wait3A_604] : memref<5x128x64xf32, #tpu.memory_space<vmem>> -> memref<1x128x64xf32, #tpu.memory_space<vmem>>
          %dma_wait3A_606 = tpu.memref_squeeze %dma_wait3A_605 : memref<1x128x64xf32, #tpu.memory_space<vmem>> -> memref<128x64xf32, #tpu.memory_space<vmem>>
          %dma_wait3A_607 = arith.constant 0 : i32
          %dma_wait3A_608 = tpu.memref_slice %arg7[%dma_wait3A_601, %dma_wait3A_602, %dma_wait3A_607] : memref<2x10x128xi32, #tpu.memory_space<vmem>> -> memref<1x1x128xi32, #tpu.memory_space<vmem>>
          %dma_wait3A_609 = tpu.memref_squeeze %dma_wait3A_608 : memref<1x1x128xi32, #tpu.memory_space<vmem>> -> memref<128xi32, #tpu.memory_space<vmem>>
          %dma_wait3A_610 = arith.constant 0 : i32
          %dma_wait3A_611 = arith.constant 0 : i32
          %dma_wait3A_612 = tpu.memref_slice %arg10[%dma_wait3A_610, %dma_wait3A_611] : memref<10240x64xf32, #tpu.memory_space<vmem_shared>> -> memref<10240x64xf32, #tpu.memory_space<vmem_shared>>
          tpu.wait_indirect_dma semaphore(%arg16 : memref<!tpu.dma_semaphore, #tpu.memory_space<semaphore_mem>>) src(%dma_wait3A_606 : memref<128x64xf32, #tpu.memory_space<vmem>>) dst(%dma_wait3A_612 : memref<10240x64xf32, #tpu.memory_space<vmem_shared>>)
        } else {
        }
        %dma_start3A_588 = arith.constant 5 : i32
        %dma_start3A_589 = arith.constant 0 : i32
        %dma_start3A_590 = arith.constant 0 : i32
        %dma_start3A_591 = arith.constant 0 : i32
        %dma_start3A_592 = tpu.memref_slice %arg8[%dma_start3A_589, %dma_start3A_590, %dma_start3A_591] : memref<5x128x64xf32, #tpu.memory_space<vmem>> -> memref<1x128x64xf32, #tpu.memory_space<vmem>>
        %dma_start3A_593 = tpu.memref_squeeze %dma_start3A_592 : memref<1x128x64xf32, #tpu.memory_space<vmem>> -> memref<128x64xf32, #tpu.memory_space<vmem>>
        %dma_start3A_594 = arith.constant 0 : i32
        %dma_start3A_595 = tpu.memref_slice %arg6[%select_n3A_218, %dma_start3A_588, %dma_start3A_594] : memref<2x10x128xi32, #tpu.memory_space<vmem>> -> memref<1x1x128xi32, #tpu.memory_space<vmem>>
        %dma_start3A_596 = tpu.memref_squeeze %dma_start3A_595 : memref<1x1x128xi32, #tpu.memory_space<vmem>> -> memref<128xi32, #tpu.memory_space<vmem>>
        %dma_start3A_597 = arith.constant 0 : i32
        %dma_start3A_598 = arith.constant 0 : i32
        %dma_start3A_599 = tpu.memref_slice %arg9[%dma_start3A_597, %dma_start3A_598] : memref<10112x64xf32, #tpu.memory_space<vmem_shared>> -> memref<10112x64xf32, #tpu.memory_space<vmem_shared>>
        tpu.enqueue_indirect_dma source(%dma_start3A_599 : memref<10112x64xf32, #tpu.memory_space<vmem_shared>>) target(%dma_start3A_593 : memref<128x64xf32, #tpu.memory_space<vmem>>) offsets(%dma_start3A_596 : memref<128xi32, #tpu.memory_space<vmem>>) semaphore(%arg11 : memref<!tpu.dma_semaphore, #tpu.memory_space<semaphore_mem>>)
      } else {
      }
      %dma_wait3A_284 = arith.constant 1 : i32
      %dma_wait3A_285 = arith.constant 1 : i32
      %dma_wait3A_286 = arith.constant 0 : i32
      %dma_wait3A_287 = arith.constant 0 : i32
      %dma_wait3A_288 = tpu.memref_slice %arg8[%dma_wait3A_285, %dma_wait3A_286, %dma_wait3A_287] : memref<5x128x64xf32, #tpu.memory_space<vmem>> -> memref<1x128x64xf32, #tpu.memory_space<vmem>>
      %dma_wait3A_289 = tpu.memref_squeeze %dma_wait3A_288 : memref<1x128x64xf32, #tpu.memory_space<vmem>> -> memref<128x64xf32, #tpu.memory_space<vmem>>
      %dma_wait3A_290 = arith.constant 0 : i32
      %dma_wait3A_291 = tpu.memref_slice %arg6[%select_n3A_218, %dma_wait3A_284, %dma_wait3A_290] : memref<2x10x128xi32, #tpu.memory_space<vmem>> -> memref<1x1x128xi32, #tpu.memory_space<vmem>>
      %dma_wait3A_292 = tpu.memref_squeeze %dma_wait3A_291 : memref<1x1x128xi32, #tpu.memory_space<vmem>> -> memref<128xi32, #tpu.memory_space<vmem>>
      %dma_wait3A_293 = arith.constant 0 : i32
      %dma_wait3A_294 = arith.constant 0 : i32
      %dma_wait3A_295 = tpu.memref_slice %arg9[%dma_wait3A_293, %dma_wait3A_294] : memref<10112x64xf32, #tpu.memory_space<vmem_shared>> -> memref<10112x64xf32, #tpu.memory_space<vmem_shared>>
      tpu.wait_indirect_dma semaphore(%arg12 : memref<!tpu.dma_semaphore, #tpu.memory_space<semaphore_mem>>) src(%dma_wait3A_295 : memref<10112x64xf32, #tpu.memory_space<vmem_shared>>) dst(%dma_wait3A_289 : memref<128x64xf32, #tpu.memory_space<vmem>>)
      %dma_start3A_296 = arith.constant 1 : i32
      %dma_start3A_297 = arith.constant 1 : i32
      %dma_start3A_298 = arith.constant 0 : i32
      %dma_start3A_299 = arith.constant 0 : i32
      %dma_start3A_300 = tpu.memref_slice %arg8[%dma_start3A_296, %dma_start3A_298, %dma_start3A_299] : memref<5x128x64xf32, #tpu.memory_space<vmem>> -> memref<1x128x64xf32, #tpu.memory_space<vmem>>
      %dma_start3A_301 = tpu.memref_squeeze %dma_start3A_300 : memref<1x128x64xf32, #tpu.memory_space<vmem>> -> memref<128x64xf32, #tpu.memory_space<vmem>>
      %dma_start3A_302 = arith.constant 0 : i32
      %dma_start3A_303 = tpu.memref_slice %arg7[%select_n3A_218, %dma_start3A_297, %dma_start3A_302] : memref<2x10x128xi32, #tpu.memory_space<vmem>> -> memref<1x1x128xi32, #tpu.memory_space<vmem>>
      %dma_start3A_304 = tpu.memref_squeeze %dma_start3A_303 : memref<1x1x128xi32, #tpu.memory_space<vmem>> -> memref<128xi32, #tpu.memory_space<vmem>>
      %dma_start3A_305 = arith.constant 0 : i32
      %dma_start3A_306 = arith.constant 0 : i32
      %dma_start3A_307 = tpu.memref_slice %arg10[%dma_start3A_305, %dma_start3A_306] : memref<10240x64xf32, #tpu.memory_space<vmem_shared>> -> memref<10240x64xf32, #tpu.memory_space<vmem_shared>>
      tpu.enqueue_indirect_dma source(%dma_start3A_301 : memref<128x64xf32, #tpu.memory_space<vmem>>) target(%dma_start3A_307 : memref<10240x64xf32, #tpu.memory_space<vmem_shared>>) offsets(%dma_start3A_304 : memref<128xi32, #tpu.memory_space<vmem>>) semaphore(%arg17 : memref<!tpu.dma_semaphore, #tpu.memory_space<semaphore_mem>>) {add = true}
      %mul3A_308 = arith.constant 10 : i32
      %mul3A_309 = arith.muli %scan3A_209, %mul3A_308 : i32
      %add3A_310 = arith.constant 6 : i32
      %add3A_311 = arith.addi %mul3A_309, %add3A_310 : i32
      %lt3A_312 = arith.constant 160 : i32
      %lt3A_313 = arith.cmpi slt, %add3A_311, %lt3A_312 : i32
      %convert_element_type3A_314 = arith.extui %lt3A_313 : i1 to i32
      %cond3A_315 = arith.constant 0 : i32
      %cond3A_316 = arith.cmpi ne, %convert_element_type3A_314, %cond3A_315 : i32
      scf.if %cond3A_316 {
        %mul3A_580 = arith.constant 10 : i32
        %mul3A_581 = arith.muli %scan3A_209, %mul3A_580 : i32
        %add3A_582 = arith.constant 6 : i32
        %add3A_583 = arith.addi %mul3A_581, %add3A_582 : i32
        %ge3A = arith.constant 5 : i32
        %ge3A_584 = arith.cmpi sge, %add3A_583, %ge3A : i32
        %convert_element_type3A_585 = arith.extui %ge3A_584 : i1 to i32
        %cond3A_586 = arith.constant 0 : i32
        %cond3A_587 = arith.cmpi ne, %convert_element_type3A_585, %cond3A_586 : i32
        scf.if %cond3A_587 {
          %dma_wait3A_600 = arith.constant 1 : i32
          %dma_wait3A_601 = arith.constant 0 : i32
          %dma_wait3A_602 = arith.constant 0 : i32
          %dma_wait3A_603 = arith.constant 0 : i32
          %dma_wait3A_604 = arith.constant 0 : i32
          %dma_wait3A_605 = tpu.memref_slice %arg8[%dma_wait3A_600, %dma_wait3A_603, %dma_wait3A_604] : memref<5x128x64xf32, #tpu.memory_space<vmem>> -> memref<1x128x64xf32, #tpu.memory_space<vmem>>
          %dma_wait3A_606 = tpu.memref_squeeze %dma_wait3A_605 : memref<1x128x64xf32, #tpu.memory_space<vmem>> -> memref<128x64xf32, #tpu.memory_space<vmem>>
          %dma_wait3A_607 = arith.constant 0 : i32
          %dma_wait3A_608 = tpu.memref_slice %arg7[%dma_wait3A_601, %dma_wait3A_602, %dma_wait3A_607] : memref<2x10x128xi32, #tpu.memory_space<vmem>> -> memref<1x1x128xi32, #tpu.memory_space<vmem>>
          %dma_wait3A_609 = tpu.memref_squeeze %dma_wait3A_608 : memref<1x1x128xi32, #tpu.memory_space<vmem>> -> memref<128xi32, #tpu.memory_space<vmem>>
          %dma_wait3A_610 = arith.constant 0 : i32
          %dma_wait3A_611 = arith.constant 0 : i32
          %dma_wait3A_612 = tpu.memref_slice %arg10[%dma_wait3A_610, %dma_wait3A_611] : memref<10240x64xf32, #tpu.memory_space<vmem_shared>> -> memref<10240x64xf32, #tpu.memory_space<vmem_shared>>
          tpu.wait_indirect_dma semaphore(%arg17 : memref<!tpu.dma_semaphore, #tpu.memory_space<semaphore_mem>>) src(%dma_wait3A_606 : memref<128x64xf32, #tpu.memory_space<vmem>>) dst(%dma_wait3A_612 : memref<10240x64xf32, #tpu.memory_space<vmem_shared>>)
        } else {
        }
        %dma_start3A_588 = arith.constant 6 : i32
        %dma_start3A_589 = arith.constant 1 : i32
        %dma_start3A_590 = arith.constant 0 : i32
        %dma_start3A_591 = arith.constant 0 : i32
        %dma_start3A_592 = tpu.memref_slice %arg8[%dma_start3A_589, %dma_start3A_590, %dma_start3A_591] : memref<5x128x64xf32, #tpu.memory_space<vmem>> -> memref<1x128x64xf32, #tpu.memory_space<vmem>>
        %dma_start3A_593 = tpu.memref_squeeze %dma_start3A_592 : memref<1x128x64xf32, #tpu.memory_space<vmem>> -> memref<128x64xf32, #tpu.memory_space<vmem>>
        %dma_start3A_594 = arith.constant 0 : i32
        %dma_start3A_595 = tpu.memref_slice %arg6[%select_n3A_218, %dma_start3A_588, %dma_start3A_594] : memref<2x10x128xi32, #tpu.memory_space<vmem>> -> memref<1x1x128xi32, #tpu.memory_space<vmem>>
        %dma_start3A_596 = tpu.memref_squeeze %dma_start3A_595 : memref<1x1x128xi32, #tpu.memory_space<vmem>> -> memref<128xi32, #tpu.memory_space<vmem>>
        %dma_start3A_597 = arith.constant 0 : i32
        %dma_start3A_598 = arith.constant 0 : i32
        %dma_start3A_599 = tpu.memref_slice %arg9[%dma_start3A_597, %dma_start3A_598] : memref<10112x64xf32, #tpu.memory_space<vmem_shared>> -> memref<10112x64xf32, #tpu.memory_space<vmem_shared>>
        tpu.enqueue_indirect_dma source(%dma_start3A_599 : memref<10112x64xf32, #tpu.memory_space<vmem_shared>>) target(%dma_start3A_593 : memref<128x64xf32, #tpu.memory_space<vmem>>) offsets(%dma_start3A_596 : memref<128xi32, #tpu.memory_space<vmem>>) semaphore(%arg12 : memref<!tpu.dma_semaphore, #tpu.memory_space<semaphore_mem>>)
      } else {
      }
      %dma_wait3A_317 = arith.constant 2 : i32
      %dma_wait3A_318 = arith.constant 2 : i32
      %dma_wait3A_319 = arith.constant 0 : i32
      %dma_wait3A_320 = arith.constant 0 : i32
      %dma_wait3A_321 = tpu.memref_slice %arg8[%dma_wait3A_318, %dma_wait3A_319, %dma_wait3A_320] : memref<5x128x64xf32, #tpu.memory_space<vmem>> -> memref<1x128x64xf32, #tpu.memory_space<vmem>>
      %dma_wait3A_322 = tpu.memref_squeeze %dma_wait3A_321 : memref<1x128x64xf32, #tpu.memory_space<vmem>> -> memref<128x64xf32, #tpu.memory_space<vmem>>
      %dma_wait3A_323 = arith.constant 0 : i32
      %dma_wait3A_324 = tpu.memref_slice %arg6[%select_n3A_218, %dma_wait3A_317, %dma_wait3A_323] : memref<2x10x128xi32, #tpu.memory_space<vmem>> -> memref<1x1x128xi32, #tpu.memory_space<vmem>>
      %dma_wait3A_325 = tpu.memref_squeeze %dma_wait3A_324 : memref<1x1x128xi32, #tpu.memory_space<vmem>> -> memref<128xi32, #tpu.memory_space<vmem>>
      %dma_wait3A_326 = arith.constant 0 : i32
      %dma_wait3A_327 = arith.constant 0 : i32
      %dma_wait3A_328 = tpu.memref_slice %arg9[%dma_wait3A_326, %dma_wait3A_327] : memref<10112x64xf32, #tpu.memory_space<vmem_shared>> -> memref<10112x64xf32, #tpu.memory_space<vmem_shared>>
      tpu.wait_indirect_dma semaphore(%arg13 : memref<!tpu.dma_semaphore, #tpu.memory_space<semaphore_mem>>) src(%dma_wait3A_328 : memref<10112x64xf32, #tpu.memory_space<vmem_shared>>) dst(%dma_wait3A_322 : memref<128x64xf32, #tpu.memory_space<vmem>>)
      %dma_start3A_329 = arith.constant 2 : i32
      %dma_start3A_330 = arith.constant 2 : i32
      %dma_start3A_331 = arith.constant 0 : i32
      %dma_start3A_332 = arith.constant 0 : i32
      %dma_start3A_333 = tpu.memref_slice %arg8[%dma_start3A_329, %dma_start3A_331, %dma_start3A_332] : memref<5x128x64xf32, #tpu.memory_space<vmem>> -> memref<1x128x64xf32, #tpu.memory_space<vmem>>
      %dma_start3A_334 = tpu.memref_squeeze %dma_start3A_333 : memref<1x128x64xf32, #tpu.memory_space<vmem>> -> memref<128x64xf32, #tpu.memory_space<vmem>>
      %dma_start3A_335 = arith.constant 0 : i32
      %dma_start3A_336 = tpu.memref_slice %arg7[%select_n3A_218, %dma_start3A_330, %dma_start3A_335] : memref<2x10x128xi32, #tpu.memory_space<vmem>> -> memref<1x1x128xi32, #tpu.memory_space<vmem>>
      %dma_start3A_337 = tpu.memref_squeeze %dma_start3A_336 : memref<1x1x128xi32, #tpu.memory_space<vmem>> -> memref<128xi32, #tpu.memory_space<vmem>>
      %dma_start3A_338 = arith.constant 0 : i32
      %dma_start3A_339 = arith.constant 0 : i32
      %dma_start3A_340 = tpu.memref_slice %arg10[%dma_start3A_338, %dma_start3A_339] : memref<10240x64xf32, #tpu.memory_space<vmem_shared>> -> memref<10240x64xf32, #tpu.memory_space<vmem_shared>>
      tpu.enqueue_indirect_dma source(%dma_start3A_334 : memref<128x64xf32, #tpu.memory_space<vmem>>) target(%dma_start3A_340 : memref<10240x64xf32, #tpu.memory_space<vmem_shared>>) offsets(%dma_start3A_337 : memref<128xi32, #tpu.memory_space<vmem>>) semaphore(%arg18 : memref<!tpu.dma_semaphore, #tpu.memory_space<semaphore_mem>>) {add = true}
      %mul3A_341 = arith.constant 10 : i32
      %mul3A_342 = arith.muli %scan3A_209, %mul3A_341 : i32
      %add3A_343 = arith.constant 7 : i32
      %add3A_344 = arith.addi %mul3A_342, %add3A_343 : i32
      %lt3A_345 = arith.constant 160 : i32
      %lt3A_346 = arith.cmpi slt, %add3A_344, %lt3A_345 : i32
      %convert_element_type3A_347 = arith.extui %lt3A_346 : i1 to i32
      %cond3A_348 = arith.constant 0 : i32
      %cond3A_349 = arith.cmpi ne, %convert_element_type3A_347, %cond3A_348 : i32
      scf.if %cond3A_349 {
        %mul3A_580 = arith.constant 10 : i32
        %mul3A_581 = arith.muli %scan3A_209, %mul3A_580 : i32
        %add3A_582 = arith.constant 7 : i32
        %add3A_583 = arith.addi %mul3A_581, %add3A_582 : i32
        %ge3A = arith.constant 5 : i32
        %ge3A_584 = arith.cmpi sge, %add3A_583, %ge3A : i32
        %convert_element_type3A_585 = arith.extui %ge3A_584 : i1 to i32
        %cond3A_586 = arith.constant 0 : i32
        %cond3A_587 = arith.cmpi ne, %convert_element_type3A_585, %cond3A_586 : i32
        scf.if %cond3A_587 {
          %dma_wait3A_600 = arith.constant 2 : i32
          %dma_wait3A_601 = arith.constant 0 : i32
          %dma_wait3A_602 = arith.constant 0 : i32
          %dma_wait3A_603 = arith.constant 0 : i32
          %dma_wait3A_604 = arith.constant 0 : i32
          %dma_wait3A_605 = tpu.memref_slice %arg8[%dma_wait3A_600, %dma_wait3A_603, %dma_wait3A_604] : memref<5x128x64xf32, #tpu.memory_space<vmem>> -> memref<1x128x64xf32, #tpu.memory_space<vmem>>
          %dma_wait3A_606 = tpu.memref_squeeze %dma_wait3A_605 : memref<1x128x64xf32, #tpu.memory_space<vmem>> -> memref<128x64xf32, #tpu.memory_space<vmem>>
          %dma_wait3A_607 = arith.constant 0 : i32
          %dma_wait3A_608 = tpu.memref_slice %arg7[%dma_wait3A_601, %dma_wait3A_602, %dma_wait3A_607] : memref<2x10x128xi32, #tpu.memory_space<vmem>> -> memref<1x1x128xi32, #tpu.memory_space<vmem>>
          %dma_wait3A_609 = tpu.memref_squeeze %dma_wait3A_608 : memref<1x1x128xi32, #tpu.memory_space<vmem>> -> memref<128xi32, #tpu.memory_space<vmem>>
          %dma_wait3A_610 = arith.constant 0 : i32
          %dma_wait3A_611 = arith.constant 0 : i32
          %dma_wait3A_612 = tpu.memref_slice %arg10[%dma_wait3A_610, %dma_wait3A_611] : memref<10240x64xf32, #tpu.memory_space<vmem_shared>> -> memref<10240x64xf32, #tpu.memory_space<vmem_shared>>
          tpu.wait_indirect_dma semaphore(%arg18 : memref<!tpu.dma_semaphore, #tpu.memory_space<semaphore_mem>>) src(%dma_wait3A_606 : memref<128x64xf32, #tpu.memory_space<vmem>>) dst(%dma_wait3A_612 : memref<10240x64xf32, #tpu.memory_space<vmem_shared>>)
        } else {
        }
        %dma_start3A_588 = arith.constant 7 : i32
        %dma_start3A_589 = arith.constant 2 : i32
        %dma_start3A_590 = arith.constant 0 : i32
        %dma_start3A_591 = arith.constant 0 : i32
        %dma_start3A_592 = tpu.memref_slice %arg8[%dma_start3A_589, %dma_start3A_590, %dma_start3A_591] : memref<5x128x64xf32, #tpu.memory_space<vmem>> -> memref<1x128x64xf32, #tpu.memory_space<vmem>>
        %dma_start3A_593 = tpu.memref_squeeze %dma_start3A_592 : memref<1x128x64xf32, #tpu.memory_space<vmem>> -> memref<128x64xf32, #tpu.memory_space<vmem>>
        %dma_start3A_594 = arith.constant 0 : i32
        %dma_start3A_595 = tpu.memref_slice %arg6[%select_n3A_218, %dma_start3A_588, %dma_start3A_594] : memref<2x10x128xi32, #tpu.memory_space<vmem>> -> memref<1x1x128xi32, #tpu.memory_space<vmem>>
        %dma_start3A_596 = tpu.memref_squeeze %dma_start3A_595 : memref<1x1x128xi32, #tpu.memory_space<vmem>> -> memref<128xi32, #tpu.memory_space<vmem>>
        %dma_start3A_597 = arith.constant 0 : i32
        %dma_start3A_598 = arith.constant 0 : i32
        %dma_start3A_599 = tpu.memref_slice %arg9[%dma_start3A_597, %dma_start3A_598] : memref<10112x64xf32, #tpu.memory_space<vmem_shared>> -> memref<10112x64xf32, #tpu.memory_space<vmem_shared>>
        tpu.enqueue_indirect_dma source(%dma_start3A_599 : memref<10112x64xf32, #tpu.memory_space<vmem_shared>>) target(%dma_start3A_593 : memref<128x64xf32, #tpu.memory_space<vmem>>) offsets(%dma_start3A_596 : memref<128xi32, #tpu.memory_space<vmem>>) semaphore(%arg13 : memref<!tpu.dma_semaphore, #tpu.memory_space<semaphore_mem>>)
      } else {
      }
      %dma_wait3A_350 = arith.constant 3 : i32
      %dma_wait3A_351 = arith.constant 3 : i32
      %dma_wait3A_352 = arith.constant 0 : i32
      %dma_wait3A_353 = arith.constant 0 : i32
      %dma_wait3A_354 = tpu.memref_slice %arg8[%dma_wait3A_351, %dma_wait3A_352, %dma_wait3A_353] : memref<5x128x64xf32, #tpu.memory_space<vmem>> -> memref<1x128x64xf32, #tpu.memory_space<vmem>>
      %dma_wait3A_355 = tpu.memref_squeeze %dma_wait3A_354 : memref<1x128x64xf32, #tpu.memory_space<vmem>> -> memref<128x64xf32, #tpu.memory_space<vmem>>
      %dma_wait3A_356 = arith.constant 0 : i32
      %dma_wait3A_357 = tpu.memref_slice %arg6[%select_n3A_218, %dma_wait3A_350, %dma_wait3A_356] : memref<2x10x128xi32, #tpu.memory_space<vmem>> -> memref<1x1x128xi32, #tpu.memory_space<vmem>>
      %dma_wait3A_358 = tpu.memref_squeeze %dma_wait3A_357 : memref<1x1x128xi32, #tpu.memory_space<vmem>> -> memref<128xi32, #tpu.memory_space<vmem>>
      %dma_wait3A_359 = arith.constant 0 : i32
      %dma_wait3A_360 = arith.constant 0 : i32
      %dma_wait3A_361 = tpu.memref_slice %arg9[%dma_wait3A_359, %dma_wait3A_360] : memref<10112x64xf32, #tpu.memory_space<vmem_shared>> -> memref<10112x64xf32, #tpu.memory_space<vmem_shared>>
      tpu.wait_indirect_dma semaphore(%arg14 : memref<!tpu.dma_semaphore, #tpu.memory_space<semaphore_mem>>) src(%dma_wait3A_361 : memref<10112x64xf32, #tpu.memory_space<vmem_shared>>) dst(%dma_wait3A_355 : memref<128x64xf32, #tpu.memory_space<vmem>>)
      %dma_start3A_362 = arith.constant 3 : i32
      %dma_start3A_363 = arith.constant 3 : i32
      %dma_start3A_364 = arith.constant 0 : i32
      %dma_start3A_365 = arith.constant 0 : i32
      %dma_start3A_366 = tpu.memref_slice %arg8[%dma_start3A_362, %dma_start3A_364, %dma_start3A_365] : memref<5x128x64xf32, #tpu.memory_space<vmem>> -> memref<1x128x64xf32, #tpu.memory_space<vmem>>
      %dma_start3A_367 = tpu.memref_squeeze %dma_start3A_366 : memref<1x128x64xf32, #tpu.memory_space<vmem>> -> memref<128x64xf32, #tpu.memory_space<vmem>>
      %dma_start3A_368 = arith.constant 0 : i32
      %dma_start3A_369 = tpu.memref_slice %arg7[%select_n3A_218, %dma_start3A_363, %dma_start3A_368] : memref<2x10x128xi32, #tpu.memory_space<vmem>> -> memref<1x1x128xi32, #tpu.memory_space<vmem>>
      %dma_start3A_370 = tpu.memref_squeeze %dma_start3A_369 : memref<1x1x128xi32, #tpu.memory_space<vmem>> -> memref<128xi32, #tpu.memory_space<vmem>>
      %dma_start3A_371 = arith.constant 0 : i32
      %dma_start3A_372 = arith.constant 0 : i32
      %dma_start3A_373 = tpu.memref_slice %arg10[%dma_start3A_371, %dma_start3A_372] : memref<10240x64xf32, #tpu.memory_space<vmem_shared>> -> memref<10240x64xf32, #tpu.memory_space<vmem_shared>>
      tpu.enqueue_indirect_dma source(%dma_start3A_367 : memref<128x64xf32, #tpu.memory_space<vmem>>) target(%dma_start3A_373 : memref<10240x64xf32, #tpu.memory_space<vmem_shared>>) offsets(%dma_start3A_370 : memref<128xi32, #tpu.memory_space<vmem>>) semaphore(%arg19 : memref<!tpu.dma_semaphore, #tpu.memory_space<semaphore_mem>>) {add = true}
      %mul3A_374 = arith.constant 10 : i32
      %mul3A_375 = arith.muli %scan3A_209, %mul3A_374 : i32
      %add3A_376 = arith.constant 8 : i32
      %add3A_377 = arith.addi %mul3A_375, %add3A_376 : i32
      %lt3A_378 = arith.constant 160 : i32
      %lt3A_379 = arith.cmpi slt, %add3A_377, %lt3A_378 : i32
      %convert_element_type3A_380 = arith.extui %lt3A_379 : i1 to i32
      %cond3A_381 = arith.constant 0 : i32
      %cond3A_382 = arith.cmpi ne, %convert_element_type3A_380, %cond3A_381 : i32
      scf.if %cond3A_382 {
        %mul3A_580 = arith.constant 10 : i32
        %mul3A_581 = arith.muli %scan3A_209, %mul3A_580 : i32
        %add3A_582 = arith.constant 8 : i32
        %add3A_583 = arith.addi %mul3A_581, %add3A_582 : i32
        %ge3A = arith.constant 5 : i32
        %ge3A_584 = arith.cmpi sge, %add3A_583, %ge3A : i32
        %convert_element_type3A_585 = arith.extui %ge3A_584 : i1 to i32
        %cond3A_586 = arith.constant 0 : i32
        %cond3A_587 = arith.cmpi ne, %convert_element_type3A_585, %cond3A_586 : i32
        scf.if %cond3A_587 {
          %dma_wait3A_600 = arith.constant 3 : i32
          %dma_wait3A_601 = arith.constant 0 : i32
          %dma_wait3A_602 = arith.constant 0 : i32
          %dma_wait3A_603 = arith.constant 0 : i32
          %dma_wait3A_604 = arith.constant 0 : i32
          %dma_wait3A_605 = tpu.memref_slice %arg8[%dma_wait3A_600, %dma_wait3A_603, %dma_wait3A_604] : memref<5x128x64xf32, #tpu.memory_space<vmem>> -> memref<1x128x64xf32, #tpu.memory_space<vmem>>
          %dma_wait3A_606 = tpu.memref_squeeze %dma_wait3A_605 : memref<1x128x64xf32, #tpu.memory_space<vmem>> -> memref<128x64xf32, #tpu.memory_space<vmem>>
          %dma_wait3A_607 = arith.constant 0 : i32
          %dma_wait3A_608 = tpu.memref_slice %arg7[%dma_wait3A_601, %dma_wait3A_602, %dma_wait3A_607] : memref<2x10x128xi32, #tpu.memory_space<vmem>> -> memref<1x1x128xi32, #tpu.memory_space<vmem>>
          %dma_wait3A_609 = tpu.memref_squeeze %dma_wait3A_608 : memref<1x1x128xi32, #tpu.memory_space<vmem>> -> memref<128xi32, #tpu.memory_space<vmem>>
          %dma_wait3A_610 = arith.constant 0 : i32
          %dma_wait3A_611 = arith.constant 0 : i32
          %dma_wait3A_612 = tpu.memref_slice %arg10[%dma_wait3A_610, %dma_wait3A_611] : memref<10240x64xf32, #tpu.memory_space<vmem_shared>> -> memref<10240x64xf32, #tpu.memory_space<vmem_shared>>
          tpu.wait_indirect_dma semaphore(%arg19 : memref<!tpu.dma_semaphore, #tpu.memory_space<semaphore_mem>>) src(%dma_wait3A_606 : memref<128x64xf32, #tpu.memory_space<vmem>>) dst(%dma_wait3A_612 : memref<10240x64xf32, #tpu.memory_space<vmem_shared>>)
        } else {
        }
        %dma_start3A_588 = arith.constant 8 : i32
        %dma_start3A_589 = arith.constant 3 : i32
        %dma_start3A_590 = arith.constant 0 : i32
        %dma_start3A_591 = arith.constant 0 : i32
        %dma_start3A_592 = tpu.memref_slice %arg8[%dma_start3A_589, %dma_start3A_590, %dma_start3A_591] : memref<5x128x64xf32, #tpu.memory_space<vmem>> -> memref<1x128x64xf32, #tpu.memory_space<vmem>>
        %dma_start3A_593 = tpu.memref_squeeze %dma_start3A_592 : memref<1x128x64xf32, #tpu.memory_space<vmem>> -> memref<128x64xf32, #tpu.memory_space<vmem>>
        %dma_start3A_594 = arith.constant 0 : i32
        %dma_start3A_595 = tpu.memref_slice %arg6[%select_n3A_218, %dma_start3A_588, %dma_start3A_594] : memref<2x10x128xi32, #tpu.memory_space<vmem>> -> memref<1x1x128xi32, #tpu.memory_space<vmem>>
        %dma_start3A_596 = tpu.memref_squeeze %dma_start3A_595 : memref<1x1x128xi32, #tpu.memory_space<vmem>> -> memref<128xi32, #tpu.memory_space<vmem>>
        %dma_start3A_597 = arith.constant 0 : i32
        %dma_start3A_598 = arith.constant 0 : i32
        %dma_start3A_599 = tpu.memref_slice %arg9[%dma_start3A_597, %dma_start3A_598] : memref<10112x64xf32, #tpu.memory_space<vmem_shared>> -> memref<10112x64xf32, #tpu.memory_space<vmem_shared>>
        tpu.enqueue_indirect_dma source(%dma_start3A_599 : memref<10112x64xf32, #tpu.memory_space<vmem_shared>>) target(%dma_start3A_593 : memref<128x64xf32, #tpu.memory_space<vmem>>) offsets(%dma_start3A_596 : memref<128xi32, #tpu.memory_space<vmem>>) semaphore(%arg14 : memref<!tpu.dma_semaphore, #tpu.memory_space<semaphore_mem>>)
      } else {
      }
      %dma_wait3A_383 = arith.constant 4 : i32
      %dma_wait3A_384 = arith.constant 4 : i32
      %dma_wait3A_385 = arith.constant 0 : i32
      %dma_wait3A_386 = arith.constant 0 : i32
      %dma_wait3A_387 = tpu.memref_slice %arg8[%dma_wait3A_384, %dma_wait3A_385, %dma_wait3A_386] : memref<5x128x64xf32, #tpu.memory_space<vmem>> -> memref<1x128x64xf32, #tpu.memory_space<vmem>>
      %dma_wait3A_388 = tpu.memref_squeeze %dma_wait3A_387 : memref<1x128x64xf32, #tpu.memory_space<vmem>> -> memref<128x64xf32, #tpu.memory_space<vmem>>
      %dma_wait3A_389 = arith.constant 0 : i32
      %dma_wait3A_390 = tpu.memref_slice %arg6[%select_n3A_218, %dma_wait3A_383, %dma_wait3A_389] : memref<2x10x128xi32, #tpu.memory_space<vmem>> -> memref<1x1x128xi32, #tpu.memory_space<vmem>>
      %dma_wait3A_391 = tpu.memref_squeeze %dma_wait3A_390 : memref<1x1x128xi32, #tpu.memory_space<vmem>> -> memref<128xi32, #tpu.memory_space<vmem>>
      %dma_wait3A_392 = arith.constant 0 : i32
      %dma_wait3A_393 = arith.constant 0 : i32
      %dma_wait3A_394 = tpu.memref_slice %arg9[%dma_wait3A_392, %dma_wait3A_393] : memref<10112x64xf32, #tpu.memory_space<vmem_shared>> -> memref<10112x64xf32, #tpu.memory_space<vmem_shared>>
      tpu.wait_indirect_dma semaphore(%arg15 : memref<!tpu.dma_semaphore, #tpu.memory_space<semaphore_mem>>) src(%dma_wait3A_394 : memref<10112x64xf32, #tpu.memory_space<vmem_shared>>) dst(%dma_wait3A_388 : memref<128x64xf32, #tpu.memory_space<vmem>>)
      %dma_start3A_395 = arith.constant 4 : i32
      %dma_start3A_396 = arith.constant 4 : i32
      %dma_start3A_397 = arith.constant 0 : i32
      %dma_start3A_398 = arith.constant 0 : i32
      %dma_start3A_399 = tpu.memref_slice %arg8[%dma_start3A_395, %dma_start3A_397, %dma_start3A_398] : memref<5x128x64xf32, #tpu.memory_space<vmem>> -> memref<1x128x64xf32, #tpu.memory_space<vmem>>
      %dma_start3A_400 = tpu.memref_squeeze %dma_start3A_399 : memref<1x128x64xf32, #tpu.memory_space<vmem>> -> memref<128x64xf32, #tpu.memory_space<vmem>>
      %dma_start3A_401 = arith.constant 0 : i32
      %dma_start3A_402 = tpu.memref_slice %arg7[%select_n3A_218, %dma_start3A_396, %dma_start3A_401] : memref<2x10x128xi32, #tpu.memory_space<vmem>> -> memref<1x1x128xi32, #tpu.memory_space<vmem>>
      %dma_start3A_403 = tpu.memref_squeeze %dma_start3A_402 : memref<1x1x128xi32, #tpu.memory_space<vmem>> -> memref<128xi32, #tpu.memory_space<vmem>>
      %dma_start3A_404 = arith.constant 0 : i32
      %dma_start3A_405 = arith.constant 0 : i32
      %dma_start3A_406 = tpu.memref_slice %arg10[%dma_start3A_404, %dma_start3A_405] : memref<10240x64xf32, #tpu.memory_space<vmem_shared>> -> memref<10240x64xf32, #tpu.memory_space<vmem_shared>>
      tpu.enqueue_indirect_dma source(%dma_start3A_400 : memref<128x64xf32, #tpu.memory_space<vmem>>) target(%dma_start3A_406 : memref<10240x64xf32, #tpu.memory_space<vmem_shared>>) offsets(%dma_start3A_403 : memref<128xi32, #tpu.memory_space<vmem>>) semaphore(%arg20 : memref<!tpu.dma_semaphore, #tpu.memory_space<semaphore_mem>>) {add = true}
      %add3A_407 = arith.constant 1 : i32
      %add3A_408 = arith.addi %scan3A_209, %add3A_407 : i32
      %lt3A_409 = arith.constant 16 : i32
      %lt3A_410 = arith.cmpi slt, %add3A_408, %lt3A_409 : i32
      %convert_element_type3A_411 = arith.extui %lt3A_410 : i1 to i32
      %cond3A_412 = arith.constant 0 : i32
      %cond3A_413 = arith.cmpi ne, %convert_element_type3A_411, %cond3A_412 : i32
      scf.if %cond3A_413 {
        %add3A_580 = arith.constant 1 : i32
        %add3A_581 = arith.addi %scan3A_209, %add3A_580 : i32
        %mul3A_582 = arith.constant 10 : i32
        %mul3A_583 = arith.muli %add3A_581, %mul3A_582 : i32
        %dma_wait3A_584 = arith.constant 0 : i32
        %dma_wait3A_585 = arith.constant 0 : i32
        %dma_wait3A_586 = arith.constant 0 : i32
        %dma_wait3A_587 = tpu.memref_slice %arg6[%select_n3A_236, %dma_wait3A_585, %dma_wait3A_586] : memref<2x10x128xi32, #tpu.memory_space<vmem>> -> memref<1x10x128xi32, #tpu.memory_space<vmem>>
        %dma_wait3A_588 = tpu.memref_squeeze %dma_wait3A_587 : memref<1x10x128xi32, #tpu.memory_space<vmem>> -> memref<10x128xi32, #tpu.memory_space<vmem>>
        %dma_wait3A_589 = arith.constant 0 : i32
        %dma_wait3A_590 = tpu.memref_slice %arg3[%dma_wait3A_584, %arg1, %mul3A_583, %dma_wait3A_589] : memref<2x16x160x128xi32, #tpu.memory_space<hbm>> -> memref<1x1x10x128xi32, #tpu.memory_space<hbm>>
        %dma_wait3A_591 = tpu.memref_squeeze %dma_wait3A_590 : memref<1x1x10x128xi32, #tpu.memory_space<hbm>> -> memref<10x128xi32, #tpu.memory_space<hbm>>
        %dma_wait3A_592 = arith.constant 0 : i32
        %dma_wait3A_593 = arith.constant 0 : i32
        %dma_wait3A_594 = tpu.memref_slice %arg6[%select_n3A_236, %dma_wait3A_592, %dma_wait3A_593] : memref<2x10x128xi32, #tpu.memory_space<vmem>> -> memref<1x10x128xi32, #tpu.memory_space<vmem>>
        %dma_wait3A_595 = tpu.memref_squeeze %dma_wait3A_594 : memref<1x10x128xi32, #tpu.memory_space<vmem>> -> memref<10x128xi32, #tpu.memory_space<vmem>>
        %dma_wait3A_596 = arith.constant 0 : i32
        %dma_wait3A_597 = tpu.memref_slice %arg3[%dma_wait3A_584, %arg1, %mul3A_583, %dma_wait3A_596] : memref<2x16x160x128xi32, #tpu.memory_space<hbm>> -> memref<1x1x10x128xi32, #tpu.memory_space<hbm>>
        %dma_wait3A_598 = tpu.memref_squeeze %dma_wait3A_597 : memref<1x1x10x128xi32, #tpu.memory_space<hbm>> -> memref<10x128xi32, #tpu.memory_space<hbm>>
        tpu.wait_dma2 semaphore(%arg21 : memref<!tpu.dma_semaphore, #tpu.memory_space<semaphore_mem>>) src(%dma_wait3A_598 : memref<10x128xi32, #tpu.memory_space<hbm>>) dst(%dma_wait3A_595 : memref<10x128xi32, #tpu.memory_space<vmem>>)
        %mul3A_599 = arith.constant 10 : i32
        %mul3A_600 = arith.muli %add3A_581, %mul3A_599 : i32
        %dma_wait3A_601 = arith.constant 1 : i32
        %dma_wait3A_602 = arith.constant 0 : i32
        %dma_wait3A_603 = arith.constant 0 : i32
        %dma_wait3A_604 = tpu.memref_slice %arg7[%select_n3A_236, %dma_wait3A_602, %dma_wait3A_603] : memref<2x10x128xi32, #tpu.memory_space<vmem>> -> memref<1x10x128xi32, #tpu.memory_space<vmem>>
        %dma_wait3A_605 = tpu.memref_squeeze %dma_wait3A_604 : memref<1x10x128xi32, #tpu.memory_space<vmem>> -> memref<10x128xi32, #tpu.memory_space<vmem>>
        %dma_wait3A_606 = arith.constant 0 : i32
        %dma_wait3A_607 = tpu.memref_slice %arg3[%dma_wait3A_601, %arg1, %mul3A_600, %dma_wait3A_606] : memref<2x16x160x128xi32, #tpu.memory_space<hbm>> -> memref<1x1x10x128xi32, #tpu.memory_space<hbm>>
        %dma_wait3A_608 = tpu.memref_squeeze %dma_wait3A_607 : memref<1x1x10x128xi32, #tpu.memory_space<hbm>> -> memref<10x128xi32, #tpu.memory_space<hbm>>
        %dma_wait3A_609 = arith.constant 0 : i32
        %dma_wait3A_610 = arith.constant 0 : i32
        %dma_wait3A_611 = tpu.memref_slice %arg7[%select_n3A_236, %dma_wait3A_609, %dma_wait3A_610] : memref<2x10x128xi32, #tpu.memory_space<vmem>> -> memref<1x10x128xi32, #tpu.memory_space<vmem>>
        %dma_wait3A_612 = tpu.memref_squeeze %dma_wait3A_611 : memref<1x10x128xi32, #tpu.memory_space<vmem>> -> memref<10x128xi32, #tpu.memory_space<vmem>>
        %dma_wait3A_613 = arith.constant 0 : i32
        %dma_wait3A_614 = tpu.memref_slice %arg3[%dma_wait3A_601, %arg1, %mul3A_600, %dma_wait3A_613] : memref<2x16x160x128xi32, #tpu.memory_space<hbm>> -> memref<1x1x10x128xi32, #tpu.memory_space<hbm>>
        %dma_wait3A_615 = tpu.memref_squeeze %dma_wait3A_614 : memref<1x1x10x128xi32, #tpu.memory_space<hbm>> -> memref<10x128xi32, #tpu.memory_space<hbm>>
        tpu.wait_dma2 semaphore(%arg21 : memref<!tpu.dma_semaphore, #tpu.memory_space<semaphore_mem>>) src(%dma_wait3A_615 : memref<10x128xi32, #tpu.memory_space<hbm>>) dst(%dma_wait3A_612 : memref<10x128xi32, #tpu.memory_space<vmem>>)
      } else {
      }
      %mul3A_414 = arith.constant 10 : i32
      %mul3A_415 = arith.muli %scan3A_209, %mul3A_414 : i32
      %add3A_416 = arith.constant 9 : i32
      %add3A_417 = arith.addi %mul3A_415, %add3A_416 : i32
      %lt3A_418 = arith.constant 160 : i32
      %lt3A_419 = arith.cmpi slt, %add3A_417, %lt3A_418 : i32
      %convert_element_type3A_420 = arith.extui %lt3A_419 : i1 to i32
      %cond3A_421 = arith.constant 0 : i32
      %cond3A_422 = arith.cmpi ne, %convert_element_type3A_420, %cond3A_421 : i32
      scf.if %cond3A_422 {
        %mul3A_580 = arith.constant 10 : i32
        %mul3A_581 = arith.muli %scan3A_209, %mul3A_580 : i32
        %add3A_582 = arith.constant 9 : i32
        %add3A_583 = arith.addi %mul3A_581, %add3A_582 : i32
        %ge3A = arith.constant 5 : i32
        %ge3A_584 = arith.cmpi sge, %add3A_583, %ge3A : i32
        %convert_element_type3A_585 = arith.extui %ge3A_584 : i1 to i32
        %cond3A_586 = arith.constant 0 : i32
        %cond3A_587 = arith.cmpi ne, %convert_element_type3A_585, %cond3A_586 : i32
        scf.if %cond3A_587 {
          %dma_wait3A_600 = arith.constant 4 : i32
          %dma_wait3A_601 = arith.constant 0 : i32
          %dma_wait3A_602 = arith.constant 0 : i32
          %dma_wait3A_603 = arith.constant 0 : i32
          %dma_wait3A_604 = arith.constant 0 : i32
          %dma_wait3A_605 = tpu.memref_slice %arg8[%dma_wait3A_600, %dma_wait3A_603, %dma_wait3A_604] : memref<5x128x64xf32, #tpu.memory_space<vmem>> -> memref<1x128x64xf32, #tpu.memory_space<vmem>>
          %dma_wait3A_606 = tpu.memref_squeeze %dma_wait3A_605 : memref<1x128x64xf32, #tpu.memory_space<vmem>> -> memref<128x64xf32, #tpu.memory_space<vmem>>
          %dma_wait3A_607 = arith.constant 0 : i32
          %dma_wait3A_608 = tpu.memref_slice %arg7[%dma_wait3A_601, %dma_wait3A_602, %dma_wait3A_607] : memref<2x10x128xi32, #tpu.memory_space<vmem>> -> memref<1x1x128xi32, #tpu.memory_space<vmem>>
          %dma_wait3A_609 = tpu.memref_squeeze %dma_wait3A_608 : memref<1x1x128xi32, #tpu.memory_space<vmem>> -> memref<128xi32, #tpu.memory_space<vmem>>
          %dma_wait3A_610 = arith.constant 0 : i32
          %dma_wait3A_611 = arith.constant 0 : i32
          %dma_wait3A_612 = tpu.memref_slice %arg10[%dma_wait3A_610, %dma_wait3A_611] : memref<10240x64xf32, #tpu.memory_space<vmem_shared>> -> memref<10240x64xf32, #tpu.memory_space<vmem_shared>>
          tpu.wait_indirect_dma semaphore(%arg20 : memref<!tpu.dma_semaphore, #tpu.memory_space<semaphore_mem>>) src(%dma_wait3A_606 : memref<128x64xf32, #tpu.memory_space<vmem>>) dst(%dma_wait3A_612 : memref<10240x64xf32, #tpu.memory_space<vmem_shared>>)
        } else {
        }
        %dma_start3A_588 = arith.constant 9 : i32
        %dma_start3A_589 = arith.constant 4 : i32
        %dma_start3A_590 = arith.constant 0 : i32
        %dma_start3A_591 = arith.constant 0 : i32
        %dma_start3A_592 = tpu.memref_slice %arg8[%dma_start3A_589, %dma_start3A_590, %dma_start3A_591] : memref<5x128x64xf32, #tpu.memory_space<vmem>> -> memref<1x128x64xf32, #tpu.memory_space<vmem>>
        %dma_start3A_593 = tpu.memref_squeeze %dma_start3A_592 : memref<1x128x64xf32, #tpu.memory_space<vmem>> -> memref<128x64xf32, #tpu.memory_space<vmem>>
        %dma_start3A_594 = arith.constant 0 : i32
        %dma_start3A_595 = tpu.memref_slice %arg6[%select_n3A_218, %dma_start3A_588, %dma_start3A_594] : memref<2x10x128xi32, #tpu.memory_space<vmem>> -> memref<1x1x128xi32, #tpu.memory_space<vmem>>
        %dma_start3A_596 = tpu.memref_squeeze %dma_start3A_595 : memref<1x1x128xi32, #tpu.memory_space<vmem>> -> memref<128xi32, #tpu.memory_space<vmem>>
        %dma_start3A_597 = arith.constant 0 : i32
        %dma_start3A_598 = arith.constant 0 : i32
        %dma_start3A_599 = tpu.memref_slice %arg9[%dma_start3A_597, %dma_start3A_598] : memref<10112x64xf32, #tpu.memory_space<vmem_shared>> -> memref<10112x64xf32, #tpu.memory_space<vmem_shared>>
        tpu.enqueue_indirect_dma source(%dma_start3A_599 : memref<10112x64xf32, #tpu.memory_space<vmem_shared>>) target(%dma_start3A_593 : memref<128x64xf32, #tpu.memory_space<vmem>>) offsets(%dma_start3A_596 : memref<128xi32, #tpu.memory_space<vmem>>) semaphore(%arg15 : memref<!tpu.dma_semaphore, #tpu.memory_space<semaphore_mem>>)
      } else {
      }
      %dma_wait3A_423 = arith.constant 5 : i32
      %dma_wait3A_424 = arith.constant 0 : i32
      %dma_wait3A_425 = arith.constant 0 : i32
      %dma_wait3A_426 = arith.constant 0 : i32
      %dma_wait3A_427 = tpu.memref_slice %arg8[%dma_wait3A_424, %dma_wait3A_425, %dma_wait3A_426] : memref<5x128x64xf32, #tpu.memory_space<vmem>> -> memref<1x128x64xf32, #tpu.memory_space<vmem>>
      %dma_wait3A_428 = tpu.memref_squeeze %dma_wait3A_427 : memref<1x128x64xf32, #tpu.memory_space<vmem>> -> memref<128x64xf32, #tpu.memory_space<vmem>>
      %dma_wait3A_429 = arith.constant 0 : i32
      %dma_wait3A_430 = tpu.memref_slice %arg6[%select_n3A_218, %dma_wait3A_423, %dma_wait3A_429] : memref<2x10x128xi32, #tpu.memory_space<vmem>> -> memref<1x1x128xi32, #tpu.memory_space<vmem>>
      %dma_wait3A_431 = tpu.memref_squeeze %dma_wait3A_430 : memref<1x1x128xi32, #tpu.memory_space<vmem>> -> memref<128xi32, #tpu.memory_space<vmem>>
      %dma_wait3A_432 = arith.constant 0 : i32
      %dma_wait3A_433 = arith.constant 0 : i32
      %dma_wait3A_434 = tpu.memref_slice %arg9[%dma_wait3A_432, %dma_wait3A_433] : memref<10112x64xf32, #tpu.memory_space<vmem_shared>> -> memref<10112x64xf32, #tpu.memory_space<vmem_shared>>
      tpu.wait_indirect_dma semaphore(%arg11 : memref<!tpu.dma_semaphore, #tpu.memory_space<semaphore_mem>>) src(%dma_wait3A_434 : memref<10112x64xf32, #tpu.memory_space<vmem_shared>>) dst(%dma_wait3A_428 : memref<128x64xf32, #tpu.memory_space<vmem>>)
      %dma_start3A_435 = arith.constant 0 : i32
      %dma_start3A_436 = arith.constant 5 : i32
      %dma_start3A_437 = arith.constant 0 : i32
      %dma_start3A_438 = arith.constant 0 : i32
      %dma_start3A_439 = tpu.memref_slice %arg8[%dma_start3A_435, %dma_start3A_437, %dma_start3A_438] : memref<5x128x64xf32, #tpu.memory_space<vmem>> -> memref<1x128x64xf32, #tpu.memory_space<vmem>>
      %dma_start3A_440 = tpu.memref_squeeze %dma_start3A_439 : memref<1x128x64xf32, #tpu.memory_space<vmem>> -> memref<128x64xf32, #tpu.memory_space<vmem>>
      %dma_start3A_441 = arith.constant 0 : i32
      %dma_start3A_442 = tpu.memref_slice %arg7[%select_n3A_218, %dma_start3A_436, %dma_start3A_441] : memref<2x10x128xi32, #tpu.memory_space<vmem>> -> memref<1x1x128xi32, #tpu.memory_space<vmem>>
      %dma_start3A_443 = tpu.memref_squeeze %dma_start3A_442 : memref<1x1x128xi32, #tpu.memory_space<vmem>> -> memref<128xi32, #tpu.memory_space<vmem>>
      %dma_start3A_444 = arith.constant 0 : i32
      %dma_start3A_445 = arith.constant 0 : i32
      %dma_start3A_446 = tpu.memref_slice %arg10[%dma_start3A_444, %dma_start3A_445] : memref<10240x64xf32, #tpu.memory_space<vmem_shared>> -> memref<10240x64xf32, #tpu.memory_space<vmem_shared>>
      tpu.enqueue_indirect_dma source(%dma_start3A_440 : memref<128x64xf32, #tpu.memory_space<vmem>>) target(%dma_start3A_446 : memref<10240x64xf32, #tpu.memory_space<vmem_shared>>) offsets(%dma_start3A_443 : memref<128xi32, #tpu.memory_space<vmem>>) semaphore(%arg16 : memref<!tpu.dma_semaphore, #tpu.memory_space<semaphore_mem>>) {add = true}
      %mul3A_447 = arith.constant 10 : i32
      %mul3A_448 = arith.muli %scan3A_209, %mul3A_447 : i32
      %add3A_449 = arith.constant 10 : i32
      %add3A_450 = arith.addi %mul3A_448, %add3A_449 : i32
      %lt3A_451 = arith.constant 160 : i32
      %lt3A_452 = arith.cmpi slt, %add3A_450, %lt3A_451 : i32
      %convert_element_type3A_453 = arith.extui %lt3A_452 : i1 to i32
      %cond3A_454 = arith.constant 0 : i32
      %cond3A_455 = arith.cmpi ne, %convert_element_type3A_453, %cond3A_454 : i32
      scf.if %cond3A_455 {
        %mul3A_580 = arith.constant 10 : i32
        %mul3A_581 = arith.muli %scan3A_209, %mul3A_580 : i32
        %add3A_582 = arith.constant 10 : i32
        %add3A_583 = arith.addi %mul3A_581, %add3A_582 : i32
        %ge3A = arith.constant 5 : i32
        %ge3A_584 = arith.cmpi sge, %add3A_583, %ge3A : i32
        %convert_element_type3A_585 = arith.extui %ge3A_584 : i1 to i32
        %cond3A_586 = arith.constant 0 : i32
        %cond3A_587 = arith.cmpi ne, %convert_element_type3A_585, %cond3A_586 : i32
        scf.if %cond3A_587 {
          %dma_wait3A_600 = arith.constant 0 : i32
          %dma_wait3A_601 = arith.constant 0 : i32
          %dma_wait3A_602 = arith.constant 0 : i32
          %dma_wait3A_603 = arith.constant 0 : i32
          %dma_wait3A_604 = arith.constant 0 : i32
          %dma_wait3A_605 = tpu.memref_slice %arg8[%dma_wait3A_600, %dma_wait3A_603, %dma_wait3A_604] : memref<5x128x64xf32, #tpu.memory_space<vmem>> -> memref<1x128x64xf32, #tpu.memory_space<vmem>>
          %dma_wait3A_606 = tpu.memref_squeeze %dma_wait3A_605 : memref<1x128x64xf32, #tpu.memory_space<vmem>> -> memref<128x64xf32, #tpu.memory_space<vmem>>
          %dma_wait3A_607 = arith.constant 0 : i32
          %dma_wait3A_608 = tpu.memref_slice %arg7[%dma_wait3A_601, %dma_wait3A_602, %dma_wait3A_607] : memref<2x10x128xi32, #tpu.memory_space<vmem>> -> memref<1x1x128xi32, #tpu.memory_space<vmem>>
          %dma_wait3A_609 = tpu.memref_squeeze %dma_wait3A_608 : memref<1x1x128xi32, #tpu.memory_space<vmem>> -> memref<128xi32, #tpu.memory_space<vmem>>
          %dma_wait3A_610 = arith.constant 0 : i32
          %dma_wait3A_611 = arith.constant 0 : i32
          %dma_wait3A_612 = tpu.memref_slice %arg10[%dma_wait3A_610, %dma_wait3A_611] : memref<10240x64xf32, #tpu.memory_space<vmem_shared>> -> memref<10240x64xf32, #tpu.memory_space<vmem_shared>>
          tpu.wait_indirect_dma semaphore(%arg16 : memref<!tpu.dma_semaphore, #tpu.memory_space<semaphore_mem>>) src(%dma_wait3A_606 : memref<128x64xf32, #tpu.memory_space<vmem>>) dst(%dma_wait3A_612 : memref<10240x64xf32, #tpu.memory_space<vmem_shared>>)
        } else {
        }
        %dma_start3A_588 = arith.constant 0 : i32
        %dma_start3A_589 = arith.constant 0 : i32
        %dma_start3A_590 = arith.constant 0 : i32
        %dma_start3A_591 = arith.constant 0 : i32
        %dma_start3A_592 = tpu.memref_slice %arg8[%dma_start3A_589, %dma_start3A_590, %dma_start3A_591] : memref<5x128x64xf32, #tpu.memory_space<vmem>> -> memref<1x128x64xf32, #tpu.memory_space<vmem>>
        %dma_start3A_593 = tpu.memref_squeeze %dma_start3A_592 : memref<1x128x64xf32, #tpu.memory_space<vmem>> -> memref<128x64xf32, #tpu.memory_space<vmem>>
        %dma_start3A_594 = arith.constant 0 : i32
        %dma_start3A_595 = tpu.memref_slice %arg6[%select_n3A_236, %dma_start3A_588, %dma_start3A_594] : memref<2x10x128xi32, #tpu.memory_space<vmem>> -> memref<1x1x128xi32, #tpu.memory_space<vmem>>
        %dma_start3A_596 = tpu.memref_squeeze %dma_start3A_595 : memref<1x1x128xi32, #tpu.memory_space<vmem>> -> memref<128xi32, #tpu.memory_space<vmem>>
        %dma_start3A_597 = arith.constant 0 : i32
        %dma_start3A_598 = arith.constant 0 : i32
        %dma_start3A_599 = tpu.memref_slice %arg9[%dma_start3A_597, %dma_start3A_598] : memref<10112x64xf32, #tpu.memory_space<vmem_shared>> -> memref<10112x64xf32, #tpu.memory_space<vmem_shared>>
        tpu.enqueue_indirect_dma source(%dma_start3A_599 : memref<10112x64xf32, #tpu.memory_space<vmem_shared>>) target(%dma_start3A_593 : memref<128x64xf32, #tpu.memory_space<vmem>>) offsets(%dma_start3A_596 : memref<128xi32, #tpu.memory_space<vmem>>) semaphore(%arg11 : memref<!tpu.dma_semaphore, #tpu.memory_space<semaphore_mem>>)
      } else {
      }
      %dma_wait3A_456 = arith.constant 6 : i32
      %dma_wait3A_457 = arith.constant 1 : i32
      %dma_wait3A_458 = arith.constant 0 : i32
      %dma_wait3A_459 = arith.constant 0 : i32
      %dma_wait3A_460 = tpu.memref_slice %arg8[%dma_wait3A_457, %dma_wait3A_458, %dma_wait3A_459] : memref<5x128x64xf32, #tpu.memory_space<vmem>> -> memref<1x128x64xf32, #tpu.memory_space<vmem>>
      %dma_wait3A_461 = tpu.memref_squeeze %dma_wait3A_460 : memref<1x128x64xf32, #tpu.memory_space<vmem>> -> memref<128x64xf32, #tpu.memory_space<vmem>>
      %dma_wait3A_462 = arith.constant 0 : i32
      %dma_wait3A_463 = tpu.memref_slice %arg6[%select_n3A_218, %dma_wait3A_456, %dma_wait3A_462] : memref<2x10x128xi32, #tpu.memory_space<vmem>> -> memref<1x1x128xi32, #tpu.memory_space<vmem>>
      %dma_wait3A_464 = tpu.memref_squeeze %dma_wait3A_463 : memref<1x1x128xi32, #tpu.memory_space<vmem>> -> memref<128xi32, #tpu.memory_space<vmem>>
      %dma_wait3A_465 = arith.constant 0 : i32
      %dma_wait3A_466 = arith.constant 0 : i32
      %dma_wait3A_467 = tpu.memref_slice %arg9[%dma_wait3A_465, %dma_wait3A_466] : memref<10112x64xf32, #tpu.memory_space<vmem_shared>> -> memref<10112x64xf32, #tpu.memory_space<vmem_shared>>
      tpu.wait_indirect_dma semaphore(%arg12 : memref<!tpu.dma_semaphore, #tpu.memory_space<semaphore_mem>>) src(%dma_wait3A_467 : memref<10112x64xf32, #tpu.memory_space<vmem_shared>>) dst(%dma_wait3A_461 : memref<128x64xf32, #tpu.memory_space<vmem>>)
      %dma_start3A_468 = arith.constant 1 : i32
      %dma_start3A_469 = arith.constant 6 : i32
      %dma_start3A_470 = arith.constant 0 : i32
      %dma_start3A_471 = arith.constant 0 : i32
      %dma_start3A_472 = tpu.memref_slice %arg8[%dma_start3A_468, %dma_start3A_470, %dma_start3A_471] : memref<5x128x64xf32, #tpu.memory_space<vmem>> -> memref<1x128x64xf32, #tpu.memory_space<vmem>>
      %dma_start3A_473 = tpu.memref_squeeze %dma_start3A_472 : memref<1x128x64xf32, #tpu.memory_space<vmem>> -> memref<128x64xf32, #tpu.memory_space<vmem>>
      %dma_start3A_474 = arith.constant 0 : i32
      %dma_start3A_475 = tpu.memref_slice %arg7[%select_n3A_218, %dma_start3A_469, %dma_start3A_474] : memref<2x10x128xi32, #tpu.memory_space<vmem>> -> memref<1x1x128xi32, #tpu.memory_space<vmem>>
      %dma_start3A_476 = tpu.memref_squeeze %dma_start3A_475 : memref<1x1x128xi32, #tpu.memory_space<vmem>> -> memref<128xi32, #tpu.memory_space<vmem>>
      %dma_start3A_477 = arith.constant 0 : i32
      %dma_start3A_478 = arith.constant 0 : i32
      %dma_start3A_479 = tpu.memref_slice %arg10[%dma_start3A_477, %dma_start3A_478] : memref<10240x64xf32, #tpu.memory_space<vmem_shared>> -> memref<10240x64xf32, #tpu.memory_space<vmem_shared>>
      tpu.enqueue_indirect_dma source(%dma_start3A_473 : memref<128x64xf32, #tpu.memory_space<vmem>>) target(%dma_start3A_479 : memref<10240x64xf32, #tpu.memory_space<vmem_shared>>) offsets(%dma_start3A_476 : memref<128xi32, #tpu.memory_space<vmem>>) semaphore(%arg17 : memref<!tpu.dma_semaphore, #tpu.memory_space<semaphore_mem>>) {add = true}
      %mul3A_480 = arith.constant 10 : i32
      %mul3A_481 = arith.muli %scan3A_209, %mul3A_480 : i32
      %add3A_482 = arith.constant 11 : i32
      %add3A_483 = arith.addi %mul3A_481, %add3A_482 : i32
      %lt3A_484 = arith.constant 160 : i32
      %lt3A_485 = arith.cmpi slt, %add3A_483, %lt3A_484 : i32
      %convert_element_type3A_486 = arith.extui %lt3A_485 : i1 to i32
      %cond3A_487 = arith.constant 0 : i32
      %cond3A_488 = arith.cmpi ne, %convert_element_type3A_486, %cond3A_487 : i32
      scf.if %cond3A_488 {
        %mul3A_580 = arith.constant 10 : i32
        %mul3A_581 = arith.muli %scan3A_209, %mul3A_580 : i32
        %add3A_582 = arith.constant 11 : i32
        %add3A_583 = arith.addi %mul3A_581, %add3A_582 : i32
        %ge3A = arith.constant 5 : i32
        %ge3A_584 = arith.cmpi sge, %add3A_583, %ge3A : i32
        %convert_element_type3A_585 = arith.extui %ge3A_584 : i1 to i32
        %cond3A_586 = arith.constant 0 : i32
        %cond3A_587 = arith.cmpi ne, %convert_element_type3A_585, %cond3A_586 : i32
        scf.if %cond3A_587 {
          %dma_wait3A_600 = arith.constant 1 : i32
          %dma_wait3A_601 = arith.constant 0 : i32
          %dma_wait3A_602 = arith.constant 0 : i32
          %dma_wait3A_603 = arith.constant 0 : i32
          %dma_wait3A_604 = arith.constant 0 : i32
          %dma_wait3A_605 = tpu.memref_slice %arg8[%dma_wait3A_600, %dma_wait3A_603, %dma_wait3A_604] : memref<5x128x64xf32, #tpu.memory_space<vmem>> -> memref<1x128x64xf32, #tpu.memory_space<vmem>>
          %dma_wait3A_606 = tpu.memref_squeeze %dma_wait3A_605 : memref<1x128x64xf32, #tpu.memory_space<vmem>> -> memref<128x64xf32, #tpu.memory_space<vmem>>
          %dma_wait3A_607 = arith.constant 0 : i32
          %dma_wait3A_608 = tpu.memref_slice %arg7[%dma_wait3A_601, %dma_wait3A_602, %dma_wait3A_607] : memref<2x10x128xi32, #tpu.memory_space<vmem>> -> memref<1x1x128xi32, #tpu.memory_space<vmem>>
          %dma_wait3A_609 = tpu.memref_squeeze %dma_wait3A_608 : memref<1x1x128xi32, #tpu.memory_space<vmem>> -> memref<128xi32, #tpu.memory_space<vmem>>
          %dma_wait3A_610 = arith.constant 0 : i32
          %dma_wait3A_611 = arith.constant 0 : i32
          %dma_wait3A_612 = tpu.memref_slice %arg10[%dma_wait3A_610, %dma_wait3A_611] : memref<10240x64xf32, #tpu.memory_space<vmem_shared>> -> memref<10240x64xf32, #tpu.memory_space<vmem_shared>>
          tpu.wait_indirect_dma semaphore(%arg17 : memref<!tpu.dma_semaphore, #tpu.memory_space<semaphore_mem>>) src(%dma_wait3A_606 : memref<128x64xf32, #tpu.memory_space<vmem>>) dst(%dma_wait3A_612 : memref<10240x64xf32, #tpu.memory_space<vmem_shared>>)
        } else {
        }
        %dma_start3A_588 = arith.constant 1 : i32
        %dma_start3A_589 = arith.constant 1 : i32
        %dma_start3A_590 = arith.constant 0 : i32
        %dma_start3A_591 = arith.constant 0 : i32
        %dma_start3A_592 = tpu.memref_slice %arg8[%dma_start3A_589, %dma_start3A_590, %dma_start3A_591] : memref<5x128x64xf32, #tpu.memory_space<vmem>> -> memref<1x128x64xf32, #tpu.memory_space<vmem>>
        %dma_start3A_593 = tpu.memref_squeeze %dma_start3A_592 : memref<1x128x64xf32, #tpu.memory_space<vmem>> -> memref<128x64xf32, #tpu.memory_space<vmem>>
        %dma_start3A_594 = arith.constant 0 : i32
        %dma_start3A_595 = tpu.memref_slice %arg6[%select_n3A_236, %dma_start3A_588, %dma_start3A_594] : memref<2x10x128xi32, #tpu.memory_space<vmem>> -> memref<1x1x128xi32, #tpu.memory_space<vmem>>
        %dma_start3A_596 = tpu.memref_squeeze %dma_start3A_595 : memref<1x1x128xi32, #tpu.memory_space<vmem>> -> memref<128xi32, #tpu.memory_space<vmem>>
        %dma_start3A_597 = arith.constant 0 : i32
        %dma_start3A_598 = arith.constant 0 : i32
        %dma_start3A_599 = tpu.memref_slice %arg9[%dma_start3A_597, %dma_start3A_598] : memref<10112x64xf32, #tpu.memory_space<vmem_shared>> -> memref<10112x64xf32, #tpu.memory_space<vmem_shared>>
        tpu.enqueue_indirect_dma source(%dma_start3A_599 : memref<10112x64xf32, #tpu.memory_space<vmem_shared>>) target(%dma_start3A_593 : memref<128x64xf32, #tpu.memory_space<vmem>>) offsets(%dma_start3A_596 : memref<128xi32, #tpu.memory_space<vmem>>) semaphore(%arg12 : memref<!tpu.dma_semaphore, #tpu.memory_space<semaphore_mem>>)
      } else {
      }
      %dma_wait3A_489 = arith.constant 7 : i32
      %dma_wait3A_490 = arith.constant 2 : i32
      %dma_wait3A_491 = arith.constant 0 : i32
      %dma_wait3A_492 = arith.constant 0 : i32
      %dma_wait3A_493 = tpu.memref_slice %arg8[%dma_wait3A_490, %dma_wait3A_491, %dma_wait3A_492] : memref<5x128x64xf32, #tpu.memory_space<vmem>> -> memref<1x128x64xf32, #tpu.memory_space<vmem>>
      %dma_wait3A_494 = tpu.memref_squeeze %dma_wait3A_493 : memref<1x128x64xf32, #tpu.memory_space<vmem>> -> memref<128x64xf32, #tpu.memory_space<vmem>>
      %dma_wait3A_495 = arith.constant 0 : i32
      %dma_wait3A_496 = tpu.memref_slice %arg6[%select_n3A_218, %dma_wait3A_489, %dma_wait3A_495] : memref<2x10x128xi32, #tpu.memory_space<vmem>> -> memref<1x1x128xi32, #tpu.memory_space<vmem>>
      %dma_wait3A_497 = tpu.memref_squeeze %dma_wait3A_496 : memref<1x1x128xi32, #tpu.memory_space<vmem>> -> memref<128xi32, #tpu.memory_space<vmem>>
      %dma_wait3A_498 = arith.constant 0 : i32
      %dma_wait3A_499 = arith.constant 0 : i32
      %dma_wait3A_500 = tpu.memref_slice %arg9[%dma_wait3A_498, %dma_wait3A_499] : memref<10112x64xf32, #tpu.memory_space<vmem_shared>> -> memref<10112x64xf32, #tpu.memory_space<vmem_shared>>
      tpu.wait_indirect_dma semaphore(%arg13 : memref<!tpu.dma_semaphore, #tpu.memory_space<semaphore_mem>>) src(%dma_wait3A_500 : memref<10112x64xf32, #tpu.memory_space<vmem_shared>>) dst(%dma_wait3A_494 : memref<128x64xf32, #tpu.memory_space<vmem>>)
      %dma_start3A_501 = arith.constant 2 : i32
      %dma_start3A_502 = arith.constant 7 : i32
      %dma_start3A_503 = arith.constant 0 : i32
      %dma_start3A_504 = arith.constant 0 : i32
      %dma_start3A_505 = tpu.memref_slice %arg8[%dma_start3A_501, %dma_start3A_503, %dma_start3A_504] : memref<5x128x64xf32, #tpu.memory_space<vmem>> -> memref<1x128x64xf32, #tpu.memory_space<vmem>>
      %dma_start3A_506 = tpu.memref_squeeze %dma_start3A_505 : memref<1x128x64xf32, #tpu.memory_space<vmem>> -> memref<128x64xf32, #tpu.memory_space<vmem>>
      %dma_start3A_507 = arith.constant 0 : i32
      %dma_start3A_508 = tpu.memref_slice %arg7[%select_n3A_218, %dma_start3A_502, %dma_start3A_507] : memref<2x10x128xi32, #tpu.memory_space<vmem>> -> memref<1x1x128xi32, #tpu.memory_space<vmem>>
      %dma_start3A_509 = tpu.memref_squeeze %dma_start3A_508 : memref<1x1x128xi32, #tpu.memory_space<vmem>> -> memref<128xi32, #tpu.memory_space<vmem>>
      %dma_start3A_510 = arith.constant 0 : i32
      %dma_start3A_511 = arith.constant 0 : i32
      %dma_start3A_512 = tpu.memref_slice %arg10[%dma_start3A_510, %dma_start3A_511] : memref<10240x64xf32, #tpu.memory_space<vmem_shared>> -> memref<10240x64xf32, #tpu.memory_space<vmem_shared>>
      tpu.enqueue_indirect_dma source(%dma_start3A_506 : memref<128x64xf32, #tpu.memory_space<vmem>>) target(%dma_start3A_512 : memref<10240x64xf32, #tpu.memory_space<vmem_shared>>) offsets(%dma_start3A_509 : memref<128xi32, #tpu.memory_space<vmem>>) semaphore(%arg18 : memref<!tpu.dma_semaphore, #tpu.memory_space<semaphore_mem>>) {add = true}
      %mul3A_513 = arith.constant 10 : i32
      %mul3A_514 = arith.muli %scan3A_209, %mul3A_513 : i32
      %add3A_515 = arith.constant 12 : i32
      %add3A_516 = arith.addi %mul3A_514, %add3A_515 : i32
      %lt3A_517 = arith.constant 160 : i32
      %lt3A_518 = arith.cmpi slt, %add3A_516, %lt3A_517 : i32
      %convert_element_type3A_519 = arith.extui %lt3A_518 : i1 to i32
      %cond3A_520 = arith.constant 0 : i32
      %cond3A_521 = arith.cmpi ne, %convert_element_type3A_519, %cond3A_520 : i32
      scf.if %cond3A_521 {
        %mul3A_580 = arith.constant 10 : i32
        %mul3A_581 = arith.muli %scan3A_209, %mul3A_580 : i32
        %add3A_582 = arith.constant 12 : i32
        %add3A_583 = arith.addi %mul3A_581, %add3A_582 : i32
        %ge3A = arith.constant 5 : i32
        %ge3A_584 = arith.cmpi sge, %add3A_583, %ge3A : i32
        %convert_element_type3A_585 = arith.extui %ge3A_584 : i1 to i32
        %cond3A_586 = arith.constant 0 : i32
        %cond3A_587 = arith.cmpi ne, %convert_element_type3A_585, %cond3A_586 : i32
        scf.if %cond3A_587 {
          %dma_wait3A_600 = arith.constant 2 : i32
          %dma_wait3A_601 = arith.constant 0 : i32
          %dma_wait3A_602 = arith.constant 0 : i32
          %dma_wait3A_603 = arith.constant 0 : i32
          %dma_wait3A_604 = arith.constant 0 : i32
          %dma_wait3A_605 = tpu.memref_slice %arg8[%dma_wait3A_600, %dma_wait3A_603, %dma_wait3A_604] : memref<5x128x64xf32, #tpu.memory_space<vmem>> -> memref<1x128x64xf32, #tpu.memory_space<vmem>>
          %dma_wait3A_606 = tpu.memref_squeeze %dma_wait3A_605 : memref<1x128x64xf32, #tpu.memory_space<vmem>> -> memref<128x64xf32, #tpu.memory_space<vmem>>
          %dma_wait3A_607 = arith.constant 0 : i32
          %dma_wait3A_608 = tpu.memref_slice %arg7[%dma_wait3A_601, %dma_wait3A_602, %dma_wait3A_607] : memref<2x10x128xi32, #tpu.memory_space<vmem>> -> memref<1x1x128xi32, #tpu.memory_space<vmem>>
          %dma_wait3A_609 = tpu.memref_squeeze %dma_wait3A_608 : memref<1x1x128xi32, #tpu.memory_space<vmem>> -> memref<128xi32, #tpu.memory_space<vmem>>
          %dma_wait3A_610 = arith.constant 0 : i32
          %dma_wait3A_611 = arith.constant 0 : i32
          %dma_wait3A_612 = tpu.memref_slice %arg10[%dma_wait3A_610, %dma_wait3A_611] : memref<10240x64xf32, #tpu.memory_space<vmem_shared>> -> memref<10240x64xf32, #tpu.memory_space<vmem_shared>>
          tpu.wait_indirect_dma semaphore(%arg18 : memref<!tpu.dma_semaphore, #tpu.memory_space<semaphore_mem>>) src(%dma_wait3A_606 : memref<128x64xf32, #tpu.memory_space<vmem>>) dst(%dma_wait3A_612 : memref<10240x64xf32, #tpu.memory_space<vmem_shared>>)
        } else {
        }
        %dma_start3A_588 = arith.constant 2 : i32
        %dma_start3A_589 = arith.constant 2 : i32
        %dma_start3A_590 = arith.constant 0 : i32
        %dma_start3A_591 = arith.constant 0 : i32
        %dma_start3A_592 = tpu.memref_slice %arg8[%dma_start3A_589, %dma_start3A_590, %dma_start3A_591] : memref<5x128x64xf32, #tpu.memory_space<vmem>> -> memref<1x128x64xf32, #tpu.memory_space<vmem>>
        %dma_start3A_593 = tpu.memref_squeeze %dma_start3A_592 : memref<1x128x64xf32, #tpu.memory_space<vmem>> -> memref<128x64xf32, #tpu.memory_space<vmem>>
        %dma_start3A_594 = arith.constant 0 : i32
        %dma_start3A_595 = tpu.memref_slice %arg6[%select_n3A_236, %dma_start3A_588, %dma_start3A_594] : memref<2x10x128xi32, #tpu.memory_space<vmem>> -> memref<1x1x128xi32, #tpu.memory_space<vmem>>
        %dma_start3A_596 = tpu.memref_squeeze %dma_start3A_595 : memref<1x1x128xi32, #tpu.memory_space<vmem>> -> memref<128xi32, #tpu.memory_space<vmem>>
        %dma_start3A_597 = arith.constant 0 : i32
        %dma_start3A_598 = arith.constant 0 : i32
        %dma_start3A_599 = tpu.memref_slice %arg9[%dma_start3A_597, %dma_start3A_598] : memref<10112x64xf32, #tpu.memory_space<vmem_shared>> -> memref<10112x64xf32, #tpu.memory_space<vmem_shared>>
        tpu.enqueue_indirect_dma source(%dma_start3A_599 : memref<10112x64xf32, #tpu.memory_space<vmem_shared>>) target(%dma_start3A_593 : memref<128x64xf32, #tpu.memory_space<vmem>>) offsets(%dma_start3A_596 : memref<128xi32, #tpu.memory_space<vmem>>) semaphore(%arg13 : memref<!tpu.dma_semaphore, #tpu.memory_space<semaphore_mem>>)
      } else {
      }
      %dma_wait3A_522 = arith.constant 8 : i32
      %dma_wait3A_523 = arith.constant 3 : i32
      %dma_wait3A_524 = arith.constant 0 : i32
      %dma_wait3A_525 = arith.constant 0 : i32
      %dma_wait3A_526 = tpu.memref_slice %arg8[%dma_wait3A_523, %dma_wait3A_524, %dma_wait3A_525] : memref<5x128x64xf32, #tpu.memory_space<vmem>> -> memref<1x128x64xf32, #tpu.memory_space<vmem>>
      %dma_wait3A_527 = tpu.memref_squeeze %dma_wait3A_526 : memref<1x128x64xf32, #tpu.memory_space<vmem>> -> memref<128x64xf32, #tpu.memory_space<vmem>>
      %dma_wait3A_528 = arith.constant 0 : i32
      %dma_wait3A_529 = tpu.memref_slice %arg6[%select_n3A_218, %dma_wait3A_522, %dma_wait3A_528] : memref<2x10x128xi32, #tpu.memory_space<vmem>> -> memref<1x1x128xi32, #tpu.memory_space<vmem>>
      %dma_wait3A_530 = tpu.memref_squeeze %dma_wait3A_529 : memref<1x1x128xi32, #tpu.memory_space<vmem>> -> memref<128xi32, #tpu.memory_space<vmem>>
      %dma_wait3A_531 = arith.constant 0 : i32
      %dma_wait3A_532 = arith.constant 0 : i32
      %dma_wait3A_533 = tpu.memref_slice %arg9[%dma_wait3A_531, %dma_wait3A_532] : memref<10112x64xf32, #tpu.memory_space<vmem_shared>> -> memref<10112x64xf32, #tpu.memory_space<vmem_shared>>
      tpu.wait_indirect_dma semaphore(%arg14 : memref<!tpu.dma_semaphore, #tpu.memory_space<semaphore_mem>>) src(%dma_wait3A_533 : memref<10112x64xf32, #tpu.memory_space<vmem_shared>>) dst(%dma_wait3A_527 : memref<128x64xf32, #tpu.memory_space<vmem>>)
      %dma_start3A_534 = arith.constant 3 : i32
      %dma_start3A_535 = arith.constant 8 : i32
      %dma_start3A_536 = arith.constant 0 : i32
      %dma_start3A_537 = arith.constant 0 : i32
      %dma_start3A_538 = tpu.memref_slice %arg8[%dma_start3A_534, %dma_start3A_536, %dma_start3A_537] : memref<5x128x64xf32, #tpu.memory_space<vmem>> -> memref<1x128x64xf32, #tpu.memory_space<vmem>>
      %dma_start3A_539 = tpu.memref_squeeze %dma_start3A_538 : memref<1x128x64xf32, #tpu.memory_space<vmem>> -> memref<128x64xf32, #tpu.memory_space<vmem>>
      %dma_start3A_540 = arith.constant 0 : i32
      %dma_start3A_541 = tpu.memref_slice %arg7[%select_n3A_218, %dma_start3A_535, %dma_start3A_540] : memref<2x10x128xi32, #tpu.memory_space<vmem>> -> memref<1x1x128xi32, #tpu.memory_space<vmem>>
      %dma_start3A_542 = tpu.memref_squeeze %dma_start3A_541 : memref<1x1x128xi32, #tpu.memory_space<vmem>> -> memref<128xi32, #tpu.memory_space<vmem>>
      %dma_start3A_543 = arith.constant 0 : i32
      %dma_start3A_544 = arith.constant 0 : i32
      %dma_start3A_545 = tpu.memref_slice %arg10[%dma_start3A_543, %dma_start3A_544] : memref<10240x64xf32, #tpu.memory_space<vmem_shared>> -> memref<10240x64xf32, #tpu.memory_space<vmem_shared>>
      tpu.enqueue_indirect_dma source(%dma_start3A_539 : memref<128x64xf32, #tpu.memory_space<vmem>>) target(%dma_start3A_545 : memref<10240x64xf32, #tpu.memory_space<vmem_shared>>) offsets(%dma_start3A_542 : memref<128xi32, #tpu.memory_space<vmem>>) semaphore(%arg19 : memref<!tpu.dma_semaphore, #tpu.memory_space<semaphore_mem>>) {add = true}
      %mul3A_546 = arith.constant 10 : i32
      %mul3A_547 = arith.muli %scan3A_209, %mul3A_546 : i32
      %add3A_548 = arith.constant 13 : i32
      %add3A_549 = arith.addi %mul3A_547, %add3A_548 : i32
      %lt3A_550 = arith.constant 160 : i32
      %lt3A_551 = arith.cmpi slt, %add3A_549, %lt3A_550 : i32
      %convert_element_type3A_552 = arith.extui %lt3A_551 : i1 to i32
      %cond3A_553 = arith.constant 0 : i32
      %cond3A_554 = arith.cmpi ne, %convert_element_type3A_552, %cond3A_553 : i32
      scf.if %cond3A_554 {
        %mul3A_580 = arith.constant 10 : i32
        %mul3A_581 = arith.muli %scan3A_209, %mul3A_580 : i32
        %add3A_582 = arith.constant 13 : i32
        %add3A_583 = arith.addi %mul3A_581, %add3A_582 : i32
        %ge3A = arith.constant 5 : i32
        %ge3A_584 = arith.cmpi sge, %add3A_583, %ge3A : i32
        %convert_element_type3A_585 = arith.extui %ge3A_584 : i1 to i32
        %cond3A_586 = arith.constant 0 : i32
        %cond3A_587 = arith.cmpi ne, %convert_element_type3A_585, %cond3A_586 : i32
        scf.if %cond3A_587 {
          %dma_wait3A_600 = arith.constant 3 : i32
          %dma_wait3A_601 = arith.constant 0 : i32
          %dma_wait3A_602 = arith.constant 0 : i32
          %dma_wait3A_603 = arith.constant 0 : i32
          %dma_wait3A_604 = arith.constant 0 : i32
          %dma_wait3A_605 = tpu.memref_slice %arg8[%dma_wait3A_600, %dma_wait3A_603, %dma_wait3A_604] : memref<5x128x64xf32, #tpu.memory_space<vmem>> -> memref<1x128x64xf32, #tpu.memory_space<vmem>>
          %dma_wait3A_606 = tpu.memref_squeeze %dma_wait3A_605 : memref<1x128x64xf32, #tpu.memory_space<vmem>> -> memref<128x64xf32, #tpu.memory_space<vmem>>
          %dma_wait3A_607 = arith.constant 0 : i32
          %dma_wait3A_608 = tpu.memref_slice %arg7[%dma_wait3A_601, %dma_wait3A_602, %dma_wait3A_607] : memref<2x10x128xi32, #tpu.memory_space<vmem>> -> memref<1x1x128xi32, #tpu.memory_space<vmem>>
          %dma_wait3A_609 = tpu.memref_squeeze %dma_wait3A_608 : memref<1x1x128xi32, #tpu.memory_space<vmem>> -> memref<128xi32, #tpu.memory_space<vmem>>
          %dma_wait3A_610 = arith.constant 0 : i32
          %dma_wait3A_611 = arith.constant 0 : i32
          %dma_wait3A_612 = tpu.memref_slice %arg10[%dma_wait3A_610, %dma_wait3A_611] : memref<10240x64xf32, #tpu.memory_space<vmem_shared>> -> memref<10240x64xf32, #tpu.memory_space<vmem_shared>>
          tpu.wait_indirect_dma semaphore(%arg19 : memref<!tpu.dma_semaphore, #tpu.memory_space<semaphore_mem>>) src(%dma_wait3A_606 : memref<128x64xf32, #tpu.memory_space<vmem>>) dst(%dma_wait3A_612 : memref<10240x64xf32, #tpu.memory_space<vmem_shared>>)
        } else {
        }
        %dma_start3A_588 = arith.constant 3 : i32
        %dma_start3A_589 = arith.constant 3 : i32
        %dma_start3A_590 = arith.constant 0 : i32
        %dma_start3A_591 = arith.constant 0 : i32
        %dma_start3A_592 = tpu.memref_slice %arg8[%dma_start3A_589, %dma_start3A_590, %dma_start3A_591] : memref<5x128x64xf32, #tpu.memory_space<vmem>> -> memref<1x128x64xf32, #tpu.memory_space<vmem>>
        %dma_start3A_593 = tpu.memref_squeeze %dma_start3A_592 : memref<1x128x64xf32, #tpu.memory_space<vmem>> -> memref<128x64xf32, #tpu.memory_space<vmem>>
        %dma_start3A_594 = arith.constant 0 : i32
        %dma_start3A_595 = tpu.memref_slice %arg6[%select_n3A_236, %dma_start3A_588, %dma_start3A_594] : memref<2x10x128xi32, #tpu.memory_space<vmem>> -> memref<1x1x128xi32, #tpu.memory_space<vmem>>
        %dma_start3A_596 = tpu.memref_squeeze %dma_start3A_595 : memref<1x1x128xi32, #tpu.memory_space<vmem>> -> memref<128xi32, #tpu.memory_space<vmem>>
        %dma_start3A_597 = arith.constant 0 : i32
        %dma_start3A_598 = arith.constant 0 : i32
        %dma_start3A_599 = tpu.memref_slice %arg9[%dma_start3A_597, %dma_start3A_598] : memref<10112x64xf32, #tpu.memory_space<vmem_shared>> -> memref<10112x64xf32, #tpu.memory_space<vmem_shared>>
        tpu.enqueue_indirect_dma source(%dma_start3A_599 : memref<10112x64xf32, #tpu.memory_space<vmem_shared>>) target(%dma_start3A_593 : memref<128x64xf32, #tpu.memory_space<vmem>>) offsets(%dma_start3A_596 : memref<128xi32, #tpu.memory_space<vmem>>) semaphore(%arg14 : memref<!tpu.dma_semaphore, #tpu.memory_space<semaphore_mem>>)
      } else {
      }
      %dma_wait3A_555 = arith.constant 9 : i32
      %dma_wait3A_556 = arith.constant 4 : i32
      %dma_wait3A_557 = arith.constant 0 : i32
      %dma_wait3A_558 = arith.constant 0 : i32
      %dma_wait3A_559 = tpu.memref_slice %arg8[%dma_wait3A_556, %dma_wait3A_557, %dma_wait3A_558] : memref<5x128x64xf32, #tpu.memory_space<vmem>> -> memref<1x128x64xf32, #tpu.memory_space<vmem>>
      %dma_wait3A_560 = tpu.memref_squeeze %dma_wait3A_559 : memref<1x128x64xf32, #tpu.memory_space<vmem>> -> memref<128x64xf32, #tpu.memory_space<vmem>>
      %dma_wait3A_561 = arith.constant 0 : i32
      %dma_wait3A_562 = tpu.memref_slice %arg6[%select_n3A_218, %dma_wait3A_555, %dma_wait3A_561] : memref<2x10x128xi32, #tpu.memory_space<vmem>> -> memref<1x1x128xi32, #tpu.memory_space<vmem>>
      %dma_wait3A_563 = tpu.memref_squeeze %dma_wait3A_562 : memref<1x1x128xi32, #tpu.memory_space<vmem>> -> memref<128xi32, #tpu.memory_space<vmem>>
      %dma_wait3A_564 = arith.constant 0 : i32
      %dma_wait3A_565 = arith.constant 0 : i32
      %dma_wait3A_566 = tpu.memref_slice %arg9[%dma_wait3A_564, %dma_wait3A_565] : memref<10112x64xf32, #tpu.memory_space<vmem_shared>> -> memref<10112x64xf32, #tpu.memory_space<vmem_shared>>
      tpu.wait_indirect_dma semaphore(%arg15 : memref<!tpu.dma_semaphore, #tpu.memory_space<semaphore_mem>>) src(%dma_wait3A_566 : memref<10112x64xf32, #tpu.memory_space<vmem_shared>>) dst(%dma_wait3A_560 : memref<128x64xf32, #tpu.memory_space<vmem>>)
      %dma_start3A_567 = arith.constant 4 : i32
      %dma_start3A_568 = arith.constant 9 : i32
      %dma_start3A_569 = arith.constant 0 : i32
      %dma_start3A_570 = arith.constant 0 : i32
      %dma_start3A_571 = tpu.memref_slice %arg8[%dma_start3A_567, %dma_start3A_569, %dma_start3A_570] : memref<5x128x64xf32, #tpu.memory_space<vmem>> -> memref<1x128x64xf32, #tpu.memory_space<vmem>>
      %dma_start3A_572 = tpu.memref_squeeze %dma_start3A_571 : memref<1x128x64xf32, #tpu.memory_space<vmem>> -> memref<128x64xf32, #tpu.memory_space<vmem>>
      %dma_start3A_573 = arith.constant 0 : i32
      %dma_start3A_574 = tpu.memref_slice %arg7[%select_n3A_218, %dma_start3A_568, %dma_start3A_573] : memref<2x10x128xi32, #tpu.memory_space<vmem>> -> memref<1x1x128xi32, #tpu.memory_space<vmem>>
      %dma_start3A_575 = tpu.memref_squeeze %dma_start3A_574 : memref<1x1x128xi32, #tpu.memory_space<vmem>> -> memref<128xi32, #tpu.memory_space<vmem>>
      %dma_start3A_576 = arith.constant 0 : i32
      %dma_start3A_577 = arith.constant 0 : i32
      %dma_start3A_578 = tpu.memref_slice %arg10[%dma_start3A_576, %dma_start3A_577] : memref<10240x64xf32, #tpu.memory_space<vmem_shared>> -> memref<10240x64xf32, #tpu.memory_space<vmem_shared>>
      tpu.enqueue_indirect_dma source(%dma_start3A_572 : memref<128x64xf32, #tpu.memory_space<vmem>>) target(%dma_start3A_578 : memref<10240x64xf32, #tpu.memory_space<vmem_shared>>) offsets(%dma_start3A_575 : memref<128xi32, #tpu.memory_space<vmem>>) semaphore(%arg20 : memref<!tpu.dma_semaphore, #tpu.memory_space<semaphore_mem>>) {add = true}
      %scan3A_579 = arith.constant 0 : i32
      scf.yield %scan3A_579 : i32
    }
    %scan3A_136 = arith.constant 16 : i32
    %dma_wait3A_137 = arith.constant 0 : i32
    %dma_wait3A_138 = arith.constant 0 : i32
    %dma_wait3A_139 = arith.constant 0 : i32
    %dma_wait3A_140 = arith.constant 0 : i32
    %dma_wait3A_141 = arith.constant 0 : i32
    %dma_wait3A_142 = tpu.memref_slice %arg8[%dma_wait3A_137, %dma_wait3A_140, %dma_wait3A_141] : memref<5x128x64xf32, #tpu.memory_space<vmem>> -> memref<1x128x64xf32, #tpu.memory_space<vmem>>
    %dma_wait3A_143 = tpu.memref_squeeze %dma_wait3A_142 : memref<1x128x64xf32, #tpu.memory_space<vmem>> -> memref<128x64xf32, #tpu.memory_space<vmem>>
    %dma_wait3A_144 = arith.constant 0 : i32
    %dma_wait3A_145 = tpu.memref_slice %arg7[%dma_wait3A_138, %dma_wait3A_139, %dma_wait3A_144] : memref<2x10x128xi32, #tpu.memory_space<vmem>> -> memref<1x1x128xi32, #tpu.memory_space<vmem>>
    %dma_wait3A_146 = tpu.memref_squeeze %dma_wait3A_145 : memref<1x1x128xi32, #tpu.memory_space<vmem>> -> memref<128xi32, #tpu.memory_space<vmem>>
    %dma_wait3A_147 = arith.constant 0 : i32
    %dma_wait3A_148 = arith.constant 0 : i32
    %dma_wait3A_149 = tpu.memref_slice %arg10[%dma_wait3A_147, %dma_wait3A_148] : memref<10240x64xf32, #tpu.memory_space<vmem_shared>> -> memref<10240x64xf32, #tpu.memory_space<vmem_shared>>
    tpu.wait_indirect_dma semaphore(%arg16 : memref<!tpu.dma_semaphore, #tpu.memory_space<semaphore_mem>>) src(%dma_wait3A_143 : memref<128x64xf32, #tpu.memory_space<vmem>>) dst(%dma_wait3A_149 : memref<10240x64xf32, #tpu.memory_space<vmem_shared>>)
    %dma_wait3A_150 = arith.constant 1 : i32
    %dma_wait3A_151 = arith.constant 0 : i32
    %dma_wait3A_152 = arith.constant 0 : i32
    %dma_wait3A_153 = arith.constant 0 : i32
    %dma_wait3A_154 = arith.constant 0 : i32
    %dma_wait3A_155 = tpu.memref_slice %arg8[%dma_wait3A_150, %dma_wait3A_153, %dma_wait3A_154] : memref<5x128x64xf32, #tpu.memory_space<vmem>> -> memref<1x128x64xf32, #tpu.memory_space<vmem>>
    %dma_wait3A_156 = tpu.memref_squeeze %dma_wait3A_155 : memref<1x128x64xf32, #tpu.memory_space<vmem>> -> memref<128x64xf32, #tpu.memory_space<vmem>>
    %dma_wait3A_157 = arith.constant 0 : i32
    %dma_wait3A_158 = tpu.memref_slice %arg7[%dma_wait3A_151, %dma_wait3A_152, %dma_wait3A_157] : memref<2x10x128xi32, #tpu.memory_space<vmem>> -> memref<1x1x128xi32, #tpu.memory_space<vmem>>
    %dma_wait3A_159 = tpu.memref_squeeze %dma_wait3A_158 : memref<1x1x128xi32, #tpu.memory_space<vmem>> -> memref<128xi32, #tpu.memory_space<vmem>>
    %dma_wait3A_160 = arith.constant 0 : i32
    %dma_wait3A_161 = arith.constant 0 : i32
    %dma_wait3A_162 = tpu.memref_slice %arg10[%dma_wait3A_160, %dma_wait3A_161] : memref<10240x64xf32, #tpu.memory_space<vmem_shared>> -> memref<10240x64xf32, #tpu.memory_space<vmem_shared>>
    tpu.wait_indirect_dma semaphore(%arg17 : memref<!tpu.dma_semaphore, #tpu.memory_space<semaphore_mem>>) src(%dma_wait3A_156 : memref<128x64xf32, #tpu.memory_space<vmem>>) dst(%dma_wait3A_162 : memref<10240x64xf32, #tpu.memory_space<vmem_shared>>)
    %dma_wait3A_163 = arith.constant 2 : i32
    %dma_wait3A_164 = arith.constant 0 : i32
    %dma_wait3A_165 = arith.constant 0 : i32
    %dma_wait3A_166 = arith.constant 0 : i32
    %dma_wait3A_167 = arith.constant 0 : i32
    %dma_wait3A_168 = tpu.memref_slice %arg8[%dma_wait3A_163, %dma_wait3A_166, %dma_wait3A_167] : memref<5x128x64xf32, #tpu.memory_space<vmem>> -> memref<1x128x64xf32, #tpu.memory_space<vmem>>
    %dma_wait3A_169 = tpu.memref_squeeze %dma_wait3A_168 : memref<1x128x64xf32, #tpu.memory_space<vmem>> -> memref<128x64xf32, #tpu.memory_space<vmem>>
    %dma_wait3A_170 = arith.constant 0 : i32
    %dma_wait3A_171 = tpu.memref_slice %arg7[%dma_wait3A_164, %dma_wait3A_165, %dma_wait3A_170] : memref<2x10x128xi32, #tpu.memory_space<vmem>> -> memref<1x1x128xi32, #tpu.memory_space<vmem>>
    %dma_wait3A_172 = tpu.memref_squeeze %dma_wait3A_171 : memref<1x1x128xi32, #tpu.memory_space<vmem>> -> memref<128xi32, #tpu.memory_space<vmem>>
    %dma_wait3A_173 = arith.constant 0 : i32
    %dma_wait3A_174 = arith.constant 0 : i32
    %dma_wait3A_175 = tpu.memref_slice %arg10[%dma_wait3A_173, %dma_wait3A_174] : memref<10240x64xf32, #tpu.memory_space<vmem_shared>> -> memref<10240x64xf32, #tpu.memory_space<vmem_shared>>
    tpu.wait_indirect_dma semaphore(%arg18 : memref<!tpu.dma_semaphore, #tpu.memory_space<semaphore_mem>>) src(%dma_wait3A_169 : memref<128x64xf32, #tpu.memory_space<vmem>>) dst(%dma_wait3A_175 : memref<10240x64xf32, #tpu.memory_space<vmem_shared>>)
    %dma_wait3A_176 = arith.constant 3 : i32
    %dma_wait3A_177 = arith.constant 0 : i32
    %dma_wait3A_178 = arith.constant 0 : i32
    %dma_wait3A_179 = arith.constant 0 : i32
    %dma_wait3A_180 = arith.constant 0 : i32
    %dma_wait3A_181 = tpu.memref_slice %arg8[%dma_wait3A_176, %dma_wait3A_179, %dma_wait3A_180] : memref<5x128x64xf32, #tpu.memory_space<vmem>> -> memref<1x128x64xf32, #tpu.memory_space<vmem>>
    %dma_wait3A_182 = tpu.memref_squeeze %dma_wait3A_181 : memref<1x128x64xf32, #tpu.memory_space<vmem>> -> memref<128x64xf32, #tpu.memory_space<vmem>>
    %dma_wait3A_183 = arith.constant 0 : i32
    %dma_wait3A_184 = tpu.memref_slice %arg7[%dma_wait3A_177, %dma_wait3A_178, %dma_wait3A_183] : memref<2x10x128xi32, #tpu.memory_space<vmem>> -> memref<1x1x128xi32, #tpu.memory_space<vmem>>
    %dma_wait3A_185 = tpu.memref_squeeze %dma_wait3A_184 : memref<1x1x128xi32, #tpu.memory_space<vmem>> -> memref<128xi32, #tpu.memory_space<vmem>>
    %dma_wait3A_186 = arith.constant 0 : i32
    %dma_wait3A_187 = arith.constant 0 : i32
    %dma_wait3A_188 = tpu.memref_slice %arg10[%dma_wait3A_186, %dma_wait3A_187] : memref<10240x64xf32, #tpu.memory_space<vmem_shared>> -> memref<10240x64xf32, #tpu.memory_space<vmem_shared>>
    tpu.wait_indirect_dma semaphore(%arg19 : memref<!tpu.dma_semaphore, #tpu.memory_space<semaphore_mem>>) src(%dma_wait3A_182 : memref<128x64xf32, #tpu.memory_space<vmem>>) dst(%dma_wait3A_188 : memref<10240x64xf32, #tpu.memory_space<vmem_shared>>)
    %dma_wait3A_189 = arith.constant 4 : i32
    %dma_wait3A_190 = arith.constant 0 : i32
    %dma_wait3A_191 = arith.constant 0 : i32
    %dma_wait3A_192 = arith.constant 0 : i32
    %dma_wait3A_193 = arith.constant 0 : i32
    %dma_wait3A_194 = tpu.memref_slice %arg8[%dma_wait3A_189, %dma_wait3A_192, %dma_wait3A_193] : memref<5x128x64xf32, #tpu.memory_space<vmem>> -> memref<1x128x64xf32, #tpu.memory_space<vmem>>
    %dma_wait3A_195 = tpu.memref_squeeze %dma_wait3A_194 : memref<1x128x64xf32, #tpu.memory_space<vmem>> -> memref<128x64xf32, #tpu.memory_space<vmem>>
    %dma_wait3A_196 = arith.constant 0 : i32
    %dma_wait3A_197 = tpu.memref_slice %arg7[%dma_wait3A_190, %dma_wait3A_191, %dma_wait3A_196] : memref<2x10x128xi32, #tpu.memory_space<vmem>> -> memref<1x1x128xi32, #tpu.memory_space<vmem>>
    %dma_wait3A_198 = tpu.memref_squeeze %dma_wait3A_197 : memref<1x1x128xi32, #tpu.memory_space<vmem>> -> memref<128xi32, #tpu.memory_space<vmem>>
    %dma_wait3A_199 = arith.constant 0 : i32
    %dma_wait3A_200 = arith.constant 0 : i32
    %dma_wait3A_201 = tpu.memref_slice %arg10[%dma_wait3A_199, %dma_wait3A_200] : memref<10240x64xf32, #tpu.memory_space<vmem_shared>> -> memref<10240x64xf32, #tpu.memory_space<vmem_shared>>
    tpu.wait_indirect_dma semaphore(%arg20 : memref<!tpu.dma_semaphore, #tpu.memory_space<semaphore_mem>>) src(%dma_wait3A_195 : memref<128x64xf32, #tpu.memory_space<vmem>>) dst(%dma_wait3A_201 : memref<10240x64xf32, #tpu.memory_space<vmem_shared>>)
    %barrier3A_202 = arith.constant 0 : index
    tpu.barrier barrier_id(%barrier3A_202)
    %mul3A_203 = arith.constant 640 : i32
    %mul3A_204 = arith.muli %arg1, %mul3A_203 : i32
    %mul3A_205 = arith.constant 640 : i32
    %mul3A_206 = arith.muli %arg1, %mul3A_205 : i32
    %mul3A_207 = arith.constant 64 : i32
    %mul3A_208 = arith.muli %arg0, %mul3A_207 : i32
    "tpu.region"() ({
      %run_scoped3A = tpu.sem_alloc : memref<!tpu.dma_semaphore, #tpu.memory_space<semaphore_mem>>
      %dma_start3A_209 = tpu.memref_slice %arg5[%mul3A_206, %mul3A_208] : memref<10240x128xf32, #tpu.memory_space<hbm>> -> memref<640x64xf32, #tpu.memory_space<hbm>>
      %dma_start3A_210 = arith.constant 0 : i32
      %dma_start3A_211 = tpu.memref_slice %arg10[%mul3A_204, %dma_start3A_210] : memref<10240x64xf32, #tpu.memory_space<vmem_shared>> -> memref<640x64xf32, #tpu.memory_space<vmem_shared>>
      tpu.enqueue_dma source(%dma_start3A_211 : memref<640x64xf32, #tpu.memory_space<vmem_shared>>) target(%dma_start3A_209 : memref<640x64xf32, #tpu.memory_space<hbm>>) target_semaphore(%run_scoped3A : memref<!tpu.dma_semaphore, #tpu.memory_space<semaphore_mem>>)
      %dma_wait3A_212 = tpu.memref_slice %arg5[%mul3A_206, %mul3A_208] : memref<10240x128xf32, #tpu.memory_space<hbm>> -> memref<640x64xf32, #tpu.memory_space<hbm>>
      %dma_wait3A_213 = arith.constant 0 : i32
      %dma_wait3A_214 = tpu.memref_slice %arg10[%mul3A_204, %dma_wait3A_213] : memref<10240x64xf32, #tpu.memory_space<vmem_shared>> -> memref<640x64xf32, #tpu.memory_space<vmem_shared>>
      tpu.wait_dma2 semaphore(%run_scoped3A : memref<!tpu.dma_semaphore, #tpu.memory_space<semaphore_mem>>) src(%dma_wait3A_214 : memref<640x64xf32, #tpu.memory_space<vmem_shared>>) dst(%dma_wait3A_212 : memref<640x64xf32, #tpu.memory_space<hbm>>)
      tpu.yield
    }) : () -> ()
    return
  }
}

module attributes {stable_mosaic.version = 14 : i64} {
  func.func @_mlp2_body(%arg0: i32, %arg1: memref<5000x128xf32, #tpu.memory_space<vmem>>, %arg2: memref<5000x128xf32, #tpu.memory_space<vmem>>, %arg3: memref<128x128xf32, #tpu.memory_space<vmem>>, %arg4: memref<1x128xf32, #tpu.memory_space<vmem>>, %arg5: memref<128x128xf32, #tpu.memory_space<vmem>>, %arg6: memref<1x128xf32, #tpu.memory_space<vmem>>, %arg7: memref<5000x128xf32, #tpu.memory_space<vmem>>) attributes {dimension_semantics = [#tpu.dimension_semantics<arbitrary>], iteration_bounds = array<i64: 2>, scalar_prefetch = 0 : i64, scratch_operands = 0 : i64, tpu.core_type = #tpu.core_type<tc>, window_params = [{transform_indices = @transform_0, window_bounds = array<i64: 5000, 128>}, {transform_indices = @transform_1, window_bounds = array<i64: 5000, 128>}, {pipeline_mode = #tpu.pipeline_mode<synchronous>, transform_indices = @transform_2, window_bounds = array<i64: 128, 128>}, {pipeline_mode = #tpu.pipeline_mode<synchronous>, transform_indices = @transform_3, window_bounds = array<i64: 1, 128>}, {pipeline_mode = #tpu.pipeline_mode<synchronous>, transform_indices = @transform_4, window_bounds = array<i64: 128, 128>}, {pipeline_mode = #tpu.pipeline_mode<synchronous>, transform_indices = @transform_5, window_bounds = array<i64: 1, 128>}, {transform_indices = @transform_6, window_bounds = array<i64: 5000, 128>}]} {
    %get3A = arith.constant 0 : index
    %get3A_0 = arith.constant 0 : index
    %get3A_1 = vector.load %arg1[%get3A, %get3A_0] : memref<5000x128xf32, #tpu.memory_space<vmem>>, vector<5000x128xf32>
    %get3A_2 = arith.constant 0 : index
    %get3A_3 = arith.constant 0 : index
    %get3A_4 = vector.load %arg2[%get3A_2, %get3A_3] : memref<5000x128xf32, #tpu.memory_space<vmem>>, vector<5000x128xf32>
    %add3A = arith.addf %get3A_1, %get3A_4 : vector<5000x128xf32>
    %get3A_5 = arith.constant 0 : index
    %get3A_6 = arith.constant 0 : index
    %get3A_7 = vector.load %arg3[%get3A_5, %get3A_6] : memref<128x128xf32, #tpu.memory_space<vmem>>, vector<128x128xf32>
    %dot_general3A = arith.constant dense<0.000000e+00> : vector<5000x128xf32>
    %dot_general3A_8 = tpu.matmul %add3A, %get3A_7, %dot_general3A {dimension_numbers = #tpu.dot_dimension_numbers<[1], [0], [0], [1], [0, 0, 1, 1], [], []>, transpose_lhs_hint = false} : vector<5000x128xf32>, vector<128x128xf32>, vector<5000x128xf32> -> vector<5000x128xf32>
    %get3A_9 = arith.constant 0 : index
    %get3A_10 = arith.constant 0 : index
    %get3A_11 = vector.load %arg4[%get3A_9, %get3A_10] : memref<1x128xf32, #tpu.memory_space<vmem>>, vector<1x128xf32>
    %add3A_12 = vector.broadcast %get3A_11 : vector<1x128xf32> to vector<5000x128xf32>
    %add3A_13 = arith.addf %dot_general3A_8, %add3A_12 : vector<5000x128xf32>
    %max3A = arith.constant 0.000000e+00 : f32
    %max3A_14 = vector.broadcast %max3A : f32 to vector<5000x128xf32>
    %max3A_15 = arith.maximumf %add3A_13, %max3A_14 : vector<5000x128xf32>
    %get3A_16 = arith.constant 0 : index
    %get3A_17 = arith.constant 0 : index
    %get3A_18 = vector.load %arg5[%get3A_16, %get3A_17] : memref<128x128xf32, #tpu.memory_space<vmem>>, vector<128x128xf32>
    %dot_general3A_19 = arith.constant dense<0.000000e+00> : vector<5000x128xf32>
    %dot_general3A_20 = tpu.matmul %max3A_15, %get3A_18, %dot_general3A_19 {dimension_numbers = #tpu.dot_dimension_numbers<[1], [0], [0], [1], [0, 0, 1, 1], [], []>, transpose_lhs_hint = false} : vector<5000x128xf32>, vector<128x128xf32>, vector<5000x128xf32> -> vector<5000x128xf32>
    %get3A_21 = arith.constant 0 : index
    %get3A_22 = arith.constant 0 : index
    %get3A_23 = vector.load %arg6[%get3A_21, %get3A_22] : memref<1x128xf32, #tpu.memory_space<vmem>>, vector<1x128xf32>
    %add3A_24 = vector.broadcast %get3A_23 : vector<1x128xf32> to vector<5000x128xf32>
    %add3A_25 = arith.addf %dot_general3A_20, %add3A_24 : vector<5000x128xf32>
    %max3A_26 = arith.constant 0.000000e+00 : f32
    %max3A_27 = vector.broadcast %max3A_26 : f32 to vector<5000x128xf32>
    %max3A_28 = arith.maximumf %add3A_25, %max3A_27 : vector<5000x128xf32>
    %swap3A = arith.constant 0 : index
    %swap3A_29 = arith.constant 0 : index
    %swap3A_30 = vector.load %arg7[%swap3A, %swap3A_29] : memref<5000x128xf32, #tpu.memory_space<vmem>>, vector<5000x128xf32>
    tpu.vector_store %arg7[%swap3A, %swap3A_29], %max3A_28 {strides = array<i32>} : memref<5000x128xf32, #tpu.memory_space<vmem>>, vector<5000x128xf32>,
    return
  }
  func.func @transform_0(%arg0: i32) -> (i32, i32) {
    %c0_i32 = arith.constant 0 : i32
    %c0_i32_0 = arith.constant 0 : i32
    return %arg0, %c0_i32 : i32, i32
  }
  func.func @transform_1(%arg0: i32) -> (i32, i32) {
    %c0_i32 = arith.constant 0 : i32
    %c0_i32_0 = arith.constant 0 : i32
    return %arg0, %c0_i32 : i32, i32
  }
  func.func @transform_2(%arg0: i32) -> (i32, i32) {
    %c0_i32 = arith.constant 0 : i32
    %c0_i32_0 = arith.constant 0 : i32
    %c0_i32_1 = arith.constant 0 : i32
    return %c0_i32, %c0_i32_0 : i32, i32
  }
  func.func @transform_3(%arg0: i32) -> (i32, i32) {
    %c0_i32 = arith.constant 0 : i32
    %c0_i32_0 = arith.constant 0 : i32
    %c0_i32_1 = arith.constant 0 : i32
    return %c0_i32, %c0_i32_0 : i32, i32
  }
  func.func @transform_4(%arg0: i32) -> (i32, i32) {
    %c0_i32 = arith.constant 0 : i32
    %c0_i32_0 = arith.constant 0 : i32
    %c0_i32_1 = arith.constant 0 : i32
    return %c0_i32, %c0_i32_0 : i32, i32
  }
  func.func @transform_5(%arg0: i32) -> (i32, i32) {
    %c0_i32 = arith.constant 0 : i32
    %c0_i32_0 = arith.constant 0 : i32
    %c0_i32_1 = arith.constant 0 : i32
    return %c0_i32, %c0_i32_0 : i32, i32
  }
  func.func @transform_6(%arg0: i32) -> (i32, i32) {
    %c0_i32 = arith.constant 0 : i32
    %c0_i32_0 = arith.constant 0 : i32
    return %arg0, %c0_i32 : i32, i32
  }
}

module attributes {stable_mosaic.version = 14 : i64} {
  func.func @_mlp3_body(%arg0: i32, %arg1: memref<5000x128xf32, #tpu.memory_space<vmem>>, %arg2: memref<5000x128xf32, #tpu.memory_space<vmem>>, %arg3: memref<128x128xf32, #tpu.memory_space<vmem>>, %arg4: memref<1x128xf32, #tpu.memory_space<vmem>>, %arg5: memref<128x128xf32, #tpu.memory_space<vmem>>, %arg6: memref<1x128xf32, #tpu.memory_space<vmem>>, %arg7: memref<128x128xf32, #tpu.memory_space<vmem>>, %arg8: memref<1x128xf32, #tpu.memory_space<vmem>>, %arg9: memref<5000x128xf32, #tpu.memory_space<vmem>>) attributes {dimension_semantics = [#tpu.dimension_semantics<arbitrary>], iteration_bounds = array<i64: 2>, scalar_prefetch = 0 : i64, scratch_operands = 0 : i64, tpu.core_type = #tpu.core_type<tc>, window_params = [{transform_indices = @transform_0, window_bounds = array<i64: 5000, 128>}, {transform_indices = @transform_1, window_bounds = array<i64: 5000, 128>}, {pipeline_mode = #tpu.pipeline_mode<synchronous>, transform_indices = @transform_2, window_bounds = array<i64: 128, 128>}, {pipeline_mode = #tpu.pipeline_mode<synchronous>, transform_indices = @transform_3, window_bounds = array<i64: 1, 128>}, {pipeline_mode = #tpu.pipeline_mode<synchronous>, transform_indices = @transform_4, window_bounds = array<i64: 128, 128>}, {pipeline_mode = #tpu.pipeline_mode<synchronous>, transform_indices = @transform_5, window_bounds = array<i64: 1, 128>}, {pipeline_mode = #tpu.pipeline_mode<synchronous>, transform_indices = @transform_6, window_bounds = array<i64: 128, 128>}, {pipeline_mode = #tpu.pipeline_mode<synchronous>, transform_indices = @transform_7, window_bounds = array<i64: 1, 128>}, {transform_indices = @transform_8, window_bounds = array<i64: 5000, 128>}]} {
    %get3A = arith.constant 0 : index
    %get3A_0 = arith.constant 0 : index
    %get3A_1 = vector.load %arg1[%get3A, %get3A_0] : memref<5000x128xf32, #tpu.memory_space<vmem>>, vector<5000x128xf32>
    %get3A_2 = arith.constant 0 : index
    %get3A_3 = arith.constant 0 : index
    %get3A_4 = vector.load %arg2[%get3A_2, %get3A_3] : memref<5000x128xf32, #tpu.memory_space<vmem>>, vector<5000x128xf32>
    %add3A = arith.addf %get3A_1, %get3A_4 : vector<5000x128xf32>
    %get3A_5 = arith.constant 0 : index
    %get3A_6 = arith.constant 0 : index
    %get3A_7 = vector.load %arg3[%get3A_5, %get3A_6] : memref<128x128xf32, #tpu.memory_space<vmem>>, vector<128x128xf32>
    %dot_general3A = arith.constant dense<0.000000e+00> : vector<5000x128xf32>
    %dot_general3A_8 = tpu.matmul %add3A, %get3A_7, %dot_general3A {dimension_numbers = #tpu.dot_dimension_numbers<[1], [0], [0], [1], [0, 0, 1, 1], [], []>, transpose_lhs_hint = false} : vector<5000x128xf32>, vector<128x128xf32>, vector<5000x128xf32> -> vector<5000x128xf32>
    %get3A_9 = arith.constant 0 : index
    %get3A_10 = arith.constant 0 : index
    %get3A_11 = vector.load %arg4[%get3A_9, %get3A_10] : memref<1x128xf32, #tpu.memory_space<vmem>>, vector<1x128xf32>
    %add3A_12 = vector.broadcast %get3A_11 : vector<1x128xf32> to vector<5000x128xf32>
    %add3A_13 = arith.addf %dot_general3A_8, %add3A_12 : vector<5000x128xf32>
    %max3A = arith.constant 0.000000e+00 : f32
    %max3A_14 = vector.broadcast %max3A : f32 to vector<5000x128xf32>
    %max3A_15 = arith.maximumf %add3A_13, %max3A_14 : vector<5000x128xf32>
    %get3A_16 = arith.constant 0 : index
    %get3A_17 = arith.constant 0 : index
    %get3A_18 = vector.load %arg5[%get3A_16, %get3A_17] : memref<128x128xf32, #tpu.memory_space<vmem>>, vector<128x128xf32>
    %dot_general3A_19 = arith.constant dense<0.000000e+00> : vector<5000x128xf32>
    %dot_general3A_20 = tpu.matmul %max3A_15, %get3A_18, %dot_general3A_19 {dimension_numbers = #tpu.dot_dimension_numbers<[1], [0], [0], [1], [0, 0, 1, 1], [], []>, transpose_lhs_hint = false} : vector<5000x128xf32>, vector<128x128xf32>, vector<5000x128xf32> -> vector<5000x128xf32>
    %get3A_21 = arith.constant 0 : index
    %get3A_22 = arith.constant 0 : index
    %get3A_23 = vector.load %arg6[%get3A_21, %get3A_22] : memref<1x128xf32, #tpu.memory_space<vmem>>, vector<1x128xf32>
    %add3A_24 = vector.broadcast %get3A_23 : vector<1x128xf32> to vector<5000x128xf32>
    %add3A_25 = arith.addf %dot_general3A_20, %add3A_24 : vector<5000x128xf32>
    %max3A_26 = arith.constant 0.000000e+00 : f32
    %max3A_27 = vector.broadcast %max3A_26 : f32 to vector<5000x128xf32>
    %max3A_28 = arith.maximumf %add3A_25, %max3A_27 : vector<5000x128xf32>
    %get3A_29 = arith.constant 0 : index
    %get3A_30 = arith.constant 0 : index
    %get3A_31 = vector.load %arg7[%get3A_29, %get3A_30] : memref<128x128xf32, #tpu.memory_space<vmem>>, vector<128x128xf32>
    %dot_general3A_32 = arith.constant dense<0.000000e+00> : vector<5000x128xf32>
    %dot_general3A_33 = tpu.matmul %max3A_28, %get3A_31, %dot_general3A_32 {dimension_numbers = #tpu.dot_dimension_numbers<[1], [0], [0], [1], [0, 0, 1, 1], [], []>, transpose_lhs_hint = false} : vector<5000x128xf32>, vector<128x128xf32>, vector<5000x128xf32> -> vector<5000x128xf32>
    %get3A_34 = arith.constant 0 : index
    %get3A_35 = arith.constant 0 : index
    %get3A_36 = vector.load %arg8[%get3A_34, %get3A_35] : memref<1x128xf32, #tpu.memory_space<vmem>>, vector<1x128xf32>
    %add3A_37 = vector.broadcast %get3A_36 : vector<1x128xf32> to vector<5000x128xf32>
    %add3A_38 = arith.addf %dot_general3A_33, %add3A_37 : vector<5000x128xf32>
    %swap3A = arith.constant 0 : index
    %swap3A_39 = arith.constant 0 : index
    %swap3A_40 = vector.load %arg9[%swap3A, %swap3A_39] : memref<5000x128xf32, #tpu.memory_space<vmem>>, vector<5000x128xf32>
    tpu.vector_store %arg9[%swap3A, %swap3A_39], %add3A_38 {strides = array<i32>} : memref<5000x128xf32, #tpu.memory_space<vmem>>, vector<5000x128xf32>,
    return
  }
  func.func @transform_0(%arg0: i32) -> (i32, i32) {
    %c0_i32 = arith.constant 0 : i32
    %c0_i32_0 = arith.constant 0 : i32
    return %arg0, %c0_i32 : i32, i32
  }
  func.func @transform_1(%arg0: i32) -> (i32, i32) {
    %c0_i32 = arith.constant 0 : i32
    %c0_i32_0 = arith.constant 0 : i32
    return %arg0, %c0_i32 : i32, i32
  }
  func.func @transform_2(%arg0: i32) -> (i32, i32) {
    %c0_i32 = arith.constant 0 : i32
    %c0_i32_0 = arith.constant 0 : i32
    %c0_i32_1 = arith.constant 0 : i32
    return %c0_i32, %c0_i32_0 : i32, i32
  }
  func.func @transform_3(%arg0: i32) -> (i32, i32) {
    %c0_i32 = arith.constant 0 : i32
    %c0_i32_0 = arith.constant 0 : i32
    %c0_i32_1 = arith.constant 0 : i32
    return %c0_i32, %c0_i32_0 : i32, i32
  }
  func.func @transform_4(%arg0: i32) -> (i32, i32) {
    %c0_i32 = arith.constant 0 : i32
    %c0_i32_0 = arith.constant 0 : i32
    %c0_i32_1 = arith.constant 0 : i32
    return %c0_i32, %c0_i32_0 : i32, i32
  }
  func.func @transform_5(%arg0: i32) -> (i32, i32) {
    %c0_i32 = arith.constant 0 : i32
    %c0_i32_0 = arith.constant 0 : i32
    %c0_i32_1 = arith.constant 0 : i32
    return %c0_i32, %c0_i32_0 : i32, i32
  }
  func.func @transform_6(%arg0: i32) -> (i32, i32) {
    %c0_i32 = arith.constant 0 : i32
    %c0_i32_0 = arith.constant 0 : i32
    %c0_i32_1 = arith.constant 0 : i32
    return %c0_i32, %c0_i32_0 : i32, i32
  }
  func.func @transform_7(%arg0: i32) -> (i32, i32) {
    %c0_i32 = arith.constant 0 : i32
    %c0_i32_0 = arith.constant 0 : i32
    %c0_i32_1 = arith.constant 0 : i32
    return %c0_i32, %c0_i32_0 : i32, i32
  }
  func.func @transform_8(%arg0: i32) -> (i32, i32) {
    %c0_i32 = arith.constant 0 : i32
    %c0_i32_0 = arith.constant 0 : i32
    return %arg0, %c0_i32 : i32, i32
  }
}

</mosaic_0001>

<sc_bundles>
// kernel: kernel.6.cloned.1.call-start
scs
__scs_entry_jumppad:
0x0: {  	(pc) =	sbr.rel $0x88, $3  }
0x1: {  	(tag) =	ssettag $0x0;
	lr =	simm.s32 $0x1  }
0x2: {  	[smem:$0x3F95] =	sst lr;
	_ =	strace $0xD0000000  }
0x3: {  	_ = 	snop  }
0x4: {  	_ = 	snop  }
0x5: {  	_ = 	snop  }
0x6: {  	_ = 	snop  }
0x7: {  	_ = 	snop  }
__scs_overlays_trampoline_lowered:
0x8: {  	[smem:$0x3FA4] =	sst s0  }
0x9: {  	[smem:$0x3FA5] =	sst s1  }
0xa: {  	[smem:$0x3FA6] =	sst s2  }
0xb: {  	[smem:$0x3FA7] =	sst s3  }
0xc: {  	[smem:$0x3FA8] =	sst s4  }
0xd: {  	[smem:$0x3FA9] =	sst s5  }
0xe: {  	[smem:$0x3FAA] =	sst s6  }
0xf: {  	[smem:$0x3FAB] =	sst s7  }
0x10: {  	[smem:$0x3FAC] =	sst s8  }
0x11: {  	[smem:$0x3FAD] =	sst s9;
	s0 =	simm.s32 @!p0 $0x0  }
0x12: {  	s1 =	sld [smem:$0x3F93];
	s0 =	simm.s32 @p0 $0x1  }
0x13: {  	[smem:$0x3FAE] =	sst s0;
	s0 =	simm.s32 @!p1 $0x0  }
0x14: {  	s2 =	sld [smem:$0x3F92];
	s0 =	simm.s32 @p1 $0x1  }
0x15: {  	[smem:$0x3FAF] =	sst s0;
	s0 =	simm.s32 @!p2 $0x0  }
0x16: {  	s3 =	sld [smem:$0x3FDB];
	s0 =	simm.s32 @p2 $0x1  }
0x17: {  	s4 =	simm.s32 $0x1BF5;
	[smem:$0x3FB1] =	sst s0  }
0x18: {  	s0 =	sld [smem:$0x3F94];
	_ =	swait.ge [sflag:s4], $0x0  }
0x19: {  	s7 =	sld [smem:$0x3F95]  }
0x1a: {  	s8 =	sadd.s32 $0xFFFFE003, lr  }
0x1b: {  	s9 =	sadd.s32 $0xFFFFFEF7, lr;
	s5 =	simm.s32 $0xFFFFFFFF;
	p2 =	slt.u32 s8, $0xFFFFF086  }
0x1c: {  	p1 =	slt.u32 s9, $0xF7A;
	s5 =	simm.s32 @!p2 $0x0  }
0x1d: {  	s5 =	simm.s32 @p1 $0x1;
	p0 =	seq.s32 s7, s2  }
0x1e: {  	s7 =	smul.u32 @!p0 $0xF7A, s2;
	p2 =	seq.s32 @!p0 s5, $0x0  }
0x1f: {  	s9 =	smul.u32 $0xF7A, s1;
	s8 =	simm.s32 @!p0 $0x1BF5;
	p2 =	por !p2, p0  }
0x20: {  	[sflag:s8] =	ssyncset.s32 @!p0 $0xFFFFF086;
	s6 =	sadd.s32 @!p0 s3, s7;
	s7 =	simm.s32 @!p0 $0x108  }
0x21: {  	s3 =	sadd.s32 s3, s9;
	s6 =	sadd.s32 @!p0 $0x88, s6;
	s7 =	simm.s32 @p2 $0x1082  }
0x22: {  	[simem:s7], [sflag:s8] =	dma.local @!p0 [hbm:s6], $0xF7A  }
0x23: {  	s9 =	sor.u32 $0xD0000000, s2;
	s6 =	simm.s32 $0x108;
	_ =	swait.ge @!p0 [sflag:s8], $0x0  }
0x24: {  	s3 =	sadd.s32 $0x88, s3;
	s6 =	simm.s32 @!p1 $0x1082;
	[sflag:s4] =	ssyncset.s32 $0xFFFFF086  }
0x25: {  	[simem:s6], [sflag:s4] =	dma.local [hbm:s3], $0xF7A  }
0x26: {  	[smem:$0x3F95] =	sst s1;
	(tag) =	ssettag s2;
	_ =	strace s9  }
0x27: {  	s1 =	sld [smem:$0x3FA5]  }
0x28: {  	s2 =	sld [smem:$0x3FA6]  }
0x29: {  	s4 =	sld [smem:$0x3FA8]  }
0x2a: {  	p0 =	seq.s32 s5, $0x0;
	s5 =	sld [smem:$0x3FA9]  }
0x2b: {  	s6 =	sld [smem:$0x3FAA]  }
0x2c: {  	s7 =	sld [smem:$0x3FAB]  }
0x2d: {  	s3 =	simm.s32 $0x108;
	s8 =	sld [smem:$0x3FAC]  }
0x2e: {  	s3 =	simm.s32 @!p0 $0x1082;
	s9 =	sld [smem:$0x3FAD]  }
0x2f: {  	lr =	sadd.s32 s0, s3;
	s0 =	sld [smem:$0x3FA4]  }
0x30: {  	s3 =	sld [smem:$0x3FA7]  }
0x31: {  	[smem:$0x3FB0] =	sst s10  }
0x32: {  	s10 =	sld [smem:$0x3FAE];
	_ =	sdelay $0x3  }
0x33: {  	p0 =	seq.s32 s10, $0x1;
	s10 =	sld [smem:$0x3FB0];
	_ =	sdelay $0x3  }
0x34: {  	[smem:$0x3FB0] =	sst s10  }
0x35: {  	s10 =	sld [smem:$0x3FAF];
	_ =	sdelay $0x3  }
0x36: {  	p1 =	seq.s32 s10, $0x1;
	s10 =	sld [smem:$0x3FB0];
	_ =	sdelay $0x3  }
0x37: {  	[smem:$0x3FB0] =	sst s10  }
0x38: {  	s10 =	sld [smem:$0x3FB1]  }
0x39: {  	_ = 	snop;
	(pc) =	sbr.ind lr, $3  }
0x3a: {  	_ = 	snop  }
0x3b: {  	_ = 	snop  }
0x3c: {  	p2 =	seq.s32 s10, $0x1;
	s10 =	sld [smem:$0x3FB0]  }
0x3d: {  	_ =	shalt  }
0x3e: {  	_ =	shalt  }
0x3f: {  	_ =	shalt  }
0x40: {  	_ =	shalt  }
0x41: {  	_ =	shalt  }
0x42: {  	_ =	shalt  }
0x43: {  	_ =	shalt  }
0x44: {  	_ =	shalt  }
0x45: {  	_ =	shalt  }
0x46: {  	_ =	shalt  }
0x47: {  	_ =	shalt  }
0x48: {  	_ =	shalt  }
0x49: {  	_ =	shalt  }
0x4a: {  	_ =	shalt  }
0x4b: {  	_ =	shalt  }
0x4c: {  	_ =	shalt  }
0x4d: {  	_ =	shalt  }
0x4e: {  	_ =	shalt  }
0x4f: {  	_ =	shalt  }
0x50: {  	_ =	shalt  }
0x51: {  	_ =	shalt  }
0x52: {  	_ =	shalt  }
0x53: {  	_ =	shalt  }
0x54: {  	_ =	shalt  }
0x55: {  	_ =	shalt  }
0x56: {  	_ =	shalt  }
0x57: {  	_ =	shalt  }
0x58: {  	_ =	shalt  }
0x59: {  	_ =	shalt  }
0x5a: {  	_ =	shalt  }
0x5b: {  	_ =	shalt  }
0x5c: {  	_ =	shalt  }
0x5d: {  	_ =	shalt  }
0x5e: {  	_ =	shalt  }
0x5f: {  	_ =	shalt  }
0x60: {  	_ =	shalt  }
0x61: {  	_ =	shalt  }
0x62: {  	_ =	shalt  }
0x63: {  	_ =	shalt  }
0x64: {  	_ =	shalt  }
0x65: {  	_ =	shalt  }
0x66: {  	_ =	shalt  }
0x67: {  	_ =	shalt  }
0x68: {  	_ =	shalt  }
0x69: {  	_ =	shalt  }
0x6a: {  	_ =	shalt  }
0x6b: {  	_ =	shalt  }
0x6c: {  	_ =	shalt  }
0x6d: {  	_ =	shalt  }
0x6e: {  	_ =	shalt  }
0x6f: {  	_ =	shalt  }
0x70: {  	_ =	shalt  }
0x71: {  	_ =	shalt  }
0x72: {  	_ =	shalt  }
0x73: {  	_ =	shalt  }
0x74: {  	_ =	shalt  }
0x75: {  	_ =	shalt  }
0x76: {  	_ =	shalt  }
0x77: {  	_ =	shalt  }
0x78: {  	_ =	shalt  }
0x79: {  	_ =	shalt  }
0x7a: {  	_ =	shalt  }
0x7b: {  	_ =	shalt  }
0x7c: {  	_ =	shalt  }
0x7d: {  	_ =	shalt  }
0x7e: {  	_ =	shalt  }
0x7f: {  	_ =	shalt  }
0x80: {  	_ =	shalt  }
0x81: {  	_ =	shalt  }
0x82: {  	_ =	shalt  }
0x83: {  	_ =	shalt  }
0x84: {  	_ =	shalt  }
0x85: {  	_ =	shalt  }
0x86: {  	_ =	shalt  }
0x87: {  	_ =	shalt  }
.Lfunc_end0:
.L_simem_size_0:
called_computation_lowered:
.L_overlay_start_0:
0x88: {  	s2 =	sld [smem:$0x3FD9]  }
0x89: {  	s3 =	sld [smem:$0x3FFE];
	_ =	sdelay $0x1  }
0x8a: {  	s1 =	srdreg.scid  }
0x8b: {  	s0 =	sand.u32 $0x1, s1  }
0x8c: {  	s17 =	sshll.u32 s0, $0xA;
	s2 =	sadd.s32 s3, s2  }
0x8d: {  	s2 =	sadd.s32 s2, s17  }
0x8e: {  	[smem:$0x3FBC] =	sst s2  }
0x8f: {  	_ = 	snop  }
0x90: {  	s2 =	sld [smem:$0x3FD0];
	(tm) =	ssettm $0x1  }
0x91: {  	s18 =	sld [smem:$0x3FFB];
	_ =	sdelay $0x3  }
0x92: {  	_ =	strace s18  }
0x93: {  	s3 =	sld [smem:$0x3FFC];
	_ =	sdelay $0x3  }
0x94: {  	_ =	strace s3  }
0x95: {  	s3 =	sld [smem:$0x3FFD];
	_ =	sdelay $0x3  }
0x96: {  	_ =	strace s3  }
0x97: {  	_ =	strace $0x8FFFFFFF  }
0x98: {  	s19 =	sld [smem:$0x3FDB];
	_ =	sdelay $0x1  }
0x99: {  	s4 =	simm.s32 $_scs_section_size  }
0x9a: {  	s5 =	simm.s32 $_size__tile_overlayer_lowered;
	s6 =	simm.s32 $_tile_overlayer_lowered  }
0x9b: {  	s22 =	simm.s32 $0x1BFF;
	s21 =	sshll.u32 s6, $0x1;
	s3 =	sadd.s32 s4, s19  }
0x9c: {  	s7 =	simm.s32 $0x0;
	s20 =	sshll.u32 s5, $0x1;
	s5 =	sadd.s32 s21, s3  }
0x9d: {  	[timem:s7], [sflag:s22] =	dma.local [hbm:s5], s20  }
0x9e: {  	_ =	swait.ge [sflag:s22], s20  }
0x9f: {  	s4 =	ssub.s32 $0x0, s20;
	[sflag:s22] =	ssyncset.done $0x0  }
0xa0: {  	[sflag:s22] =	ssyncadd.s32 s4;
	_ =	sdelay $0x1  }
0xa1: {  	s23 =	simm.s32 $0x1B8B  }
0xa2: {  	_ =	swait.ge [sflag:s23], $0x1  }
0xa3: {  	[sflag:s23] =	ssyncset.done $0x0  }
0xa4: {  	s25 =	simm.s32 $0x1B8E;
	s24 =	sld [smem:$0x3FFE];
	[sflag:s23] =	ssyncadd.s32 $0xFFFFFFFF  }
0xa5: {  	s26 =	simm.s32 $execute0_lowered;
	[smem:$0x3FD2] =	sst s25  }
0xa6: {  	s5 =	sshll.u32 s26, $0x1;
	_ =	strace $0x80000046;
	[dreg:$0x1] =	wrdreg $0xFFFFFFFF  }
0xa7: {  	s28 =	simm.s32 $_size_execute0_lowered;
	s3 =	sadd.s32 s3, s5;
	[dreg:$0x0] =	wrdreg $0x0  }
0xa8: {  	s5 =	sshll.u32 s28, $0x1;
	[dreg:$0x2] =	wrdreg s3  }
0xa9: {  	[dreg:$0x3] =	wrdreg s5  }
0xaa: {  	[dreg:$0x4] =	wrdreg $0xC0  }
0xab: {  	_ =	task [dreg:s7], $0x5FFFF  }
0xac: {  	[dreg:$0x1] =	wrdreg $0xFFFFFFFF  }
0xad: {  	[dreg:$0x0] =	wrdreg $0x60  }
0xae: {  	[dreg:$0x2] =	wrdreg s24  }
0xaf: {  	[dreg:$0x3] =	wrdreg s2  }
0xb0: {  	[dreg:$0x4] =	wrdreg $0xB4000  }
0xb1: {  	[dreg:$0x5] =	wrdreg $0x152000  }
0xb2: {  	[dreg:$0x6] =	wrdreg $0x9  }
0xb3: {  	_ =	task.clear_ibuf [dreg:s7], $0x7FFFF;
	_ =	strace $0x90000046  }
0xb4: {  	s29 =	simm.s32 $0x9;
	_ =	strace $0x80000048  }
0xb5: {  	_ =	swait.ge [sflag:s29], $0x1  }
0xb6: {  	[sflag:s29] =	ssyncadd.s32 $0xFFFFFFFF  }
0xb7: {  	_ =	strace $0x90000048  }
0xb8: {  	_ =	sfence  }
0xb9: {  	s30 =	sld [smem:$0x0];
	_ =	sdelay $0x2  }
0xba: {  	s31 =	sshll.u32 s1, $0xD;
	s1 =	sshrl.u32 s1, $0x2  }
0xbb: {  	s3 =	sand.u32 $0x4000, s31;
	s1 =	sadd.s32 s1, s30  }
0xbc: {  	s0 =	sor.u32 s3, s0;
	s1 =	sshll.u32 s1, $0x11  }
0xbd: {  	s0 =	sor.u32 s1, s0  }
0xbe: {  	s0 =	sadd.s32 $0x8F2B, s0  }
0xbf: {  	[sflag:s0] =	ssyncadd.remote.s32 $0x1  }
0xc0: {  	_ =	sfence.sel $0xFFFF  }
0xc1: {  	[dreg:$0x0] =	wrdreg $0xFFFFFFFF;
	(pc) =	sbr.abs _section_cstart, $3  }
0xc2: {  	[dreg:$0x1] =	wrdreg $0xFFFFFFFF  }
0xc3: {  	_ =	task.clear_ibuf [dreg:s7], $0x2FFFF;
	_ =	strace $0x9FFFFFFF  }
0xc4: {  	(tm) =	ssettm $0x7FFFFFFF  }
0xc5: {  	_ =	shalt  }
tec
execute0_lowered:
.L_overlay_start_1:
0x0: {  	(tag) =	ssettag $0x1  }
0x1: {  	s0 =	rddreg [dreg:$0x0]  }
0x2: {  	s1 =	rddreg [dreg:$0x1]  }
0x3: {  	s2 =	rddreg [dreg:$0x2]  }
0x4: {  	s3 =	rddreg [dreg:$0x3];
	s11 =	stileid.u32  }
0x5: {  	s4 =	srdreg.scid;
	s8 =	simm.s32 $0x0;
	s5 =	smul.u32 $0x13C00, s11  }
0x6: {  	s14 =	simm.s32 $0x1;
	s15 =	simm.s32 $0x8;
	s7 =	smul.u32 $0xA000, s11  }
0x7: {  	s28 =	simm.s32 $0x7400;
	s29 =	simm.s32 $0x9400;
	s16 =	smul.u32 $0x14000, s11  }
0x8: {  	s30 =	simm.s32 $0x6;
	s31 =	simm.s32 $0x2;
	s17 =	smul.u32 $0x27800, s11  }
0x9: {  	s4 =	sand.u32 $0x1, s4;
	[smem:$0x7FF] =	sst s8;
	s20 =	smul.u32 $0x5000, s11  }
0xa: {  	s21 =	sshll.u32 s11, $0x6;
	s23 =	smul.u32 $0xA00, s11;
	s8 =	simm.s32 $0x10  }
0xb: {  	s6 =	sshll.u32 s4, $0x6;
	_ =	strace $0x80000047;
	s4 =	ssub.s32 $0x2, s4  }
0xc: {  	s5 =	sor.u32 s6, s5;
	s9 =	sshrl.u32 s7, $0x3;
	s6 =	sor.u32 s6, s16  }
0xd: {  	s18 =	sshrl.u32 s4, $0x1;
	s19 =	sshrl.u32 s17, $0x2;
	s22 =	sshrl.u32 s20, $0x3  }
0xe: {  	s7 =	sadd.s32 s7, s3;
	s24 =	sadd.s32 s23, s1;
	s23 =	simm.s32 $0x3400  }
0xf: {  	s5 =	sshrl.u32 s5, $0x3;
	s6 =	sshrl.u32 s6, $0x3;
	s9 =	sadd.s32 s9, s0  }
0x10: {  	s4 =	ssub.s32 s4, s18;
	s10 =	sadd.s32 s19, s2;
	s7 =	sshrl.u32 s7, $0x3  }
0x11: {  	s19 =	simm.s32 $0x4;
	s9 =	sadd.s32 $0x2A400, s9;
	[dreg:$0xe] =	wrdreg s7  }
0x12: {  	s5 =	sadd.s32 s5, s0;
	s25 =	smax.u32 s4, $0x1;
	[dreg:$0x7] =	wrdreg s9  }
0x13: {  	s0 =	sadd.s32 s6, s0;
	s26 =	sshrl.u32 s10, $0x3;
	[dreg:$0xb] =	wrdreg s25  }
0x14: {  	s6 =	sor.u32 $0x1C0C, s21;
	s21 =	simm.s32 $0x80;
	[dreg:$0xd] =	wrdreg s26  }
0x15: {  	s5 =	sadd.s32 $0x2C00, s5;
	s0 =	sadd.s32 $0x3E400, s0;
	[dreg:$0x6] =	wrdreg s6  }
0x16: {  	s9 =	simm.s32 $0xC;
	s25 =	simm.s32 $0x5400;
	[dreg:$0x5] =	wrdreg s5  }
0x17: {  	s26 =	simm.s32 $0x5;
	s5 =	sadd.s32 s1, s22;
	[dreg:$0xa] =	wrdreg s0  }
0x18: {  	s0 =	sadd.s32 $0xA0A0, s24;
	s1 =	simm.s32 $0x3;
	[dreg:$0x8] =	wrdreg s5  }
0x19: {  	s24 =	simm.s32 $0x9;
	s5 =	sadd.s32 $0xA000, s5;
	[dreg:$0xc] =	wrdreg s0  }
0x1a: {  	s0 =	simm.s32 $0x7;
	[dreg:$0x9] =	wrdreg s5;
	s5 =	simm.s32 $0x0  }
.LBB2_1:
0x1b: {  	[dreg:$0xf] =	wrdreg s5  }
0x1c: {  	s4 =	rddreg [dreg:$0x5]  }
0x1d: {  	s22 =	rddreg [dreg:$0xd]  }
0x1e: {  	[spmem:s22@s15], [sflag:s6] =	dma.strided [hbm:s4@s8], $0x13C0, s14, $0x8   }
0x1f: {  	_ =	swait.ge [sflag:s9], $0x13C0  }
0x20: {  	[sflag:s9] =	ssyncset.done $0x0  }
0x21: {  	s8 =	rddreg [dreg:$0x7];
	[sflag:s9] =	ssyncadd.s32 $0xFFFFEC40  }
0x22: {  	[spmem:s7], [sflag:s6] =	dma.local [hbm:s8], $0x1400  }
0x23: {  	_ =	swait.ge [sflag:s9], $0x1400  }
0x24: {  	[sflag:s9] =	ssyncset.done $0x0  }
0x25: {  	[sflag:s9] =	ssyncadd.s32 $0xFFFFEC00  }
0x26: {  	[bflag:$0x0] =	sbarrier.arrive $0xFFFF  }
0x27: {  	s10 =	simm.s32 $0x0;
	s12 =	rddreg [dreg:$0x8]  }
0x28: {  	[tilespmem:s10], [sflag:$0xB] =	stream.linear.gather [hbm4b:s12+s10], $0x500, $0x38;
	[tilespmem:$0x1F200] =	vst v63  }
0x29: {  	s16 =	simm.s32 $0xA00;
	s17 =	simm.s32 $0xB;
	s13 =	rddreg [dreg:$0x9]  }
0x2a: {  	[tilespmem:s16], [sflag:$0xB] =	stream.linear.gather [hbm4b:s13+s10], $0x500, $0x38;
	[tilespmem:$0x1F200] =	vst v63  }
0x2b: {  	_ =	swait.ge [sflag:s17], $0x500  }
0x2c: {  	[sflag:s17] =	ssyncset.done $0x0  }
0x2d: {  	[sflag:s17] =	ssyncadd.s32 $0xFFFFFB00  }
0x2e: {  	_ =	swait.ge [sflag:s17], $0x500  }
0x2f: {  	[sflag:s17] =	ssyncset.done $0x0  }
0x30: {  	s11 =	simm.s32 $0x1400;
	[sflag:s17] =	ssyncadd.s32 $0xFFFFFB00  }
0x31: {  	[tilespmem:s11], [sflag:$0x1] =	stream.indirect.gather [spmem:s2], $0x40, s10, s21, $0xb8;
	[tilespmem:$0x1F200] =	vst v63  }
0x32: {  	p0 =	por $0x1, $0x1  }
0x33: {  	[tilespmem:s23], [sflag:$0x2] =	stream.indirect.gather [spmem:s2], $0x40, s21, s21, $0xb8;
	[tilespmem:$0x1F200] =	vst v63  }
0x34: {  	s18 =	simm.s32 $0x100;
	s4 =	sand.u32 $0x1, s10;
	p0 =	por p0, p0  }
0x35: {  	[tilespmem:s25], [sflag:$0x3] =	stream.indirect.gather [spmem:s2], $0x40, s18, s21, $0xb8;
	[tilespmem:$0x1F200] =	vst v63  }
0x36: {  	s20 =	simm.s32 $0x180;
	s22 =	smul.u32 $0x1400, s4;
	s7 =	simm.s32 @!p0 $0xA  }
0x37: {  	[tilespmem:s28], [sflag:$0x4] =	stream.indirect.gather [spmem:s2], $0x40, s20, s21, $0xb8;
	[tilespmem:$0x1F200] =	vst v63  }
0x38: {  	_ =	swait.ge @!p0 [sflag:s7], $0x2000  }
0x39: {  	s5 =	sshrl.u32 s22, $0x2;
	[sflag:s7] =	ssyncset.done @!p0 $0x0  }
0x3a: {  	s5 =	sadd.s32 $0x200, s5;
	s8 =	smul.u32 $0x500, s4;
	[sflag:s7] =	ssyncadd.s32 @!p0 $0xFFFFE000  }
0x3b: {  	[tilespmem:s29], [sflag:$0x5] =	stream.indirect.gather [spmem:s2], $0x40, s5, s21, $0xb8;
	[tilespmem:$0x1F200] =	vst v63  }
0x3c: {  	_ =	swait.ge [sflag:s14], $0x2000  }
0x3d: {  	s6 =	sadd.s32 $0xA00, s8;
	s7 =	simm.s32 $0x1;
	[sflag:s14] =	ssyncset.done $0x0  }
0x3e: {  	p0 =	por $0x0, $0x0;
	s4 =	sand.u32 $0x1, s7;
	[sflag:s14] =	ssyncadd.s32 $0xFFFFE000  }
0x3f: {  	[spmem:s3] =	stream.indirect.scatter.add.f32 [tilespmem:s11], [sflag:$0x6], $0x40, s6, s21, $0xb8;
	[tilespmem:$0x1F200] =	vst v63  }
0x40: {  	s5 =	smul.u32 @!p0 $0x500, s4;
	s6 =	rddreg [dreg:$0xc]  }
0x41: {  	s10 =	simm.s32 @!p0 $0x0;
	s9 =	sadd.s32 @!p0 $0xFFFF6000, s6  }
0x42: {  	[tilespmem:s5], [sflag:$0xB] =	stream.linear.gather @!p0 [hbm4b:s9+s10], $0x500, $0x38;
	[tilespmem:$0x1F200] =	vst v63  }
0x43: {  	s5 =	sadd.s32 @!p0 $0xA00, s5  }
0x44: {  	[tilespmem:s5], [sflag:$0xB] =	stream.linear.gather @!p0 [hbm4b:s6+s10], $0x500, $0x38;
	[tilespmem:$0x1F200] =	vst v63  }
0x45: {  	_ =	swait.ge [sflag:s30], $0x2000  }
0x46: {  	[sflag:s30] =	ssyncset.done $0x0  }
0x47: {  	s9 =	sadd.s32 $0x280, s8;
	[sflag:s30] =	ssyncadd.s32 $0xFFFFE000  }
0x48: {  	[tilespmem:s11], [sflag:$0x1] =	stream.indirect.gather [spmem:s2], $0x40, s9, s21, $0xb8;
	[tilespmem:$0x1F200] =	vst v63  }
0x49: {  	_ =	swait.ge [sflag:s31], $0x2000  }
0x4a: {  	[sflag:s31] =	ssyncset.done $0x0  }
0x4b: {  	s10 =	sadd.s32 $0xA80, s8;
	[sflag:s31] =	ssyncadd.s32 $0xFFFFE000  }
0x4c: {  	[spmem:s3] =	stream.indirect.scatter.add.f32 [tilespmem:s23], [sflag:$0x7], $0x40, s10, s21, $0xb8;
	[tilespmem:$0x1F200] =	vst v63  }
0x4d: {  	_ =	swait.ge [sflag:s0], $0x2000  }
0x4e: {  	[sflag:s0] =	ssyncset.done $0x0  }
0x4f: {  	s11 =	sadd.s32 $0x300, s8;
	[sflag:s0] =	ssyncadd.s32 $0xFFFFE000  }
0x50: {  	[tilespmem:s23], [sflag:$0x2] =	stream.indirect.gather [spmem:s2], $0x40, s11, s21, $0xb8;
	[tilespmem:$0x1F200] =	vst v63  }
0x51: {  	_ =	swait.ge [sflag:s1], $0x2000  }
0x52: {  	[sflag:s1] =	ssyncset.done $0x0  }
0x53: {  	s12 =	sadd.s32 $0xB00, s8;
	[sflag:s1] =	ssyncadd.s32 $0xFFFFE000  }
0x54: {  	[spmem:s3] =	stream.indirect.scatter.add.f32 [tilespmem:s25], [sflag:$0x8], $0x40, s12, s21, $0xb8;
	[tilespmem:$0x1F200] =	vst v63  }
0x55: {  	_ =	swait.ge [sflag:s15], $0x2000  }
0x56: {  	[sflag:s15] =	ssyncset.done $0x0  }
0x57: {  	s13 =	sadd.s32 $0x380, s8;
	[sflag:s15] =	ssyncadd.s32 $0xFFFFE000  }
0x58: {  	[tilespmem:s25], [sflag:$0x3] =	stream.indirect.gather [spmem:s2], $0x40, s13, s21, $0xb8;
	[tilespmem:$0x1F200] =	vst v63  }
0x59: {  	_ =	swait.ge [sflag:s19], $0x2000  }
0x5a: {  	[sflag:s19] =	ssyncset.done $0x0  }
0x5b: {  	s16 =	sadd.s32 $0xB80, s8;
	[sflag:s19] =	ssyncadd.s32 $0xFFFFE000  }
0x5c: {  	[spmem:s3] =	stream.indirect.scatter.add.f32 [tilespmem:s28], [sflag:$0x9], $0x40, s16, s21, $0xb8;
	[tilespmem:$0x1F200] =	vst v63  }
0x5d: {  	_ =	swait.ge [sflag:s24], $0x2000  }
0x5e: {  	[sflag:s24] =	ssyncset.done $0x0  }
0x5f: {  	s17 =	sadd.s32 $0x400, s8;
	[sflag:s24] =	ssyncadd.s32 $0xFFFFE000  }
0x60: {  	[tilespmem:s28], [sflag:$0x4] =	stream.indirect.gather [spmem:s2], $0x40, s17, s21, $0xb8;
	[tilespmem:$0x1F200] =	vst v63  }
0x61: {  	_ =	swait.ge [sflag:s26], $0x2000  }
0x62: {  	[sflag:s26] =	ssyncset.done $0x0  }
0x63: {  	s18 =	sadd.s32 $0xC00, s8;
	s9 =	simm.s32 @p0 $0xA;
	[sflag:s26] =	ssyncadd.s32 $0xFFFFE000  }
0x64: {  	[spmem:s3] =	stream.indirect.scatter.add.f32 [tilespmem:s29], [sflag:$0xA], $0x40, s18, s21, $0xb8;
	[tilespmem:$0x1F200] =	vst v63  }
0x65: {  	_ =	swait.ge @p0 [sflag:s9], $0x2000  }
0x66: {  	s5 =	simm.s32 @p0 $0x9400;
	s10 =	sadd.s32 @p0 $0x480, s8;
	[sflag:s9] =	ssyncset.done @p0 $0x0  }
0x67: {  	s11 =	simm.s32 @p0 $0x80;
	[sflag:s9] =	ssyncadd.s32 @p0 $0xFFFFE000;
	s9 =	simm.s32 @p0 $0x1  }
0x68: {  	[tilespmem:s5], [sflag:$0x5] =	stream.indirect.gather @p0 [spmem:s2], $0x40, s10, s11, $0xb8;
	[tilespmem:$0x1F200] =	vst v63  }
0x69: {  	_ =	swait.ge @p0 [sflag:s9], $0x2000  }
0x6a: {  	s5 =	sadd.s32 @p0 $0xC80, s8;
	[sflag:s9] =	ssyncset.done @p0 $0x0  }
0x6b: {  	s10 =	simm.s32 @p0 $0x1400;
	[sflag:s9] =	ssyncadd.s32 @p0 $0xFFFFE000;
	s9 =	simm.s32 @!p0 $0xB  }
0x6c: {  	[spmem:s3] =	stream.indirect.scatter.add.f32 @p0 [tilespmem:s10], [sflag:$0x6], $0x40, s5, s11, $0xb8;
	[tilespmem:$0x1F200] =	vst v63  }
0x6d: {  	_ =	swait.ge @!p0 [sflag:s9], $0x500  }
0x6e: {  	[sflag:s9] =	ssyncset.done @!p0 $0x0  }
0x6f: {  	[sflag:s9] =	ssyncadd.s32 @!p0 $0xFFFFFB00  }
0x70: {  	_ =	swait.ge @!p0 [sflag:s9], $0x500  }
0x71: {  	[sflag:s9] =	ssyncset.done @!p0 $0x0  }
0x72: {  	s5 =	simm.s32 @!p0 $0xA;
	[sflag:s9] =	ssyncadd.s32 @!p0 $0xFFFFFB00  }
0x73: {  	_ =	swait.ge @!p0 [sflag:s5], $0x2000  }
0x74: {  	s10 =	sadd.s32 @!p0 $0x480, s8;
	[sflag:s5] =	ssyncset.done @!p0 $0x0  }
0x75: {  	s9 =	simm.s32 @!p0 $0x9400;
	[sflag:s5] =	ssyncadd.s32 @!p0 $0xFFFFE000;
	s5 =	simm.s32 @!p0 $0x80  }
0x76: {  	[tilespmem:s9], [sflag:$0x5] =	stream.indirect.gather @!p0 [spmem:s2], $0x40, s10, s5, $0xb8;
	[tilespmem:$0x1F200] =	vst v63  }
0x77: {  	s9 =	simm.s32 @!p0 $0x1  }
0x78: {  	_ =	swait.ge @!p0 [sflag:s9], $0x2000  }
0x79: {  	[sflag:s9] =	ssyncset.done @!p0 $0x0  }
0x7a: {  	s10 =	simm.s32 @!p0 $0x1400;
	[sflag:s9] =	ssyncadd.s32 @!p0 $0xFFFFE000;
	s9 =	sadd.s32 @!p0 $0xC80, s8  }
0x7b: {  	[spmem:s3] =	stream.indirect.scatter.add.f32 @!p0 [tilespmem:s10], [sflag:$0x6], $0x40, s9, s5, $0xb8;
	[tilespmem:$0x1F200] =	vst v63  }
0x7c: {  	s9 =	simm.s32 @!p0 $0x6  }
0x7d: {  	s4 =	smul.u32 @!p0 $0x1400, s4;
	_ =	swait.ge @!p0 [sflag:s9], $0x2000  }
0x7e: {  	[sflag:s9] =	ssyncset.done @!p0 $0x0  }
0x7f: {  	s4 =	sshrl.u32 @!p0 s4, $0x2;
	[sflag:s9] =	ssyncadd.s32 @!p0 $0xFFFFE000  }
0x80: {  	[tilespmem:s10], [sflag:$0x1] =	stream.indirect.gather @!p0 [spmem:s2], $0x40, s4, s5, $0xb8;
	[tilespmem:$0x1F200] =	vst v63  }
0x81: {  	_ =	swait.ge [sflag:s31], $0x2000  }
0x82: {  	[sflag:s31] =	ssyncset.done $0x0  }
0x83: {  	s20 =	sadd.s32 $0xD00, s8;
	s10 =	simm.s32 @p0 $0x3;
	[sflag:s31] =	ssyncadd.s32 $0xFFFFE000  }
0x84: {  	[spmem:s3] =	stream.indirect.scatter.add.f32 [tilespmem:s23], [sflag:$0x7], $0x40, s20, s21, $0xb8;
	[tilespmem:$0x1F200] =	vst v63  }
0x85: {  	_ =	swait.ge @p0 [sflag:s10], $0x2000  }
0x86: {  	[sflag:s10] =	ssyncset.done @p0 $0x0  }
0x87: {  	s9 =	sadd.s32 @p0 $0xD80, s8;
	[sflag:s10] =	ssyncadd.s32 @p0 $0xFFFFE000;
	s10 =	simm.s32 @p0 $0x5400  }
0x88: {  	[spmem:s3] =	stream.indirect.scatter.add.f32 @p0 [tilespmem:s10], [sflag:$0x8], $0x40, s9, s11, $0xb8;
	[tilespmem:$0x1F200] =	vst v63  }
0x89: {  	s9 =	simm.s32 @!p0 $0x7  }
0x8a: {  	_ =	swait.ge @!p0 [sflag:s9], $0x2000  }
0x8b: {  	s10 =	simm.s32 @!p0 $0x3;
	[sflag:s9] =	ssyncset.done @!p0 $0x0  }
0x8c: {  	s11 =	sor.u32 @!p0 $0x80, s4;
	[sflag:s9] =	ssyncadd.s32 @!p0 $0xFFFFE000;
	s9 =	simm.s32 @!p0 $0x3400  }
0x8d: {  	[tilespmem:s9], [sflag:$0x2] =	stream.indirect.gather @!p0 [spmem:s2], $0x40, s11, s5, $0xb8;
	[tilespmem:$0x1F200] =	vst v63  }
0x8e: {  	_ =	swait.ge @!p0 [sflag:s10], $0x2000  }
0x8f: {  	s9 =	simm.s32 @!p0 $0x8;
	[sflag:s10] =	ssyncset.done @!p0 $0x0  }
0x90: {  	s11 =	sadd.s32 @!p0 $0xD80, s8;
	[sflag:s10] =	ssyncadd.s32 @!p0 $0xFFFFE000;
	s10 =	simm.s32 @!p0 $0x5400  }
0x91: {  	[spmem:s3] =	stream.indirect.scatter.add.f32 @!p0 [tilespmem:s10], [sflag:$0x8], $0x40, s11, s5, $0xb8;
	[tilespmem:$0x1F200] =	vst v63  }
0x92: {  	_ =	swait.ge @!p0 [sflag:s9], $0x2000  }
0x93: {  	[sflag:s9] =	ssyncset.done @!p0 $0x0  }
0x94: {  	s11 =	sadd.s32 @!p0 $0x100, s4;
	[sflag:s9] =	ssyncadd.s32 @!p0 $0xFFFFE000  }
0x95: {  	[tilespmem:s10], [sflag:$0x3] =	stream.indirect.gather @!p0 [spmem:s2], $0x40, s11, s5, $0xb8;
	[tilespmem:$0x1F200] =	vst v63  }
0x96: {  	_ =	swait.ge [sflag:s19], $0x2000  }
0x97: {  	[sflag:s19] =	ssyncset.done $0x0  }
0x98: {  	s22 =	sadd.s32 $0xE00, s8;
	s10 =	simm.s32 @!p0 $0x9;
	[sflag:s19] =	ssyncadd.s32 $0xFFFFE000  }
0x99: {  	[spmem:s3] =	stream.indirect.scatter.add.f32 [tilespmem:s28], [sflag:$0x9], $0x40, s22, s21, $0xb8;
	[tilespmem:$0x1F200] =	vst v63  }
0x9a: {  	p6 =	por $0x0, $0x0;
	s13 =	simm.s32 $0x2;
	_ =	swait.ge @!p0 [sflag:s10], $0x2000  }
0x9b: {  	s4 =	sadd.s32 @!p0 $0x180, s4;
	s9 =	simm.s32 @!p0 $0x7400;
	[sflag:s10] =	ssyncset.done @!p0 $0x0  }
0x9c: {  	s11 =	sand.u32 $0x1, s7;
	[sflag:s10] =	ssyncadd.s32 @!p0 $0xFFFFE000;
	s10 =	sadd.s32 $0xA0, s6  }
0x9d: {  	[tilespmem:s9], [sflag:$0x4] =	stream.indirect.gather @!p0 [spmem:s2], $0x40, s4, s5, $0xb8;
	[tilespmem:$0x1F200] =	vst v63  }
0x9e: {  	s9 =	sand.u32 $0x1, s13;
	p0 =	por p6, p6;
	_ =	swait.ge [sflag:s26], $0x2000  }
0x9f: {  	s4 =	smul.u32 $0x1400, s11;
	s5 =	sadd.s32 $0xE80, s8;
	[sflag:s26] =	ssyncset.done $0x0  }
.LBB2_2:
0xa0: {  	p2 =	seq.s32 s13, $0x0  }
0xa1: {  	s8 =	simm.s32 @!p0 $0xA;
	[sflag:s26] =	ssyncadd.s32 $0xFFFFE000;
	s18 =	smov.u32 s13  }
0xa2: {  	[spmem:s3] =	stream.indirect.scatter.add.f32 [tilespmem:s29], [sflag:$0xA], $0x40, s5, s21, $0xb8;
	[tilespmem:$0x1F200] =	vst v63  }
0xa3: {  	s13 =	sadd.s32 $0x1, s13;
	s5 =	sand.u32 $0x1, s18;
	_ =	swait.ge @!p0 [sflag:s8], $0x2000  }
0xa4: {  	s6 =	sand.u32 $0x1, s13;
	s4 =	sshrl.u32 s4, $0x2;
	[sflag:s8] =	ssyncset.done @!p0 $0x0  }
0xa5: {  	p1 =	sne.s32 s13, $0x10;
	s4 =	sadd.s32 $0x200, s4;
	[sflag:s8] =	ssyncadd.s32 @!p0 $0xFFFFE000  }
0xa6: {  	[tilespmem:s29], [sflag:$0x5] =	stream.indirect.gather [spmem:s2], $0x40, s4, s21, $0xb8;
	[tilespmem:$0x1F200] =	vst v63  }
0xa7: {  	s8 =	smul.u32 $0x500, s11;
	s11 =	smov.u32 s5;
	_ =	swait.ge [sflag:s14], $0x2000  }
0xa8: {  	s16 =	simm.s32 $0x1400;
	p0 =	por p2, p2;
	[sflag:s14] =	ssyncset.done $0x0  }
0xa9: {  	p2 =	seq.s32 s7, $0xF;
	s4 =	sadd.s32 $0xA00, s8;
	[sflag:s14] =	ssyncadd.s32 $0xFFFFE000  }
0xaa: {  	[spmem:s3] =	stream.indirect.scatter.add.f32 [tilespmem:s16], [sflag:$0x6], $0x40, s4, s21, $0xb8;
	[tilespmem:$0x1F200] =	vst v63  }
0xab: {  	s12 =	sadd.s32 @!p2 $0xFFFF6000, s10;
	s20 =	simm.s32 @!p2 $0x0;
	s4 =	smul.u32 @!p2 $0x500, s9  }
0xac: {  	s7 =	smov.u32 s18;
	s5 =	smul.u32 @!p2 $0x1400, s9;
	s9 =	smov.u32 s6  }
0xad: {  	[tilespmem:s4], [sflag:$0xB] =	stream.linear.gather @!p2 [hbm4b:s12+s20], $0x500, $0x38;
	[tilespmem:$0x1F200] =	vst v63  }
0xae: {  	s4 =	sadd.s32 @!p2 $0xA00, s4  }
0xaf: {  	[tilespmem:s4], [sflag:$0xB] =	stream.linear.gather @!p2 [hbm4b:s10+s20], $0x500, $0x38;
	[tilespmem:$0x1F200] =	vst v63  }
0xb0: {  	_ =	swait.ge [sflag:s30], $0x2000  }
0xb1: {  	s4 =	sadd.s32 $0x280, s8;
	[sflag:s30] =	ssyncset.done $0x0  }
0xb2: {  	[sflag:s30] =	ssyncadd.s32 $0xFFFFE000  }
0xb3: {  	[tilespmem:s16], [sflag:$0x1] =	stream.indirect.gather [spmem:s2], $0x40, s4, s21, $0xb8;
	[tilespmem:$0x1F200] =	vst v63  }
0xb4: {  	_ =	swait.ge [sflag:s31], $0x2000  }
0xb5: {  	s4 =	sadd.s32 $0xA80, s8;
	[sflag:s31] =	ssyncset.done $0x0  }
0xb6: {  	[sflag:s31] =	ssyncadd.s32 $0xFFFFE000  }
0xb7: {  	[spmem:s3] =	stream.indirect.scatter.add.f32 [tilespmem:s23], [sflag:$0x7], $0x40, s4, s21, $0xb8;
	[tilespmem:$0x1F200] =	vst v63  }
0xb8: {  	_ =	swait.ge [sflag:s0], $0x2000  }
0xb9: {  	s4 =	sadd.s32 $0x300, s8;
	[sflag:s0] =	ssyncset.done $0x0  }
0xba: {  	[sflag:s0] =	ssyncadd.s32 $0xFFFFE000  }
0xbb: {  	[tilespmem:s23], [sflag:$0x2] =	stream.indirect.gather [spmem:s2], $0x40, s4, s21, $0xb8;
	[tilespmem:$0x1F200] =	vst v63  }
0xbc: {  	_ =	swait.ge [sflag:s1], $0x2000  }
0xbd: {  	s4 =	sadd.s32 $0xB00, s8;
	[sflag:s1] =	ssyncset.done $0x0  }
0xbe: {  	[sflag:s1] =	ssyncadd.s32 $0xFFFFE000  }
0xbf: {  	[spmem:s3] =	stream.indirect.scatter.add.f32 [tilespmem:s25], [sflag:$0x8], $0x40, s4, s21, $0xb8;
	[tilespmem:$0x1F200] =	vst v63  }
0xc0: {  	_ =	swait.ge [sflag:s15], $0x2000  }
0xc1: {  	s4 =	sadd.s32 $0x380, s8;
	[sflag:s15] =	ssyncset.done $0x0  }
0xc2: {  	[sflag:s15] =	ssyncadd.s32 $0xFFFFE000  }
0xc3: {  	[tilespmem:s25], [sflag:$0x3] =	stream.indirect.gather [spmem:s2], $0x40, s4, s21, $0xb8;
	[tilespmem:$0x1F200] =	vst v63  }
0xc4: {  	_ =	swait.ge [sflag:s19], $0x2000  }
0xc5: {  	s4 =	sadd.s32 $0xB80, s8;
	[sflag:s19] =	ssyncset.done $0x0  }
0xc6: {  	[sflag:s19] =	ssyncadd.s32 $0xFFFFE000  }
0xc7: {  	[spmem:s3] =	stream.indirect.scatter.add.f32 [tilespmem:s28], [sflag:$0x9], $0x40, s4, s21, $0xb8;
	[tilespmem:$0x1F200] =	vst v63  }
0xc8: {  	_ =	swait.ge [sflag:s24], $0x2000  }
0xc9: {  	s4 =	sadd.s32 $0x400, s8;
	[sflag:s24] =	ssyncset.done $0x0  }
0xca: {  	[sflag:s24] =	ssyncadd.s32 $0xFFFFE000  }
0xcb: {  	[tilespmem:s28], [sflag:$0x4] =	stream.indirect.gather [spmem:s2], $0x40, s4, s21, $0xb8;
	[tilespmem:$0x1F200] =	vst v63  }
0xcc: {  	_ =	swait.ge [sflag:s26], $0x2000  }
0xcd: {  	s6 =	simm.s32 @p2 $0xA;
	s4 =	sadd.s32 $0xC00, s8;
	[sflag:s26] =	ssyncset.done $0x0  }
0xce: {  	[sflag:s26] =	ssyncadd.s32 $0xFFFFE000  }
0xcf: {  	[spmem:s3] =	stream.indirect.scatter.add.f32 [tilespmem:s29], [sflag:$0xA], $0x40, s4, s21, $0xb8;
	[tilespmem:$0x1F200] =	vst v63  }
0xd0: {  	s4 =	simm.s32 @p2 $0x9400;
	_ =	swait.ge @p2 [sflag:s6], $0x2000  }
0xd1: {  	s18 =	simm.s32 @p2 $0x80;
	s12 =	sadd.s32 @p2 $0x480, s8;
	[sflag:s6] =	ssyncset.done @p2 $0x0  }
0xd2: {  	[sflag:s6] =	ssyncadd.s32 @p2 $0xFFFFE000;
	s6 =	simm.s32 @p2 $0x1  }
0xd3: {  	[tilespmem:s4], [sflag:$0x5] =	stream.indirect.gather @p2 [spmem:s2], $0x40, s12, s18, $0xb8;
	[tilespmem:$0x1F200] =	vst v63  }
0xd4: {  	_ =	swait.ge @p2 [sflag:s6], $0x2000  }
0xd5: {  	s4 =	sadd.s32 @p2 $0xC80, s8;
	s12 =	simm.s32 @p2 $0x1400;
	[sflag:s6] =	ssyncset.done @p2 $0x0  }
0xd6: {  	[sflag:s6] =	ssyncadd.s32 @p2 $0xFFFFE000;
	s6 =	simm.s32 @!p2 $0xB  }
0xd7: {  	[spmem:s3] =	stream.indirect.scatter.add.f32 @p2 [tilespmem:s12], [sflag:$0x6], $0x40, s4, s18, $0xb8;
	[tilespmem:$0x1F200] =	vst v63  }
0xd8: {  	_ =	swait.ge @!p2 [sflag:s6], $0x500  }
0xd9: {  	[sflag:s6] =	ssyncset.done @!p2 $0x0  }
0xda: {  	[sflag:s6] =	ssyncadd.s32 @!p2 $0xFFFFFB00  }
0xdb: {  	_ =	swait.ge @!p2 [sflag:s6], $0x500  }
0xdc: {  	s12 =	simm.s32 @!p2 $0xA;
	[sflag:s6] =	ssyncset.done @!p2 $0x0  }
0xdd: {  	[sflag:s6] =	ssyncadd.s32 @!p2 $0xFFFFFB00  }
0xde: {  	s6 =	simm.s32 @!p2 $0x9400;
	_ =	swait.ge @!p2 [sflag:s12], $0x2000  }
0xdf: {  	s20 =	sadd.s32 @!p2 $0x480, s8;
	s4 =	simm.s32 @!p2 $0x80;
	[sflag:s12] =	ssyncset.done @!p2 $0x0  }
0xe0: {  	[sflag:s12] =	ssyncadd.s32 @!p2 $0xFFFFE000;
	s12 =	simm.s32 @!p2 $0x1  }
0xe1: {  	[tilespmem:s6], [sflag:$0x5] =	stream.indirect.gather @!p2 [spmem:s2], $0x40, s20, s4, $0xb8;
	[tilespmem:$0x1F200] =	vst v63  }
0xe2: {  	s6 =	simm.s32 @!p2 $0x1400;
	_ =	swait.ge @!p2 [sflag:s12], $0x2000  }
0xe3: {  	s17 =	simm.s32 @!p2 $0x6;
	s20 =	sadd.s32 @!p2 $0xC80, s8;
	[sflag:s12] =	ssyncset.done @!p2 $0x0  }
0xe4: {  	[sflag:s12] =	ssyncadd.s32 @!p2 $0xFFFFE000  }
0xe5: {  	[spmem:s3] =	stream.indirect.scatter.add.f32 @!p2 [tilespmem:s6], [sflag:$0x6], $0x40, s20, s4, $0xb8;
	[tilespmem:$0x1F200] =	vst v63  }
0xe6: {  	_ =	swait.ge @!p2 [sflag:s17], $0x2000  }
0xe7: {  	s12 =	sshrl.u32 @!p2 s5, $0x2;
	[sflag:s17] =	ssyncset.done @!p2 $0x0  }
0xe8: {  	s5 =	sadd.s32 @!p2 $0x180, s12;
	[sflag:s17] =	ssyncadd.s32 @!p2 $0xFFFFE000;
	s17 =	sadd.s32 @!p2 $0x100, s12  }
0xe9: {  	[tilespmem:s6], [sflag:$0x1] =	stream.indirect.gather @!p2 [spmem:s2], $0x40, s12, s4, $0xb8;
	[tilespmem:$0x1F200] =	vst v63  }
0xea: {  	_ =	swait.ge [sflag:s31], $0x2000  }
0xeb: {  	s20 =	simm.s32 @p2 $0x3;
	s6 =	sadd.s32 $0xD00, s8;
	[sflag:s31] =	ssyncset.done $0x0  }
0xec: {  	[sflag:s31] =	ssyncadd.s32 $0xFFFFE000  }
0xed: {  	[spmem:s3] =	stream.indirect.scatter.add.f32 [tilespmem:s23], [sflag:$0x7], $0x40, s6, s21, $0xb8;
	[tilespmem:$0x1F200] =	vst v63  }
0xee: {  	s6 =	simm.s32 @!p2 $0x7;
	_ =	swait.ge @p2 [sflag:s20], $0x2000  }
0xef: {  	s22 =	simm.s32 @p2 $0x5400;
	s16 =	sadd.s32 @p2 $0xD80, s8;
	[sflag:s20] =	ssyncset.done @p2 $0x0  }
0xf0: {  	[sflag:s20] =	ssyncadd.s32 @p2 $0xFFFFE000  }
0xf1: {  	[spmem:s3] =	stream.indirect.scatter.add.f32 @p2 [tilespmem:s22], [sflag:$0x8], $0x40, s16, s18, $0xb8;
	[tilespmem:$0x1F200] =	vst v63  }
0xf2: {  	s16 =	simm.s32 @!p2 $0x3;
	_ =	swait.ge @!p2 [sflag:s6], $0x2000  }
0xf3: {  	s12 =	sor.u32 @!p2 $0x80, s12;
	s18 =	simm.s32 @!p2 $0x3400;
	[sflag:s6] =	ssyncset.done @!p2 $0x0  }
0xf4: {  	[sflag:s6] =	ssyncadd.s32 @!p2 $0xFFFFE000  }
0xf5: {  	[tilespmem:s18], [sflag:$0x2] =	stream.indirect.gather @!p2 [spmem:s2], $0x40, s12, s4, $0xb8;
	[tilespmem:$0x1F200] =	vst v63  }
0xf6: {  	s6 =	simm.s32 @!p2 $0x8;
	_ =	swait.ge @!p2 [sflag:s16], $0x2000  }
0xf7: {  	s12 =	sadd.s32 @!p2 $0xD80, s8;
	s18 =	simm.s32 @!p2 $0x5400;
	[sflag:s16] =	ssyncset.done @!p2 $0x0  }
0xf8: {  	[sflag:s16] =	ssyncadd.s32 @!p2 $0xFFFFE000  }
0xf9: {  	[spmem:s3] =	stream.indirect.scatter.add.f32 @!p2 [tilespmem:s18], [sflag:$0x8], $0x40, s12, s4, $0xb8;
	[tilespmem:$0x1F200] =	vst v63  }
0xfa: {  	_ =	swait.ge @!p2 [sflag:s6], $0x2000  }
0xfb: {  	[sflag:s6] =	ssyncset.done @!p2 $0x0  }
0xfc: {  	[sflag:s6] =	ssyncadd.s32 @!p2 $0xFFFFE000  }
0xfd: {  	[tilespmem:s18], [sflag:$0x3] =	stream.indirect.gather @!p2 [spmem:s2], $0x40, s17, s4, $0xb8;
	[tilespmem:$0x1F200] =	vst v63  }
0xfe: {  	_ =	swait.ge [sflag:s19], $0x2000  }
0xff: {  	s6 =	sadd.s32 $0xE00, s8;
	[sflag:s19] =	ssyncset.done $0x0  }
0x100: {  	s12 =	simm.s32 @!p2 $0x9;
	[sflag:s19] =	ssyncadd.s32 $0xFFFFE000  }
0x101: {  	[spmem:s3] =	stream.indirect.scatter.add.f32 [tilespmem:s28], [sflag:$0x9], $0x40, s6, s21, $0xb8;
	[tilespmem:$0x1F200] =	vst v63  }
0x102: {  	_ =	swait.ge @!p2 [sflag:s12], $0x2000  }
.Ltmp0:
0x103: {  	s6 =	simm.s32 @!p2 $0x7400;
	[sflag:s12] =	ssyncset.done @!p2 $0x0;
	(pc) =	sbr.rel @p1 .LBB2_2-.Ltmp0, $4  }
0x104: {  	[sflag:s12] =	ssyncadd.s32 @!p2 $0xFFFFE000  }
0x105: {  	[tilespmem:s6], [sflag:$0x4] =	stream.indirect.gather @!p2 [spmem:s2], $0x40, s5, s4, $0xb8;
	[tilespmem:$0x1F200] =	vst v63  }
0x106: {  	s10 =	sadd.s32 $0xA0, s10;
	_ =	swait.ge [sflag:s26], $0x2000  }
0x107: {  	s4 =	smul.u32 $0x1400, s11;
	s5 =	sadd.s32 $0xE80, s8;
	[sflag:s26] =	ssyncset.done $0x0  }
0x108: {  	[sflag:s26] =	ssyncadd.s32 $0xFFFFE000  }
0x109: {  	[spmem:s3] =	stream.indirect.scatter.add.f32 [tilespmem:s29], [sflag:$0xA], $0x40, s5, s21, $0xb8;
	[tilespmem:$0x1F200] =	vst v63  }
0x10a: {  	s5 =	simm.s32 @!p0 $0xA  }
0x10b: {  	_ =	swait.ge @!p0 [sflag:s5], $0x2000  }
0x10c: {  	s4 =	sshrl.u32 s4, $0x2;
	[sflag:s5] =	ssyncset.done @!p0 $0x0  }
0x10d: {  	s4 =	sadd.s32 $0x200, s4;
	[sflag:s5] =	ssyncadd.s32 @!p0 $0xFFFFE000  }
0x10e: {  	[tilespmem:s29], [sflag:$0x5] =	stream.indirect.gather [spmem:s2], $0x40, s4, s21, $0xb8;
	[tilespmem:$0x1F200] =	vst v63  }
0x10f: {  	s5 =	smul.u32 $0x500, s11;
	_ =	swait.ge [sflag:s14], $0x2000  }
0x110: {  	s8 =	simm.s32 $0x1400;
	p0 =	seq.s32 s7, $0xF;
	[sflag:s14] =	ssyncset.done $0x0  }
0x111: {  	s4 =	smul.u32 @!p0 $0x500, s9;
	s17 =	sadd.s32 $0xA00, s5;
	[sflag:s14] =	ssyncadd.s32 $0xFFFFE000  }
0x112: {  	[spmem:s3] =	stream.indirect.scatter.add.f32 [tilespmem:s8], [sflag:$0x6], $0x40, s17, s21, $0xb8;
	[tilespmem:$0x1F200] =	vst v63  }
0x113: {  	s6 =	sadd.s32 @!p0 $0xFFFF6000, s10;
	s7 =	simm.s32 @!p0 $0x0  }
0x114: {  	[tilespmem:s4], [sflag:$0xB] =	stream.linear.gather @!p0 [hbm4b:s6+s7], $0x500, $0x38;
	[tilespmem:$0x1F200] =	vst v63  }
0x115: {  	s4 =	sadd.s32 @!p0 $0xA00, s4  }
0x116: {  	[tilespmem:s4], [sflag:$0xB] =	stream.linear.gather @!p0 [hbm4b:s10+s7], $0x500, $0x38;
	[tilespmem:$0x1F200] =	vst v63  }
0x117: {  	_ =	swait.ge [sflag:s30], $0x2000  }
0x118: {  	[sflag:s30] =	ssyncset.done $0x0  }
0x119: {  	s18 =	sadd.s32 $0x280, s5;
	[sflag:s30] =	ssyncadd.s32 $0xFFFFE000  }
0x11a: {  	[tilespmem:s8], [sflag:$0x1] =	stream.indirect.gather [spmem:s2], $0x40, s18, s21, $0xb8;
	[tilespmem:$0x1F200] =	vst v63  }
0x11b: {  	_ =	swait.ge [sflag:s31], $0x2000  }
0x11c: {  	[sflag:s31] =	ssyncset.done $0x0  }
0x11d: {  	s20 =	sadd.s32 $0xA80, s5;
	[sflag:s31] =	ssyncadd.s32 $0xFFFFE000  }
0x11e: {  	[spmem:s3] =	stream.indirect.scatter.add.f32 [tilespmem:s23], [sflag:$0x7], $0x40, s20, s21, $0xb8;
	[tilespmem:$0x1F200] =	vst v63  }
0x11f: {  	_ =	swait.ge [sflag:s0], $0x2000  }
0x120: {  	[sflag:s0] =	ssyncset.done $0x0  }
0x121: {  	s22 =	sadd.s32 $0x300, s5;
	[sflag:s0] =	ssyncadd.s32 $0xFFFFE000  }
0x122: {  	[tilespmem:s23], [sflag:$0x2] =	stream.indirect.gather [spmem:s2], $0x40, s22, s21, $0xb8;
	[tilespmem:$0x1F200] =	vst v63  }
0x123: {  	_ =	swait.ge [sflag:s1], $0x2000  }
0x124: {  	[sflag:s1] =	ssyncset.done $0x0  }
0x125: {  	s6 =	sadd.s32 $0xB00, s5;
	[sflag:s1] =	ssyncadd.s32 $0xFFFFE000  }
0x126: {  	[spmem:s3] =	stream.indirect.scatter.add.f32 [tilespmem:s25], [sflag:$0x8], $0x40, s6, s21, $0xb8;
	[tilespmem:$0x1F200] =	vst v63  }
0x127: {  	_ =	swait.ge [sflag:s15], $0x2000  }
0x128: {  	[sflag:s15] =	ssyncset.done $0x0  }
0x129: {  	s7 =	sadd.s32 $0x380, s5;
	[sflag:s15] =	ssyncadd.s32 $0xFFFFE000  }
0x12a: {  	[tilespmem:s25], [sflag:$0x3] =	stream.indirect.gather [spmem:s2], $0x40, s7, s21, $0xb8;
	[tilespmem:$0x1F200] =	vst v63  }
0x12b: {  	_ =	swait.ge [sflag:s19], $0x2000  }
0x12c: {  	[sflag:s19] =	ssyncset.done $0x0  }
0x12d: {  	s8 =	sadd.s32 $0xB80, s5;
	[sflag:s19] =	ssyncadd.s32 $0xFFFFE000  }
0x12e: {  	[spmem:s3] =	stream.indirect.scatter.add.f32 [tilespmem:s28], [sflag:$0x9], $0x40, s8, s21, $0xb8;
	[tilespmem:$0x1F200] =	vst v63  }
0x12f: {  	_ =	swait.ge [sflag:s24], $0x2000  }
0x130: {  	[sflag:s24] =	ssyncset.done $0x0  }
0x131: {  	s10 =	sadd.s32 $0x400, s5;
	[sflag:s24] =	ssyncadd.s32 $0xFFFFE000  }
0x132: {  	[tilespmem:s28], [sflag:$0x4] =	stream.indirect.gather [spmem:s2], $0x40, s10, s21, $0xb8;
	[tilespmem:$0x1F200] =	vst v63  }
0x133: {  	_ =	swait.ge [sflag:s26], $0x2000  }
0x134: {  	[sflag:s26] =	ssyncset.done $0x0  }
0x135: {  	s11 =	sadd.s32 $0xC00, s5;
	s6 =	simm.s32 @p0 $0xA;
	[sflag:s26] =	ssyncadd.s32 $0xFFFFE000  }
0x136: {  	[spmem:s3] =	stream.indirect.scatter.add.f32 [tilespmem:s29], [sflag:$0xA], $0x40, s11, s21, $0xb8;
	[tilespmem:$0x1F200] =	vst v63  }
0x137: {  	_ =	swait.ge @p0 [sflag:s6], $0x2000  }
0x138: {  	s4 =	simm.s32 @p0 $0x9400;
	s7 =	sadd.s32 @p0 $0x480, s5;
	[sflag:s6] =	ssyncset.done @p0 $0x0  }
0x139: {  	s8 =	simm.s32 @p0 $0x80;
	[sflag:s6] =	ssyncadd.s32 @p0 $0xFFFFE000;
	s6 =	simm.s32 @p0 $0x1  }
0x13a: {  	[tilespmem:s4], [sflag:$0x5] =	stream.indirect.gather @p0 [spmem:s2], $0x40, s7, s8, $0xb8;
	[tilespmem:$0x1F200] =	vst v63  }
0x13b: {  	_ =	swait.ge @p0 [sflag:s6], $0x2000  }
0x13c: {  	s4 =	sadd.s32 @p0 $0xC80, s5;
	[sflag:s6] =	ssyncset.done @p0 $0x0  }
0x13d: {  	s7 =	simm.s32 @p0 $0x1400;
	[sflag:s6] =	ssyncadd.s32 @p0 $0xFFFFE000;
	s6 =	simm.s32 @!p0 $0xB  }
0x13e: {  	[spmem:s3] =	stream.indirect.scatter.add.f32 @p0 [tilespmem:s7], [sflag:$0x6], $0x40, s4, s8, $0xb8;
	[tilespmem:$0x1F200] =	vst v63  }
0x13f: {  	_ =	swait.ge @!p0 [sflag:s6], $0x500  }
0x140: {  	[sflag:s6] =	ssyncset.done @!p0 $0x0  }
0x141: {  	[sflag:s6] =	ssyncadd.s32 @!p0 $0xFFFFFB00  }
0x142: {  	_ =	swait.ge @!p0 [sflag:s6], $0x500  }
0x143: {  	[sflag:s6] =	ssyncset.done @!p0 $0x0  }
0x144: {  	s4 =	simm.s32 @!p0 $0xA;
	[sflag:s6] =	ssyncadd.s32 @!p0 $0xFFFFFB00  }
0x145: {  	_ =	swait.ge @!p0 [sflag:s4], $0x2000  }
0x146: {  	s7 =	sadd.s32 @!p0 $0x480, s5;
	[sflag:s4] =	ssyncset.done @!p0 $0x0  }
0x147: {  	s6 =	simm.s32 @!p0 $0x9400;
	[sflag:s4] =	ssyncadd.s32 @!p0 $0xFFFFE000;
	s4 =	simm.s32 @!p0 $0x80  }
0x148: {  	[tilespmem:s6], [sflag:$0x5] =	stream.indirect.gather @!p0 [spmem:s2], $0x40, s7, s4, $0xb8;
	[tilespmem:$0x1F200] =	vst v63  }
0x149: {  	s6 =	simm.s32 @!p0 $0x1  }
0x14a: {  	_ =	swait.ge @!p0 [sflag:s6], $0x2000  }
0x14b: {  	[sflag:s6] =	ssyncset.done @!p0 $0x0  }
0x14c: {  	s7 =	simm.s32 @!p0 $0x1400;
	[sflag:s6] =	ssyncadd.s32 @!p0 $0xFFFFE000;
	s6 =	sadd.s32 @!p0 $0xC80, s5  }
0x14d: {  	[spmem:s3] =	stream.indirect.scatter.add.f32 @!p0 [tilespmem:s7], [sflag:$0x6], $0x40, s6, s4, $0xb8;
	[tilespmem:$0x1F200] =	vst v63  }
0x14e: {  	s6 =	simm.s32 @!p0 $0x6  }
0x14f: {  	s9 =	smul.u32 @!p0 $0x1400, s9;
	_ =	swait.ge @!p0 [sflag:s6], $0x2000  }
0x150: {  	[sflag:s6] =	ssyncset.done @!p0 $0x0  }
0x151: {  	s9 =	sshrl.u32 @!p0 s9, $0x2;
	[sflag:s6] =	ssyncadd.s32 @!p0 $0xFFFFE000  }
0x152: {  	[tilespmem:s7], [sflag:$0x1] =	stream.indirect.gather @!p0 [spmem:s2], $0x40, s9, s4, $0xb8;
	[tilespmem:$0x1F200] =	vst v63  }
0x153: {  	_ =	swait.ge [sflag:s31], $0x2000  }
0x154: {  	[sflag:s31] =	ssyncset.done $0x0  }
0x155: {  	s12 =	sadd.s32 $0xD00, s5;
	s7 =	simm.s32 @p0 $0x3;
	[sflag:s31] =	ssyncadd.s32 $0xFFFFE000  }
0x156: {  	[spmem:s3] =	stream.indirect.scatter.add.f32 [tilespmem:s23], [sflag:$0x7], $0x40, s12, s21, $0xb8;
	[tilespmem:$0x1F200] =	vst v63  }
0x157: {  	_ =	swait.ge @p0 [sflag:s7], $0x2000  }
0x158: {  	[sflag:s7] =	ssyncset.done @p0 $0x0  }
0x159: {  	s6 =	sadd.s32 @p0 $0xD80, s5;
	[sflag:s7] =	ssyncadd.s32 @p0 $0xFFFFE000;
	s7 =	simm.s32 @p0 $0x5400  }
0x15a: {  	[spmem:s3] =	stream.indirect.scatter.add.f32 @p0 [tilespmem:s7], [sflag:$0x8], $0x40, s6, s8, $0xb8;
	[tilespmem:$0x1F200] =	vst v63  }
0x15b: {  	s6 =	simm.s32 @!p0 $0x7  }
0x15c: {  	_ =	swait.ge @!p0 [sflag:s6], $0x2000  }
0x15d: {  	[sflag:s6] =	ssyncset.done @!p0 $0x0  }
0x15e: {  	s7 =	sor.u32 @!p0 $0x80, s9;
	[sflag:s6] =	ssyncadd.s32 @!p0 $0xFFFFE000;
	s6 =	simm.s32 @!p0 $0x3400  }
0x15f: {  	[tilespmem:s6], [sflag:$0x2] =	stream.indirect.gather @!p0 [spmem:s2], $0x40, s7, s4, $0xb8;
	[tilespmem:$0x1F200] =	vst v63  }
0x160: {  	s6 =	simm.s32 @!p0 $0x3  }
0x161: {  	_ =	swait.ge @!p0 [sflag:s6], $0x2000  }
0x162: {  	[sflag:s6] =	ssyncset.done @!p0 $0x0  }
0x163: {  	s7 =	sadd.s32 @!p0 $0xD80, s5;
	[sflag:s6] =	ssyncadd.s32 @!p0 $0xFFFFE000;
	s6 =	simm.s32 @!p0 $0x5400  }
0x164: {  	[spmem:s3] =	stream.indirect.scatter.add.f32 @!p0 [tilespmem:s6], [sflag:$0x8], $0x40, s7, s4, $0xb8;
	[tilespmem:$0x1F200] =	vst v63  }
0x165: {  	s7 =	simm.s32 @!p0 $0x8  }
0x166: {  	_ =	swait.ge @!p0 [sflag:s7], $0x2000  }
0x167: {  	[sflag:s7] =	ssyncset.done @!p0 $0x0  }
0x168: {  	[sflag:s7] =	ssyncadd.s32 @!p0 $0xFFFFE000;
	s7 =	sadd.s32 @!p0 $0x100, s9  }
0x169: {  	[tilespmem:s6], [sflag:$0x3] =	stream.indirect.gather @!p0 [spmem:s2], $0x40, s7, s4, $0xb8;
	[tilespmem:$0x1F200] =	vst v63  }
0x16a: {  	_ =	swait.ge [sflag:s19], $0x2000  }
0x16b: {  	[sflag:s19] =	ssyncset.done $0x0  }
0x16c: {  	s13 =	sadd.s32 $0xE00, s5;
	s6 =	simm.s32 @!p0 $0x9;
	[sflag:s19] =	ssyncadd.s32 $0xFFFFE000  }
0x16d: {  	[spmem:s3] =	stream.indirect.scatter.add.f32 [tilespmem:s28], [sflag:$0x9], $0x40, s13, s21, $0xb8;
	[tilespmem:$0x1F200] =	vst v63  }
0x16e: {  	_ =	swait.ge @!p0 [sflag:s6], $0x2000  }
0x16f: {  	[sflag:s6] =	ssyncset.done @!p0 $0x0  }
0x170: {  	s7 =	sadd.s32 @!p0 $0x180, s9;
	[sflag:s6] =	ssyncadd.s32 @!p0 $0xFFFFE000;
	s6 =	simm.s32 @!p0 $0x7400  }
0x171: {  	[tilespmem:s6], [sflag:$0x4] =	stream.indirect.gather @!p0 [spmem:s2], $0x40, s7, s4, $0xb8;
	[tilespmem:$0x1F200] =	vst v63  }
0x172: {  	_ =	swait.ge [sflag:s26], $0x2000  }
0x173: {  	[sflag:s26] =	ssyncset.done $0x0  }
0x174: {  	s16 =	sadd.s32 $0xE80, s5;
	[sflag:s26] =	ssyncadd.s32 $0xFFFFE000  }
0x175: {  	[spmem:s3] =	stream.indirect.scatter.add.f32 [tilespmem:s29], [sflag:$0xA], $0x40, s16, s21, $0xb8;
	[tilespmem:$0x1F200] =	vst v63  }
0x176: {  	_ =	swait.ge [sflag:s30], $0x2000  }
0x177: {  	[sflag:s30] =	ssyncset.done $0x0  }
0x178: {  	[sflag:s30] =	ssyncadd.s32 $0xFFFFE000  }
0x179: {  	_ =	swait.ge [sflag:s0], $0x2000  }
0x17a: {  	[sflag:s0] =	ssyncset.done $0x0  }
0x17b: {  	[sflag:s0] =	ssyncadd.s32 $0xFFFFE000  }
0x17c: {  	_ =	swait.ge [sflag:s15], $0x2000  }
0x17d: {  	[sflag:s15] =	ssyncset.done $0x0  }
0x17e: {  	[sflag:s15] =	ssyncadd.s32 $0xFFFFE000  }
0x17f: {  	_ =	swait.ge [sflag:s24], $0x2000  }
0x180: {  	[sflag:s24] =	ssyncset.done $0x0  }
0x181: {  	s17 =	simm.s32 $0xA;
	[sflag:s24] =	ssyncadd.s32 $0xFFFFE000  }
0x182: {  	_ =	swait.ge [sflag:s17], $0x2000  }
0x183: {  	[sflag:s17] =	ssyncset.done $0x0  }
0x184: {  	[sflag:s17] =	ssyncadd.s32 $0xFFFFE000  }
0x185: {  	[bflag:$0x0] =	sbarrier.arrive $0xFFFF  }
0x186: {  	s6 =	rddreg [dreg:$0x6]  }
0x187: {  	s18 =	rddreg [dreg:$0xa]  }
0x188: {  	s8 =	simm.s32 $0x10;
	s9 =	simm.s32 $0xC;
	s7 =	rddreg [dreg:$0xe]  }
0x189: {  	[hbm:s18@s8], [sflag:s6] =	dma.strided [spmem:s7@s15], $0x1400, s14, $0x8   }
0x18a: {  	_ =	swait.ge [sflag:s9], $0x1400  }
0x18b: {  	s20 =	rddreg [dreg:$0xf]  }
0x18c: {  	s22 =	rddreg [dreg:$0xb];
	s5 =	sadd.s32 $0x1, s20  }
0x18d: {  	p0 =	sne.s32 s5, s22  }
.Ltmp1:
0x18e: {  	_ = 	snop;
	(pc) =	sbr.rel @p0 .LBB2_1-.Ltmp1, $3  }
0x18f: {  	_ =	sdelay $0x1  }
0x190: {  	[sflag:s9] =	ssyncset.done $0x0  }
0x191: {  	[sflag:s9] =	ssyncadd.s32 $0xFFFFEC00  }
0x192: {  	_ =	sfence.sel $0x180000  }
0x193: {  	[bflag:$0x0] =	sbarrier.arrive $0xFFFF  }
0x194: {  	_ =	strace $0x90000047  }
0x195: {  	s0 =	stileid.u32;
	[bflag:$0x2] =	sbarrier.arrive $0xFFFF  }
0x196: {  	p0 =	sne.s32 s0, $0x0;
	s0 =	rddreg [dreg:$0x4]  }
0x197: {  	s0 =	sadd.s32 @!p0 $0x100000, s0  }
0x198: {  	[sflag:s0] =	ssyncadd.tile.s32 @!p0 $0x1;
	_ =	shalt  }
.Lfunc_end2:
_tile_overlayer_lowered:
.L_overlay_start_2:
0x199: {  	(tag) =	ssettag $0x2  }
0x19a: {  	s0 =	rddreg [dreg:$0x0];
	s2 =	stileid.u32  }
0x19b: {  	s1 =	rddreg [dreg:$0x1];
	p0 =	sne.s32 s2, $0x0  }
0x19c: {  	s3 =	rddreg [dreg:$0x2];
	[bflag:$0x3] =	sbarrier.arrive $0xFFFF;
	s2 =	simm.s32 @!p0 $0x1C0C  }
0x19d: {  	[timem:s3], [sflag:s2] =	dma.local @!p0 [hbm:s0], s1  }
0x19e: {  	s0 =	simm.s32 @!p0 $0xC  }
0x19f: {  	_ =	swait.ge @!p0 [sflag:s0], s1  }
0x1a0: {  	s1 =	ssub.s32 @!p0 $0x0, s1;
	[sflag:s0] =	ssyncset.done @!p0 $0x0  }
0x1a1: {  	[sflag:s0] =	ssyncadd.s32 @!p0 s1  }
0x1a2: {  	[bflag:$0x3] =	sbarrier.arrive $0xFFFF  }
0x1a3: {  	_ =	shalt  }

// kernel: kernel.9.cloned.1.call-start
scs
__scs_entry_jumppad:
0x0: {  	(pc) =	sbr.rel $0x88, $3  }
0x1: {  	(tag) =	ssettag $0x0;
	lr =	simm.s32 $0x1  }
0x2: {  	[smem:$0x3F95] =	sst lr;
	_ =	strace $0xD0000000  }
0x3: {  	_ = 	snop  }
0x4: {  	_ = 	snop  }
0x5: {  	_ = 	snop  }
0x6: {  	_ = 	snop  }
0x7: {  	_ = 	snop  }
__scs_overlays_trampoline_lowered:
0x8: {  	[smem:$0x3FA4] =	sst s0  }
0x9: {  	[smem:$0x3FA5] =	sst s1  }
0xa: {  	[smem:$0x3FA6] =	sst s2  }
0xb: {  	[smem:$0x3FA7] =	sst s3  }
0xc: {  	[smem:$0x3FA8] =	sst s4  }
0xd: {  	[smem:$0x3FA9] =	sst s5  }
0xe: {  	[smem:$0x3FAA] =	sst s6  }
0xf: {  	[smem:$0x3FAB] =	sst s7  }
0x10: {  	[smem:$0x3FAC] =	sst s8  }
0x11: {  	[smem:$0x3FAD] =	sst s9;
	s0 =	simm.s32 @!p0 $0x0  }
0x12: {  	s1 =	sld [smem:$0x3F93];
	s0 =	simm.s32 @p0 $0x1  }
0x13: {  	[smem:$0x3FAE] =	sst s0;
	s0 =	simm.s32 @!p1 $0x0  }
0x14: {  	s2 =	sld [smem:$0x3F92];
	s0 =	simm.s32 @p1 $0x1  }
0x15: {  	[smem:$0x3FAF] =	sst s0;
	s0 =	simm.s32 @!p2 $0x0  }
0x16: {  	s3 =	sld [smem:$0x3FDB];
	s0 =	simm.s32 @p2 $0x1  }
0x17: {  	s4 =	simm.s32 $0x1BF5;
	[smem:$0x3FB1] =	sst s0  }
0x18: {  	s0 =	sld [smem:$0x3F94];
	_ =	swait.ge [sflag:s4], $0x0  }
0x19: {  	s7 =	sld [smem:$0x3F95]  }
0x1a: {  	s8 =	sadd.s32 $0xFFFFE003, lr  }
0x1b: {  	s9 =	sadd.s32 $0xFFFFFEF7, lr;
	s5 =	simm.s32 $0xFFFFFFFF;
	p2 =	slt.u32 s8, $0xFFFFF086  }
0x1c: {  	p1 =	slt.u32 s9, $0xF7A;
	s5 =	simm.s32 @!p2 $0x0  }
0x1d: {  	s5 =	simm.s32 @p1 $0x1;
	p0 =	seq.s32 s7, s2  }
0x1e: {  	s7 =	smul.u32 @!p0 $0xF7A, s2;
	p2 =	seq.s32 @!p0 s5, $0x0  }
0x1f: {  	s9 =	smul.u32 $0xF7A, s1;
	s8 =	simm.s32 @!p0 $0x1BF5;
	p2 =	por !p2, p0  }
0x20: {  	[sflag:s8] =	ssyncset.s32 @!p0 $0xFFFFF086;
	s6 =	sadd.s32 @!p0 s3, s7;
	s7 =	simm.s32 @!p0 $0x108  }
0x21: {  	s3 =	sadd.s32 s3, s9;
	s6 =	sadd.s32 @!p0 $0x88, s6;
	s7 =	simm.s32 @p2 $0x1082  }
0x22: {  	[simem:s7], [sflag:s8] =	dma.local @!p0 [hbm:s6], $0xF7A  }
0x23: {  	s9 =	sor.u32 $0xD0000000, s2;
	s6 =	simm.s32 $0x108;
	_ =	swait.ge @!p0 [sflag:s8], $0x0  }
0x24: {  	s3 =	sadd.s32 $0x88, s3;
	s6 =	simm.s32 @!p1 $0x1082;
	[sflag:s4] =	ssyncset.s32 $0xFFFFF086  }
0x25: {  	[simem:s6], [sflag:s4] =	dma.local [hbm:s3], $0xF7A  }
0x26: {  	[smem:$0x3F95] =	sst s1;
	(tag) =	ssettag s2;
	_ =	strace s9  }
0x27: {  	s1 =	sld [smem:$0x3FA5]  }
0x28: {  	s2 =	sld [smem:$0x3FA6]  }
0x29: {  	s4 =	sld [smem:$0x3FA8]  }
0x2a: {  	p0 =	seq.s32 s5, $0x0;
	s5 =	sld [smem:$0x3FA9]  }
0x2b: {  	s6 =	sld [smem:$0x3FAA]  }
0x2c: {  	s7 =	sld [smem:$0x3FAB]  }
0x2d: {  	s3 =	simm.s32 $0x108;
	s8 =	sld [smem:$0x3FAC]  }
0x2e: {  	s3 =	simm.s32 @!p0 $0x1082;
	s9 =	sld [smem:$0x3FAD]  }
0x2f: {  	lr =	sadd.s32 s0, s3;
	s0 =	sld [smem:$0x3FA4]  }
0x30: {  	s3 =	sld [smem:$0x3FA7]  }
0x31: {  	[smem:$0x3FB0] =	sst s10  }
0x32: {  	s10 =	sld [smem:$0x3FAE];
	_ =	sdelay $0x3  }
0x33: {  	p0 =	seq.s32 s10, $0x1;
	s10 =	sld [smem:$0x3FB0];
	_ =	sdelay $0x3  }
0x34: {  	[smem:$0x3FB0] =	sst s10  }
0x35: {  	s10 =	sld [smem:$0x3FAF];
	_ =	sdelay $0x3  }
0x36: {  	p1 =	seq.s32 s10, $0x1;
	s10 =	sld [smem:$0x3FB0];
	_ =	sdelay $0x3  }
0x37: {  	[smem:$0x3FB0] =	sst s10  }
0x38: {  	s10 =	sld [smem:$0x3FB1]  }
0x39: {  	_ = 	snop;
	(pc) =	sbr.ind lr, $3  }
0x3a: {  	_ = 	snop  }
0x3b: {  	_ = 	snop  }
0x3c: {  	p2 =	seq.s32 s10, $0x1;
	s10 =	sld [smem:$0x3FB0]  }
0x3d: {  	_ =	shalt  }
0x3e: {  	_ =	shalt  }
0x3f: {  	_ =	shalt  }
0x40: {  	_ =	shalt  }
0x41: {  	_ =	shalt  }
0x42: {  	_ =	shalt  }
0x43: {  	_ =	shalt  }
0x44: {  	_ =	shalt  }
0x45: {  	_ =	shalt  }
0x46: {  	_ =	shalt  }
0x47: {  	_ =	shalt  }
0x48: {  	_ =	shalt  }
0x49: {  	_ =	shalt  }
0x4a: {  	_ =	shalt  }
0x4b: {  	_ =	shalt  }
0x4c: {  	_ =	shalt  }
0x4d: {  	_ =	shalt  }
0x4e: {  	_ =	shalt  }
0x4f: {  	_ =	shalt  }
0x50: {  	_ =	shalt  }
0x51: {  	_ =	shalt  }
0x52: {  	_ =	shalt  }
0x53: {  	_ =	shalt  }
0x54: {  	_ =	shalt  }
0x55: {  	_ =	shalt  }
0x56: {  	_ =	shalt  }
0x57: {  	_ =	shalt  }
0x58: {  	_ =	shalt  }
0x59: {  	_ =	shalt  }
0x5a: {  	_ =	shalt  }
0x5b: {  	_ =	shalt  }
0x5c: {  	_ =	shalt  }
0x5d: {  	_ =	shalt  }
0x5e: {  	_ =	shalt  }
0x5f: {  	_ =	shalt  }
0x60: {  	_ =	shalt  }
0x61: {  	_ =	shalt  }
0x62: {  	_ =	shalt  }
0x63: {  	_ =	shalt  }
0x64: {  	_ =	shalt  }
0x65: {  	_ =	shalt  }
0x66: {  	_ =	shalt  }
0x67: {  	_ =	shalt  }
0x68: {  	_ =	shalt  }
0x69: {  	_ =	shalt  }
0x6a: {  	_ =	shalt  }
0x6b: {  	_ =	shalt  }
0x6c: {  	_ =	shalt  }
0x6d: {  	_ =	shalt  }
0x6e: {  	_ =	shalt  }
0x6f: {  	_ =	shalt  }
0x70: {  	_ =	shalt  }
0x71: {  	_ =	shalt  }
0x72: {  	_ =	shalt  }
0x73: {  	_ =	shalt  }
0x74: {  	_ =	shalt  }
0x75: {  	_ =	shalt  }
0x76: {  	_ =	shalt  }
0x77: {  	_ =	shalt  }
0x78: {  	_ =	shalt  }
0x79: {  	_ =	shalt  }
0x7a: {  	_ =	shalt  }
0x7b: {  	_ =	shalt  }
0x7c: {  	_ =	shalt  }
0x7d: {  	_ =	shalt  }
0x7e: {  	_ =	shalt  }
0x7f: {  	_ =	shalt  }
0x80: {  	_ =	shalt  }
0x81: {  	_ =	shalt  }
0x82: {  	_ =	shalt  }
0x83: {  	_ =	shalt  }
0x84: {  	_ =	shalt  }
0x85: {  	_ =	shalt  }
0x86: {  	_ =	shalt  }
0x87: {  	_ =	shalt  }
.Lfunc_end0:
.L_simem_size_0:
called_computation.1_lowered:
.L_overlay_start_0:
0x88: {  	s2 =	sld [smem:$0x3FD9]  }
0x89: {  	s3 =	sld [smem:$0x3FFE];
	_ =	sdelay $0x1  }
0x8a: {  	s1 =	srdreg.scid  }
0x8b: {  	s0 =	sand.u32 $0x1, s1  }
0x8c: {  	s17 =	sshll.u32 s0, $0xA;
	s2 =	sadd.s32 s3, s2  }
0x8d: {  	s2 =	sadd.s32 s2, s17  }
0x8e: {  	[smem:$0x3FBC] =	sst s2  }
0x8f: {  	_ = 	snop  }
0x90: {  	s2 =	sld [smem:$0x3FD0];
	(tm) =	ssettm $0x1  }
0x91: {  	s18 =	sld [smem:$0x3FFB];
	_ =	sdelay $0x3  }
0x92: {  	_ =	strace s18  }
0x93: {  	s3 =	sld [smem:$0x3FFC];
	_ =	sdelay $0x3  }
0x94: {  	_ =	strace s3  }
0x95: {  	s3 =	sld [smem:$0x3FFD];
	_ =	sdelay $0x3  }
0x96: {  	_ =	strace s3  }
0x97: {  	_ =	strace $0x8FFFFFFF  }
0x98: {  	s19 =	sld [smem:$0x3FDB];
	_ =	sdelay $0x1  }
0x99: {  	s4 =	simm.s32 $_scs_section_size  }
0x9a: {  	s5 =	simm.s32 $_size__tile_overlayer_lowered;
	s6 =	simm.s32 $_tile_overlayer_lowered  }
0x9b: {  	s22 =	simm.s32 $0x1BFF;
	s21 =	sshll.u32 s6, $0x1;
	s3 =	sadd.s32 s4, s19  }
0x9c: {  	s7 =	simm.s32 $0x0;
	s20 =	sshll.u32 s5, $0x1;
	s5 =	sadd.s32 s21, s3  }
0x9d: {  	[timem:s7], [sflag:s22] =	dma.local [hbm:s5], s20  }
0x9e: {  	_ =	swait.ge [sflag:s22], s20  }
0x9f: {  	s4 =	ssub.s32 $0x0, s20;
	[sflag:s22] =	ssyncset.done $0x0  }
0xa0: {  	[sflag:s22] =	ssyncadd.s32 s4;
	_ =	sdelay $0x1  }
0xa1: {  	s23 =	simm.s32 $0x1B8B  }
0xa2: {  	_ =	swait.ge [sflag:s23], $0x1  }
0xa3: {  	[sflag:s23] =	ssyncset.done $0x0  }
0xa4: {  	s25 =	simm.s32 $0x1B8E;
	s24 =	sld [smem:$0x3FFE];
	[sflag:s23] =	ssyncadd.s32 $0xFFFFFFFF  }
0xa5: {  	s26 =	simm.s32 $execute0_lowered;
	[smem:$0x3FD2] =	sst s25  }
0xa6: {  	s5 =	sshll.u32 s26, $0x1;
	_ =	strace $0x80000049;
	[dreg:$0x1] =	wrdreg $0xFFFFFFFF  }
0xa7: {  	s28 =	simm.s32 $_size_execute0_lowered;
	s3 =	sadd.s32 s3, s5;
	[dreg:$0x0] =	wrdreg $0x0  }
0xa8: {  	s5 =	sshll.u32 s28, $0x1;
	[dreg:$0x2] =	wrdreg s3  }
0xa9: {  	[dreg:$0x3] =	wrdreg s5  }
0xaa: {  	[dreg:$0x4] =	wrdreg $0xC0  }
0xab: {  	_ =	task [dreg:s7], $0x5FFFF  }
0xac: {  	[dreg:$0x1] =	wrdreg $0xFFFFFFFF  }
0xad: {  	[dreg:$0x0] =	wrdreg $0x60  }
0xae: {  	[dreg:$0x2] =	wrdreg s24  }
0xaf: {  	[dreg:$0x3] =	wrdreg s2  }
0xb0: {  	[dreg:$0x4] =	wrdreg $0xB4000  }
0xb1: {  	[dreg:$0x5] =	wrdreg $0x152000  }
0xb2: {  	[dreg:$0x6] =	wrdreg $0x9  }
0xb3: {  	_ =	task.clear_ibuf [dreg:s7], $0x7FFFF;
	_ =	strace $0x90000049  }
0xb4: {  	s29 =	simm.s32 $0x9;
	_ =	strace $0x8000004B  }
0xb5: {  	_ =	swait.ge [sflag:s29], $0x1  }
0xb6: {  	[sflag:s29] =	ssyncadd.s32 $0xFFFFFFFF  }
0xb7: {  	_ =	strace $0x9000004B  }
0xb8: {  	_ =	sfence  }
0xb9: {  	s30 =	sld [smem:$0x0];
	_ =	sdelay $0x2  }
0xba: {  	s31 =	sshll.u32 s1, $0xD;
	s1 =	sshrl.u32 s1, $0x2  }
0xbb: {  	s3 =	sand.u32 $0x4000, s31;
	s1 =	sadd.s32 s1, s30  }
0xbc: {  	s0 =	sor.u32 s3, s0;
	s1 =	sshll.u32 s1, $0x11  }
0xbd: {  	s0 =	sor.u32 s1, s0  }
0xbe: {  	s0 =	sadd.s32 $0x8F2B, s0  }
0xbf: {  	[sflag:s0] =	ssyncadd.remote.s32 $0x1  }
0xc0: {  	_ =	sfence.sel $0xFFFF  }
0xc1: {  	[dreg:$0x0] =	wrdreg $0xFFFFFFFF;
	(pc) =	sbr.abs _section_cstart, $3  }
0xc2: {  	[dreg:$0x1] =	wrdreg $0xFFFFFFFF  }
0xc3: {  	_ =	task.clear_ibuf [dreg:s7], $0x2FFFF;
	_ =	strace $0x9FFFFFFF  }
0xc4: {  	(tm) =	ssettm $0x7FFFFFFF  }
0xc5: {  	_ =	shalt  }
tec
execute0_lowered:
.L_overlay_start_1:
0x0: {  	(tag) =	ssettag $0x1  }
0x1: {  	s0 =	rddreg [dreg:$0x0]  }
0x2: {  	s1 =	rddreg [dreg:$0x1]  }
0x3: {  	s2 =	rddreg [dreg:$0x2]  }
0x4: {  	s3 =	rddreg [dreg:$0x3];
	s11 =	stileid.u32  }
0x5: {  	s4 =	srdreg.scid;
	s8 =	simm.s32 $0x0;
	s5 =	smul.u32 $0x13C00, s11  }
0x6: {  	s14 =	simm.s32 $0x1;
	s15 =	simm.s32 $0x8;
	s7 =	smul.u32 $0xA000, s11  }
0x7: {  	s28 =	simm.s32 $0x7400;
	s29 =	simm.s32 $0x9400;
	s16 =	smul.u32 $0x14000, s11  }
0x8: {  	s30 =	simm.s32 $0x6;
	s31 =	simm.s32 $0x2;
	s17 =	smul.u32 $0x27800, s11  }
0x9: {  	s4 =	sand.u32 $0x1, s4;
	[smem:$0x7FF] =	sst s8;
	s20 =	smul.u32 $0x5000, s11  }
0xa: {  	s21 =	sshll.u32 s11, $0x6;
	s23 =	smul.u32 $0xA00, s11;
	s8 =	simm.s32 $0x10  }
0xb: {  	s6 =	sshll.u32 s4, $0x6;
	_ =	strace $0x8000004A;
	s4 =	ssub.s32 $0x2, s4  }
0xc: {  	s5 =	sor.u32 s6, s5;
	s9 =	sshrl.u32 s7, $0x3;
	s6 =	sor.u32 s6, s16  }
0xd: {  	s18 =	sshrl.u32 s4, $0x1;
	s19 =	sshrl.u32 s17, $0x2;
	s22 =	sshrl.u32 s20, $0x3  }
0xe: {  	s7 =	sadd.s32 s7, s3;
	s24 =	sadd.s32 s23, s1;
	s23 =	simm.s32 $0x3400  }
0xf: {  	s5 =	sshrl.u32 s5, $0x3;
	s6 =	sshrl.u32 s6, $0x3;
	s9 =	sadd.s32 s9, s0  }
0x10: {  	s4 =	ssub.s32 s4, s18;
	s10 =	sadd.s32 s19, s2;
	s7 =	sshrl.u32 s7, $0x3  }
0x11: {  	s19 =	simm.s32 $0x4;
	s9 =	sadd.s32 $0x2A400, s9;
	[dreg:$0xe] =	wrdreg s7  }
0x12: {  	s5 =	sadd.s32 s5, s0;
	s25 =	smax.u32 s4, $0x1;
	[dreg:$0x7] =	wrdreg s9  }
0x13: {  	s0 =	sadd.s32 s6, s0;
	s26 =	sshrl.u32 s10, $0x3;
	[dreg:$0xb] =	wrdreg s25  }
0x14: {  	s6 =	sor.u32 $0x1C0C, s21;
	s21 =	simm.s32 $0x80;
	[dreg:$0xd] =	wrdreg s26  }
0x15: {  	s5 =	sadd.s32 $0x2C00, s5;
	s0 =	sadd.s32 $0x3E400, s0;
	[dreg:$0x6] =	wrdreg s6  }
0x16: {  	s9 =	simm.s32 $0xC;
	s25 =	simm.s32 $0x5400;
	[dreg:$0x5] =	wrdreg s5  }
0x17: {  	s26 =	simm.s32 $0x5;
	s5 =	sadd.s32 s1, s22;
	[dreg:$0xa] =	wrdreg s0  }
0x18: {  	s0 =	sadd.s32 $0xA0A0, s24;
	s1 =	simm.s32 $0x3;
	[dreg:$0x8] =	wrdreg s5  }
0x19: {  	s24 =	simm.s32 $0x9;
	s5 =	sadd.s32 $0xA000, s5;
	[dreg:$0xc] =	wrdreg s0  }
0x1a: {  	s0 =	simm.s32 $0x7;
	[dreg:$0x9] =	wrdreg s5;
	s5 =	simm.s32 $0x0  }
.LBB2_1:
0x1b: {  	[dreg:$0xf] =	wrdreg s5  }
0x1c: {  	s4 =	rddreg [dreg:$0x5]  }
0x1d: {  	s22 =	rddreg [dreg:$0xd]  }
0x1e: {  	[spmem:s22@s15], [sflag:s6] =	dma.strided [hbm:s4@s8], $0x13C0, s14, $0x8   }
0x1f: {  	_ =	swait.ge [sflag:s9], $0x13C0  }
0x20: {  	[sflag:s9] =	ssyncset.done $0x0  }
0x21: {  	s8 =	rddreg [dreg:$0x7];
	[sflag:s9] =	ssyncadd.s32 $0xFFFFEC40  }
0x22: {  	[spmem:s7], [sflag:s6] =	dma.local [hbm:s8], $0x1400  }
0x23: {  	_ =	swait.ge [sflag:s9], $0x1400  }
0x24: {  	[sflag:s9] =	ssyncset.done $0x0  }
0x25: {  	[sflag:s9] =	ssyncadd.s32 $0xFFFFEC00  }
0x26: {  	[bflag:$0x0] =	sbarrier.arrive $0xFFFF  }
0x27: {  	s10 =	simm.s32 $0x0;
	s12 =	rddreg [dreg:$0x8]  }
0x28: {  	[tilespmem:s10], [sflag:$0xB] =	stream.linear.gather [hbm4b:s12+s10], $0x500, $0x38;
	[tilespmem:$0x1F200] =	vst v63  }
0x29: {  	s16 =	simm.s32 $0xA00;
	s17 =	simm.s32 $0xB;
	s13 =	rddreg [dreg:$0x9]  }
0x2a: {  	[tilespmem:s16], [sflag:$0xB] =	stream.linear.gather [hbm4b:s13+s10], $0x500, $0x38;
	[tilespmem:$0x1F200] =	vst v63  }
0x2b: {  	_ =	swait.ge [sflag:s17], $0x500  }
0x2c: {  	[sflag:s17] =	ssyncset.done $0x0  }
0x2d: {  	[sflag:s17] =	ssyncadd.s32 $0xFFFFFB00  }
0x2e: {  	_ =	swait.ge [sflag:s17], $0x500  }
0x2f: {  	[sflag:s17] =	ssyncset.done $0x0  }
0x30: {  	s11 =	simm.s32 $0x1400;
	[sflag:s17] =	ssyncadd.s32 $0xFFFFFB00  }
0x31: {  	[tilespmem:s11], [sflag:$0x1] =	stream.indirect.gather [spmem:s2], $0x40, s10, s21, $0xb8;
	[tilespmem:$0x1F200] =	vst v63  }
0x32: {  	p0 =	por $0x1, $0x1  }
0x33: {  	[tilespmem:s23], [sflag:$0x2] =	stream.indirect.gather [spmem:s2], $0x40, s21, s21, $0xb8;
	[tilespmem:$0x1F200] =	vst v63  }
0x34: {  	s18 =	simm.s32 $0x100;
	s4 =	sand.u32 $0x1, s10;
	p0 =	por p0, p0  }
0x35: {  	[tilespmem:s25], [sflag:$0x3] =	stream.indirect.gather [spmem:s2], $0x40, s18, s21, $0xb8;
	[tilespmem:$0x1F200] =	vst v63  }
0x36: {  	s20 =	simm.s32 $0x180;
	s22 =	smul.u32 $0x1400, s4;
	s7 =	simm.s32 @!p0 $0xA  }
0x37: {  	[tilespmem:s28], [sflag:$0x4] =	stream.indirect.gather [spmem:s2], $0x40, s20, s21, $0xb8;
	[tilespmem:$0x1F200] =	vst v63  }
0x38: {  	_ =	swait.ge @!p0 [sflag:s7], $0x2000  }
0x39: {  	s5 =	sshrl.u32 s22, $0x2;
	[sflag:s7] =	ssyncset.done @!p0 $0x0  }
0x3a: {  	s5 =	sadd.s32 $0x200, s5;
	s8 =	smul.u32 $0x500, s4;
	[sflag:s7] =	ssyncadd.s32 @!p0 $0xFFFFE000  }
0x3b: {  	[tilespmem:s29], [sflag:$0x5] =	stream.indirect.gather [spmem:s2], $0x40, s5, s21, $0xb8;
	[tilespmem:$0x1F200] =	vst v63  }
0x3c: {  	_ =	swait.ge [sflag:s14], $0x2000  }
0x3d: {  	s6 =	sadd.s32 $0xA00, s8;
	s7 =	simm.s32 $0x1;
	[sflag:s14] =	ssyncset.done $0x0  }
0x3e: {  	p0 =	por $0x0, $0x0;
	s4 =	sand.u32 $0x1, s7;
	[sflag:s14] =	ssyncadd.s32 $0xFFFFE000  }
0x3f: {  	[spmem:s3] =	stream.indirect.scatter.add.f32 [tilespmem:s11], [sflag:$0x6], $0x40, s6, s21, $0xb8;
	[tilespmem:$0x1F200] =	vst v63  }
0x40: {  	s5 =	smul.u32 @!p0 $0x500, s4;
	s6 =	rddreg [dreg:$0xc]  }
0x41: {  	s10 =	simm.s32 @!p0 $0x0;
	s9 =	sadd.s32 @!p0 $0xFFFF6000, s6  }
0x42: {  	[tilespmem:s5], [sflag:$0xB] =	stream.linear.gather @!p0 [hbm4b:s9+s10], $0x500, $0x38;
	[tilespmem:$0x1F200] =	vst v63  }
0x43: {  	s5 =	sadd.s32 @!p0 $0xA00, s5  }
0x44: {  	[tilespmem:s5], [sflag:$0xB] =	stream.linear.gather @!p0 [hbm4b:s6+s10], $0x500, $0x38;
	[tilespmem:$0x1F200] =	vst v63  }
0x45: {  	_ =	swait.ge [sflag:s30], $0x2000  }
0x46: {  	[sflag:s30] =	ssyncset.done $0x0  }
0x47: {  	s9 =	sadd.s32 $0x280, s8;
	[sflag:s30] =	ssyncadd.s32 $0xFFFFE000  }
0x48: {  	[tilespmem:s11], [sflag:$0x1] =	stream.indirect.gather [spmem:s2], $0x40, s9, s21, $0xb8;
	[tilespmem:$0x1F200] =	vst v63  }
0x49: {  	_ =	swait.ge [sflag:s31], $0x2000  }
0x4a: {  	[sflag:s31] =	ssyncset.done $0x0  }
0x4b: {  	s10 =	sadd.s32 $0xA80, s8;
	[sflag:s31] =	ssyncadd.s32 $0xFFFFE000  }
0x4c: {  	[spmem:s3] =	stream.indirect.scatter.add.f32 [tilespmem:s23], [sflag:$0x7], $0x40, s10, s21, $0xb8;
	[tilespmem:$0x1F200] =	vst v63  }
0x4d: {  	_ =	swait.ge [sflag:s0], $0x2000  }
0x4e: {  	[sflag:s0] =	ssyncset.done $0x0  }
0x4f: {  	s11 =	sadd.s32 $0x300, s8;
	[sflag:s0] =	ssyncadd.s32 $0xFFFFE000  }
0x50: {  	[tilespmem:s23], [sflag:$0x2] =	stream.indirect.gather [spmem:s2], $0x40, s11, s21, $0xb8;
	[tilespmem:$0x1F200] =	vst v63  }
0x51: {  	_ =	swait.ge [sflag:s1], $0x2000  }
0x52: {  	[sflag:s1] =	ssyncset.done $0x0  }
0x53: {  	s12 =	sadd.s32 $0xB00, s8;
	[sflag:s1] =	ssyncadd.s32 $0xFFFFE000  }
0x54: {  	[spmem:s3] =	stream.indirect.scatter.add.f32 [tilespmem:s25], [sflag:$0x8], $0x40, s12, s21, $0xb8;
	[tilespmem:$0x1F200] =	vst v63  }
0x55: {  	_ =	swait.ge [sflag:s15], $0x2000  }
0x56: {  	[sflag:s15] =	ssyncset.done $0x0  }
0x57: {  	s13 =	sadd.s32 $0x380, s8;
	[sflag:s15] =	ssyncadd.s32 $0xFFFFE000  }
0x58: {  	[tilespmem:s25], [sflag:$0x3] =	stream.indirect.gather [spmem:s2], $0x40, s13, s21, $0xb8;
	[tilespmem:$0x1F200] =	vst v63  }
0x59: {  	_ =	swait.ge [sflag:s19], $0x2000  }
0x5a: {  	[sflag:s19] =	ssyncset.done $0x0  }
0x5b: {  	s16 =	sadd.s32 $0xB80, s8;
	[sflag:s19] =	ssyncadd.s32 $0xFFFFE000  }
0x5c: {  	[spmem:s3] =	stream.indirect.scatter.add.f32 [tilespmem:s28], [sflag:$0x9], $0x40, s16, s21, $0xb8;
	[tilespmem:$0x1F200] =	vst v63  }
0x5d: {  	_ =	swait.ge [sflag:s24], $0x2000  }
0x5e: {  	[sflag:s24] =	ssyncset.done $0x0  }
0x5f: {  	s17 =	sadd.s32 $0x400, s8;
	[sflag:s24] =	ssyncadd.s32 $0xFFFFE000  }
0x60: {  	[tilespmem:s28], [sflag:$0x4] =	stream.indirect.gather [spmem:s2], $0x40, s17, s21, $0xb8;
	[tilespmem:$0x1F200] =	vst v63  }
0x61: {  	_ =	swait.ge [sflag:s26], $0x2000  }
0x62: {  	[sflag:s26] =	ssyncset.done $0x0  }
0x63: {  	s18 =	sadd.s32 $0xC00, s8;
	s9 =	simm.s32 @p0 $0xA;
	[sflag:s26] =	ssyncadd.s32 $0xFFFFE000  }
0x64: {  	[spmem:s3] =	stream.indirect.scatter.add.f32 [tilespmem:s29], [sflag:$0xA], $0x40, s18, s21, $0xb8;
	[tilespmem:$0x1F200] =	vst v63  }
0x65: {  	_ =	swait.ge @p0 [sflag:s9], $0x2000  }
0x66: {  	s5 =	simm.s32 @p0 $0x9400;
	s10 =	sadd.s32 @p0 $0x480, s8;
	[sflag:s9] =	ssyncset.done @p0 $0x0  }
0x67: {  	s11 =	simm.s32 @p0 $0x80;
	[sflag:s9] =	ssyncadd.s32 @p0 $0xFFFFE000;
	s9 =	simm.s32 @p0 $0x1  }
0x68: {  	[tilespmem:s5], [sflag:$0x5] =	stream.indirect.gather @p0 [spmem:s2], $0x40, s10, s11, $0xb8;
	[tilespmem:$0x1F200] =	vst v63  }
0x69: {  	_ =	swait.ge @p0 [sflag:s9], $0x2000  }
0x6a: {  	s5 =	sadd.s32 @p0 $0xC80, s8;
	[sflag:s9] =	ssyncset.done @p0 $0x0  }
0x6b: {  	s10 =	simm.s32 @p0 $0x1400;
	[sflag:s9] =	ssyncadd.s32 @p0 $0xFFFFE000;
	s9 =	simm.s32 @!p0 $0xB  }
0x6c: {  	[spmem:s3] =	stream.indirect.scatter.add.f32 @p0 [tilespmem:s10], [sflag:$0x6], $0x40, s5, s11, $0xb8;
	[tilespmem:$0x1F200] =	vst v63  }
0x6d: {  	_ =	swait.ge @!p0 [sflag:s9], $0x500  }
0x6e: {  	[sflag:s9] =	ssyncset.done @!p0 $0x0  }
0x6f: {  	[sflag:s9] =	ssyncadd.s32 @!p0 $0xFFFFFB00  }
0x70: {  	_ =	swait.ge @!p0 [sflag:s9], $0x500  }
0x71: {  	[sflag:s9] =	ssyncset.done @!p0 $0x0  }
0x72: {  	s5 =	simm.s32 @!p0 $0xA;
	[sflag:s9] =	ssyncadd.s32 @!p0 $0xFFFFFB00  }
0x73: {  	_ =	swait.ge @!p0 [sflag:s5], $0x2000  }
0x74: {  	s10 =	sadd.s32 @!p0 $0x480, s8;
	[sflag:s5] =	ssyncset.done @!p0 $0x0  }
0x75: {  	s9 =	simm.s32 @!p0 $0x9400;
	[sflag:s5] =	ssyncadd.s32 @!p0 $0xFFFFE000;
	s5 =	simm.s32 @!p0 $0x80  }
0x76: {  	[tilespmem:s9], [sflag:$0x5] =	stream.indirect.gather @!p0 [spmem:s2], $0x40, s10, s5, $0xb8;
	[tilespmem:$0x1F200] =	vst v63  }
0x77: {  	s9 =	simm.s32 @!p0 $0x1  }
0x78: {  	_ =	swait.ge @!p0 [sflag:s9], $0x2000  }
0x79: {  	[sflag:s9] =	ssyncset.done @!p0 $0x0  }
0x7a: {  	s10 =	simm.s32 @!p0 $0x1400;
	[sflag:s9] =	ssyncadd.s32 @!p0 $0xFFFFE000;
	s9 =	sadd.s32 @!p0 $0xC80, s8  }
0x7b: {  	[spmem:s3] =	stream.indirect.scatter.add.f32 @!p0 [tilespmem:s10], [sflag:$0x6], $0x40, s9, s5, $0xb8;
	[tilespmem:$0x1F200] =	vst v63  }
0x7c: {  	s9 =	simm.s32 @!p0 $0x6  }
0x7d: {  	s4 =	smul.u32 @!p0 $0x1400, s4;
	_ =	swait.ge @!p0 [sflag:s9], $0x2000  }
0x7e: {  	[sflag:s9] =	ssyncset.done @!p0 $0x0  }
0x7f: {  	s4 =	sshrl.u32 @!p0 s4, $0x2;
	[sflag:s9] =	ssyncadd.s32 @!p0 $0xFFFFE000  }
0x80: {  	[tilespmem:s10], [sflag:$0x1] =	stream.indirect.gather @!p0 [spmem:s2], $0x40, s4, s5, $0xb8;
	[tilespmem:$0x1F200] =	vst v63  }
0x81: {  	_ =	swait.ge [sflag:s31], $0x2000  }
0x82: {  	[sflag:s31] =	ssyncset.done $0x0  }
0x83: {  	s20 =	sadd.s32 $0xD00, s8;
	s10 =	simm.s32 @p0 $0x3;
	[sflag:s31] =	ssyncadd.s32 $0xFFFFE000  }
0x84: {  	[spmem:s3] =	stream.indirect.scatter.add.f32 [tilespmem:s23], [sflag:$0x7], $0x40, s20, s21, $0xb8;
	[tilespmem:$0x1F200] =	vst v63  }
0x85: {  	_ =	swait.ge @p0 [sflag:s10], $0x2000  }
0x86: {  	[sflag:s10] =	ssyncset.done @p0 $0x0  }
0x87: {  	s9 =	sadd.s32 @p0 $0xD80, s8;
	[sflag:s10] =	ssyncadd.s32 @p0 $0xFFFFE000;
	s10 =	simm.s32 @p0 $0x5400  }
0x88: {  	[spmem:s3] =	stream.indirect.scatter.add.f32 @p0 [tilespmem:s10], [sflag:$0x8], $0x40, s9, s11, $0xb8;
	[tilespmem:$0x1F200] =	vst v63  }
0x89: {  	s9 =	simm.s32 @!p0 $0x7  }
0x8a: {  	_ =	swait.ge @!p0 [sflag:s9], $0x2000  }
0x8b: {  	s10 =	simm.s32 @!p0 $0x3;
	[sflag:s9] =	ssyncset.done @!p0 $0x0  }
0x8c: {  	s11 =	sor.u32 @!p0 $0x80, s4;
	[sflag:s9] =	ssyncadd.s32 @!p0 $0xFFFFE000;
	s9 =	simm.s32 @!p0 $0x3400  }
0x8d: {  	[tilespmem:s9], [sflag:$0x2] =	stream.indirect.gather @!p0 [spmem:s2], $0x40, s11, s5, $0xb8;
	[tilespmem:$0x1F200] =	vst v63  }
0x8e: {  	_ =	swait.ge @!p0 [sflag:s10], $0x2000  }
0x8f: {  	s9 =	simm.s32 @!p0 $0x8;
	[sflag:s10] =	ssyncset.done @!p0 $0x0  }
0x90: {  	s11 =	sadd.s32 @!p0 $0xD80, s8;
	[sflag:s10] =	ssyncadd.s32 @!p0 $0xFFFFE000;
	s10 =	simm.s32 @!p0 $0x5400  }
0x91: {  	[spmem:s3] =	stream.indirect.scatter.add.f32 @!p0 [tilespmem:s10], [sflag:$0x8], $0x40, s11, s5, $0xb8;
	[tilespmem:$0x1F200] =	vst v63  }
0x92: {  	_ =	swait.ge @!p0 [sflag:s9], $0x2000  }
0x93: {  	[sflag:s9] =	ssyncset.done @!p0 $0x0  }
0x94: {  	s11 =	sadd.s32 @!p0 $0x100, s4;
	[sflag:s9] =	ssyncadd.s32 @!p0 $0xFFFFE000  }
0x95: {  	[tilespmem:s10], [sflag:$0x3] =	stream.indirect.gather @!p0 [spmem:s2], $0x40, s11, s5, $0xb8;
	[tilespmem:$0x1F200] =	vst v63  }
0x96: {  	_ =	swait.ge [sflag:s19], $0x2000  }
0x97: {  	[sflag:s19] =	ssyncset.done $0x0  }
0x98: {  	s22 =	sadd.s32 $0xE00, s8;
	s10 =	simm.s32 @!p0 $0x9;
	[sflag:s19] =	ssyncadd.s32 $0xFFFFE000  }
0x99: {  	[spmem:s3] =	stream.indirect.scatter.add.f32 [tilespmem:s28], [sflag:$0x9], $0x40, s22, s21, $0xb8;
	[tilespmem:$0x1F200] =	vst v63  }
0x9a: {  	p6 =	por $0x0, $0x0;
	s13 =	simm.s32 $0x2;
	_ =	swait.ge @!p0 [sflag:s10], $0x2000  }
0x9b: {  	s4 =	sadd.s32 @!p0 $0x180, s4;
	s9 =	simm.s32 @!p0 $0x7400;
	[sflag:s10] =	ssyncset.done @!p0 $0x0  }
0x9c: {  	s11 =	sand.u32 $0x1, s7;
	[sflag:s10] =	ssyncadd.s32 @!p0 $0xFFFFE000;
	s10 =	sadd.s32 $0xA0, s6  }
0x9d: {  	[tilespmem:s9], [sflag:$0x4] =	stream.indirect.gather @!p0 [spmem:s2], $0x40, s4, s5, $0xb8;
	[tilespmem:$0x1F200] =	vst v63  }
0x9e: {  	s9 =	sand.u32 $0x1, s13;
	p0 =	por p6, p6;
	_ =	swait.ge [sflag:s26], $0x2000  }
0x9f: {  	s4 =	smul.u32 $0x1400, s11;
	s5 =	sadd.s32 $0xE80, s8;
	[sflag:s26] =	ssyncset.done $0x0  }
.LBB2_2:
0xa0: {  	p2 =	seq.s32 s13, $0x0  }
0xa1: {  	s8 =	simm.s32 @!p0 $0xA;
	[sflag:s26] =	ssyncadd.s32 $0xFFFFE000;
	s18 =	smov.u32 s13  }
0xa2: {  	[spmem:s3] =	stream.indirect.scatter.add.f32 [tilespmem:s29], [sflag:$0xA], $0x40, s5, s21, $0xb8;
	[tilespmem:$0x1F200] =	vst v63  }
0xa3: {  	s13 =	sadd.s32 $0x1, s13;
	s5 =	sand.u32 $0x1, s18;
	_ =	swait.ge @!p0 [sflag:s8], $0x2000  }
0xa4: {  	s6 =	sand.u32 $0x1, s13;
	s4 =	sshrl.u32 s4, $0x2;
	[sflag:s8] =	ssyncset.done @!p0 $0x0  }
0xa5: {  	p1 =	sne.s32 s13, $0x10;
	s4 =	sadd.s32 $0x200, s4;
	[sflag:s8] =	ssyncadd.s32 @!p0 $0xFFFFE000  }
0xa6: {  	[tilespmem:s29], [sflag:$0x5] =	stream.indirect.gather [spmem:s2], $0x40, s4, s21, $0xb8;
	[tilespmem:$0x1F200] =	vst v63  }
0xa7: {  	s8 =	smul.u32 $0x500, s11;
	s11 =	smov.u32 s5;
	_ =	swait.ge [sflag:s14], $0x2000  }
0xa8: {  	s16 =	simm.s32 $0x1400;
	p0 =	por p2, p2;
	[sflag:s14] =	ssyncset.done $0x0  }
0xa9: {  	p2 =	seq.s32 s7, $0xF;
	s4 =	sadd.s32 $0xA00, s8;
	[sflag:s14] =	ssyncadd.s32 $0xFFFFE000  }
0xaa: {  	[spmem:s3] =	stream.indirect.scatter.add.f32 [tilespmem:s16], [sflag:$0x6], $0x40, s4, s21, $0xb8;
	[tilespmem:$0x1F200] =	vst v63  }
0xab: {  	s12 =	sadd.s32 @!p2 $0xFFFF6000, s10;
	s20 =	simm.s32 @!p2 $0x0;
	s4 =	smul.u32 @!p2 $0x500, s9  }
0xac: {  	s7 =	smov.u32 s18;
	s5 =	smul.u32 @!p2 $0x1400, s9;
	s9 =	smov.u32 s6  }
0xad: {  	[tilespmem:s4], [sflag:$0xB] =	stream.linear.gather @!p2 [hbm4b:s12+s20], $0x500, $0x38;
	[tilespmem:$0x1F200] =	vst v63  }
0xae: {  	s4 =	sadd.s32 @!p2 $0xA00, s4  }
0xaf: {  	[tilespmem:s4], [sflag:$0xB] =	stream.linear.gather @!p2 [hbm4b:s10+s20], $0x500, $0x38;
	[tilespmem:$0x1F200] =	vst v63  }
0xb0: {  	_ =	swait.ge [sflag:s30], $0x2000  }
0xb1: {  	s4 =	sadd.s32 $0x280, s8;
	[sflag:s30] =	ssyncset.done $0x0  }
0xb2: {  	[sflag:s30] =	ssyncadd.s32 $0xFFFFE000  }
0xb3: {  	[tilespmem:s16], [sflag:$0x1] =	stream.indirect.gather [spmem:s2], $0x40, s4, s21, $0xb8;
	[tilespmem:$0x1F200] =	vst v63  }
0xb4: {  	_ =	swait.ge [sflag:s31], $0x2000  }
0xb5: {  	s4 =	sadd.s32 $0xA80, s8;
	[sflag:s31] =	ssyncset.done $0x0  }
0xb6: {  	[sflag:s31] =	ssyncadd.s32 $0xFFFFE000  }
0xb7: {  	[spmem:s3] =	stream.indirect.scatter.add.f32 [tilespmem:s23], [sflag:$0x7], $0x40, s4, s21, $0xb8;
	[tilespmem:$0x1F200] =	vst v63  }
0xb8: {  	_ =	swait.ge [sflag:s0], $0x2000  }
0xb9: {  	s4 =	sadd.s32 $0x300, s8;
	[sflag:s0] =	ssyncset.done $0x0  }
0xba: {  	[sflag:s0] =	ssyncadd.s32 $0xFFFFE000  }
0xbb: {  	[tilespmem:s23], [sflag:$0x2] =	stream.indirect.gather [spmem:s2], $0x40, s4, s21, $0xb8;
	[tilespmem:$0x1F200] =	vst v63  }
0xbc: {  	_ =	swait.ge [sflag:s1], $0x2000  }
0xbd: {  	s4 =	sadd.s32 $0xB00, s8;
	[sflag:s1] =	ssyncset.done $0x0  }
0xbe: {  	[sflag:s1] =	ssyncadd.s32 $0xFFFFE000  }
0xbf: {  	[spmem:s3] =	stream.indirect.scatter.add.f32 [tilespmem:s25], [sflag:$0x8], $0x40, s4, s21, $0xb8;
	[tilespmem:$0x1F200] =	vst v63  }
0xc0: {  	_ =	swait.ge [sflag:s15], $0x2000  }
0xc1: {  	s4 =	sadd.s32 $0x380, s8;
	[sflag:s15] =	ssyncset.done $0x0  }
0xc2: {  	[sflag:s15] =	ssyncadd.s32 $0xFFFFE000  }
0xc3: {  	[tilespmem:s25], [sflag:$0x3] =	stream.indirect.gather [spmem:s2], $0x40, s4, s21, $0xb8;
	[tilespmem:$0x1F200] =	vst v63  }
0xc4: {  	_ =	swait.ge [sflag:s19], $0x2000  }
0xc5: {  	s4 =	sadd.s32 $0xB80, s8;
	[sflag:s19] =	ssyncset.done $0x0  }
0xc6: {  	[sflag:s19] =	ssyncadd.s32 $0xFFFFE000  }
0xc7: {  	[spmem:s3] =	stream.indirect.scatter.add.f32 [tilespmem:s28], [sflag:$0x9], $0x40, s4, s21, $0xb8;
	[tilespmem:$0x1F200] =	vst v63  }
0xc8: {  	_ =	swait.ge [sflag:s24], $0x2000  }
0xc9: {  	s4 =	sadd.s32 $0x400, s8;
	[sflag:s24] =	ssyncset.done $0x0  }
0xca: {  	[sflag:s24] =	ssyncadd.s32 $0xFFFFE000  }
0xcb: {  	[tilespmem:s28], [sflag:$0x4] =	stream.indirect.gather [spmem:s2], $0x40, s4, s21, $0xb8;
	[tilespmem:$0x1F200] =	vst v63  }
0xcc: {  	_ =	swait.ge [sflag:s26], $0x2000  }
0xcd: {  	s6 =	simm.s32 @p2 $0xA;
	s4 =	sadd.s32 $0xC00, s8;
	[sflag:s26] =	ssyncset.done $0x0  }
0xce: {  	[sflag:s26] =	ssyncadd.s32 $0xFFFFE000  }
0xcf: {  	[spmem:s3] =	stream.indirect.scatter.add.f32 [tilespmem:s29], [sflag:$0xA], $0x40, s4, s21, $0xb8;
	[tilespmem:$0x1F200] =	vst v63  }
0xd0: {  	s4 =	simm.s32 @p2 $0x9400;
	_ =	swait.ge @p2 [sflag:s6], $0x2000  }
0xd1: {  	s18 =	simm.s32 @p2 $0x80;
	s12 =	sadd.s32 @p2 $0x480, s8;
	[sflag:s6] =	ssyncset.done @p2 $0x0  }
0xd2: {  	[sflag:s6] =	ssyncadd.s32 @p2 $0xFFFFE000;
	s6 =	simm.s32 @p2 $0x1  }
0xd3: {  	[tilespmem:s4], [sflag:$0x5] =	stream.indirect.gather @p2 [spmem:s2], $0x40, s12, s18, $0xb8;
	[tilespmem:$0x1F200] =	vst v63  }
0xd4: {  	_ =	swait.ge @p2 [sflag:s6], $0x2000  }
0xd5: {  	s4 =	sadd.s32 @p2 $0xC80, s8;
	s12 =	simm.s32 @p2 $0x1400;
	[sflag:s6] =	ssyncset.done @p2 $0x0  }
0xd6: {  	[sflag:s6] =	ssyncadd.s32 @p2 $0xFFFFE000;
	s6 =	simm.s32 @!p2 $0xB  }
0xd7: {  	[spmem:s3] =	stream.indirect.scatter.add.f32 @p2 [tilespmem:s12], [sflag:$0x6], $0x40, s4, s18, $0xb8;
	[tilespmem:$0x1F200] =	vst v63  }
0xd8: {  	_ =	swait.ge @!p2 [sflag:s6], $0x500  }
0xd9: {  	[sflag:s6] =	ssyncset.done @!p2 $0x0  }
0xda: {  	[sflag:s6] =	ssyncadd.s32 @!p2 $0xFFFFFB00  }
0xdb: {  	_ =	swait.ge @!p2 [sflag:s6], $0x500  }
0xdc: {  	s12 =	simm.s32 @!p2 $0xA;
	[sflag:s6] =	ssyncset.done @!p2 $0x0  }
0xdd: {  	[sflag:s6] =	ssyncadd.s32 @!p2 $0xFFFFFB00  }
0xde: {  	s6 =	simm.s32 @!p2 $0x9400;
	_ =	swait.ge @!p2 [sflag:s12], $0x2000  }
0xdf: {  	s20 =	sadd.s32 @!p2 $0x480, s8;
	s4 =	simm.s32 @!p2 $0x80;
	[sflag:s12] =	ssyncset.done @!p2 $0x0  }
0xe0: {  	[sflag:s12] =	ssyncadd.s32 @!p2 $0xFFFFE000;
	s12 =	simm.s32 @!p2 $0x1  }
0xe1: {  	[tilespmem:s6], [sflag:$0x5] =	stream.indirect.gather @!p2 [spmem:s2], $0x40, s20, s4, $0xb8;
	[tilespmem:$0x1F200] =	vst v63  }
0xe2: {  	s6 =	simm.s32 @!p2 $0x1400;
	_ =	swait.ge @!p2 [sflag:s12], $0x2000  }
0xe3: {  	s17 =	simm.s32 @!p2 $0x6;
	s20 =	sadd.s32 @!p2 $0xC80, s8;
	[sflag:s12] =	ssyncset.done @!p2 $0x0  }
0xe4: {  	[sflag:s12] =	ssyncadd.s32 @!p2 $0xFFFFE000  }
0xe5: {  	[spmem:s3] =	stream.indirect.scatter.add.f32 @!p2 [tilespmem:s6], [sflag:$0x6], $0x40, s20, s4, $0xb8;
	[tilespmem:$0x1F200] =	vst v63  }
0xe6: {  	_ =	swait.ge @!p2 [sflag:s17], $0x2000  }
0xe7: {  	s12 =	sshrl.u32 @!p2 s5, $0x2;
	[sflag:s17] =	ssyncset.done @!p2 $0x0  }
0xe8: {  	s5 =	sadd.s32 @!p2 $0x180, s12;
	[sflag:s17] =	ssyncadd.s32 @!p2 $0xFFFFE000;
	s17 =	sadd.s32 @!p2 $0x100, s12  }
0xe9: {  	[tilespmem:s6], [sflag:$0x1] =	stream.indirect.gather @!p2 [spmem:s2], $0x40, s12, s4, $0xb8;
	[tilespmem:$0x1F200] =	vst v63  }
0xea: {  	_ =	swait.ge [sflag:s31], $0x2000  }
0xeb: {  	s20 =	simm.s32 @p2 $0x3;
	s6 =	sadd.s32 $0xD00, s8;
	[sflag:s31] =	ssyncset.done $0x0  }
0xec: {  	[sflag:s31] =	ssyncadd.s32 $0xFFFFE000  }
0xed: {  	[spmem:s3] =	stream.indirect.scatter.add.f32 [tilespmem:s23], [sflag:$0x7], $0x40, s6, s21, $0xb8;
	[tilespmem:$0x1F200] =	vst v63  }
0xee: {  	s6 =	simm.s32 @!p2 $0x7;
	_ =	swait.ge @p2 [sflag:s20], $0x2000  }
0xef: {  	s22 =	simm.s32 @p2 $0x5400;
	s16 =	sadd.s32 @p2 $0xD80, s8;
	[sflag:s20] =	ssyncset.done @p2 $0x0  }
0xf0: {  	[sflag:s20] =	ssyncadd.s32 @p2 $0xFFFFE000  }
0xf1: {  	[spmem:s3] =	stream.indirect.scatter.add.f32 @p2 [tilespmem:s22], [sflag:$0x8], $0x40, s16, s18, $0xb8;
	[tilespmem:$0x1F200] =	vst v63  }
0xf2: {  	s16 =	simm.s32 @!p2 $0x3;
	_ =	swait.ge @!p2 [sflag:s6], $0x2000  }
0xf3: {  	s12 =	sor.u32 @!p2 $0x80, s12;
	s18 =	simm.s32 @!p2 $0x3400;
	[sflag:s6] =	ssyncset.done @!p2 $0x0  }
0xf4: {  	[sflag:s6] =	ssyncadd.s32 @!p2 $0xFFFFE000  }
0xf5: {  	[tilespmem:s18], [sflag:$0x2] =	stream.indirect.gather @!p2 [spmem:s2], $0x40, s12, s4, $0xb8;
	[tilespmem:$0x1F200] =	vst v63  }
0xf6: {  	s6 =	simm.s32 @!p2 $0x8;
	_ =	swait.ge @!p2 [sflag:s16], $0x2000  }
0xf7: {  	s12 =	sadd.s32 @!p2 $0xD80, s8;
	s18 =	simm.s32 @!p2 $0x5400;
	[sflag:s16] =	ssyncset.done @!p2 $0x0  }
0xf8: {  	[sflag:s16] =	ssyncadd.s32 @!p2 $0xFFFFE000  }
0xf9: {  	[spmem:s3] =	stream.indirect.scatter.add.f32 @!p2 [tilespmem:s18], [sflag:$0x8], $0x40, s12, s4, $0xb8;
	[tilespmem:$0x1F200] =	vst v63  }
0xfa: {  	_ =	swait.ge @!p2 [sflag:s6], $0x2000  }
0xfb: {  	[sflag:s6] =	ssyncset.done @!p2 $0x0  }
0xfc: {  	[sflag:s6] =	ssyncadd.s32 @!p2 $0xFFFFE000  }
0xfd: {  	[tilespmem:s18], [sflag:$0x3] =	stream.indirect.gather @!p2 [spmem:s2], $0x40, s17, s4, $0xb8;
	[tilespmem:$0x1F200] =	vst v63  }
0xfe: {  	_ =	swait.ge [sflag:s19], $0x2000  }
0xff: {  	s6 =	sadd.s32 $0xE00, s8;
	[sflag:s19] =	ssyncset.done $0x0  }
0x100: {  	s12 =	simm.s32 @!p2 $0x9;
	[sflag:s19] =	ssyncadd.s32 $0xFFFFE000  }
0x101: {  	[spmem:s3] =	stream.indirect.scatter.add.f32 [tilespmem:s28], [sflag:$0x9], $0x40, s6, s21, $0xb8;
	[tilespmem:$0x1F200] =	vst v63  }
0x102: {  	_ =	swait.ge @!p2 [sflag:s12], $0x2000  }
.Ltmp0:
0x103: {  	s6 =	simm.s32 @!p2 $0x7400;
	[sflag:s12] =	ssyncset.done @!p2 $0x0;
	(pc) =	sbr.rel @p1 .LBB2_2-.Ltmp0, $4  }
0x104: {  	[sflag:s12] =	ssyncadd.s32 @!p2 $0xFFFFE000  }
0x105: {  	[tilespmem:s6], [sflag:$0x4] =	stream.indirect.gather @!p2 [spmem:s2], $0x40, s5, s4, $0xb8;
	[tilespmem:$0x1F200] =	vst v63  }
0x106: {  	s10 =	sadd.s32 $0xA0, s10;
	_ =	swait.ge [sflag:s26], $0x2000  }
0x107: {  	s4 =	smul.u32 $0x1400, s11;
	s5 =	sadd.s32 $0xE80, s8;
	[sflag:s26] =	ssyncset.done $0x0  }
0x108: {  	[sflag:s26] =	ssyncadd.s32 $0xFFFFE000  }
0x109: {  	[spmem:s3] =	stream.indirect.scatter.add.f32 [tilespmem:s29], [sflag:$0xA], $0x40, s5, s21, $0xb8;
	[tilespmem:$0x1F200] =	vst v63  }
0x10a: {  	s5 =	simm.s32 @!p0 $0xA  }
0x10b: {  	_ =	swait.ge @!p0 [sflag:s5], $0x2000  }
0x10c: {  	s4 =	sshrl.u32 s4, $0x2;
	[sflag:s5] =	ssyncset.done @!p0 $0x0  }
0x10d: {  	s4 =	sadd.s32 $0x200, s4;
	[sflag:s5] =	ssyncadd.s32 @!p0 $0xFFFFE000  }
0x10e: {  	[tilespmem:s29], [sflag:$0x5] =	stream.indirect.gather [spmem:s2], $0x40, s4, s21, $0xb8;
	[tilespmem:$0x1F200] =	vst v63  }
0x10f: {  	s5 =	smul.u32 $0x500, s11;
	_ =	swait.ge [sflag:s14], $0x2000  }
0x110: {  	s8 =	simm.s32 $0x1400;
	p0 =	seq.s32 s7, $0xF;
	[sflag:s14] =	ssyncset.done $0x0  }
0x111: {  	s4 =	smul.u32 @!p0 $0x500, s9;
	s17 =	sadd.s32 $0xA00, s5;
	[sflag:s14] =	ssyncadd.s32 $0xFFFFE000  }
0x112: {  	[spmem:s3] =	stream.indirect.scatter.add.f32 [tilespmem:s8], [sflag:$0x6], $0x40, s17, s21, $0xb8;
	[tilespmem:$0x1F200] =	vst v63  }
0x113: {  	s6 =	sadd.s32 @!p0 $0xFFFF6000, s10;
	s7 =	simm.s32 @!p0 $0x0  }
0x114: {  	[tilespmem:s4], [sflag:$0xB] =	stream.linear.gather @!p0 [hbm4b:s6+s7], $0x500, $0x38;
	[tilespmem:$0x1F200] =	vst v63  }
0x115: {  	s4 =	sadd.s32 @!p0 $0xA00, s4  }
0x116: {  	[tilespmem:s4], [sflag:$0xB] =	stream.linear.gather @!p0 [hbm4b:s10+s7], $0x500, $0x38;
	[tilespmem:$0x1F200] =	vst v63  }
0x117: {  	_ =	swait.ge [sflag:s30], $0x2000  }
0x118: {  	[sflag:s30] =	ssyncset.done $0x0  }
0x119: {  	s18 =	sadd.s32 $0x280, s5;
	[sflag:s30] =	ssyncadd.s32 $0xFFFFE000  }
0x11a: {  	[tilespmem:s8], [sflag:$0x1] =	stream.indirect.gather [spmem:s2], $0x40, s18, s21, $0xb8;
	[tilespmem:$0x1F200] =	vst v63  }
0x11b: {  	_ =	swait.ge [sflag:s31], $0x2000  }
0x11c: {  	[sflag:s31] =	ssyncset.done $0x0  }
0x11d: {  	s20 =	sadd.s32 $0xA80, s5;
	[sflag:s31] =	ssyncadd.s32 $0xFFFFE000  }
0x11e: {  	[spmem:s3] =	stream.indirect.scatter.add.f32 [tilespmem:s23], [sflag:$0x7], $0x40, s20, s21, $0xb8;
	[tilespmem:$0x1F200] =	vst v63  }
0x11f: {  	_ =	swait.ge [sflag:s0], $0x2000  }
0x120: {  	[sflag:s0] =	ssyncset.done $0x0  }
0x121: {  	s22 =	sadd.s32 $0x300, s5;
	[sflag:s0] =	ssyncadd.s32 $0xFFFFE000  }
0x122: {  	[tilespmem:s23], [sflag:$0x2] =	stream.indirect.gather [spmem:s2], $0x40, s22, s21, $0xb8;
	[tilespmem:$0x1F200] =	vst v63  }
0x123: {  	_ =	swait.ge [sflag:s1], $0x2000  }
0x124: {  	[sflag:s1] =	ssyncset.done $0x0  }
0x125: {  	s6 =	sadd.s32 $0xB00, s5;
	[sflag:s1] =	ssyncadd.s32 $0xFFFFE000  }
0x126: {  	[spmem:s3] =	stream.indirect.scatter.add.f32 [tilespmem:s25], [sflag:$0x8], $0x40, s6, s21, $0xb8;
	[tilespmem:$0x1F200] =	vst v63  }
0x127: {  	_ =	swait.ge [sflag:s15], $0x2000  }
0x128: {  	[sflag:s15] =	ssyncset.done $0x0  }
0x129: {  	s7 =	sadd.s32 $0x380, s5;
	[sflag:s15] =	ssyncadd.s32 $0xFFFFE000  }
0x12a: {  	[tilespmem:s25], [sflag:$0x3] =	stream.indirect.gather [spmem:s2], $0x40, s7, s21, $0xb8;
	[tilespmem:$0x1F200] =	vst v63  }
0x12b: {  	_ =	swait.ge [sflag:s19], $0x2000  }
0x12c: {  	[sflag:s19] =	ssyncset.done $0x0  }
0x12d: {  	s8 =	sadd.s32 $0xB80, s5;
	[sflag:s19] =	ssyncadd.s32 $0xFFFFE000  }
0x12e: {  	[spmem:s3] =	stream.indirect.scatter.add.f32 [tilespmem:s28], [sflag:$0x9], $0x40, s8, s21, $0xb8;
	[tilespmem:$0x1F200] =	vst v63  }
0x12f: {  	_ =	swait.ge [sflag:s24], $0x2000  }
0x130: {  	[sflag:s24] =	ssyncset.done $0x0  }
0x131: {  	s10 =	sadd.s32 $0x400, s5;
	[sflag:s24] =	ssyncadd.s32 $0xFFFFE000  }
0x132: {  	[tilespmem:s28], [sflag:$0x4] =	stream.indirect.gather [spmem:s2], $0x40, s10, s21, $0xb8;
	[tilespmem:$0x1F200] =	vst v63  }
0x133: {  	_ =	swait.ge [sflag:s26], $0x2000  }
0x134: {  	[sflag:s26] =	ssyncset.done $0x0  }
0x135: {  	s11 =	sadd.s32 $0xC00, s5;
	s6 =	simm.s32 @p0 $0xA;
	[sflag:s26] =	ssyncadd.s32 $0xFFFFE000  }
0x136: {  	[spmem:s3] =	stream.indirect.scatter.add.f32 [tilespmem:s29], [sflag:$0xA], $0x40, s11, s21, $0xb8;
	[tilespmem:$0x1F200] =	vst v63  }
0x137: {  	_ =	swait.ge @p0 [sflag:s6], $0x2000  }
0x138: {  	s4 =	simm.s32 @p0 $0x9400;
	s7 =	sadd.s32 @p0 $0x480, s5;
	[sflag:s6] =	ssyncset.done @p0 $0x0  }
0x139: {  	s8 =	simm.s32 @p0 $0x80;
	[sflag:s6] =	ssyncadd.s32 @p0 $0xFFFFE000;
	s6 =	simm.s32 @p0 $0x1  }
0x13a: {  	[tilespmem:s4], [sflag:$0x5] =	stream.indirect.gather @p0 [spmem:s2], $0x40, s7, s8, $0xb8;
	[tilespmem:$0x1F200] =	vst v63  }
0x13b: {  	_ =	swait.ge @p0 [sflag:s6], $0x2000  }
0x13c: {  	s4 =	sadd.s32 @p0 $0xC80, s5;
	[sflag:s6] =	ssyncset.done @p0 $0x0  }
0x13d: {  	s7 =	simm.s32 @p0 $0x1400;
	[sflag:s6] =	ssyncadd.s32 @p0 $0xFFFFE000;
	s6 =	simm.s32 @!p0 $0xB  }
0x13e: {  	[spmem:s3] =	stream.indirect.scatter.add.f32 @p0 [tilespmem:s7], [sflag:$0x6], $0x40, s4, s8, $0xb8;
	[tilespmem:$0x1F200] =	vst v63  }
0x13f: {  	_ =	swait.ge @!p0 [sflag:s6], $0x500  }
0x140: {  	[sflag:s6] =	ssyncset.done @!p0 $0x0  }
0x141: {  	[sflag:s6] =	ssyncadd.s32 @!p0 $0xFFFFFB00  }
0x142: {  	_ =	swait.ge @!p0 [sflag:s6], $0x500  }
0x143: {  	[sflag:s6] =	ssyncset.done @!p0 $0x0  }
0x144: {  	s4 =	simm.s32 @!p0 $0xA;
	[sflag:s6] =	ssyncadd.s32 @!p0 $0xFFFFFB00  }
0x145: {  	_ =	swait.ge @!p0 [sflag:s4], $0x2000  }
0x146: {  	s7 =	sadd.s32 @!p0 $0x480, s5;
	[sflag:s4] =	ssyncset.done @!p0 $0x0  }
0x147: {  	s6 =	simm.s32 @!p0 $0x9400;
	[sflag:s4] =	ssyncadd.s32 @!p0 $0xFFFFE000;
	s4 =	simm.s32 @!p0 $0x80  }
0x148: {  	[tilespmem:s6], [sflag:$0x5] =	stream.indirect.gather @!p0 [spmem:s2], $0x40, s7, s4, $0xb8;
	[tilespmem:$0x1F200] =	vst v63  }
0x149: {  	s6 =	simm.s32 @!p0 $0x1  }
0x14a: {  	_ =	swait.ge @!p0 [sflag:s6], $0x2000  }
0x14b: {  	[sflag:s6] =	ssyncset.done @!p0 $0x0  }
0x14c: {  	s7 =	simm.s32 @!p0 $0x1400;
	[sflag:s6] =	ssyncadd.s32 @!p0 $0xFFFFE000;
	s6 =	sadd.s32 @!p0 $0xC80, s5  }
0x14d: {  	[spmem:s3] =	stream.indirect.scatter.add.f32 @!p0 [tilespmem:s7], [sflag:$0x6], $0x40, s6, s4, $0xb8;
	[tilespmem:$0x1F200] =	vst v63  }
0x14e: {  	s6 =	simm.s32 @!p0 $0x6  }
0x14f: {  	s9 =	smul.u32 @!p0 $0x1400, s9;
	_ =	swait.ge @!p0 [sflag:s6], $0x2000  }
0x150: {  	[sflag:s6] =	ssyncset.done @!p0 $0x0  }
0x151: {  	s9 =	sshrl.u32 @!p0 s9, $0x2;
	[sflag:s6] =	ssyncadd.s32 @!p0 $0xFFFFE000  }
0x152: {  	[tilespmem:s7], [sflag:$0x1] =	stream.indirect.gather @!p0 [spmem:s2], $0x40, s9, s4, $0xb8;
	[tilespmem:$0x1F200] =	vst v63  }
0x153: {  	_ =	swait.ge [sflag:s31], $0x2000  }
0x154: {  	[sflag:s31] =	ssyncset.done $0x0  }
0x155: {  	s12 =	sadd.s32 $0xD00, s5;
	s7 =	simm.s32 @p0 $0x3;
	[sflag:s31] =	ssyncadd.s32 $0xFFFFE000  }
0x156: {  	[spmem:s3] =	stream.indirect.scatter.add.f32 [tilespmem:s23], [sflag:$0x7], $0x40, s12, s21, $0xb8;
	[tilespmem:$0x1F200] =	vst v63  }
0x157: {  	_ =	swait.ge @p0 [sflag:s7], $0x2000  }
0x158: {  	[sflag:s7] =	ssyncset.done @p0 $0x0  }
0x159: {  	s6 =	sadd.s32 @p0 $0xD80, s5;
	[sflag:s7] =	ssyncadd.s32 @p0 $0xFFFFE000;
	s7 =	simm.s32 @p0 $0x5400  }
0x15a: {  	[spmem:s3] =	stream.indirect.scatter.add.f32 @p0 [tilespmem:s7], [sflag:$0x8], $0x40, s6, s8, $0xb8;
	[tilespmem:$0x1F200] =	vst v63  }
0x15b: {  	s6 =	simm.s32 @!p0 $0x7  }
0x15c: {  	_ =	swait.ge @!p0 [sflag:s6], $0x2000  }
0x15d: {  	[sflag:s6] =	ssyncset.done @!p0 $0x0  }
0x15e: {  	s7 =	sor.u32 @!p0 $0x80, s9;
	[sflag:s6] =	ssyncadd.s32 @!p0 $0xFFFFE000;
	s6 =	simm.s32 @!p0 $0x3400  }
0x15f: {  	[tilespmem:s6], [sflag:$0x2] =	stream.indirect.gather @!p0 [spmem:s2], $0x40, s7, s4, $0xb8;
	[tilespmem:$0x1F200] =	vst v63  }
0x160: {  	s6 =	simm.s32 @!p0 $0x3  }
0x161: {  	_ =	swait.ge @!p0 [sflag:s6], $0x2000  }
0x162: {  	[sflag:s6] =	ssyncset.done @!p0 $0x0  }
0x163: {  	s7 =	sadd.s32 @!p0 $0xD80, s5;
	[sflag:s6] =	ssyncadd.s32 @!p0 $0xFFFFE000;
	s6 =	simm.s32 @!p0 $0x5400  }
0x164: {  	[spmem:s3] =	stream.indirect.scatter.add.f32 @!p0 [tilespmem:s6], [sflag:$0x8], $0x40, s7, s4, $0xb8;
	[tilespmem:$0x1F200] =	vst v63  }
0x165: {  	s7 =	simm.s32 @!p0 $0x8  }
0x166: {  	_ =	swait.ge @!p0 [sflag:s7], $0x2000  }
0x167: {  	[sflag:s7] =	ssyncset.done @!p0 $0x0  }
0x168: {  	[sflag:s7] =	ssyncadd.s32 @!p0 $0xFFFFE000;
	s7 =	sadd.s32 @!p0 $0x100, s9  }
0x169: {  	[tilespmem:s6], [sflag:$0x3] =	stream.indirect.gather @!p0 [spmem:s2], $0x40, s7, s4, $0xb8;
	[tilespmem:$0x1F200] =	vst v63  }
0x16a: {  	_ =	swait.ge [sflag:s19], $0x2000  }
0x16b: {  	[sflag:s19] =	ssyncset.done $0x0  }
0x16c: {  	s13 =	sadd.s32 $0xE00, s5;
	s6 =	simm.s32 @!p0 $0x9;
	[sflag:s19] =	ssyncadd.s32 $0xFFFFE000  }
0x16d: {  	[spmem:s3] =	stream.indirect.scatter.add.f32 [tilespmem:s28], [sflag:$0x9], $0x40, s13, s21, $0xb8;
	[tilespmem:$0x1F200] =	vst v63  }
0x16e: {  	_ =	swait.ge @!p0 [sflag:s6], $0x2000  }
0x16f: {  	[sflag:s6] =	ssyncset.done @!p0 $0x0  }
0x170: {  	s7 =	sadd.s32 @!p0 $0x180, s9;
	[sflag:s6] =	ssyncadd.s32 @!p0 $0xFFFFE000;
	s6 =	simm.s32 @!p0 $0x7400  }
0x171: {  	[tilespmem:s6], [sflag:$0x4] =	stream.indirect.gather @!p0 [spmem:s2], $0x40, s7, s4, $0xb8;
	[tilespmem:$0x1F200] =	vst v63  }
0x172: {  	_ =	swait.ge [sflag:s26], $0x2000  }
0x173: {  	[sflag:s26] =	ssyncset.done $0x0  }
0x174: {  	s16 =	sadd.s32 $0xE80, s5;
	[sflag:s26] =	ssyncadd.s32 $0xFFFFE000  }
0x175: {  	[spmem:s3] =	stream.indirect.scatter.add.f32 [tilespmem:s29], [sflag:$0xA], $0x40, s16, s21, $0xb8;
	[tilespmem:$0x1F200] =	vst v63  }
0x176: {  	_ =	swait.ge [sflag:s30], $0x2000  }
0x177: {  	[sflag:s30] =	ssyncset.done $0x0  }
0x178: {  	[sflag:s30] =	ssyncadd.s32 $0xFFFFE000  }
0x179: {  	_ =	swait.ge [sflag:s0], $0x2000  }
0x17a: {  	[sflag:s0] =	ssyncset.done $0x0  }
0x17b: {  	[sflag:s0] =	ssyncadd.s32 $0xFFFFE000  }
0x17c: {  	_ =	swait.ge [sflag:s15], $0x2000  }
0x17d: {  	[sflag:s15] =	ssyncset.done $0x0  }
0x17e: {  	[sflag:s15] =	ssyncadd.s32 $0xFFFFE000  }
0x17f: {  	_ =	swait.ge [sflag:s24], $0x2000  }
0x180: {  	[sflag:s24] =	ssyncset.done $0x0  }
0x181: {  	s17 =	simm.s32 $0xA;
	[sflag:s24] =	ssyncadd.s32 $0xFFFFE000  }
0x182: {  	_ =	swait.ge [sflag:s17], $0x2000  }
0x183: {  	[sflag:s17] =	ssyncset.done $0x0  }
0x184: {  	[sflag:s17] =	ssyncadd.s32 $0xFFFFE000  }
0x185: {  	[bflag:$0x0] =	sbarrier.arrive $0xFFFF  }
0x186: {  	s6 =	rddreg [dreg:$0x6]  }
0x187: {  	s18 =	rddreg [dreg:$0xa]  }
0x188: {  	s8 =	simm.s32 $0x10;
	s9 =	simm.s32 $0xC;
	s7 =	rddreg [dreg:$0xe]  }
0x189: {  	[hbm:s18@s8], [sflag:s6] =	dma.strided [spmem:s7@s15], $0x1400, s14, $0x8   }
0x18a: {  	_ =	swait.ge [sflag:s9], $0x1400  }
0x18b: {  	s20 =	rddreg [dreg:$0xf]  }
0x18c: {  	s22 =	rddreg [dreg:$0xb];
	s5 =	sadd.s32 $0x1, s20  }
0x18d: {  	p0 =	sne.s32 s5, s22  }
.Ltmp1:
0x18e: {  	_ = 	snop;
	(pc) =	sbr.rel @p0 .LBB2_1-.Ltmp1, $3  }
0x18f: {  	_ =	sdelay $0x1  }
0x190: {  	[sflag:s9] =	ssyncset.done $0x0  }
0x191: {  	[sflag:s9] =	ssyncadd.s32 $0xFFFFEC00  }
0x192: {  	_ =	sfence.sel $0x180000  }
0x193: {  	[bflag:$0x0] =	sbarrier.arrive $0xFFFF  }
0x194: {  	_ =	strace $0x9000004A  }
0x195: {  	s0 =	stileid.u32;
	[bflag:$0x2] =	sbarrier.arrive $0xFFFF  }
0x196: {  	p0 =	sne.s32 s0, $0x0;
	s0 =	rddreg [dreg:$0x4]  }
0x197: {  	s0 =	sadd.s32 @!p0 $0x100000, s0  }
0x198: {  	[sflag:s0] =	ssyncadd.tile.s32 @!p0 $0x1;
	_ =	shalt  }
.Lfunc_end2:
_tile_overlayer_lowered:
.L_overlay_start_2:
0x199: {  	(tag) =	ssettag $0x2  }
0x19a: {  	s0 =	rddreg [dreg:$0x0];
	s2 =	stileid.u32  }
0x19b: {  	s1 =	rddreg [dreg:$0x1];
	p0 =	sne.s32 s2, $0x0  }
0x19c: {  	s3 =	rddreg [dreg:$0x2];
	[bflag:$0x3] =	sbarrier.arrive $0xFFFF;
	s2 =	simm.s32 @!p0 $0x1C0C  }
0x19d: {  	[timem:s3], [sflag:s2] =	dma.local @!p0 [hbm:s0], s1  }
0x19e: {  	s0 =	simm.s32 @!p0 $0xC  }
0x19f: {  	_ =	swait.ge @!p0 [sflag:s0], s1  }
0x1a0: {  	s1 =	ssub.s32 @!p0 $0x0, s1;
	[sflag:s0] =	ssyncset.done @!p0 $0x0  }
0x1a1: {  	[sflag:s0] =	ssyncadd.s32 @!p0 s1  }
0x1a2: {  	[bflag:$0x3] =	sbarrier.arrive $0xFFFF  }
0x1a3: {  	_ =	shalt  }

</sc_bundles>
